<compile_context>
chip_gen: v7x
topology: tpu7x:2x2x1
jax: 0.10.2.dev20260603
libtpu: 0.0.44.dev20260713+nightly
codegen_flags: <defaults>
</compile_context>

<pallas_src>
import functools

import jax
import jax.numpy as jnp
from jax import lax
from jax.experimental import pallas as pl
from jax.experimental.pallas import tpu as pltpu
from jax.experimental.pallas import tpu_sc as plsc

_B, _H, _W = 1024, 32, 32
_HW = _H * _W
_NCOLORS = 10
_D = 64
_N = _B * _HW

_LANES = 16
_SUB = 128
_GPC = 4
_CHUNK = _SUB * _GPC


def _table_body(ct_ref, rt_ref, colt_ref, w_ref, b_ref, out_ref):
    pid = lax.broadcasted_iota(jnp.int32, (_HW, _W), 0)
    j = lax.broadcasted_iota(jnp.int32, (_HW, _W), 1)
    row_oh = (pid // _W == j).astype(jnp.float32)
    col_oh = (pid % _W == j).astype(jnp.float32)
    row_part = jnp.dot(row_oh, rt_ref[...],
                       preferred_element_type=jnp.float32,
                       precision=lax.Precision.HIGHEST)
    col_part = jnp.dot(col_oh, colt_ref[...],
                       preferred_element_type=jnp.float32,
                       precision=lax.Precision.HIGHEST)
    pc = jnp.concatenate([row_part, col_part], axis=1)
    pe = lax.dot_general(pc, w_ref[...], (((1,), (1,)), ((), ())),
                         preferred_element_type=jnp.float32,
                         precision=lax.Precision.HIGHEST)
    pe = pe + b_ref[...][None, :]
    out_ref[...] = ct_ref[...][:, None, :] + pe[None, :, :]


def _build_sum_table(color_table, row_table, col_table, proj_w, proj_b):
    out = pl.pallas_call(
        _table_body,
        out_shape=jax.ShapeDtypeStruct((_NCOLORS, _HW, _D), jnp.float32),
    )(color_table, row_table, col_table, proj_w, proj_b)
    return out.reshape(_NCOLORS * _HW, _D)


def _make_sc_kernel():
    info = plsc.get_sparse_core_info()
    nc, ns = info.num_cores, info.num_subcores
    nw = nc * ns
    groups_per_w = (_N // _SUB) // nw
    chunks_per_w = groups_per_w // _GPC

    mesh = plsc.VectorSubcoreMesh(core_axis_name="c", subcore_axis_name="s")

    @functools.partial(
        pl.kernel,
        mesh=mesh,
        compiler_params=pltpu.CompilerParams(use_tc_tiling_on_sc=False),
        out_type=jax.ShapeDtypeStruct((_B, _HW, 128), jnp.float32),
        scratch_types=[
            pltpu.VMEM((2 * _GPC, _SUB), jnp.int32),
            pltpu.VMEM((2, _CHUNK, _D), jnp.float32),
            pltpu.VMEM_SHARED((_NCOLORS * _HW, _D), jnp.float32),
            pltpu.SemaphoreType.DMA,
            pltpu.SemaphoreType.DMA,
            pltpu.SemaphoreType.DMA,
            pltpu.SemaphoreType.DMA,
        ],
    )
    def sc_kernel(grid_hbm, table_hbm, out_hbm, idx_v, rows_v, tbl_s,
                  gsem0, gsem1, osem0, osem1):
        gsem = (gsem0, gsem1)
        osem = (osem0, osem1)
        wid = lax.axis_index("s") * nc + lax.axis_index("c")
        w_group_base = wid * groups_per_w

        @pl.when(lax.axis_index("s") == 0)
        def _():
            pltpu.sync_copy(table_hbm, tbl_s)
        plsc.subcore_barrier()

        def gather_descs(k, b):
            return [
                pltpu.make_async_copy(
                    tbl_s.at[idx_v.at[b * _GPC + g]],
                    rows_v.at[b, pl.ds(g * _SUB, _SUB)],
                    gsem[b],
                )
                for g in range(_GPC)
            ]

        def out_desc(k, b):
            row_base = (w_group_base + k * _GPC) * _SUB
            return pltpu.make_async_copy(
                rows_v.at[b],
                out_hbm.at[row_base // _HW, pl.ds(lax.rem(row_base, _HW),
                                                 _CHUNK), pl.ds(0, _D)],
                osem[b])

        def stage(k, b):
            group_base = w_group_base + k * _GPC
            pltpu.sync_copy(
                grid_hbm.at[pl.ds(group_base, _GPC)],
                idx_v.at[pl.ds(b * _GPC, _GPC)])
            for g in range(_GPC):
                phase = lax.rem(group_base + g, _HW // _SUB) * _SUB
                for t in range(_SUB // _LANES):
                    pvec = phase + t * _LANES + lax.iota(jnp.int32, _LANES)
                    r = b * _GPC + g
                    sl = idx_v[r, pl.ds(t * _LANES, _LANES)]
                    idx_v[r, pl.ds(t * _LANES, _LANES)] = sl * _HW + pvec

        def stage_and_fire(k, b):
            stage(k, b)
            for d in gather_descs(k, b):
                d.start()

        stage_and_fire(0, 0)
        stage_and_fire(1, 1)

        def pair_body(m, carry):
            for half in range(2):
                k = 2 * m + half
                b = half
                for d in gather_descs(k, b):
                    d.wait()
                out_desc(k, b).start()
                stage(k + 2, b)
                out_desc(k, b).wait()
                for d in gather_descs(k + 2, b):
                    d.start()
            return carry

        lax.fori_loop(0, chunks_per_w // 2 - 1, pair_body, None)

        for half in range(2):
            k = chunks_per_w - 2 + half
            for d in gather_descs(k, half):
                d.wait()
            out_desc(k, half).start()
        out_desc(chunks_per_w - 2, 0).wait()
        out_desc(chunks_per_w - 1, 1).wait()

    return sc_kernel


def kernel(grid, color_table, row_table, col_table, proj_w, proj_b):
    sum_table = _build_sum_table(color_table, row_table, col_table,
                                 proj_w, proj_b)
    grid2d = grid.reshape(_N // _SUB, _SUB)
    sc_kernel = _make_sc_kernel()
    out = sc_kernel(grid2d, sum_table)
    return out[:, :, :_D]

# --- scband reference (transcript-rebuilt; emitter-appended) ---
"""Pipeline reference for scband-rasterizer1-d-14353780704036 (READ-ONLY COPY).

The authoritative reference and input builder live on the scoring server;
editing this copy changes nothing except your own understanding.
"""

import jax, jax.numpy as jnp
import numpy as np

B, H, W = 1024, 32, 32
NUM_COLORS = 10
HIDDEN_DIM = 64
MAX_SIZE = 32
HALF = HIDDEN_DIM // 2


def setup_inputs(seed: int = 0) -> dict:
    key = jax.random.key(seed)
    k0, k1, k2, k3, k4, k5 = jax.random.split(key, 6)
    grid = jax.random.randint(k0, (B, H, W), 0, NUM_COLORS, dtype=jnp.int32)
    color_table = jax.random.normal(k1, (NUM_COLORS, HIDDEN_DIM), dtype=jnp.float32)
    row_table = jax.random.normal(k2, (MAX_SIZE, HALF), dtype=jnp.float32)
    col_table = jax.random.normal(k3, (MAX_SIZE, HALF), dtype=jnp.float32)
    # torch nn.Linear weight shape [out, in]
    proj_w = jax.random.normal(k4, (HIDDEN_DIM, HALF * 2), dtype=jnp.float32) * (1.0 / np.sqrt(HALF * 2))
    proj_b = jax.random.normal(k5, (HIDDEN_DIM,), dtype=jnp.float32) * 0.01
    return {
        "grid": grid,
        "color_table": color_table,
        "row_table": row_table,
        "col_table": col_table,
        "proj_w": proj_w,
        "proj_b": proj_b,
    }


def reference(grid, color_table, row_table, col_table, proj_w, proj_b):
    b, h, w = grid.shape
    flat_grid = grid.reshape(b, -1)                      # [B, H*W]
    color_emb = jnp.take(color_table, flat_grid, axis=0)  # [B, H*W, D] gather
    rows = jnp.broadcast_to(jnp.arange(h)[:, None], (h, w)).reshape(-1)  # [H*W]
    cols = jnp.broadcast_to(jnp.arange(w)[None, :], (h, w)).reshape(-1)  # [H*W]
    row_emb = jnp.take(row_table, rows, axis=0)          # [H*W, D/2]
    col_emb = jnp.take(col_table, cols, axis=0)          # [H*W, D/2]
    pos_combined = jnp.concatenate([row_emb, col_emb], axis=-1)  # [H*W, D]
    pos_emb = pos_combined @ proj_w.T + proj_b           # [H*W, D]
    return color_emb + pos_emb[None, :, :]               # [B, H*W, D]

if __name__ == "__main__":
    import jax
    _d = setup_inputs()
    print(jax.jit(kernel)(*tuple(_d.values())))

</pallas_src>

<mosaic_0001>
#map = affine_map<(d0, d1) -> (0, 0)>
#map1 = affine_map<(d0, d1) -> (0, 0, 0)>
module attributes {stable_mosaic.version = 14 : i64} {
  func.func @sc_kernel(%arg0: i32, %arg1: i32, %arg2: memref<8192x128xi32, #tpu.memory_space<hbm>>, %arg3: memref<10240x64xf32, #tpu.memory_space<hbm>>, %arg4: memref<1024x1024x128xf32, #tpu.memory_space<hbm>>, %arg5: memref<8x128xi32, #tpu.memory_space<vmem>>, %arg6: memref<2x512x64xf32, #tpu.memory_space<vmem>>, %arg7: memref<10240x64xf32, #tpu.memory_space<vmem_shared>>, %arg8: memref<!tpu.dma_semaphore, #tpu.memory_space<semaphore_mem>>, %arg9: memref<!tpu.dma_semaphore, #tpu.memory_space<semaphore_mem>>, %arg10: memref<!tpu.dma_semaphore, #tpu.memory_space<semaphore_mem>>, %arg11: memref<!tpu.dma_semaphore, #tpu.memory_space<semaphore_mem>>) attributes {dimension_semantics = [#tpu.dimension_semantics<core_parallel>, #tpu.dimension_semantics<subcore_parallel>], iteration_bounds = array<i64: 2, 16>, scalar_prefetch = 0 : i64, scratch_operands = 7 : i64, tpu.core_type = #tpu.core_type<sc_vector_subcore>, window_params = [{transform_indices = #map}, {transform_indices = #map}, {transform_indices = #map1}]} {
    %mul3A = arith.constant 2 : i32
    %mul3A_0 = arith.muli %arg1, %mul3A : i32
    %add3A = arith.addi %mul3A_0, %arg0 : i32
    %mul3A_1 = arith.constant 256 : i32
    %mul3A_2 = arith.muli %add3A, %mul3A_1 : i32
    %eq3A = arith.constant 0 : i32
    %eq3A_3 = arith.cmpi eq, %arg1, %eq3A : i32
    %convert_element_type3A = arith.extui %eq3A_3 : i1 to i32
    %cond3A = arith.constant 0 : i32
    %cond3A_4 = arith.cmpi ne, %convert_element_type3A, %cond3A : i32
    scf.if %cond3A_4 {
      "tpu.region"() ({
        %run_scoped3A = tpu.sem_alloc : memref<!tpu.dma_semaphore, #tpu.memory_space<semaphore_mem>>
        tpu.enqueue_dma source(%arg3 : memref<10240x64xf32, #tpu.memory_space<hbm>>) target(%arg7 : memref<10240x64xf32, #tpu.memory_space<vmem_shared>>) target_semaphore(%run_scoped3A : memref<!tpu.dma_semaphore, #tpu.memory_space<semaphore_mem>>)
        tpu.wait_dma2 semaphore(%run_scoped3A : memref<!tpu.dma_semaphore, #tpu.memory_space<semaphore_mem>>) src(%arg3 : memref<10240x64xf32, #tpu.memory_space<hbm>>) dst(%arg7 : memref<10240x64xf32, #tpu.memory_space<vmem_shared>>)
        tpu.yield
      }) : () -> ()
    } else {
    }
    %barrier3A = arith.constant 0 : index
    tpu.barrier barrier_id(%barrier3A)
    %add3A_5 = arith.constant 0 : i32
    %add3A_6 = arith.addi %mul3A_2, %add3A_5 : i32
    "tpu.region"() ({
      %run_scoped3A = tpu.sem_alloc : memref<!tpu.dma_semaphore, #tpu.memory_space<semaphore_mem>>
      %dma_start3A_1700 = arith.constant 0 : i32
      %dma_start3A_1701 = arith.constant 0 : i32
      %dma_start3A_1702 = tpu.memref_slice %arg5[%dma_start3A_1700, %dma_start3A_1701] : memref<8x128xi32, #tpu.memory_space<vmem>> -> memref<4x128xi32, #tpu.memory_space<vmem>>
      %dma_start3A_1703 = arith.constant 0 : i32
      %dma_start3A_1704 = tpu.memref_slice %arg2[%add3A_6, %dma_start3A_1703] : memref<8192x128xi32, #tpu.memory_space<hbm>> -> memref<4x128xi32, #tpu.memory_space<hbm>>
      %dma_start3A_1705 = arith.constant 0 : i32
      %dma_start3A_1706 = arith.constant 0 : i32
      %dma_start3A_1707 = tpu.memref_slice %arg5[%dma_start3A_1705, %dma_start3A_1706] : memref<8x128xi32, #tpu.memory_space<vmem>> -> memref<4x128xi32, #tpu.memory_space<vmem>>
      %dma_start3A_1708 = arith.constant 0 : i32
      %dma_start3A_1709 = tpu.memref_slice %arg2[%add3A_6, %dma_start3A_1708] : memref<8192x128xi32, #tpu.memory_space<hbm>> -> memref<4x128xi32, #tpu.memory_space<hbm>>
      tpu.enqueue_dma source(%dma_start3A_1709 : memref<4x128xi32, #tpu.memory_space<hbm>>) target(%dma_start3A_1707 : memref<4x128xi32, #tpu.memory_space<vmem>>) target_semaphore(%run_scoped3A : memref<!tpu.dma_semaphore, #tpu.memory_space<semaphore_mem>>)
      %dma_wait3A_1710 = arith.constant 0 : i32
      %dma_wait3A_1711 = arith.constant 0 : i32
      %dma_wait3A_1712 = tpu.memref_slice %arg5[%dma_wait3A_1710, %dma_wait3A_1711] : memref<8x128xi32, #tpu.memory_space<vmem>> -> memref<4x128xi32, #tpu.memory_space<vmem>>
      %dma_wait3A_1713 = arith.constant 0 : i32
      %dma_wait3A_1714 = tpu.memref_slice %arg2[%add3A_6, %dma_wait3A_1713] : memref<8192x128xi32, #tpu.memory_space<hbm>> -> memref<4x128xi32, #tpu.memory_space<hbm>>
      %dma_wait3A_1715 = arith.constant 0 : i32
      %dma_wait3A_1716 = arith.constant 0 : i32
      %dma_wait3A_1717 = tpu.memref_slice %arg5[%dma_wait3A_1715, %dma_wait3A_1716] : memref<8x128xi32, #tpu.memory_space<vmem>> -> memref<4x128xi32, #tpu.memory_space<vmem>>
      %dma_wait3A_1718 = arith.constant 0 : i32
      %dma_wait3A_1719 = tpu.memref_slice %arg2[%add3A_6, %dma_wait3A_1718] : memref<8192x128xi32, #tpu.memory_space<hbm>> -> memref<4x128xi32, #tpu.memory_space<hbm>>
      tpu.wait_dma2 semaphore(%run_scoped3A : memref<!tpu.dma_semaphore, #tpu.memory_space<semaphore_mem>>) src(%dma_wait3A_1719 : memref<4x128xi32, #tpu.memory_space<hbm>>) dst(%dma_wait3A_1717 : memref<4x128xi32, #tpu.memory_space<vmem>>)
      tpu.yield
    }) : () -> ()
    %add3A_7 = arith.constant 0 : i32
    %add3A_8 = arith.addi %add3A_6, %add3A_7 : i32
    %rem3A = arith.constant 8 : i32
    %rem3A_9 = arith.remsi %add3A_8, %rem3A : i32
    %mul3A_10 = arith.constant 128 : i32
    %mul3A_11 = arith.muli %rem3A_9, %mul3A_10 : i32
    %add3A_12 = arith.constant 0 : i32
    %add3A_13 = arith.addi %mul3A_11, %add3A_12 : i32
    %iota3A = tpu.iota {dimensions = array<i32: 0>} : vector<16xi32>
    %add3A_14 = vector.broadcast %add3A_13 : i32 to vector<16xi32>
    %add3A_15 = arith.addi %add3A_14, %iota3A : vector<16xi32>
    %get3A = arith.constant 0 : i32
    %get3A_16 = arith.index_cast %get3A : i32 to index
    %get3A_17 = arith.constant 0 : index
    %get3A_18 = tpu.vector_load %arg5[%get3A_16, %get3A_17] {strides = array<i32>} : memref<8x128xi32, #tpu.memory_space<vmem>>, vector<1x16xi32>,
    %get3A_19 = vector.shape_cast %get3A_18 : vector<1x16xi32> to vector<16xi32>
    %mul3A_20 = arith.constant 1024 : i32
    %mul3A_21 = vector.broadcast %mul3A_20 : i32 to vector<16xi32>
    %mul3A_22 = arith.muli %get3A_19, %mul3A_21 : vector<16xi32>
    %add3A_23 = arith.addi %mul3A_22, %add3A_15 : vector<16xi32>
    %swap3A = arith.constant 0 : i32
    %swap3A_24 = arith.index_cast %swap3A : i32 to index
    %swap3A_25 = arith.constant 0 : index
    %swap3A_26 = tpu.vector_load %arg5[%swap3A_24, %swap3A_25] {strides = array<i32>} : memref<8x128xi32, #tpu.memory_space<vmem>>, vector<1x16xi32>,
    %swap3A_27 = vector.shape_cast %swap3A_26 : vector<1x16xi32> to vector<16xi32>
    %swap3A_28 = vector.shape_cast %add3A_23 : vector<16xi32> to vector<1x16xi32>
    tpu.vector_store %arg5[%swap3A_24, %swap3A_25], %swap3A_28 {strides = array<i32>} : memref<8x128xi32, #tpu.memory_space<vmem>>, vector<1x16xi32>,
    %add3A_29 = arith.constant 16 : i32
    %add3A_30 = arith.addi %mul3A_11, %add3A_29 : i32
    %iota3A_31 = tpu.iota {dimensions = array<i32: 0>} : vector<16xi32>
    %add3A_32 = vector.broadcast %add3A_30 : i32 to vector<16xi32>
    %add3A_33 = arith.addi %add3A_32, %iota3A_31 : vector<16xi32>
    %get3A_34 = arith.constant 0 : i32
    %get3A_35 = arith.index_cast %get3A_34 : i32 to index
    %get3A_36 = arith.constant 16 : index
    %get3A_37 = tpu.vector_load %arg5[%get3A_35, %get3A_36] {strides = array<i32>} : memref<8x128xi32, #tpu.memory_space<vmem>>, vector<1x16xi32>,
    %get3A_38 = vector.shape_cast %get3A_37 : vector<1x16xi32> to vector<16xi32>
    %mul3A_39 = arith.constant 1024 : i32
    %mul3A_40 = vector.broadcast %mul3A_39 : i32 to vector<16xi32>
    %mul3A_41 = arith.muli %get3A_38, %mul3A_40 : vector<16xi32>
    %add3A_42 = arith.addi %mul3A_41, %add3A_33 : vector<16xi32>
    %swap3A_43 = arith.constant 0 : i32
    %swap3A_44 = arith.index_cast %swap3A_43 : i32 to index
    %swap3A_45 = arith.constant 16 : index
    %swap3A_46 = tpu.vector_load %arg5[%swap3A_44, %swap3A_45] {strides = array<i32>} : memref<8x128xi32, #tpu.memory_space<vmem>>, vector<1x16xi32>,
    %swap3A_47 = vector.shape_cast %swap3A_46 : vector<1x16xi32> to vector<16xi32>
    %swap3A_48 = vector.shape_cast %add3A_42 : vector<16xi32> to vector<1x16xi32>
    tpu.vector_store %arg5[%swap3A_44, %swap3A_45], %swap3A_48 {strides = array<i32>} : memref<8x128xi32, #tpu.memory_space<vmem>>, vector<1x16xi32>,
    %add3A_49 = arith.constant 32 : i32
    %add3A_50 = arith.addi %mul3A_11, %add3A_49 : i32
    %iota3A_51 = tpu.iota {dimensions = array<i32: 0>} : vector<16xi32>
    %add3A_52 = vector.broadcast %add3A_50 : i32 to vector<16xi32>
    %add3A_53 = arith.addi %add3A_52, %iota3A_51 : vector<16xi32>
    %get3A_54 = arith.constant 0 : i32
    %get3A_55 = arith.index_cast %get3A_54 : i32 to index
    %get3A_56 = arith.constant 32 : index
    %get3A_57 = tpu.vector_load %arg5[%get3A_55, %get3A_56] {strides = array<i32>} : memref<8x128xi32, #tpu.memory_space<vmem>>, vector<1x16xi32>,
    %get3A_58 = vector.shape_cast %get3A_57 : vector<1x16xi32> to vector<16xi32>
    %mul3A_59 = arith.constant 1024 : i32
    %mul3A_60 = vector.broadcast %mul3A_59 : i32 to vector<16xi32>
    %mul3A_61 = arith.muli %get3A_58, %mul3A_60 : vector<16xi32>
    %add3A_62 = arith.addi %mul3A_61, %add3A_53 : vector<16xi32>
    %swap3A_63 = arith.constant 0 : i32
    %swap3A_64 = arith.index_cast %swap3A_63 : i32 to index
    %swap3A_65 = arith.constant 32 : index
    %swap3A_66 = tpu.vector_load %arg5[%swap3A_64, %swap3A_65] {strides = array<i32>} : memref<8x128xi32, #tpu.memory_space<vmem>>, vector<1x16xi32>,
    %swap3A_67 = vector.shape_cast %swap3A_66 : vector<1x16xi32> to vector<16xi32>
    %swap3A_68 = vector.shape_cast %add3A_62 : vector<16xi32> to vector<1x16xi32>
    tpu.vector_store %arg5[%swap3A_64, %swap3A_65], %swap3A_68 {strides = array<i32>} : memref<8x128xi32, #tpu.memory_space<vmem>>, vector<1x16xi32>,
    %add3A_69 = arith.constant 48 : i32
    %add3A_70 = arith.addi %mul3A_11, %add3A_69 : i32
    %iota3A_71 = tpu.iota {dimensions = array<i32: 0>} : vector<16xi32>
    %add3A_72 = vector.broadcast %add3A_70 : i32 to vector<16xi32>
    %add3A_73 = arith.addi %add3A_72, %iota3A_71 : vector<16xi32>
    %get3A_74 = arith.constant 0 : i32
    %get3A_75 = arith.index_cast %get3A_74 : i32 to index
    %get3A_76 = arith.constant 48 : index
    %get3A_77 = tpu.vector_load %arg5[%get3A_75, %get3A_76] {strides = array<i32>} : memref<8x128xi32, #tpu.memory_space<vmem>>, vector<1x16xi32>,
    %get3A_78 = vector.shape_cast %get3A_77 : vector<1x16xi32> to vector<16xi32>
    %mul3A_79 = arith.constant 1024 : i32
    %mul3A_80 = vector.broadcast %mul3A_79 : i32 to vector<16xi32>
    %mul3A_81 = arith.muli %get3A_78, %mul3A_80 : vector<16xi32>
    %add3A_82 = arith.addi %mul3A_81, %add3A_73 : vector<16xi32>
    %swap3A_83 = arith.constant 0 : i32
    %swap3A_84 = arith.index_cast %swap3A_83 : i32 to index
    %swap3A_85 = arith.constant 48 : index
    %swap3A_86 = tpu.vector_load %arg5[%swap3A_84, %swap3A_85] {strides = array<i32>} : memref<8x128xi32, #tpu.memory_space<vmem>>, vector<1x16xi32>,
    %swap3A_87 = vector.shape_cast %swap3A_86 : vector<1x16xi32> to vector<16xi32>
    %swap3A_88 = vector.shape_cast %add3A_82 : vector<16xi32> to vector<1x16xi32>
    tpu.vector_store %arg5[%swap3A_84, %swap3A_85], %swap3A_88 {strides = array<i32>} : memref<8x128xi32, #tpu.memory_space<vmem>>, vector<1x16xi32>,
    %add3A_89 = arith.constant 64 : i32
    %add3A_90 = arith.addi %mul3A_11, %add3A_89 : i32
    %iota3A_91 = tpu.iota {dimensions = array<i32: 0>} : vector<16xi32>
    %add3A_92 = vector.broadcast %add3A_90 : i32 to vector<16xi32>
    %add3A_93 = arith.addi %add3A_92, %iota3A_91 : vector<16xi32>
    %get3A_94 = arith.constant 0 : i32
    %get3A_95 = arith.index_cast %get3A_94 : i32 to index
    %get3A_96 = arith.constant 64 : index
    %get3A_97 = tpu.vector_load %arg5[%get3A_95, %get3A_96] {strides = array<i32>} : memref<8x128xi32, #tpu.memory_space<vmem>>, vector<1x16xi32>,
    %get3A_98 = vector.shape_cast %get3A_97 : vector<1x16xi32> to vector<16xi32>
    %mul3A_99 = arith.constant 1024 : i32
    %mul3A_100 = vector.broadcast %mul3A_99 : i32 to vector<16xi32>
    %mul3A_101 = arith.muli %get3A_98, %mul3A_100 : vector<16xi32>
    %add3A_102 = arith.addi %mul3A_101, %add3A_93 : vector<16xi32>
    %swap3A_103 = arith.constant 0 : i32
    %swap3A_104 = arith.index_cast %swap3A_103 : i32 to index
    %swap3A_105 = arith.constant 64 : index
    %swap3A_106 = tpu.vector_load %arg5[%swap3A_104, %swap3A_105] {strides = array<i32>} : memref<8x128xi32, #tpu.memory_space<vmem>>, vector<1x16xi32>,
    %swap3A_107 = vector.shape_cast %swap3A_106 : vector<1x16xi32> to vector<16xi32>
    %swap3A_108 = vector.shape_cast %add3A_102 : vector<16xi32> to vector<1x16xi32>
    tpu.vector_store %arg5[%swap3A_104, %swap3A_105], %swap3A_108 {strides = array<i32>} : memref<8x128xi32, #tpu.memory_space<vmem>>, vector<1x16xi32>,
    %add3A_109 = arith.constant 80 : i32
    %add3A_110 = arith.addi %mul3A_11, %add3A_109 : i32
    %iota3A_111 = tpu.iota {dimensions = array<i32: 0>} : vector<16xi32>
    %add3A_112 = vector.broadcast %add3A_110 : i32 to vector<16xi32>
    %add3A_113 = arith.addi %add3A_112, %iota3A_111 : vector<16xi32>
    %get3A_114 = arith.constant 0 : i32
    %get3A_115 = arith.index_cast %get3A_114 : i32 to index
    %get3A_116 = arith.constant 80 : index
    %get3A_117 = tpu.vector_load %arg5[%get3A_115, %get3A_116] {strides = array<i32>} : memref<8x128xi32, #tpu.memory_space<vmem>>, vector<1x16xi32>,
    %get3A_118 = vector.shape_cast %get3A_117 : vector<1x16xi32> to vector<16xi32>
    %mul3A_119 = arith.constant 1024 : i32
    %mul3A_120 = vector.broadcast %mul3A_119 : i32 to vector<16xi32>
    %mul3A_121 = arith.muli %get3A_118, %mul3A_120 : vector<16xi32>
    %add3A_122 = arith.addi %mul3A_121, %add3A_113 : vector<16xi32>
    %swap3A_123 = arith.constant 0 : i32
    %swap3A_124 = arith.index_cast %swap3A_123 : i32 to index
    %swap3A_125 = arith.constant 80 : index
    %swap3A_126 = tpu.vector_load %arg5[%swap3A_124, %swap3A_125] {strides = array<i32>} : memref<8x128xi32, #tpu.memory_space<vmem>>, vector<1x16xi32>,
    %swap3A_127 = vector.shape_cast %swap3A_126 : vector<1x16xi32> to vector<16xi32>
    %swap3A_128 = vector.shape_cast %add3A_122 : vector<16xi32> to vector<1x16xi32>
    tpu.vector_store %arg5[%swap3A_124, %swap3A_125], %swap3A_128 {strides = array<i32>} : memref<8x128xi32, #tpu.memory_space<vmem>>, vector<1x16xi32>,
    %add3A_129 = arith.constant 96 : i32
    %add3A_130 = arith.addi %mul3A_11, %add3A_129 : i32
    %iota3A_131 = tpu.iota {dimensions = array<i32: 0>} : vector<16xi32>
    %add3A_132 = vector.broadcast %add3A_130 : i32 to vector<16xi32>
    %add3A_133 = arith.addi %add3A_132, %iota3A_131 : vector<16xi32>
    %get3A_134 = arith.constant 0 : i32
    %get3A_135 = arith.index_cast %get3A_134 : i32 to index
    %get3A_136 = arith.constant 96 : index
    %get3A_137 = tpu.vector_load %arg5[%get3A_135, %get3A_136] {strides = array<i32>} : memref<8x128xi32, #tpu.memory_space<vmem>>, vector<1x16xi32>,
    %get3A_138 = vector.shape_cast %get3A_137 : vector<1x16xi32> to vector<16xi32>
    %mul3A_139 = arith.constant 1024 : i32
    %mul3A_140 = vector.broadcast %mul3A_139 : i32 to vector<16xi32>
    %mul3A_141 = arith.muli %get3A_138, %mul3A_140 : vector<16xi32>
    %add3A_142 = arith.addi %mul3A_141, %add3A_133 : vector<16xi32>
    %swap3A_143 = arith.constant 0 : i32
    %swap3A_144 = arith.index_cast %swap3A_143 : i32 to index
    %swap3A_145 = arith.constant 96 : index
    %swap3A_146 = tpu.vector_load %arg5[%swap3A_144, %swap3A_145] {strides = array<i32>} : memref<8x128xi32, #tpu.memory_space<vmem>>, vector<1x16xi32>,
    %swap3A_147 = vector.shape_cast %swap3A_146 : vector<1x16xi32> to vector<16xi32>
    %swap3A_148 = vector.shape_cast %add3A_142 : vector<16xi32> to vector<1x16xi32>
    tpu.vector_store %arg5[%swap3A_144, %swap3A_145], %swap3A_148 {strides = array<i32>} : memref<8x128xi32, #tpu.memory_space<vmem>>, vector<1x16xi32>,
    %add3A_149 = arith.constant 112 : i32
    %add3A_150 = arith.addi %mul3A_11, %add3A_149 : i32
    %iota3A_151 = tpu.iota {dimensions = array<i32: 0>} : vector<16xi32>
    %add3A_152 = vector.broadcast %add3A_150 : i32 to vector<16xi32>
    %add3A_153 = arith.addi %add3A_152, %iota3A_151 : vector<16xi32>
    %get3A_154 = arith.constant 0 : i32
    %get3A_155 = arith.index_cast %get3A_154 : i32 to index
    %get3A_156 = arith.constant 112 : index
    %get3A_157 = tpu.vector_load %arg5[%get3A_155, %get3A_156] {strides = array<i32>} : memref<8x128xi32, #tpu.memory_space<vmem>>, vector<1x16xi32>,
    %get3A_158 = vector.shape_cast %get3A_157 : vector<1x16xi32> to vector<16xi32>
    %mul3A_159 = arith.constant 1024 : i32
    %mul3A_160 = vector.broadcast %mul3A_159 : i32 to vector<16xi32>
    %mul3A_161 = arith.muli %get3A_158, %mul3A_160 : vector<16xi32>
    %add3A_162 = arith.addi %mul3A_161, %add3A_153 : vector<16xi32>
    %swap3A_163 = arith.constant 0 : i32
    %swap3A_164 = arith.index_cast %swap3A_163 : i32 to index
    %swap3A_165 = arith.constant 112 : index
    %swap3A_166 = tpu.vector_load %arg5[%swap3A_164, %swap3A_165] {strides = array<i32>} : memref<8x128xi32, #tpu.memory_space<vmem>>, vector<1x16xi32>,
    %swap3A_167 = vector.shape_cast %swap3A_166 : vector<1x16xi32> to vector<16xi32>
    %swap3A_168 = vector.shape_cast %add3A_162 : vector<16xi32> to vector<1x16xi32>
    tpu.vector_store %arg5[%swap3A_164, %swap3A_165], %swap3A_168 {strides = array<i32>} : memref<8x128xi32, #tpu.memory_space<vmem>>, vector<1x16xi32>,
    %add3A_169 = arith.constant 1 : i32
    %add3A_170 = arith.addi %add3A_6, %add3A_169 : i32
    %rem3A_171 = arith.constant 8 : i32
    %rem3A_172 = arith.remsi %add3A_170, %rem3A_171 : i32
    %mul3A_173 = arith.constant 128 : i32
    %mul3A_174 = arith.muli %rem3A_172, %mul3A_173 : i32
    %add3A_175 = arith.constant 0 : i32
    %add3A_176 = arith.addi %mul3A_174, %add3A_175 : i32
    %iota3A_177 = tpu.iota {dimensions = array<i32: 0>} : vector<16xi32>
    %add3A_178 = vector.broadcast %add3A_176 : i32 to vector<16xi32>
    %add3A_179 = arith.addi %add3A_178, %iota3A_177 : vector<16xi32>
    %get3A_180 = arith.constant 1 : i32
    %get3A_181 = arith.index_cast %get3A_180 : i32 to index
    %get3A_182 = arith.constant 0 : index
    %get3A_183 = tpu.vector_load %arg5[%get3A_181, %get3A_182] {strides = array<i32>} : memref<8x128xi32, #tpu.memory_space<vmem>>, vector<1x16xi32>,
    %get3A_184 = vector.shape_cast %get3A_183 : vector<1x16xi32> to vector<16xi32>
    %mul3A_185 = arith.constant 1024 : i32
    %mul3A_186 = vector.broadcast %mul3A_185 : i32 to vector<16xi32>
    %mul3A_187 = arith.muli %get3A_184, %mul3A_186 : vector<16xi32>
    %add3A_188 = arith.addi %mul3A_187, %add3A_179 : vector<16xi32>
    %swap3A_189 = arith.constant 1 : i32
    %swap3A_190 = arith.index_cast %swap3A_189 : i32 to index
    %swap3A_191 = arith.constant 0 : index
    %swap3A_192 = tpu.vector_load %arg5[%swap3A_190, %swap3A_191] {strides = array<i32>} : memref<8x128xi32, #tpu.memory_space<vmem>>, vector<1x16xi32>,
    %swap3A_193 = vector.shape_cast %swap3A_192 : vector<1x16xi32> to vector<16xi32>
    %swap3A_194 = vector.shape_cast %add3A_188 : vector<16xi32> to vector<1x16xi32>
    tpu.vector_store %arg5[%swap3A_190, %swap3A_191], %swap3A_194 {strides = array<i32>} : memref<8x128xi32, #tpu.memory_space<vmem>>, vector<1x16xi32>,
    %add3A_195 = arith.constant 16 : i32
    %add3A_196 = arith.addi %mul3A_174, %add3A_195 : i32
    %iota3A_197 = tpu.iota {dimensions = array<i32: 0>} : vector<16xi32>
    %add3A_198 = vector.broadcast %add3A_196 : i32 to vector<16xi32>
    %add3A_199 = arith.addi %add3A_198, %iota3A_197 : vector<16xi32>
    %get3A_200 = arith.constant 1 : i32
    %get3A_201 = arith.index_cast %get3A_200 : i32 to index
    %get3A_202 = arith.constant 16 : index
    %get3A_203 = tpu.vector_load %arg5[%get3A_201, %get3A_202] {strides = array<i32>} : memref<8x128xi32, #tpu.memory_space<vmem>>, vector<1x16xi32>,
    %get3A_204 = vector.shape_cast %get3A_203 : vector<1x16xi32> to vector<16xi32>
    %mul3A_205 = arith.constant 1024 : i32
    %mul3A_206 = vector.broadcast %mul3A_205 : i32 to vector<16xi32>
    %mul3A_207 = arith.muli %get3A_204, %mul3A_206 : vector<16xi32>
    %add3A_208 = arith.addi %mul3A_207, %add3A_199 : vector<16xi32>
    %swap3A_209 = arith.constant 1 : i32
    %swap3A_210 = arith.index_cast %swap3A_209 : i32 to index
    %swap3A_211 = arith.constant 16 : index
    %swap3A_212 = tpu.vector_load %arg5[%swap3A_210, %swap3A_211] {strides = array<i32>} : memref<8x128xi32, #tpu.memory_space<vmem>>, vector<1x16xi32>,
    %swap3A_213 = vector.shape_cast %swap3A_212 : vector<1x16xi32> to vector<16xi32>
    %swap3A_214 = vector.shape_cast %add3A_208 : vector<16xi32> to vector<1x16xi32>
    tpu.vector_store %arg5[%swap3A_210, %swap3A_211], %swap3A_214 {strides = array<i32>} : memref<8x128xi32, #tpu.memory_space<vmem>>, vector<1x16xi32>,
    %add3A_215 = arith.constant 32 : i32
    %add3A_216 = arith.addi %mul3A_174, %add3A_215 : i32
    %iota3A_217 = tpu.iota {dimensions = array<i32: 0>} : vector<16xi32>
    %add3A_218 = vector.broadcast %add3A_216 : i32 to vector<16xi32>
    %add3A_219 = arith.addi %add3A_218, %iota3A_217 : vector<16xi32>
    %get3A_220 = arith.constant 1 : i32
    %get3A_221 = arith.index_cast %get3A_220 : i32 to index
    %get3A_222 = arith.constant 32 : index
    %get3A_223 = tpu.vector_load %arg5[%get3A_221, %get3A_222] {strides = array<i32>} : memref<8x128xi32, #tpu.memory_space<vmem>>, vector<1x16xi32>,
    %get3A_224 = vector.shape_cast %get3A_223 : vector<1x16xi32> to vector<16xi32>
    %mul3A_225 = arith.constant 1024 : i32
    %mul3A_226 = vector.broadcast %mul3A_225 : i32 to vector<16xi32>
    %mul3A_227 = arith.muli %get3A_224, %mul3A_226 : vector<16xi32>
    %add3A_228 = arith.addi %mul3A_227, %add3A_219 : vector<16xi32>
    %swap3A_229 = arith.constant 1 : i32
    %swap3A_230 = arith.index_cast %swap3A_229 : i32 to index
    %swap3A_231 = arith.constant 32 : index
    %swap3A_232 = tpu.vector_load %arg5[%swap3A_230, %swap3A_231] {strides = array<i32>} : memref<8x128xi32, #tpu.memory_space<vmem>>, vector<1x16xi32>,
    %swap3A_233 = vector.shape_cast %swap3A_232 : vector<1x16xi32> to vector<16xi32>
    %swap3A_234 = vector.shape_cast %add3A_228 : vector<16xi32> to vector<1x16xi32>
    tpu.vector_store %arg5[%swap3A_230, %swap3A_231], %swap3A_234 {strides = array<i32>} : memref<8x128xi32, #tpu.memory_space<vmem>>, vector<1x16xi32>,
    %add3A_235 = arith.constant 48 : i32
    %add3A_236 = arith.addi %mul3A_174, %add3A_235 : i32
    %iota3A_237 = tpu.iota {dimensions = array<i32: 0>} : vector<16xi32>
    %add3A_238 = vector.broadcast %add3A_236 : i32 to vector<16xi32>
    %add3A_239 = arith.addi %add3A_238, %iota3A_237 : vector<16xi32>
    %get3A_240 = arith.constant 1 : i32
    %get3A_241 = arith.index_cast %get3A_240 : i32 to index
    %get3A_242 = arith.constant 48 : index
    %get3A_243 = tpu.vector_load %arg5[%get3A_241, %get3A_242] {strides = array<i32>} : memref<8x128xi32, #tpu.memory_space<vmem>>, vector<1x16xi32>,
    %get3A_244 = vector.shape_cast %get3A_243 : vector<1x16xi32> to vector<16xi32>
    %mul3A_245 = arith.constant 1024 : i32
    %mul3A_246 = vector.broadcast %mul3A_245 : i32 to vector<16xi32>
    %mul3A_247 = arith.muli %get3A_244, %mul3A_246 : vector<16xi32>
    %add3A_248 = arith.addi %mul3A_247, %add3A_239 : vector<16xi32>
    %swap3A_249 = arith.constant 1 : i32
    %swap3A_250 = arith.index_cast %swap3A_249 : i32 to index
    %swap3A_251 = arith.constant 48 : index
    %swap3A_252 = tpu.vector_load %arg5[%swap3A_250, %swap3A_251] {strides = array<i32>} : memref<8x128xi32, #tpu.memory_space<vmem>>, vector<1x16xi32>,
    %swap3A_253 = vector.shape_cast %swap3A_252 : vector<1x16xi32> to vector<16xi32>
    %swap3A_254 = vector.shape_cast %add3A_248 : vector<16xi32> to vector<1x16xi32>
    tpu.vector_store %arg5[%swap3A_250, %swap3A_251], %swap3A_254 {strides = array<i32>} : memref<8x128xi32, #tpu.memory_space<vmem>>, vector<1x16xi32>,
    %add3A_255 = arith.constant 64 : i32
    %add3A_256 = arith.addi %mul3A_174, %add3A_255 : i32
    %iota3A_257 = tpu.iota {dimensions = array<i32: 0>} : vector<16xi32>
    %add3A_258 = vector.broadcast %add3A_256 : i32 to vector<16xi32>
    %add3A_259 = arith.addi %add3A_258, %iota3A_257 : vector<16xi32>
    %get3A_260 = arith.constant 1 : i32
    %get3A_261 = arith.index_cast %get3A_260 : i32 to index
    %get3A_262 = arith.constant 64 : index
    %get3A_263 = tpu.vector_load %arg5[%get3A_261, %get3A_262] {strides = array<i32>} : memref<8x128xi32, #tpu.memory_space<vmem>>, vector<1x16xi32>,
    %get3A_264 = vector.shape_cast %get3A_263 : vector<1x16xi32> to vector<16xi32>
    %mul3A_265 = arith.constant 1024 : i32
    %mul3A_266 = vector.broadcast %mul3A_265 : i32 to vector<16xi32>
    %mul3A_267 = arith.muli %get3A_264, %mul3A_266 : vector<16xi32>
    %add3A_268 = arith.addi %mul3A_267, %add3A_259 : vector<16xi32>
    %swap3A_269 = arith.constant 1 : i32
    %swap3A_270 = arith.index_cast %swap3A_269 : i32 to index
    %swap3A_271 = arith.constant 64 : index
    %swap3A_272 = tpu.vector_load %arg5[%swap3A_270, %swap3A_271] {strides = array<i32>} : memref<8x128xi32, #tpu.memory_space<vmem>>, vector<1x16xi32>,
    %swap3A_273 = vector.shape_cast %swap3A_272 : vector<1x16xi32> to vector<16xi32>
    %swap3A_274 = vector.shape_cast %add3A_268 : vector<16xi32> to vector<1x16xi32>
    tpu.vector_store %arg5[%swap3A_270, %swap3A_271], %swap3A_274 {strides = array<i32>} : memref<8x128xi32, #tpu.memory_space<vmem>>, vector<1x16xi32>,
    %add3A_275 = arith.constant 80 : i32
    %add3A_276 = arith.addi %mul3A_174, %add3A_275 : i32
    %iota3A_277 = tpu.iota {dimensions = array<i32: 0>} : vector<16xi32>
    %add3A_278 = vector.broadcast %add3A_276 : i32 to vector<16xi32>
    %add3A_279 = arith.addi %add3A_278, %iota3A_277 : vector<16xi32>
    %get3A_280 = arith.constant 1 : i32
    %get3A_281 = arith.index_cast %get3A_280 : i32 to index
    %get3A_282 = arith.constant 80 : index
    %get3A_283 = tpu.vector_load %arg5[%get3A_281, %get3A_282] {strides = array<i32>} : memref<8x128xi32, #tpu.memory_space<vmem>>, vector<1x16xi32>,
    %get3A_284 = vector.shape_cast %get3A_283 : vector<1x16xi32> to vector<16xi32>
    %mul3A_285 = arith.constant 1024 : i32
    %mul3A_286 = vector.broadcast %mul3A_285 : i32 to vector<16xi32>
    %mul3A_287 = arith.muli %get3A_284, %mul3A_286 : vector<16xi32>
    %add3A_288 = arith.addi %mul3A_287, %add3A_279 : vector<16xi32>
    %swap3A_289 = arith.constant 1 : i32
    %swap3A_290 = arith.index_cast %swap3A_289 : i32 to index
    %swap3A_291 = arith.constant 80 : index
    %swap3A_292 = tpu.vector_load %arg5[%swap3A_290, %swap3A_291] {strides = array<i32>} : memref<8x128xi32, #tpu.memory_space<vmem>>, vector<1x16xi32>,
    %swap3A_293 = vector.shape_cast %swap3A_292 : vector<1x16xi32> to vector<16xi32>
    %swap3A_294 = vector.shape_cast %add3A_288 : vector<16xi32> to vector<1x16xi32>
    tpu.vector_store %arg5[%swap3A_290, %swap3A_291], %swap3A_294 {strides = array<i32>} : memref<8x128xi32, #tpu.memory_space<vmem>>, vector<1x16xi32>,
    %add3A_295 = arith.constant 96 : i32
    %add3A_296 = arith.addi %mul3A_174, %add3A_295 : i32
    %iota3A_297 = tpu.iota {dimensions = array<i32: 0>} : vector<16xi32>
    %add3A_298 = vector.broadcast %add3A_296 : i32 to vector<16xi32>
    %add3A_299 = arith.addi %add3A_298, %iota3A_297 : vector<16xi32>
    %get3A_300 = arith.constant 1 : i32
    %get3A_301 = arith.index_cast %get3A_300 : i32 to index
    %get3A_302 = arith.constant 96 : index
    %get3A_303 = tpu.vector_load %arg5[%get3A_301, %get3A_302] {strides = array<i32>} : memref<8x128xi32, #tpu.memory_space<vmem>>, vector<1x16xi32>,
    %get3A_304 = vector.shape_cast %get3A_303 : vector<1x16xi32> to vector<16xi32>
    %mul3A_305 = arith.constant 1024 : i32
    %mul3A_306 = vector.broadcast %mul3A_305 : i32 to vector<16xi32>
    %mul3A_307 = arith.muli %get3A_304, %mul3A_306 : vector<16xi32>
    %add3A_308 = arith.addi %mul3A_307, %add3A_299 : vector<16xi32>
    %swap3A_309 = arith.constant 1 : i32
    %swap3A_310 = arith.index_cast %swap3A_309 : i32 to index
    %swap3A_311 = arith.constant 96 : index
    %swap3A_312 = tpu.vector_load %arg5[%swap3A_310, %swap3A_311] {strides = array<i32>} : memref<8x128xi32, #tpu.memory_space<vmem>>, vector<1x16xi32>,
    %swap3A_313 = vector.shape_cast %swap3A_312 : vector<1x16xi32> to vector<16xi32>
    %swap3A_314 = vector.shape_cast %add3A_308 : vector<16xi32> to vector<1x16xi32>
    tpu.vector_store %arg5[%swap3A_310, %swap3A_311], %swap3A_314 {strides = array<i32>} : memref<8x128xi32, #tpu.memory_space<vmem>>, vector<1x16xi32>,
    %add3A_315 = arith.constant 112 : i32
    %add3A_316 = arith.addi %mul3A_174, %add3A_315 : i32
    %iota3A_317 = tpu.iota {dimensions = array<i32: 0>} : vector<16xi32>
    %add3A_318 = vector.broadcast %add3A_316 : i32 to vector<16xi32>
    %add3A_319 = arith.addi %add3A_318, %iota3A_317 : vector<16xi32>
    %get3A_320 = arith.constant 1 : i32
    %get3A_321 = arith.index_cast %get3A_320 : i32 to index
    %get3A_322 = arith.constant 112 : index
    %get3A_323 = tpu.vector_load %arg5[%get3A_321, %get3A_322] {strides = array<i32>} : memref<8x128xi32, #tpu.memory_space<vmem>>, vector<1x16xi32>,
    %get3A_324 = vector.shape_cast %get3A_323 : vector<1x16xi32> to vector<16xi32>
    %mul3A_325 = arith.constant 1024 : i32
    %mul3A_326 = vector.broadcast %mul3A_325 : i32 to vector<16xi32>
    %mul3A_327 = arith.muli %get3A_324, %mul3A_326 : vector<16xi32>
    %add3A_328 = arith.addi %mul3A_327, %add3A_319 : vector<16xi32>
    %swap3A_329 = arith.constant 1 : i32
    %swap3A_330 = arith.index_cast %swap3A_329 : i32 to index
    %swap3A_331 = arith.constant 112 : index
    %swap3A_332 = tpu.vector_load %arg5[%swap3A_330, %swap3A_331] {strides = array<i32>} : memref<8x128xi32, #tpu.memory_space<vmem>>, vector<1x16xi32>,
    %swap3A_333 = vector.shape_cast %swap3A_332 : vector<1x16xi32> to vector<16xi32>
    %swap3A_334 = vector.shape_cast %add3A_328 : vector<16xi32> to vector<1x16xi32>
    tpu.vector_store %arg5[%swap3A_330, %swap3A_331], %swap3A_334 {strides = array<i32>} : memref<8x128xi32, #tpu.memory_space<vmem>>, vector<1x16xi32>,
    %add3A_335 = arith.constant 2 : i32
    %add3A_336 = arith.addi %add3A_6, %add3A_335 : i32
    %rem3A_337 = arith.constant 8 : i32
    %rem3A_338 = arith.remsi %add3A_336, %rem3A_337 : i32
    %mul3A_339 = arith.constant 128 : i32
    %mul3A_340 = arith.muli %rem3A_338, %mul3A_339 : i32
    %add3A_341 = arith.constant 0 : i32
    %add3A_342 = arith.addi %mul3A_340, %add3A_341 : i32
    %iota3A_343 = tpu.iota {dimensions = array<i32: 0>} : vector<16xi32>
    %add3A_344 = vector.broadcast %add3A_342 : i32 to vector<16xi32>
    %add3A_345 = arith.addi %add3A_344, %iota3A_343 : vector<16xi32>
    %get3A_346 = arith.constant 2 : i32
    %get3A_347 = arith.index_cast %get3A_346 : i32 to index
    %get3A_348 = arith.constant 0 : index
    %get3A_349 = tpu.vector_load %arg5[%get3A_347, %get3A_348] {strides = array<i32>} : memref<8x128xi32, #tpu.memory_space<vmem>>, vector<1x16xi32>,
    %get3A_350 = vector.shape_cast %get3A_349 : vector<1x16xi32> to vector<16xi32>
    %mul3A_351 = arith.constant 1024 : i32
    %mul3A_352 = vector.broadcast %mul3A_351 : i32 to vector<16xi32>
    %mul3A_353 = arith.muli %get3A_350, %mul3A_352 : vector<16xi32>
    %add3A_354 = arith.addi %mul3A_353, %add3A_345 : vector<16xi32>
    %swap3A_355 = arith.constant 2 : i32
    %swap3A_356 = arith.index_cast %swap3A_355 : i32 to index
    %swap3A_357 = arith.constant 0 : index
    %swap3A_358 = tpu.vector_load %arg5[%swap3A_356, %swap3A_357] {strides = array<i32>} : memref<8x128xi32, #tpu.memory_space<vmem>>, vector<1x16xi32>,
    %swap3A_359 = vector.shape_cast %swap3A_358 : vector<1x16xi32> to vector<16xi32>
    %swap3A_360 = vector.shape_cast %add3A_354 : vector<16xi32> to vector<1x16xi32>
    tpu.vector_store %arg5[%swap3A_356, %swap3A_357], %swap3A_360 {strides = array<i32>} : memref<8x128xi32, #tpu.memory_space<vmem>>, vector<1x16xi32>,
    %add3A_361 = arith.constant 16 : i32
    %add3A_362 = arith.addi %mul3A_340, %add3A_361 : i32
    %iota3A_363 = tpu.iota {dimensions = array<i32: 0>} : vector<16xi32>
    %add3A_364 = vector.broadcast %add3A_362 : i32 to vector<16xi32>
    %add3A_365 = arith.addi %add3A_364, %iota3A_363 : vector<16xi32>
    %get3A_366 = arith.constant 2 : i32
    %get3A_367 = arith.index_cast %get3A_366 : i32 to index
    %get3A_368 = arith.constant 16 : index
    %get3A_369 = tpu.vector_load %arg5[%get3A_367, %get3A_368] {strides = array<i32>} : memref<8x128xi32, #tpu.memory_space<vmem>>, vector<1x16xi32>,
    %get3A_370 = vector.shape_cast %get3A_369 : vector<1x16xi32> to vector<16xi32>
    %mul3A_371 = arith.constant 1024 : i32
    %mul3A_372 = vector.broadcast %mul3A_371 : i32 to vector<16xi32>
    %mul3A_373 = arith.muli %get3A_370, %mul3A_372 : vector<16xi32>
    %add3A_374 = arith.addi %mul3A_373, %add3A_365 : vector<16xi32>
    %swap3A_375 = arith.constant 2 : i32
    %swap3A_376 = arith.index_cast %swap3A_375 : i32 to index
    %swap3A_377 = arith.constant 16 : index
    %swap3A_378 = tpu.vector_load %arg5[%swap3A_376, %swap3A_377] {strides = array<i32>} : memref<8x128xi32, #tpu.memory_space<vmem>>, vector<1x16xi32>,
    %swap3A_379 = vector.shape_cast %swap3A_378 : vector<1x16xi32> to vector<16xi32>
    %swap3A_380 = vector.shape_cast %add3A_374 : vector<16xi32> to vector<1x16xi32>
    tpu.vector_store %arg5[%swap3A_376, %swap3A_377], %swap3A_380 {strides = array<i32>} : memref<8x128xi32, #tpu.memory_space<vmem>>, vector<1x16xi32>,
    %add3A_381 = arith.constant 32 : i32
    %add3A_382 = arith.addi %mul3A_340, %add3A_381 : i32
    %iota3A_383 = tpu.iota {dimensions = array<i32: 0>} : vector<16xi32>
    %add3A_384 = vector.broadcast %add3A_382 : i32 to vector<16xi32>
    %add3A_385 = arith.addi %add3A_384, %iota3A_383 : vector<16xi32>
    %get3A_386 = arith.constant 2 : i32
    %get3A_387 = arith.index_cast %get3A_386 : i32 to index
    %get3A_388 = arith.constant 32 : index
    %get3A_389 = tpu.vector_load %arg5[%get3A_387, %get3A_388] {strides = array<i32>} : memref<8x128xi32, #tpu.memory_space<vmem>>, vector<1x16xi32>,
    %get3A_390 = vector.shape_cast %get3A_389 : vector<1x16xi32> to vector<16xi32>
    %mul3A_391 = arith.constant 1024 : i32
    %mul3A_392 = vector.broadcast %mul3A_391 : i32 to vector<16xi32>
    %mul3A_393 = arith.muli %get3A_390, %mul3A_392 : vector<16xi32>
    %add3A_394 = arith.addi %mul3A_393, %add3A_385 : vector<16xi32>
    %swap3A_395 = arith.constant 2 : i32
    %swap3A_396 = arith.index_cast %swap3A_395 : i32 to index
    %swap3A_397 = arith.constant 32 : index
    %swap3A_398 = tpu.vector_load %arg5[%swap3A_396, %swap3A_397] {strides = array<i32>} : memref<8x128xi32, #tpu.memory_space<vmem>>, vector<1x16xi32>,
    %swap3A_399 = vector.shape_cast %swap3A_398 : vector<1x16xi32> to vector<16xi32>
    %swap3A_400 = vector.shape_cast %add3A_394 : vector<16xi32> to vector<1x16xi32>
    tpu.vector_store %arg5[%swap3A_396, %swap3A_397], %swap3A_400 {strides = array<i32>} : memref<8x128xi32, #tpu.memory_space<vmem>>, vector<1x16xi32>,
    %add3A_401 = arith.constant 48 : i32
    %add3A_402 = arith.addi %mul3A_340, %add3A_401 : i32
    %iota3A_403 = tpu.iota {dimensions = array<i32: 0>} : vector<16xi32>
    %add3A_404 = vector.broadcast %add3A_402 : i32 to vector<16xi32>
    %add3A_405 = arith.addi %add3A_404, %iota3A_403 : vector<16xi32>
    %get3A_406 = arith.constant 2 : i32
    %get3A_407 = arith.index_cast %get3A_406 : i32 to index
    %get3A_408 = arith.constant 48 : index
    %get3A_409 = tpu.vector_load %arg5[%get3A_407, %get3A_408] {strides = array<i32>} : memref<8x128xi32, #tpu.memory_space<vmem>>, vector<1x16xi32>,
    %get3A_410 = vector.shape_cast %get3A_409 : vector<1x16xi32> to vector<16xi32>
    %mul3A_411 = arith.constant 1024 : i32
    %mul3A_412 = vector.broadcast %mul3A_411 : i32 to vector<16xi32>
    %mul3A_413 = arith.muli %get3A_410, %mul3A_412 : vector<16xi32>
    %add3A_414 = arith.addi %mul3A_413, %add3A_405 : vector<16xi32>
    %swap3A_415 = arith.constant 2 : i32
    %swap3A_416 = arith.index_cast %swap3A_415 : i32 to index
    %swap3A_417 = arith.constant 48 : index
    %swap3A_418 = tpu.vector_load %arg5[%swap3A_416, %swap3A_417] {strides = array<i32>} : memref<8x128xi32, #tpu.memory_space<vmem>>, vector<1x16xi32>,
    %swap3A_419 = vector.shape_cast %swap3A_418 : vector<1x16xi32> to vector<16xi32>
    %swap3A_420 = vector.shape_cast %add3A_414 : vector<16xi32> to vector<1x16xi32>
    tpu.vector_store %arg5[%swap3A_416, %swap3A_417], %swap3A_420 {strides = array<i32>} : memref<8x128xi32, #tpu.memory_space<vmem>>, vector<1x16xi32>,
    %add3A_421 = arith.constant 64 : i32
    %add3A_422 = arith.addi %mul3A_340, %add3A_421 : i32
    %iota3A_423 = tpu.iota {dimensions = array<i32: 0>} : vector<16xi32>
    %add3A_424 = vector.broadcast %add3A_422 : i32 to vector<16xi32>
    %add3A_425 = arith.addi %add3A_424, %iota3A_423 : vector<16xi32>
    %get3A_426 = arith.constant 2 : i32
    %get3A_427 = arith.index_cast %get3A_426 : i32 to index
    %get3A_428 = arith.constant 64 : index
    %get3A_429 = tpu.vector_load %arg5[%get3A_427, %get3A_428] {strides = array<i32>} : memref<8x128xi32, #tpu.memory_space<vmem>>, vector<1x16xi32>,
    %get3A_430 = vector.shape_cast %get3A_429 : vector<1x16xi32> to vector<16xi32>
    %mul3A_431 = arith.constant 1024 : i32
    %mul3A_432 = vector.broadcast %mul3A_431 : i32 to vector<16xi32>
    %mul3A_433 = arith.muli %get3A_430, %mul3A_432 : vector<16xi32>
    %add3A_434 = arith.addi %mul3A_433, %add3A_425 : vector<16xi32>
    %swap3A_435 = arith.constant 2 : i32
    %swap3A_436 = arith.index_cast %swap3A_435 : i32 to index
    %swap3A_437 = arith.constant 64 : index
    %swap3A_438 = tpu.vector_load %arg5[%swap3A_436, %swap3A_437] {strides = array<i32>} : memref<8x128xi32, #tpu.memory_space<vmem>>, vector<1x16xi32>,
    %swap3A_439 = vector.shape_cast %swap3A_438 : vector<1x16xi32> to vector<16xi32>
    %swap3A_440 = vector.shape_cast %add3A_434 : vector<16xi32> to vector<1x16xi32>
    tpu.vector_store %arg5[%swap3A_436, %swap3A_437], %swap3A_440 {strides = array<i32>} : memref<8x128xi32, #tpu.memory_space<vmem>>, vector<1x16xi32>,
    %add3A_441 = arith.constant 80 : i32
    %add3A_442 = arith.addi %mul3A_340, %add3A_441 : i32
    %iota3A_443 = tpu.iota {dimensions = array<i32: 0>} : vector<16xi32>
    %add3A_444 = vector.broadcast %add3A_442 : i32 to vector<16xi32>
    %add3A_445 = arith.addi %add3A_444, %iota3A_443 : vector<16xi32>
    %get3A_446 = arith.constant 2 : i32
    %get3A_447 = arith.index_cast %get3A_446 : i32 to index
    %get3A_448 = arith.constant 80 : index
    %get3A_449 = tpu.vector_load %arg5[%get3A_447, %get3A_448] {strides = array<i32>} : memref<8x128xi32, #tpu.memory_space<vmem>>, vector<1x16xi32>,
    %get3A_450 = vector.shape_cast %get3A_449 : vector<1x16xi32> to vector<16xi32>
    %mul3A_451 = arith.constant 1024 : i32
    %mul3A_452 = vector.broadcast %mul3A_451 : i32 to vector<16xi32>
    %mul3A_453 = arith.muli %get3A_450, %mul3A_452 : vector<16xi32>
    %add3A_454 = arith.addi %mul3A_453, %add3A_445 : vector<16xi32>
    %swap3A_455 = arith.constant 2 : i32
    %swap3A_456 = arith.index_cast %swap3A_455 : i32 to index
    %swap3A_457 = arith.constant 80 : index
    %swap3A_458 = tpu.vector_load %arg5[%swap3A_456, %swap3A_457] {strides = array<i32>} : memref<8x128xi32, #tpu.memory_space<vmem>>, vector<1x16xi32>,
    %swap3A_459 = vector.shape_cast %swap3A_458 : vector<1x16xi32> to vector<16xi32>
    %swap3A_460 = vector.shape_cast %add3A_454 : vector<16xi32> to vector<1x16xi32>
    tpu.vector_store %arg5[%swap3A_456, %swap3A_457], %swap3A_460 {strides = array<i32>} : memref<8x128xi32, #tpu.memory_space<vmem>>, vector<1x16xi32>,
    %add3A_461 = arith.constant 96 : i32
    %add3A_462 = arith.addi %mul3A_340, %add3A_461 : i32
    %iota3A_463 = tpu.iota {dimensions = array<i32: 0>} : vector<16xi32>
    %add3A_464 = vector.broadcast %add3A_462 : i32 to vector<16xi32>
    %add3A_465 = arith.addi %add3A_464, %iota3A_463 : vector<16xi32>
    %get3A_466 = arith.constant 2 : i32
    %get3A_467 = arith.index_cast %get3A_466 : i32 to index
    %get3A_468 = arith.constant 96 : index
    %get3A_469 = tpu.vector_load %arg5[%get3A_467, %get3A_468] {strides = array<i32>} : memref<8x128xi32, #tpu.memory_space<vmem>>, vector<1x16xi32>,
    %get3A_470 = vector.shape_cast %get3A_469 : vector<1x16xi32> to vector<16xi32>
    %mul3A_471 = arith.constant 1024 : i32
    %mul3A_472 = vector.broadcast %mul3A_471 : i32 to vector<16xi32>
    %mul3A_473 = arith.muli %get3A_470, %mul3A_472 : vector<16xi32>
    %add3A_474 = arith.addi %mul3A_473, %add3A_465 : vector<16xi32>
    %swap3A_475 = arith.constant 2 : i32
    %swap3A_476 = arith.index_cast %swap3A_475 : i32 to index
    %swap3A_477 = arith.constant 96 : index
    %swap3A_478 = tpu.vector_load %arg5[%swap3A_476, %swap3A_477] {strides = array<i32>} : memref<8x128xi32, #tpu.memory_space<vmem>>, vector<1x16xi32>,
    %swap3A_479 = vector.shape_cast %swap3A_478 : vector<1x16xi32> to vector<16xi32>
    %swap3A_480 = vector.shape_cast %add3A_474 : vector<16xi32> to vector<1x16xi32>
    tpu.vector_store %arg5[%swap3A_476, %swap3A_477], %swap3A_480 {strides = array<i32>} : memref<8x128xi32, #tpu.memory_space<vmem>>, vector<1x16xi32>,
    %add3A_481 = arith.constant 112 : i32
    %add3A_482 = arith.addi %mul3A_340, %add3A_481 : i32
    %iota3A_483 = tpu.iota {dimensions = array<i32: 0>} : vector<16xi32>
    %add3A_484 = vector.broadcast %add3A_482 : i32 to vector<16xi32>
    %add3A_485 = arith.addi %add3A_484, %iota3A_483 : vector<16xi32>
    %get3A_486 = arith.constant 2 : i32
    %get3A_487 = arith.index_cast %get3A_486 : i32 to index
    %get3A_488 = arith.constant 112 : index
    %get3A_489 = tpu.vector_load %arg5[%get3A_487, %get3A_488] {strides = array<i32>} : memref<8x128xi32, #tpu.memory_space<vmem>>, vector<1x16xi32>,
    %get3A_490 = vector.shape_cast %get3A_489 : vector<1x16xi32> to vector<16xi32>
    %mul3A_491 = arith.constant 1024 : i32
    %mul3A_492 = vector.broadcast %mul3A_491 : i32 to vector<16xi32>
    %mul3A_493 = arith.muli %get3A_490, %mul3A_492 : vector<16xi32>
    %add3A_494 = arith.addi %mul3A_493, %add3A_485 : vector<16xi32>
    %swap3A_495 = arith.constant 2 : i32
    %swap3A_496 = arith.index_cast %swap3A_495 : i32 to index
    %swap3A_497 = arith.constant 112 : index
    %swap3A_498 = tpu.vector_load %arg5[%swap3A_496, %swap3A_497] {strides = array<i32>} : memref<8x128xi32, #tpu.memory_space<vmem>>, vector<1x16xi32>,
    %swap3A_499 = vector.shape_cast %swap3A_498 : vector<1x16xi32> to vector<16xi32>
    %swap3A_500 = vector.shape_cast %add3A_494 : vector<16xi32> to vector<1x16xi32>
    tpu.vector_store %arg5[%swap3A_496, %swap3A_497], %swap3A_500 {strides = array<i32>} : memref<8x128xi32, #tpu.memory_space<vmem>>, vector<1x16xi32>,
    %add3A_501 = arith.constant 3 : i32
    %add3A_502 = arith.addi %add3A_6, %add3A_501 : i32
    %rem3A_503 = arith.constant 8 : i32
    %rem3A_504 = arith.remsi %add3A_502, %rem3A_503 : i32
    %mul3A_505 = arith.constant 128 : i32
    %mul3A_506 = arith.muli %rem3A_504, %mul3A_505 : i32
    %add3A_507 = arith.constant 0 : i32
    %add3A_508 = arith.addi %mul3A_506, %add3A_507 : i32
    %iota3A_509 = tpu.iota {dimensions = array<i32: 0>} : vector<16xi32>
    %add3A_510 = vector.broadcast %add3A_508 : i32 to vector<16xi32>
    %add3A_511 = arith.addi %add3A_510, %iota3A_509 : vector<16xi32>
    %get3A_512 = arith.constant 3 : i32
    %get3A_513 = arith.index_cast %get3A_512 : i32 to index
    %get3A_514 = arith.constant 0 : index
    %get3A_515 = tpu.vector_load %arg5[%get3A_513, %get3A_514] {strides = array<i32>} : memref<8x128xi32, #tpu.memory_space<vmem>>, vector<1x16xi32>,
    %get3A_516 = vector.shape_cast %get3A_515 : vector<1x16xi32> to vector<16xi32>
    %mul3A_517 = arith.constant 1024 : i32
    %mul3A_518 = vector.broadcast %mul3A_517 : i32 to vector<16xi32>
    %mul3A_519 = arith.muli %get3A_516, %mul3A_518 : vector<16xi32>
    %add3A_520 = arith.addi %mul3A_519, %add3A_511 : vector<16xi32>
    %swap3A_521 = arith.constant 3 : i32
    %swap3A_522 = arith.index_cast %swap3A_521 : i32 to index
    %swap3A_523 = arith.constant 0 : index
    %swap3A_524 = tpu.vector_load %arg5[%swap3A_522, %swap3A_523] {strides = array<i32>} : memref<8x128xi32, #tpu.memory_space<vmem>>, vector<1x16xi32>,
    %swap3A_525 = vector.shape_cast %swap3A_524 : vector<1x16xi32> to vector<16xi32>
    %swap3A_526 = vector.shape_cast %add3A_520 : vector<16xi32> to vector<1x16xi32>
    tpu.vector_store %arg5[%swap3A_522, %swap3A_523], %swap3A_526 {strides = array<i32>} : memref<8x128xi32, #tpu.memory_space<vmem>>, vector<1x16xi32>,
    %add3A_527 = arith.constant 16 : i32
    %add3A_528 = arith.addi %mul3A_506, %add3A_527 : i32
    %iota3A_529 = tpu.iota {dimensions = array<i32: 0>} : vector<16xi32>
    %add3A_530 = vector.broadcast %add3A_528 : i32 to vector<16xi32>
    %add3A_531 = arith.addi %add3A_530, %iota3A_529 : vector<16xi32>
    %get3A_532 = arith.constant 3 : i32
    %get3A_533 = arith.index_cast %get3A_532 : i32 to index
    %get3A_534 = arith.constant 16 : index
    %get3A_535 = tpu.vector_load %arg5[%get3A_533, %get3A_534] {strides = array<i32>} : memref<8x128xi32, #tpu.memory_space<vmem>>, vector<1x16xi32>,
    %get3A_536 = vector.shape_cast %get3A_535 : vector<1x16xi32> to vector<16xi32>
    %mul3A_537 = arith.constant 1024 : i32
    %mul3A_538 = vector.broadcast %mul3A_537 : i32 to vector<16xi32>
    %mul3A_539 = arith.muli %get3A_536, %mul3A_538 : vector<16xi32>
    %add3A_540 = arith.addi %mul3A_539, %add3A_531 : vector<16xi32>
    %swap3A_541 = arith.constant 3 : i32
    %swap3A_542 = arith.index_cast %swap3A_541 : i32 to index
    %swap3A_543 = arith.constant 16 : index
    %swap3A_544 = tpu.vector_load %arg5[%swap3A_542, %swap3A_543] {strides = array<i32>} : memref<8x128xi32, #tpu.memory_space<vmem>>, vector<1x16xi32>,
    %swap3A_545 = vector.shape_cast %swap3A_544 : vector<1x16xi32> to vector<16xi32>
    %swap3A_546 = vector.shape_cast %add3A_540 : vector<16xi32> to vector<1x16xi32>
    tpu.vector_store %arg5[%swap3A_542, %swap3A_543], %swap3A_546 {strides = array<i32>} : memref<8x128xi32, #tpu.memory_space<vmem>>, vector<1x16xi32>,
    %add3A_547 = arith.constant 32 : i32
    %add3A_548 = arith.addi %mul3A_506, %add3A_547 : i32
    %iota3A_549 = tpu.iota {dimensions = array<i32: 0>} : vector<16xi32>
    %add3A_550 = vector.broadcast %add3A_548 : i32 to vector<16xi32>
    %add3A_551 = arith.addi %add3A_550, %iota3A_549 : vector<16xi32>
    %get3A_552 = arith.constant 3 : i32
    %get3A_553 = arith.index_cast %get3A_552 : i32 to index
    %get3A_554 = arith.constant 32 : index
    %get3A_555 = tpu.vector_load %arg5[%get3A_553, %get3A_554] {strides = array<i32>} : memref<8x128xi32, #tpu.memory_space<vmem>>, vector<1x16xi32>,
    %get3A_556 = vector.shape_cast %get3A_555 : vector<1x16xi32> to vector<16xi32>
    %mul3A_557 = arith.constant 1024 : i32
    %mul3A_558 = vector.broadcast %mul3A_557 : i32 to vector<16xi32>
    %mul3A_559 = arith.muli %get3A_556, %mul3A_558 : vector<16xi32>
    %add3A_560 = arith.addi %mul3A_559, %add3A_551 : vector<16xi32>
    %swap3A_561 = arith.constant 3 : i32
    %swap3A_562 = arith.index_cast %swap3A_561 : i32 to index
    %swap3A_563 = arith.constant 32 : index
    %swap3A_564 = tpu.vector_load %arg5[%swap3A_562, %swap3A_563] {strides = array<i32>} : memref<8x128xi32, #tpu.memory_space<vmem>>, vector<1x16xi32>,
    %swap3A_565 = vector.shape_cast %swap3A_564 : vector<1x16xi32> to vector<16xi32>
    %swap3A_566 = vector.shape_cast %add3A_560 : vector<16xi32> to vector<1x16xi32>
    tpu.vector_store %arg5[%swap3A_562, %swap3A_563], %swap3A_566 {strides = array<i32>} : memref<8x128xi32, #tpu.memory_space<vmem>>, vector<1x16xi32>,
    %add3A_567 = arith.constant 48 : i32
    %add3A_568 = arith.addi %mul3A_506, %add3A_567 : i32
    %iota3A_569 = tpu.iota {dimensions = array<i32: 0>} : vector<16xi32>
    %add3A_570 = vector.broadcast %add3A_568 : i32 to vector<16xi32>
    %add3A_571 = arith.addi %add3A_570, %iota3A_569 : vector<16xi32>
    %get3A_572 = arith.constant 3 : i32
    %get3A_573 = arith.index_cast %get3A_572 : i32 to index
    %get3A_574 = arith.constant 48 : index
    %get3A_575 = tpu.vector_load %arg5[%get3A_573, %get3A_574] {strides = array<i32>} : memref<8x128xi32, #tpu.memory_space<vmem>>, vector<1x16xi32>,
    %get3A_576 = vector.shape_cast %get3A_575 : vector<1x16xi32> to vector<16xi32>
    %mul3A_577 = arith.constant 1024 : i32
    %mul3A_578 = vector.broadcast %mul3A_577 : i32 to vector<16xi32>
    %mul3A_579 = arith.muli %get3A_576, %mul3A_578 : vector<16xi32>
    %add3A_580 = arith.addi %mul3A_579, %add3A_571 : vector<16xi32>
    %swap3A_581 = arith.constant 3 : i32
    %swap3A_582 = arith.index_cast %swap3A_581 : i32 to index
    %swap3A_583 = arith.constant 48 : index
    %swap3A_584 = tpu.vector_load %arg5[%swap3A_582, %swap3A_583] {strides = array<i32>} : memref<8x128xi32, #tpu.memory_space<vmem>>, vector<1x16xi32>,
    %swap3A_585 = vector.shape_cast %swap3A_584 : vector<1x16xi32> to vector<16xi32>
    %swap3A_586 = vector.shape_cast %add3A_580 : vector<16xi32> to vector<1x16xi32>
    tpu.vector_store %arg5[%swap3A_582, %swap3A_583], %swap3A_586 {strides = array<i32>} : memref<8x128xi32, #tpu.memory_space<vmem>>, vector<1x16xi32>,
    %add3A_587 = arith.constant 64 : i32
    %add3A_588 = arith.addi %mul3A_506, %add3A_587 : i32
    %iota3A_589 = tpu.iota {dimensions = array<i32: 0>} : vector<16xi32>
    %add3A_590 = vector.broadcast %add3A_588 : i32 to vector<16xi32>
    %add3A_591 = arith.addi %add3A_590, %iota3A_589 : vector<16xi32>
    %get3A_592 = arith.constant 3 : i32
    %get3A_593 = arith.index_cast %get3A_592 : i32 to index
    %get3A_594 = arith.constant 64 : index
    %get3A_595 = tpu.vector_load %arg5[%get3A_593, %get3A_594] {strides = array<i32>} : memref<8x128xi32, #tpu.memory_space<vmem>>, vector<1x16xi32>,
    %get3A_596 = vector.shape_cast %get3A_595 : vector<1x16xi32> to vector<16xi32>
    %mul3A_597 = arith.constant 1024 : i32
    %mul3A_598 = vector.broadcast %mul3A_597 : i32 to vector<16xi32>
    %mul3A_599 = arith.muli %get3A_596, %mul3A_598 : vector<16xi32>
    %add3A_600 = arith.addi %mul3A_599, %add3A_591 : vector<16xi32>
    %swap3A_601 = arith.constant 3 : i32
    %swap3A_602 = arith.index_cast %swap3A_601 : i32 to index
    %swap3A_603 = arith.constant 64 : index
    %swap3A_604 = tpu.vector_load %arg5[%swap3A_602, %swap3A_603] {strides = array<i32>} : memref<8x128xi32, #tpu.memory_space<vmem>>, vector<1x16xi32>,
    %swap3A_605 = vector.shape_cast %swap3A_604 : vector<1x16xi32> to vector<16xi32>
    %swap3A_606 = vector.shape_cast %add3A_600 : vector<16xi32> to vector<1x16xi32>
    tpu.vector_store %arg5[%swap3A_602, %swap3A_603], %swap3A_606 {strides = array<i32>} : memref<8x128xi32, #tpu.memory_space<vmem>>, vector<1x16xi32>,
    %add3A_607 = arith.constant 80 : i32
    %add3A_608 = arith.addi %mul3A_506, %add3A_607 : i32
    %iota3A_609 = tpu.iota {dimensions = array<i32: 0>} : vector<16xi32>
    %add3A_610 = vector.broadcast %add3A_608 : i32 to vector<16xi32>
    %add3A_611 = arith.addi %add3A_610, %iota3A_609 : vector<16xi32>
    %get3A_612 = arith.constant 3 : i32
    %get3A_613 = arith.index_cast %get3A_612 : i32 to index
    %get3A_614 = arith.constant 80 : index
    %get3A_615 = tpu.vector_load %arg5[%get3A_613, %get3A_614] {strides = array<i32>} : memref<8x128xi32, #tpu.memory_space<vmem>>, vector<1x16xi32>,
    %get3A_616 = vector.shape_cast %get3A_615 : vector<1x16xi32> to vector<16xi32>
    %mul3A_617 = arith.constant 1024 : i32
    %mul3A_618 = vector.broadcast %mul3A_617 : i32 to vector<16xi32>
    %mul3A_619 = arith.muli %get3A_616, %mul3A_618 : vector<16xi32>
    %add3A_620 = arith.addi %mul3A_619, %add3A_611 : vector<16xi32>
    %swap3A_621 = arith.constant 3 : i32
    %swap3A_622 = arith.index_cast %swap3A_621 : i32 to index
    %swap3A_623 = arith.constant 80 : index
    %swap3A_624 = tpu.vector_load %arg5[%swap3A_622, %swap3A_623] {strides = array<i32>} : memref<8x128xi32, #tpu.memory_space<vmem>>, vector<1x16xi32>,
    %swap3A_625 = vector.shape_cast %swap3A_624 : vector<1x16xi32> to vector<16xi32>
    %swap3A_626 = vector.shape_cast %add3A_620 : vector<16xi32> to vector<1x16xi32>
    tpu.vector_store %arg5[%swap3A_622, %swap3A_623], %swap3A_626 {strides = array<i32>} : memref<8x128xi32, #tpu.memory_space<vmem>>, vector<1x16xi32>,
    %add3A_627 = arith.constant 96 : i32
    %add3A_628 = arith.addi %mul3A_506, %add3A_627 : i32
    %iota3A_629 = tpu.iota {dimensions = array<i32: 0>} : vector<16xi32>
    %add3A_630 = vector.broadcast %add3A_628 : i32 to vector<16xi32>
    %add3A_631 = arith.addi %add3A_630, %iota3A_629 : vector<16xi32>
    %get3A_632 = arith.constant 3 : i32
    %get3A_633 = arith.index_cast %get3A_632 : i32 to index
    %get3A_634 = arith.constant 96 : index
    %get3A_635 = tpu.vector_load %arg5[%get3A_633, %get3A_634] {strides = array<i32>} : memref<8x128xi32, #tpu.memory_space<vmem>>, vector<1x16xi32>,
    %get3A_636 = vector.shape_cast %get3A_635 : vector<1x16xi32> to vector<16xi32>
    %mul3A_637 = arith.constant 1024 : i32
    %mul3A_638 = vector.broadcast %mul3A_637 : i32 to vector<16xi32>
    %mul3A_639 = arith.muli %get3A_636, %mul3A_638 : vector<16xi32>
    %add3A_640 = arith.addi %mul3A_639, %add3A_631 : vector<16xi32>
    %swap3A_641 = arith.constant 3 : i32
    %swap3A_642 = arith.index_cast %swap3A_641 : i32 to index
    %swap3A_643 = arith.constant 96 : index
    %swap3A_644 = tpu.vector_load %arg5[%swap3A_642, %swap3A_643] {strides = array<i32>} : memref<8x128xi32, #tpu.memory_space<vmem>>, vector<1x16xi32>,
    %swap3A_645 = vector.shape_cast %swap3A_644 : vector<1x16xi32> to vector<16xi32>
    %swap3A_646 = vector.shape_cast %add3A_640 : vector<16xi32> to vector<1x16xi32>
    tpu.vector_store %arg5[%swap3A_642, %swap3A_643], %swap3A_646 {strides = array<i32>} : memref<8x128xi32, #tpu.memory_space<vmem>>, vector<1x16xi32>,
    %add3A_647 = arith.constant 112 : i32
    %add3A_648 = arith.addi %mul3A_506, %add3A_647 : i32
    %iota3A_649 = tpu.iota {dimensions = array<i32: 0>} : vector<16xi32>
    %add3A_650 = vector.broadcast %add3A_648 : i32 to vector<16xi32>
    %add3A_651 = arith.addi %add3A_650, %iota3A_649 : vector<16xi32>
    %get3A_652 = arith.constant 3 : i32
    %get3A_653 = arith.index_cast %get3A_652 : i32 to index
    %get3A_654 = arith.constant 112 : index
    %get3A_655 = tpu.vector_load %arg5[%get3A_653, %get3A_654] {strides = array<i32>} : memref<8x128xi32, #tpu.memory_space<vmem>>, vector<1x16xi32>,
    %get3A_656 = vector.shape_cast %get3A_655 : vector<1x16xi32> to vector<16xi32>
    %mul3A_657 = arith.constant 1024 : i32
    %mul3A_658 = vector.broadcast %mul3A_657 : i32 to vector<16xi32>
    %mul3A_659 = arith.muli %get3A_656, %mul3A_658 : vector<16xi32>
    %add3A_660 = arith.addi %mul3A_659, %add3A_651 : vector<16xi32>
    %swap3A_661 = arith.constant 3 : i32
    %swap3A_662 = arith.index_cast %swap3A_661 : i32 to index
    %swap3A_663 = arith.constant 112 : index
    %swap3A_664 = tpu.vector_load %arg5[%swap3A_662, %swap3A_663] {strides = array<i32>} : memref<8x128xi32, #tpu.memory_space<vmem>>, vector<1x16xi32>,
    %swap3A_665 = vector.shape_cast %swap3A_664 : vector<1x16xi32> to vector<16xi32>
    %swap3A_666 = vector.shape_cast %add3A_660 : vector<16xi32> to vector<1x16xi32>
    tpu.vector_store %arg5[%swap3A_662, %swap3A_663], %swap3A_666 {strides = array<i32>} : memref<8x128xi32, #tpu.memory_space<vmem>>, vector<1x16xi32>,
    %dma_start3A = arith.constant 0 : i32
    %dma_start3A_667 = arith.constant 0 : i32
    %dma_start3A_668 = arith.constant 0 : i32
    %dma_start3A_669 = arith.constant 0 : i32
    %dma_start3A_670 = tpu.memref_slice %arg6[%dma_start3A_667, %dma_start3A_668, %dma_start3A_669] : memref<2x512x64xf32, #tpu.memory_space<vmem>> -> memref<1x128x64xf32, #tpu.memory_space<vmem>>
    %dma_start3A_671 = tpu.memref_squeeze %dma_start3A_670 : memref<1x128x64xf32, #tpu.memory_space<vmem>> -> memref<128x64xf32, #tpu.memory_space<vmem>>
    %dma_start3A_672 = arith.constant 0 : i32
    %dma_start3A_673 = tpu.memref_slice %arg5[%dma_start3A, %dma_start3A_672] : memref<8x128xi32, #tpu.memory_space<vmem>> -> memref<1x128xi32, #tpu.memory_space<vmem>>
    %dma_start3A_674 = tpu.memref_squeeze %dma_start3A_673 : memref<1x128xi32, #tpu.memory_space<vmem>> -> memref<128xi32, #tpu.memory_space<vmem>>
    %dma_start3A_675 = arith.constant 0 : i32
    %dma_start3A_676 = arith.constant 0 : i32
    %dma_start3A_677 = tpu.memref_slice %arg7[%dma_start3A_675, %dma_start3A_676] : memref<10240x64xf32, #tpu.memory_space<vmem_shared>> -> memref<10240x64xf32, #tpu.memory_space<vmem_shared>>
    tpu.enqueue_indirect_dma source(%dma_start3A_677 : memref<10240x64xf32, #tpu.memory_space<vmem_shared>>) target(%dma_start3A_671 : memref<128x64xf32, #tpu.memory_space<vmem>>) offsets(%dma_start3A_674 : memref<128xi32, #tpu.memory_space<vmem>>) semaphore(%arg8 : memref<!tpu.dma_semaphore, #tpu.memory_space<semaphore_mem>>)
    %dma_start3A_678 = arith.constant 1 : i32
    %dma_start3A_679 = arith.constant 0 : i32
    %dma_start3A_680 = arith.constant 128 : i32
    %dma_start3A_681 = arith.constant 0 : i32
    %dma_start3A_682 = tpu.memref_slice %arg6[%dma_start3A_679, %dma_start3A_680, %dma_start3A_681] : memref<2x512x64xf32, #tpu.memory_space<vmem>> -> memref<1x128x64xf32, #tpu.memory_space<vmem>>
    %dma_start3A_683 = tpu.memref_squeeze %dma_start3A_682 : memref<1x128x64xf32, #tpu.memory_space<vmem>> -> memref<128x64xf32, #tpu.memory_space<vmem>>
    %dma_start3A_684 = arith.constant 0 : i32
    %dma_start3A_685 = tpu.memref_slice %arg5[%dma_start3A_678, %dma_start3A_684] : memref<8x128xi32, #tpu.memory_space<vmem>> -> memref<1x128xi32, #tpu.memory_space<vmem>>
    %dma_start3A_686 = tpu.memref_squeeze %dma_start3A_685 : memref<1x128xi32, #tpu.memory_space<vmem>> -> memref<128xi32, #tpu.memory_space<vmem>>
    %dma_start3A_687 = arith.constant 0 : i32
    %dma_start3A_688 = arith.constant 0 : i32
    %dma_start3A_689 = tpu.memref_slice %arg7[%dma_start3A_687, %dma_start3A_688] : memref<10240x64xf32, #tpu.memory_space<vmem_shared>> -> memref<10240x64xf32, #tpu.memory_space<vmem_shared>>
    tpu.enqueue_indirect_dma source(%dma_start3A_689 : memref<10240x64xf32, #tpu.memory_space<vmem_shared>>) target(%dma_start3A_683 : memref<128x64xf32, #tpu.memory_space<vmem>>) offsets(%dma_start3A_686 : memref<128xi32, #tpu.memory_space<vmem>>) semaphore(%arg8 : memref<!tpu.dma_semaphore, #tpu.memory_space<semaphore_mem>>)
    %dma_start3A_690 = arith.constant 2 : i32
    %dma_start3A_691 = arith.constant 0 : i32
    %dma_start3A_692 = arith.constant 256 : i32
    %dma_start3A_693 = arith.constant 0 : i32
    %dma_start3A_694 = tpu.memref_slice %arg6[%dma_start3A_691, %dma_start3A_692, %dma_start3A_693] : memref<2x512x64xf32, #tpu.memory_space<vmem>> -> memref<1x128x64xf32, #tpu.memory_space<vmem>>
    %dma_start3A_695 = tpu.memref_squeeze %dma_start3A_694 : memref<1x128x64xf32, #tpu.memory_space<vmem>> -> memref<128x64xf32, #tpu.memory_space<vmem>>
    %dma_start3A_696 = arith.constant 0 : i32
    %dma_start3A_697 = tpu.memref_slice %arg5[%dma_start3A_690, %dma_start3A_696] : memref<8x128xi32, #tpu.memory_space<vmem>> -> memref<1x128xi32, #tpu.memory_space<vmem>>
    %dma_start3A_698 = tpu.memref_squeeze %dma_start3A_697 : memref<1x128xi32, #tpu.memory_space<vmem>> -> memref<128xi32, #tpu.memory_space<vmem>>
    %dma_start3A_699 = arith.constant 0 : i32
    %dma_start3A_700 = arith.constant 0 : i32
    %dma_start3A_701 = tpu.memref_slice %arg7[%dma_start3A_699, %dma_start3A_700] : memref<10240x64xf32, #tpu.memory_space<vmem_shared>> -> memref<10240x64xf32, #tpu.memory_space<vmem_shared>>
    tpu.enqueue_indirect_dma source(%dma_start3A_701 : memref<10240x64xf32, #tpu.memory_space<vmem_shared>>) target(%dma_start3A_695 : memref<128x64xf32, #tpu.memory_space<vmem>>) offsets(%dma_start3A_698 : memref<128xi32, #tpu.memory_space<vmem>>) semaphore(%arg8 : memref<!tpu.dma_semaphore, #tpu.memory_space<semaphore_mem>>)
    %dma_start3A_702 = arith.constant 3 : i32
    %dma_start3A_703 = arith.constant 0 : i32
    %dma_start3A_704 = arith.constant 384 : i32
    %dma_start3A_705 = arith.constant 0 : i32
    %dma_start3A_706 = tpu.memref_slice %arg6[%dma_start3A_703, %dma_start3A_704, %dma_start3A_705] : memref<2x512x64xf32, #tpu.memory_space<vmem>> -> memref<1x128x64xf32, #tpu.memory_space<vmem>>
    %dma_start3A_707 = tpu.memref_squeeze %dma_start3A_706 : memref<1x128x64xf32, #tpu.memory_space<vmem>> -> memref<128x64xf32, #tpu.memory_space<vmem>>
    %dma_start3A_708 = arith.constant 0 : i32
    %dma_start3A_709 = tpu.memref_slice %arg5[%dma_start3A_702, %dma_start3A_708] : memref<8x128xi32, #tpu.memory_space<vmem>> -> memref<1x128xi32, #tpu.memory_space<vmem>>
    %dma_start3A_710 = tpu.memref_squeeze %dma_start3A_709 : memref<1x128xi32, #tpu.memory_space<vmem>> -> memref<128xi32, #tpu.memory_space<vmem>>
    %dma_start3A_711 = arith.constant 0 : i32
    %dma_start3A_712 = arith.constant 0 : i32
    %dma_start3A_713 = tpu.memref_slice %arg7[%dma_start3A_711, %dma_start3A_712] : memref<10240x64xf32, #tpu.memory_space<vmem_shared>> -> memref<10240x64xf32, #tpu.memory_space<vmem_shared>>
    tpu.enqueue_indirect_dma source(%dma_start3A_713 : memref<10240x64xf32, #tpu.memory_space<vmem_shared>>) target(%dma_start3A_707 : memref<128x64xf32, #tpu.memory_space<vmem>>) offsets(%dma_start3A_710 : memref<128xi32, #tpu.memory_space<vmem>>) semaphore(%arg8 : memref<!tpu.dma_semaphore, #tpu.memory_space<semaphore_mem>>)
    %add3A_714 = arith.constant 4 : i32
    %add3A_715 = arith.addi %mul3A_2, %add3A_714 : i32
    "tpu.region"() ({
      %run_scoped3A = tpu.sem_alloc : memref<!tpu.dma_semaphore, #tpu.memory_space<semaphore_mem>>
      %dma_start3A_1700 = arith.constant 4 : i32
      %dma_start3A_1701 = arith.constant 0 : i32
      %dma_start3A_1702 = tpu.memref_slice %arg5[%dma_start3A_1700, %dma_start3A_1701] : memref<8x128xi32, #tpu.memory_space<vmem>> -> memref<4x128xi32, #tpu.memory_space<vmem>>
      %dma_start3A_1703 = arith.constant 0 : i32
      %dma_start3A_1704 = tpu.memref_slice %arg2[%add3A_715, %dma_start3A_1703] : memref<8192x128xi32, #tpu.memory_space<hbm>> -> memref<4x128xi32, #tpu.memory_space<hbm>>
      %dma_start3A_1705 = arith.constant 4 : i32
      %dma_start3A_1706 = arith.constant 0 : i32
      %dma_start3A_1707 = tpu.memref_slice %arg5[%dma_start3A_1705, %dma_start3A_1706] : memref<8x128xi32, #tpu.memory_space<vmem>> -> memref<4x128xi32, #tpu.memory_space<vmem>>
      %dma_start3A_1708 = arith.constant 0 : i32
      %dma_start3A_1709 = tpu.memref_slice %arg2[%add3A_715, %dma_start3A_1708] : memref<8192x128xi32, #tpu.memory_space<hbm>> -> memref<4x128xi32, #tpu.memory_space<hbm>>
      tpu.enqueue_dma source(%dma_start3A_1709 : memref<4x128xi32, #tpu.memory_space<hbm>>) target(%dma_start3A_1707 : memref<4x128xi32, #tpu.memory_space<vmem>>) target_semaphore(%run_scoped3A : memref<!tpu.dma_semaphore, #tpu.memory_space<semaphore_mem>>)
      %dma_wait3A_1710 = arith.constant 4 : i32
      %dma_wait3A_1711 = arith.constant 0 : i32
      %dma_wait3A_1712 = tpu.memref_slice %arg5[%dma_wait3A_1710, %dma_wait3A_1711] : memref<8x128xi32, #tpu.memory_space<vmem>> -> memref<4x128xi32, #tpu.memory_space<vmem>>
      %dma_wait3A_1713 = arith.constant 0 : i32
      %dma_wait3A_1714 = tpu.memref_slice %arg2[%add3A_715, %dma_wait3A_1713] : memref<8192x128xi32, #tpu.memory_space<hbm>> -> memref<4x128xi32, #tpu.memory_space<hbm>>
      %dma_wait3A_1715 = arith.constant 4 : i32
      %dma_wait3A_1716 = arith.constant 0 : i32
      %dma_wait3A_1717 = tpu.memref_slice %arg5[%dma_wait3A_1715, %dma_wait3A_1716] : memref<8x128xi32, #tpu.memory_space<vmem>> -> memref<4x128xi32, #tpu.memory_space<vmem>>
      %dma_wait3A_1718 = arith.constant 0 : i32
      %dma_wait3A_1719 = tpu.memref_slice %arg2[%add3A_715, %dma_wait3A_1718] : memref<8192x128xi32, #tpu.memory_space<hbm>> -> memref<4x128xi32, #tpu.memory_space<hbm>>
      tpu.wait_dma2 semaphore(%run_scoped3A : memref<!tpu.dma_semaphore, #tpu.memory_space<semaphore_mem>>) src(%dma_wait3A_1719 : memref<4x128xi32, #tpu.memory_space<hbm>>) dst(%dma_wait3A_1717 : memref<4x128xi32, #tpu.memory_space<vmem>>)
      tpu.yield
    }) : () -> ()
    %add3A_716 = arith.constant 0 : i32
    %add3A_717 = arith.addi %add3A_715, %add3A_716 : i32
    %rem3A_718 = arith.constant 8 : i32
    %rem3A_719 = arith.remsi %add3A_717, %rem3A_718 : i32
    %mul3A_720 = arith.constant 128 : i32
    %mul3A_721 = arith.muli %rem3A_719, %mul3A_720 : i32
    %add3A_722 = arith.constant 0 : i32
    %add3A_723 = arith.addi %mul3A_721, %add3A_722 : i32
    %iota3A_724 = tpu.iota {dimensions = array<i32: 0>} : vector<16xi32>
    %add3A_725 = vector.broadcast %add3A_723 : i32 to vector<16xi32>
    %add3A_726 = arith.addi %add3A_725, %iota3A_724 : vector<16xi32>
    %get3A_727 = arith.constant 4 : i32
    %get3A_728 = arith.index_cast %get3A_727 : i32 to index
    %get3A_729 = arith.constant 0 : index
    %get3A_730 = tpu.vector_load %arg5[%get3A_728, %get3A_729] {strides = array<i32>} : memref<8x128xi32, #tpu.memory_space<vmem>>, vector<1x16xi32>,
    %get3A_731 = vector.shape_cast %get3A_730 : vector<1x16xi32> to vector<16xi32>
    %mul3A_732 = arith.constant 1024 : i32
    %mul3A_733 = vector.broadcast %mul3A_732 : i32 to vector<16xi32>
    %mul3A_734 = arith.muli %get3A_731, %mul3A_733 : vector<16xi32>
    %add3A_735 = arith.addi %mul3A_734, %add3A_726 : vector<16xi32>
    %swap3A_736 = arith.constant 4 : i32
    %swap3A_737 = arith.index_cast %swap3A_736 : i32 to index
    %swap3A_738 = arith.constant 0 : index
    %swap3A_739 = tpu.vector_load %arg5[%swap3A_737, %swap3A_738] {strides = array<i32>} : memref<8x128xi32, #tpu.memory_space<vmem>>, vector<1x16xi32>,
    %swap3A_740 = vector.shape_cast %swap3A_739 : vector<1x16xi32> to vector<16xi32>
    %swap3A_741 = vector.shape_cast %add3A_735 : vector<16xi32> to vector<1x16xi32>
    tpu.vector_store %arg5[%swap3A_737, %swap3A_738], %swap3A_741 {strides = array<i32>} : memref<8x128xi32, #tpu.memory_space<vmem>>, vector<1x16xi32>,
    %add3A_742 = arith.constant 16 : i32
    %add3A_743 = arith.addi %mul3A_721, %add3A_742 : i32
    %iota3A_744 = tpu.iota {dimensions = array<i32: 0>} : vector<16xi32>
    %add3A_745 = vector.broadcast %add3A_743 : i32 to vector<16xi32>
    %add3A_746 = arith.addi %add3A_745, %iota3A_744 : vector<16xi32>
    %get3A_747 = arith.constant 4 : i32
    %get3A_748 = arith.index_cast %get3A_747 : i32 to index
    %get3A_749 = arith.constant 16 : index
    %get3A_750 = tpu.vector_load %arg5[%get3A_748, %get3A_749] {strides = array<i32>} : memref<8x128xi32, #tpu.memory_space<vmem>>, vector<1x16xi32>,
    %get3A_751 = vector.shape_cast %get3A_750 : vector<1x16xi32> to vector<16xi32>
    %mul3A_752 = arith.constant 1024 : i32
    %mul3A_753 = vector.broadcast %mul3A_752 : i32 to vector<16xi32>
    %mul3A_754 = arith.muli %get3A_751, %mul3A_753 : vector<16xi32>
    %add3A_755 = arith.addi %mul3A_754, %add3A_746 : vector<16xi32>
    %swap3A_756 = arith.constant 4 : i32
    %swap3A_757 = arith.index_cast %swap3A_756 : i32 to index
    %swap3A_758 = arith.constant 16 : index
    %swap3A_759 = tpu.vector_load %arg5[%swap3A_757, %swap3A_758] {strides = array<i32>} : memref<8x128xi32, #tpu.memory_space<vmem>>, vector<1x16xi32>,
    %swap3A_760 = vector.shape_cast %swap3A_759 : vector<1x16xi32> to vector<16xi32>
    %swap3A_761 = vector.shape_cast %add3A_755 : vector<16xi32> to vector<1x16xi32>
    tpu.vector_store %arg5[%swap3A_757, %swap3A_758], %swap3A_761 {strides = array<i32>} : memref<8x128xi32, #tpu.memory_space<vmem>>, vector<1x16xi32>,
    %add3A_762 = arith.constant 32 : i32
    %add3A_763 = arith.addi %mul3A_721, %add3A_762 : i32
    %iota3A_764 = tpu.iota {dimensions = array<i32: 0>} : vector<16xi32>
    %add3A_765 = vector.broadcast %add3A_763 : i32 to vector<16xi32>
    %add3A_766 = arith.addi %add3A_765, %iota3A_764 : vector<16xi32>
    %get3A_767 = arith.constant 4 : i32
    %get3A_768 = arith.index_cast %get3A_767 : i32 to index
    %get3A_769 = arith.constant 32 : index
    %get3A_770 = tpu.vector_load %arg5[%get3A_768, %get3A_769] {strides = array<i32>} : memref<8x128xi32, #tpu.memory_space<vmem>>, vector<1x16xi32>,
    %get3A_771 = vector.shape_cast %get3A_770 : vector<1x16xi32> to vector<16xi32>
    %mul3A_772 = arith.constant 1024 : i32
    %mul3A_773 = vector.broadcast %mul3A_772 : i32 to vector<16xi32>
    %mul3A_774 = arith.muli %get3A_771, %mul3A_773 : vector<16xi32>
    %add3A_775 = arith.addi %mul3A_774, %add3A_766 : vector<16xi32>
    %swap3A_776 = arith.constant 4 : i32
    %swap3A_777 = arith.index_cast %swap3A_776 : i32 to index
    %swap3A_778 = arith.constant 32 : index
    %swap3A_779 = tpu.vector_load %arg5[%swap3A_777, %swap3A_778] {strides = array<i32>} : memref<8x128xi32, #tpu.memory_space<vmem>>, vector<1x16xi32>,
    %swap3A_780 = vector.shape_cast %swap3A_779 : vector<1x16xi32> to vector<16xi32>
    %swap3A_781 = vector.shape_cast %add3A_775 : vector<16xi32> to vector<1x16xi32>
    tpu.vector_store %arg5[%swap3A_777, %swap3A_778], %swap3A_781 {strides = array<i32>} : memref<8x128xi32, #tpu.memory_space<vmem>>, vector<1x16xi32>,
    %add3A_782 = arith.constant 48 : i32
    %add3A_783 = arith.addi %mul3A_721, %add3A_782 : i32
    %iota3A_784 = tpu.iota {dimensions = array<i32: 0>} : vector<16xi32>
    %add3A_785 = vector.broadcast %add3A_783 : i32 to vector<16xi32>
    %add3A_786 = arith.addi %add3A_785, %iota3A_784 : vector<16xi32>
    %get3A_787 = arith.constant 4 : i32
    %get3A_788 = arith.index_cast %get3A_787 : i32 to index
    %get3A_789 = arith.constant 48 : index
    %get3A_790 = tpu.vector_load %arg5[%get3A_788, %get3A_789] {strides = array<i32>} : memref<8x128xi32, #tpu.memory_space<vmem>>, vector<1x16xi32>,
    %get3A_791 = vector.shape_cast %get3A_790 : vector<1x16xi32> to vector<16xi32>
    %mul3A_792 = arith.constant 1024 : i32
    %mul3A_793 = vector.broadcast %mul3A_792 : i32 to vector<16xi32>
    %mul3A_794 = arith.muli %get3A_791, %mul3A_793 : vector<16xi32>
    %add3A_795 = arith.addi %mul3A_794, %add3A_786 : vector<16xi32>
    %swap3A_796 = arith.constant 4 : i32
    %swap3A_797 = arith.index_cast %swap3A_796 : i32 to index
    %swap3A_798 = arith.constant 48 : index
    %swap3A_799 = tpu.vector_load %arg5[%swap3A_797, %swap3A_798] {strides = array<i32>} : memref<8x128xi32, #tpu.memory_space<vmem>>, vector<1x16xi32>,
    %swap3A_800 = vector.shape_cast %swap3A_799 : vector<1x16xi32> to vector<16xi32>
    %swap3A_801 = vector.shape_cast %add3A_795 : vector<16xi32> to vector<1x16xi32>
    tpu.vector_store %arg5[%swap3A_797, %swap3A_798], %swap3A_801 {strides = array<i32>} : memref<8x128xi32, #tpu.memory_space<vmem>>, vector<1x16xi32>,
    %add3A_802 = arith.constant 64 : i32
    %add3A_803 = arith.addi %mul3A_721, %add3A_802 : i32
    %iota3A_804 = tpu.iota {dimensions = array<i32: 0>} : vector<16xi32>
    %add3A_805 = vector.broadcast %add3A_803 : i32 to vector<16xi32>
    %add3A_806 = arith.addi %add3A_805, %iota3A_804 : vector<16xi32>
    %get3A_807 = arith.constant 4 : i32
    %get3A_808 = arith.index_cast %get3A_807 : i32 to index
    %get3A_809 = arith.constant 64 : index
    %get3A_810 = tpu.vector_load %arg5[%get3A_808, %get3A_809] {strides = array<i32>} : memref<8x128xi32, #tpu.memory_space<vmem>>, vector<1x16xi32>,
    %get3A_811 = vector.shape_cast %get3A_810 : vector<1x16xi32> to vector<16xi32>
    %mul3A_812 = arith.constant 1024 : i32
    %mul3A_813 = vector.broadcast %mul3A_812 : i32 to vector<16xi32>
    %mul3A_814 = arith.muli %get3A_811, %mul3A_813 : vector<16xi32>
    %add3A_815 = arith.addi %mul3A_814, %add3A_806 : vector<16xi32>
    %swap3A_816 = arith.constant 4 : i32
    %swap3A_817 = arith.index_cast %swap3A_816 : i32 to index
    %swap3A_818 = arith.constant 64 : index
    %swap3A_819 = tpu.vector_load %arg5[%swap3A_817, %swap3A_818] {strides = array<i32>} : memref<8x128xi32, #tpu.memory_space<vmem>>, vector<1x16xi32>,
    %swap3A_820 = vector.shape_cast %swap3A_819 : vector<1x16xi32> to vector<16xi32>
    %swap3A_821 = vector.shape_cast %add3A_815 : vector<16xi32> to vector<1x16xi32>
    tpu.vector_store %arg5[%swap3A_817, %swap3A_818], %swap3A_821 {strides = array<i32>} : memref<8x128xi32, #tpu.memory_space<vmem>>, vector<1x16xi32>,
    %add3A_822 = arith.constant 80 : i32
    %add3A_823 = arith.addi %mul3A_721, %add3A_822 : i32
    %iota3A_824 = tpu.iota {dimensions = array<i32: 0>} : vector<16xi32>
    %add3A_825 = vector.broadcast %add3A_823 : i32 to vector<16xi32>
    %add3A_826 = arith.addi %add3A_825, %iota3A_824 : vector<16xi32>
    %get3A_827 = arith.constant 4 : i32
    %get3A_828 = arith.index_cast %get3A_827 : i32 to index
    %get3A_829 = arith.constant 80 : index
    %get3A_830 = tpu.vector_load %arg5[%get3A_828, %get3A_829] {strides = array<i32>} : memref<8x128xi32, #tpu.memory_space<vmem>>, vector<1x16xi32>,
    %get3A_831 = vector.shape_cast %get3A_830 : vector<1x16xi32> to vector<16xi32>
    %mul3A_832 = arith.constant 1024 : i32
    %mul3A_833 = vector.broadcast %mul3A_832 : i32 to vector<16xi32>
    %mul3A_834 = arith.muli %get3A_831, %mul3A_833 : vector<16xi32>
    %add3A_835 = arith.addi %mul3A_834, %add3A_826 : vector<16xi32>
    %swap3A_836 = arith.constant 4 : i32
    %swap3A_837 = arith.index_cast %swap3A_836 : i32 to index
    %swap3A_838 = arith.constant 80 : index
    %swap3A_839 = tpu.vector_load %arg5[%swap3A_837, %swap3A_838] {strides = array<i32>} : memref<8x128xi32, #tpu.memory_space<vmem>>, vector<1x16xi32>,
    %swap3A_840 = vector.shape_cast %swap3A_839 : vector<1x16xi32> to vector<16xi32>
    %swap3A_841 = vector.shape_cast %add3A_835 : vector<16xi32> to vector<1x16xi32>
    tpu.vector_store %arg5[%swap3A_837, %swap3A_838], %swap3A_841 {strides = array<i32>} : memref<8x128xi32, #tpu.memory_space<vmem>>, vector<1x16xi32>,
    %add3A_842 = arith.constant 96 : i32
    %add3A_843 = arith.addi %mul3A_721, %add3A_842 : i32
    %iota3A_844 = tpu.iota {dimensions = array<i32: 0>} : vector<16xi32>
    %add3A_845 = vector.broadcast %add3A_843 : i32 to vector<16xi32>
    %add3A_846 = arith.addi %add3A_845, %iota3A_844 : vector<16xi32>
    %get3A_847 = arith.constant 4 : i32
    %get3A_848 = arith.index_cast %get3A_847 : i32 to index
    %get3A_849 = arith.constant 96 : index
    %get3A_850 = tpu.vector_load %arg5[%get3A_848, %get3A_849] {strides = array<i32>} : memref<8x128xi32, #tpu.memory_space<vmem>>, vector<1x16xi32>,
    %get3A_851 = vector.shape_cast %get3A_850 : vector<1x16xi32> to vector<16xi32>
    %mul3A_852 = arith.constant 1024 : i32
    %mul3A_853 = vector.broadcast %mul3A_852 : i32 to vector<16xi32>
    %mul3A_854 = arith.muli %get3A_851, %mul3A_853 : vector<16xi32>
    %add3A_855 = arith.addi %mul3A_854, %add3A_846 : vector<16xi32>
    %swap3A_856 = arith.constant 4 : i32
    %swap3A_857 = arith.index_cast %swap3A_856 : i32 to index
    %swap3A_858 = arith.constant 96 : index
    %swap3A_859 = tpu.vector_load %arg5[%swap3A_857, %swap3A_858] {strides = array<i32>} : memref<8x128xi32, #tpu.memory_space<vmem>>, vector<1x16xi32>,
    %swap3A_860 = vector.shape_cast %swap3A_859 : vector<1x16xi32> to vector<16xi32>
    %swap3A_861 = vector.shape_cast %add3A_855 : vector<16xi32> to vector<1x16xi32>
    tpu.vector_store %arg5[%swap3A_857, %swap3A_858], %swap3A_861 {strides = array<i32>} : memref<8x128xi32, #tpu.memory_space<vmem>>, vector<1x16xi32>,
    %add3A_862 = arith.constant 112 : i32
    %add3A_863 = arith.addi %mul3A_721, %add3A_862 : i32
    %iota3A_864 = tpu.iota {dimensions = array<i32: 0>} : vector<16xi32>
    %add3A_865 = vector.broadcast %add3A_863 : i32 to vector<16xi32>
    %add3A_866 = arith.addi %add3A_865, %iota3A_864 : vector<16xi32>
    %get3A_867 = arith.constant 4 : i32
    %get3A_868 = arith.index_cast %get3A_867 : i32 to index
    %get3A_869 = arith.constant 112 : index
    %get3A_870 = tpu.vector_load %arg5[%get3A_868, %get3A_869] {strides = array<i32>} : memref<8x128xi32, #tpu.memory_space<vmem>>, vector<1x16xi32>,
    %get3A_871 = vector.shape_cast %get3A_870 : vector<1x16xi32> to vector<16xi32>
    %mul3A_872 = arith.constant 1024 : i32
    %mul3A_873 = vector.broadcast %mul3A_872 : i32 to vector<16xi32>
    %mul3A_874 = arith.muli %get3A_871, %mul3A_873 : vector<16xi32>
    %add3A_875 = arith.addi %mul3A_874, %add3A_866 : vector<16xi32>
    %swap3A_876 = arith.constant 4 : i32
    %swap3A_877 = arith.index_cast %swap3A_876 : i32 to index
    %swap3A_878 = arith.constant 112 : index
    %swap3A_879 = tpu.vector_load %arg5[%swap3A_877, %swap3A_878] {strides = array<i32>} : memref<8x128xi32, #tpu.memory_space<vmem>>, vector<1x16xi32>,
    %swap3A_880 = vector.shape_cast %swap3A_879 : vector<1x16xi32> to vector<16xi32>
    %swap3A_881 = vector.shape_cast %add3A_875 : vector<16xi32> to vector<1x16xi32>
    tpu.vector_store %arg5[%swap3A_877, %swap3A_878], %swap3A_881 {strides = array<i32>} : memref<8x128xi32, #tpu.memory_space<vmem>>, vector<1x16xi32>,
    %add3A_882 = arith.constant 1 : i32
    %add3A_883 = arith.addi %add3A_715, %add3A_882 : i32
    %rem3A_884 = arith.constant 8 : i32
    %rem3A_885 = arith.remsi %add3A_883, %rem3A_884 : i32
    %mul3A_886 = arith.constant 128 : i32
    %mul3A_887 = arith.muli %rem3A_885, %mul3A_886 : i32
    %add3A_888 = arith.constant 0 : i32
    %add3A_889 = arith.addi %mul3A_887, %add3A_888 : i32
    %iota3A_890 = tpu.iota {dimensions = array<i32: 0>} : vector<16xi32>
    %add3A_891 = vector.broadcast %add3A_889 : i32 to vector<16xi32>
    %add3A_892 = arith.addi %add3A_891, %iota3A_890 : vector<16xi32>
    %get3A_893 = arith.constant 5 : i32
    %get3A_894 = arith.index_cast %get3A_893 : i32 to index
    %get3A_895 = arith.constant 0 : index
    %get3A_896 = tpu.vector_load %arg5[%get3A_894, %get3A_895] {strides = array<i32>} : memref<8x128xi32, #tpu.memory_space<vmem>>, vector<1x16xi32>,
    %get3A_897 = vector.shape_cast %get3A_896 : vector<1x16xi32> to vector<16xi32>
    %mul3A_898 = arith.constant 1024 : i32
    %mul3A_899 = vector.broadcast %mul3A_898 : i32 to vector<16xi32>
    %mul3A_900 = arith.muli %get3A_897, %mul3A_899 : vector<16xi32>
    %add3A_901 = arith.addi %mul3A_900, %add3A_892 : vector<16xi32>
    %swap3A_902 = arith.constant 5 : i32
    %swap3A_903 = arith.index_cast %swap3A_902 : i32 to index
    %swap3A_904 = arith.constant 0 : index
    %swap3A_905 = tpu.vector_load %arg5[%swap3A_903, %swap3A_904] {strides = array<i32>} : memref<8x128xi32, #tpu.memory_space<vmem>>, vector<1x16xi32>,
    %swap3A_906 = vector.shape_cast %swap3A_905 : vector<1x16xi32> to vector<16xi32>
    %swap3A_907 = vector.shape_cast %add3A_901 : vector<16xi32> to vector<1x16xi32>
    tpu.vector_store %arg5[%swap3A_903, %swap3A_904], %swap3A_907 {strides = array<i32>} : memref<8x128xi32, #tpu.memory_space<vmem>>, vector<1x16xi32>,
    %add3A_908 = arith.constant 16 : i32
    %add3A_909 = arith.addi %mul3A_887, %add3A_908 : i32
    %iota3A_910 = tpu.iota {dimensions = array<i32: 0>} : vector<16xi32>
    %add3A_911 = vector.broadcast %add3A_909 : i32 to vector<16xi32>
    %add3A_912 = arith.addi %add3A_911, %iota3A_910 : vector<16xi32>
    %get3A_913 = arith.constant 5 : i32
    %get3A_914 = arith.index_cast %get3A_913 : i32 to index
    %get3A_915 = arith.constant 16 : index
    %get3A_916 = tpu.vector_load %arg5[%get3A_914, %get3A_915] {strides = array<i32>} : memref<8x128xi32, #tpu.memory_space<vmem>>, vector<1x16xi32>,
    %get3A_917 = vector.shape_cast %get3A_916 : vector<1x16xi32> to vector<16xi32>
    %mul3A_918 = arith.constant 1024 : i32
    %mul3A_919 = vector.broadcast %mul3A_918 : i32 to vector<16xi32>
    %mul3A_920 = arith.muli %get3A_917, %mul3A_919 : vector<16xi32>
    %add3A_921 = arith.addi %mul3A_920, %add3A_912 : vector<16xi32>
    %swap3A_922 = arith.constant 5 : i32
    %swap3A_923 = arith.index_cast %swap3A_922 : i32 to index
    %swap3A_924 = arith.constant 16 : index
    %swap3A_925 = tpu.vector_load %arg5[%swap3A_923, %swap3A_924] {strides = array<i32>} : memref<8x128xi32, #tpu.memory_space<vmem>>, vector<1x16xi32>,
    %swap3A_926 = vector.shape_cast %swap3A_925 : vector<1x16xi32> to vector<16xi32>
    %swap3A_927 = vector.shape_cast %add3A_921 : vector<16xi32> to vector<1x16xi32>
    tpu.vector_store %arg5[%swap3A_923, %swap3A_924], %swap3A_927 {strides = array<i32>} : memref<8x128xi32, #tpu.memory_space<vmem>>, vector<1x16xi32>,
    %add3A_928 = arith.constant 32 : i32
    %add3A_929 = arith.addi %mul3A_887, %add3A_928 : i32
    %iota3A_930 = tpu.iota {dimensions = array<i32: 0>} : vector<16xi32>
    %add3A_931 = vector.broadcast %add3A_929 : i32 to vector<16xi32>
    %add3A_932 = arith.addi %add3A_931, %iota3A_930 : vector<16xi32>
    %get3A_933 = arith.constant 5 : i32
    %get3A_934 = arith.index_cast %get3A_933 : i32 to index
    %get3A_935 = arith.constant 32 : index
    %get3A_936 = tpu.vector_load %arg5[%get3A_934, %get3A_935] {strides = array<i32>} : memref<8x128xi32, #tpu.memory_space<vmem>>, vector<1x16xi32>,
    %get3A_937 = vector.shape_cast %get3A_936 : vector<1x16xi32> to vector<16xi32>
    %mul3A_938 = arith.constant 1024 : i32
    %mul3A_939 = vector.broadcast %mul3A_938 : i32 to vector<16xi32>
    %mul3A_940 = arith.muli %get3A_937, %mul3A_939 : vector<16xi32>
    %add3A_941 = arith.addi %mul3A_940, %add3A_932 : vector<16xi32>
    %swap3A_942 = arith.constant 5 : i32
    %swap3A_943 = arith.index_cast %swap3A_942 : i32 to index
    %swap3A_944 = arith.constant 32 : index
    %swap3A_945 = tpu.vector_load %arg5[%swap3A_943, %swap3A_944] {strides = array<i32>} : memref<8x128xi32, #tpu.memory_space<vmem>>, vector<1x16xi32>,
    %swap3A_946 = vector.shape_cast %swap3A_945 : vector<1x16xi32> to vector<16xi32>
    %swap3A_947 = vector.shape_cast %add3A_941 : vector<16xi32> to vector<1x16xi32>
    tpu.vector_store %arg5[%swap3A_943, %swap3A_944], %swap3A_947 {strides = array<i32>} : memref<8x128xi32, #tpu.memory_space<vmem>>, vector<1x16xi32>,
    %add3A_948 = arith.constant 48 : i32
    %add3A_949 = arith.addi %mul3A_887, %add3A_948 : i32
    %iota3A_950 = tpu.iota {dimensions = array<i32: 0>} : vector<16xi32>
    %add3A_951 = vector.broadcast %add3A_949 : i32 to vector<16xi32>
    %add3A_952 = arith.addi %add3A_951, %iota3A_950 : vector<16xi32>
    %get3A_953 = arith.constant 5 : i32
    %get3A_954 = arith.index_cast %get3A_953 : i32 to index
    %get3A_955 = arith.constant 48 : index
    %get3A_956 = tpu.vector_load %arg5[%get3A_954, %get3A_955] {strides = array<i32>} : memref<8x128xi32, #tpu.memory_space<vmem>>, vector<1x16xi32>,
    %get3A_957 = vector.shape_cast %get3A_956 : vector<1x16xi32> to vector<16xi32>
    %mul3A_958 = arith.constant 1024 : i32
    %mul3A_959 = vector.broadcast %mul3A_958 : i32 to vector<16xi32>
    %mul3A_960 = arith.muli %get3A_957, %mul3A_959 : vector<16xi32>
    %add3A_961 = arith.addi %mul3A_960, %add3A_952 : vector<16xi32>
    %swap3A_962 = arith.constant 5 : i32
    %swap3A_963 = arith.index_cast %swap3A_962 : i32 to index
    %swap3A_964 = arith.constant 48 : index
    %swap3A_965 = tpu.vector_load %arg5[%swap3A_963, %swap3A_964] {strides = array<i32>} : memref<8x128xi32, #tpu.memory_space<vmem>>, vector<1x16xi32>,
    %swap3A_966 = vector.shape_cast %swap3A_965 : vector<1x16xi32> to vector<16xi32>
    %swap3A_967 = vector.shape_cast %add3A_961 : vector<16xi32> to vector<1x16xi32>
    tpu.vector_store %arg5[%swap3A_963, %swap3A_964], %swap3A_967 {strides = array<i32>} : memref<8x128xi32, #tpu.memory_space<vmem>>, vector<1x16xi32>,
    %add3A_968 = arith.constant 64 : i32
    %add3A_969 = arith.addi %mul3A_887, %add3A_968 : i32
    %iota3A_970 = tpu.iota {dimensions = array<i32: 0>} : vector<16xi32>
    %add3A_971 = vector.broadcast %add3A_969 : i32 to vector<16xi32>
    %add3A_972 = arith.addi %add3A_971, %iota3A_970 : vector<16xi32>
    %get3A_973 = arith.constant 5 : i32
    %get3A_974 = arith.index_cast %get3A_973 : i32 to index
    %get3A_975 = arith.constant 64 : index
    %get3A_976 = tpu.vector_load %arg5[%get3A_974, %get3A_975] {strides = array<i32>} : memref<8x128xi32, #tpu.memory_space<vmem>>, vector<1x16xi32>,
    %get3A_977 = vector.shape_cast %get3A_976 : vector<1x16xi32> to vector<16xi32>
    %mul3A_978 = arith.constant 1024 : i32
    %mul3A_979 = vector.broadcast %mul3A_978 : i32 to vector<16xi32>
    %mul3A_980 = arith.muli %get3A_977, %mul3A_979 : vector<16xi32>
    %add3A_981 = arith.addi %mul3A_980, %add3A_972 : vector<16xi32>
    %swap3A_982 = arith.constant 5 : i32
    %swap3A_983 = arith.index_cast %swap3A_982 : i32 to index
    %swap3A_984 = arith.constant 64 : index
    %swap3A_985 = tpu.vector_load %arg5[%swap3A_983, %swap3A_984] {strides = array<i32>} : memref<8x128xi32, #tpu.memory_space<vmem>>, vector<1x16xi32>,
    %swap3A_986 = vector.shape_cast %swap3A_985 : vector<1x16xi32> to vector<16xi32>
    %swap3A_987 = vector.shape_cast %add3A_981 : vector<16xi32> to vector<1x16xi32>
    tpu.vector_store %arg5[%swap3A_983, %swap3A_984], %swap3A_987 {strides = array<i32>} : memref<8x128xi32, #tpu.memory_space<vmem>>, vector<1x16xi32>,
    %add3A_988 = arith.constant 80 : i32
    %add3A_989 = arith.addi %mul3A_887, %add3A_988 : i32
    %iota3A_990 = tpu.iota {dimensions = array<i32: 0>} : vector<16xi32>
    %add3A_991 = vector.broadcast %add3A_989 : i32 to vector<16xi32>
    %add3A_992 = arith.addi %add3A_991, %iota3A_990 : vector<16xi32>
    %get3A_993 = arith.constant 5 : i32
    %get3A_994 = arith.index_cast %get3A_993 : i32 to index
    %get3A_995 = arith.constant 80 : index
    %get3A_996 = tpu.vector_load %arg5[%get3A_994, %get3A_995] {strides = array<i32>} : memref<8x128xi32, #tpu.memory_space<vmem>>, vector<1x16xi32>,
    %get3A_997 = vector.shape_cast %get3A_996 : vector<1x16xi32> to vector<16xi32>
    %mul3A_998 = arith.constant 1024 : i32
    %mul3A_999 = vector.broadcast %mul3A_998 : i32 to vector<16xi32>
    %mul3A_1000 = arith.muli %get3A_997, %mul3A_999 : vector<16xi32>
    %add3A_1001 = arith.addi %mul3A_1000, %add3A_992 : vector<16xi32>
    %swap3A_1002 = arith.constant 5 : i32
    %swap3A_1003 = arith.index_cast %swap3A_1002 : i32 to index
    %swap3A_1004 = arith.constant 80 : index
    %swap3A_1005 = tpu.vector_load %arg5[%swap3A_1003, %swap3A_1004] {strides = array<i32>} : memref<8x128xi32, #tpu.memory_space<vmem>>, vector<1x16xi32>,
    %swap3A_1006 = vector.shape_cast %swap3A_1005 : vector<1x16xi32> to vector<16xi32>
    %swap3A_1007 = vector.shape_cast %add3A_1001 : vector<16xi32> to vector<1x16xi32>
    tpu.vector_store %arg5[%swap3A_1003, %swap3A_1004], %swap3A_1007 {strides = array<i32>} : memref<8x128xi32, #tpu.memory_space<vmem>>, vector<1x16xi32>,
    %add3A_1008 = arith.constant 96 : i32
    %add3A_1009 = arith.addi %mul3A_887, %add3A_1008 : i32
    %iota3A_1010 = tpu.iota {dimensions = array<i32: 0>} : vector<16xi32>
    %add3A_1011 = vector.broadcast %add3A_1009 : i32 to vector<16xi32>
    %add3A_1012 = arith.addi %add3A_1011, %iota3A_1010 : vector<16xi32>
    %get3A_1013 = arith.constant 5 : i32
    %get3A_1014 = arith.index_cast %get3A_1013 : i32 to index
    %get3A_1015 = arith.constant 96 : index
    %get3A_1016 = tpu.vector_load %arg5[%get3A_1014, %get3A_1015] {strides = array<i32>} : memref<8x128xi32, #tpu.memory_space<vmem>>, vector<1x16xi32>,
    %get3A_1017 = vector.shape_cast %get3A_1016 : vector<1x16xi32> to vector<16xi32>
    %mul3A_1018 = arith.constant 1024 : i32
    %mul3A_1019 = vector.broadcast %mul3A_1018 : i32 to vector<16xi32>
    %mul3A_1020 = arith.muli %get3A_1017, %mul3A_1019 : vector<16xi32>
    %add3A_1021 = arith.addi %mul3A_1020, %add3A_1012 : vector<16xi32>
    %swap3A_1022 = arith.constant 5 : i32
    %swap3A_1023 = arith.index_cast %swap3A_1022 : i32 to index
    %swap3A_1024 = arith.constant 96 : index
    %swap3A_1025 = tpu.vector_load %arg5[%swap3A_1023, %swap3A_1024] {strides = array<i32>} : memref<8x128xi32, #tpu.memory_space<vmem>>, vector<1x16xi32>,
    %swap3A_1026 = vector.shape_cast %swap3A_1025 : vector<1x16xi32> to vector<16xi32>
    %swap3A_1027 = vector.shape_cast %add3A_1021 : vector<16xi32> to vector<1x16xi32>
    tpu.vector_store %arg5[%swap3A_1023, %swap3A_1024], %swap3A_1027 {strides = array<i32>} : memref<8x128xi32, #tpu.memory_space<vmem>>, vector<1x16xi32>,
    %add3A_1028 = arith.constant 112 : i32
    %add3A_1029 = arith.addi %mul3A_887, %add3A_1028 : i32
    %iota3A_1030 = tpu.iota {dimensions = array<i32: 0>} : vector<16xi32>
    %add3A_1031 = vector.broadcast %add3A_1029 : i32 to vector<16xi32>
    %add3A_1032 = arith.addi %add3A_1031, %iota3A_1030 : vector<16xi32>
    %get3A_1033 = arith.constant 5 : i32
    %get3A_1034 = arith.index_cast %get3A_1033 : i32 to index
    %get3A_1035 = arith.constant 112 : index
    %get3A_1036 = tpu.vector_load %arg5[%get3A_1034, %get3A_1035] {strides = array<i32>} : memref<8x128xi32, #tpu.memory_space<vmem>>, vector<1x16xi32>,
    %get3A_1037 = vector.shape_cast %get3A_1036 : vector<1x16xi32> to vector<16xi32>
    %mul3A_1038 = arith.constant 1024 : i32
    %mul3A_1039 = vector.broadcast %mul3A_1038 : i32 to vector<16xi32>
    %mul3A_1040 = arith.muli %get3A_1037, %mul3A_1039 : vector<16xi32>
    %add3A_1041 = arith.addi %mul3A_1040, %add3A_1032 : vector<16xi32>
    %swap3A_1042 = arith.constant 5 : i32
    %swap3A_1043 = arith.index_cast %swap3A_1042 : i32 to index
    %swap3A_1044 = arith.constant 112 : index
    %swap3A_1045 = tpu.vector_load %arg5[%swap3A_1043, %swap3A_1044] {strides = array<i32>} : memref<8x128xi32, #tpu.memory_space<vmem>>, vector<1x16xi32>,
    %swap3A_1046 = vector.shape_cast %swap3A_1045 : vector<1x16xi32> to vector<16xi32>
    %swap3A_1047 = vector.shape_cast %add3A_1041 : vector<16xi32> to vector<1x16xi32>
    tpu.vector_store %arg5[%swap3A_1043, %swap3A_1044], %swap3A_1047 {strides = array<i32>} : memref<8x128xi32, #tpu.memory_space<vmem>>, vector<1x16xi32>,
    %add3A_1048 = arith.constant 2 : i32
    %add3A_1049 = arith.addi %add3A_715, %add3A_1048 : i32
    %rem3A_1050 = arith.constant 8 : i32
    %rem3A_1051 = arith.remsi %add3A_1049, %rem3A_1050 : i32
    %mul3A_1052 = arith.constant 128 : i32
    %mul3A_1053 = arith.muli %rem3A_1051, %mul3A_1052 : i32
    %add3A_1054 = arith.constant 0 : i32
    %add3A_1055 = arith.addi %mul3A_1053, %add3A_1054 : i32
    %iota3A_1056 = tpu.iota {dimensions = array<i32: 0>} : vector<16xi32>
    %add3A_1057 = vector.broadcast %add3A_1055 : i32 to vector<16xi32>
    %add3A_1058 = arith.addi %add3A_1057, %iota3A_1056 : vector<16xi32>
    %get3A_1059 = arith.constant 6 : i32
    %get3A_1060 = arith.index_cast %get3A_1059 : i32 to index
    %get3A_1061 = arith.constant 0 : index
    %get3A_1062 = tpu.vector_load %arg5[%get3A_1060, %get3A_1061] {strides = array<i32>} : memref<8x128xi32, #tpu.memory_space<vmem>>, vector<1x16xi32>,
    %get3A_1063 = vector.shape_cast %get3A_1062 : vector<1x16xi32> to vector<16xi32>
    %mul3A_1064 = arith.constant 1024 : i32
    %mul3A_1065 = vector.broadcast %mul3A_1064 : i32 to vector<16xi32>
    %mul3A_1066 = arith.muli %get3A_1063, %mul3A_1065 : vector<16xi32>
    %add3A_1067 = arith.addi %mul3A_1066, %add3A_1058 : vector<16xi32>
    %swap3A_1068 = arith.constant 6 : i32
    %swap3A_1069 = arith.index_cast %swap3A_1068 : i32 to index
    %swap3A_1070 = arith.constant 0 : index
    %swap3A_1071 = tpu.vector_load %arg5[%swap3A_1069, %swap3A_1070] {strides = array<i32>} : memref<8x128xi32, #tpu.memory_space<vmem>>, vector<1x16xi32>,
    %swap3A_1072 = vector.shape_cast %swap3A_1071 : vector<1x16xi32> to vector<16xi32>
    %swap3A_1073 = vector.shape_cast %add3A_1067 : vector<16xi32> to vector<1x16xi32>
    tpu.vector_store %arg5[%swap3A_1069, %swap3A_1070], %swap3A_1073 {strides = array<i32>} : memref<8x128xi32, #tpu.memory_space<vmem>>, vector<1x16xi32>,
    %add3A_1074 = arith.constant 16 : i32
    %add3A_1075 = arith.addi %mul3A_1053, %add3A_1074 : i32
    %iota3A_1076 = tpu.iota {dimensions = array<i32: 0>} : vector<16xi32>
    %add3A_1077 = vector.broadcast %add3A_1075 : i32 to vector<16xi32>
    %add3A_1078 = arith.addi %add3A_1077, %iota3A_1076 : vector<16xi32>
    %get3A_1079 = arith.constant 6 : i32
    %get3A_1080 = arith.index_cast %get3A_1079 : i32 to index
    %get3A_1081 = arith.constant 16 : index
    %get3A_1082 = tpu.vector_load %arg5[%get3A_1080, %get3A_1081] {strides = array<i32>} : memref<8x128xi32, #tpu.memory_space<vmem>>, vector<1x16xi32>,
    %get3A_1083 = vector.shape_cast %get3A_1082 : vector<1x16xi32> to vector<16xi32>
    %mul3A_1084 = arith.constant 1024 : i32
    %mul3A_1085 = vector.broadcast %mul3A_1084 : i32 to vector<16xi32>
    %mul3A_1086 = arith.muli %get3A_1083, %mul3A_1085 : vector<16xi32>
    %add3A_1087 = arith.addi %mul3A_1086, %add3A_1078 : vector<16xi32>
    %swap3A_1088 = arith.constant 6 : i32
    %swap3A_1089 = arith.index_cast %swap3A_1088 : i32 to index
    %swap3A_1090 = arith.constant 16 : index
    %swap3A_1091 = tpu.vector_load %arg5[%swap3A_1089, %swap3A_1090] {strides = array<i32>} : memref<8x128xi32, #tpu.memory_space<vmem>>, vector<1x16xi32>,
    %swap3A_1092 = vector.shape_cast %swap3A_1091 : vector<1x16xi32> to vector<16xi32>
    %swap3A_1093 = vector.shape_cast %add3A_1087 : vector<16xi32> to vector<1x16xi32>
    tpu.vector_store %arg5[%swap3A_1089, %swap3A_1090], %swap3A_1093 {strides = array<i32>} : memref<8x128xi32, #tpu.memory_space<vmem>>, vector<1x16xi32>,
    %add3A_1094 = arith.constant 32 : i32
    %add3A_1095 = arith.addi %mul3A_1053, %add3A_1094 : i32
    %iota3A_1096 = tpu.iota {dimensions = array<i32: 0>} : vector<16xi32>
    %add3A_1097 = vector.broadcast %add3A_1095 : i32 to vector<16xi32>
    %add3A_1098 = arith.addi %add3A_1097, %iota3A_1096 : vector<16xi32>
    %get3A_1099 = arith.constant 6 : i32
    %get3A_1100 = arith.index_cast %get3A_1099 : i32 to index
    %get3A_1101 = arith.constant 32 : index
    %get3A_1102 = tpu.vector_load %arg5[%get3A_1100, %get3A_1101] {strides = array<i32>} : memref<8x128xi32, #tpu.memory_space<vmem>>, vector<1x16xi32>,
    %get3A_1103 = vector.shape_cast %get3A_1102 : vector<1x16xi32> to vector<16xi32>
    %mul3A_1104 = arith.constant 1024 : i32
    %mul3A_1105 = vector.broadcast %mul3A_1104 : i32 to vector<16xi32>
    %mul3A_1106 = arith.muli %get3A_1103, %mul3A_1105 : vector<16xi32>
    %add3A_1107 = arith.addi %mul3A_1106, %add3A_1098 : vector<16xi32>
    %swap3A_1108 = arith.constant 6 : i32
    %swap3A_1109 = arith.index_cast %swap3A_1108 : i32 to index
    %swap3A_1110 = arith.constant 32 : index
    %swap3A_1111 = tpu.vector_load %arg5[%swap3A_1109, %swap3A_1110] {strides = array<i32>} : memref<8x128xi32, #tpu.memory_space<vmem>>, vector<1x16xi32>,
    %swap3A_1112 = vector.shape_cast %swap3A_1111 : vector<1x16xi32> to vector<16xi32>
    %swap3A_1113 = vector.shape_cast %add3A_1107 : vector<16xi32> to vector<1x16xi32>
    tpu.vector_store %arg5[%swap3A_1109, %swap3A_1110], %swap3A_1113 {strides = array<i32>} : memref<8x128xi32, #tpu.memory_space<vmem>>, vector<1x16xi32>,
    %add3A_1114 = arith.constant 48 : i32
    %add3A_1115 = arith.addi %mul3A_1053, %add3A_1114 : i32
    %iota3A_1116 = tpu.iota {dimensions = array<i32: 0>} : vector<16xi32>
    %add3A_1117 = vector.broadcast %add3A_1115 : i32 to vector<16xi32>
    %add3A_1118 = arith.addi %add3A_1117, %iota3A_1116 : vector<16xi32>
    %get3A_1119 = arith.constant 6 : i32
    %get3A_1120 = arith.index_cast %get3A_1119 : i32 to index
    %get3A_1121 = arith.constant 48 : index
    %get3A_1122 = tpu.vector_load %arg5[%get3A_1120, %get3A_1121] {strides = array<i32>} : memref<8x128xi32, #tpu.memory_space<vmem>>, vector<1x16xi32>,
    %get3A_1123 = vector.shape_cast %get3A_1122 : vector<1x16xi32> to vector<16xi32>
    %mul3A_1124 = arith.constant 1024 : i32
    %mul3A_1125 = vector.broadcast %mul3A_1124 : i32 to vector<16xi32>
    %mul3A_1126 = arith.muli %get3A_1123, %mul3A_1125 : vector<16xi32>
    %add3A_1127 = arith.addi %mul3A_1126, %add3A_1118 : vector<16xi32>
    %swap3A_1128 = arith.constant 6 : i32
    %swap3A_1129 = arith.index_cast %swap3A_1128 : i32 to index
    %swap3A_1130 = arith.constant 48 : index
    %swap3A_1131 = tpu.vector_load %arg5[%swap3A_1129, %swap3A_1130] {strides = array<i32>} : memref<8x128xi32, #tpu.memory_space<vmem>>, vector<1x16xi32>,
    %swap3A_1132 = vector.shape_cast %swap3A_1131 : vector<1x16xi32> to vector<16xi32>
    %swap3A_1133 = vector.shape_cast %add3A_1127 : vector<16xi32> to vector<1x16xi32>
    tpu.vector_store %arg5[%swap3A_1129, %swap3A_1130], %swap3A_1133 {strides = array<i32>} : memref<8x128xi32, #tpu.memory_space<vmem>>, vector<1x16xi32>,
    %add3A_1134 = arith.constant 64 : i32
    %add3A_1135 = arith.addi %mul3A_1053, %add3A_1134 : i32
    %iota3A_1136 = tpu.iota {dimensions = array<i32: 0>} : vector<16xi32>
    %add3A_1137 = vector.broadcast %add3A_1135 : i32 to vector<16xi32>
    %add3A_1138 = arith.addi %add3A_1137, %iota3A_1136 : vector<16xi32>
    %get3A_1139 = arith.constant 6 : i32
    %get3A_1140 = arith.index_cast %get3A_1139 : i32 to index
    %get3A_1141 = arith.constant 64 : index
    %get3A_1142 = tpu.vector_load %arg5[%get3A_1140, %get3A_1141] {strides = array<i32>} : memref<8x128xi32, #tpu.memory_space<vmem>>, vector<1x16xi32>,
    %get3A_1143 = vector.shape_cast %get3A_1142 : vector<1x16xi32> to vector<16xi32>
    %mul3A_1144 = arith.constant 1024 : i32
    %mul3A_1145 = vector.broadcast %mul3A_1144 : i32 to vector<16xi32>
    %mul3A_1146 = arith.muli %get3A_1143, %mul3A_1145 : vector<16xi32>
    %add3A_1147 = arith.addi %mul3A_1146, %add3A_1138 : vector<16xi32>
    %swap3A_1148 = arith.constant 6 : i32
    %swap3A_1149 = arith.index_cast %swap3A_1148 : i32 to index
    %swap3A_1150 = arith.constant 64 : index
    %swap3A_1151 = tpu.vector_load %arg5[%swap3A_1149, %swap3A_1150] {strides = array<i32>} : memref<8x128xi32, #tpu.memory_space<vmem>>, vector<1x16xi32>,
    %swap3A_1152 = vector.shape_cast %swap3A_1151 : vector<1x16xi32> to vector<16xi32>
    %swap3A_1153 = vector.shape_cast %add3A_1147 : vector<16xi32> to vector<1x16xi32>
    tpu.vector_store %arg5[%swap3A_1149, %swap3A_1150], %swap3A_1153 {strides = array<i32>} : memref<8x128xi32, #tpu.memory_space<vmem>>, vector<1x16xi32>,
    %add3A_1154 = arith.constant 80 : i32
    %add3A_1155 = arith.addi %mul3A_1053, %add3A_1154 : i32
    %iota3A_1156 = tpu.iota {dimensions = array<i32: 0>} : vector<16xi32>
    %add3A_1157 = vector.broadcast %add3A_1155 : i32 to vector<16xi32>
    %add3A_1158 = arith.addi %add3A_1157, %iota3A_1156 : vector<16xi32>
    %get3A_1159 = arith.constant 6 : i32
    %get3A_1160 = arith.index_cast %get3A_1159 : i32 to index
    %get3A_1161 = arith.constant 80 : index
    %get3A_1162 = tpu.vector_load %arg5[%get3A_1160, %get3A_1161] {strides = array<i32>} : memref<8x128xi32, #tpu.memory_space<vmem>>, vector<1x16xi32>,
    %get3A_1163 = vector.shape_cast %get3A_1162 : vector<1x16xi32> to vector<16xi32>
    %mul3A_1164 = arith.constant 1024 : i32
    %mul3A_1165 = vector.broadcast %mul3A_1164 : i32 to vector<16xi32>
    %mul3A_1166 = arith.muli %get3A_1163, %mul3A_1165 : vector<16xi32>
    %add3A_1167 = arith.addi %mul3A_1166, %add3A_1158 : vector<16xi32>
    %swap3A_1168 = arith.constant 6 : i32
    %swap3A_1169 = arith.index_cast %swap3A_1168 : i32 to index
    %swap3A_1170 = arith.constant 80 : index
    %swap3A_1171 = tpu.vector_load %arg5[%swap3A_1169, %swap3A_1170] {strides = array<i32>} : memref<8x128xi32, #tpu.memory_space<vmem>>, vector<1x16xi32>,
    %swap3A_1172 = vector.shape_cast %swap3A_1171 : vector<1x16xi32> to vector<16xi32>
    %swap3A_1173 = vector.shape_cast %add3A_1167 : vector<16xi32> to vector<1x16xi32>
    tpu.vector_store %arg5[%swap3A_1169, %swap3A_1170], %swap3A_1173 {strides = array<i32>} : memref<8x128xi32, #tpu.memory_space<vmem>>, vector<1x16xi32>,
    %add3A_1174 = arith.constant 96 : i32
    %add3A_1175 = arith.addi %mul3A_1053, %add3A_1174 : i32
    %iota3A_1176 = tpu.iota {dimensions = array<i32: 0>} : vector<16xi32>
    %add3A_1177 = vector.broadcast %add3A_1175 : i32 to vector<16xi32>
    %add3A_1178 = arith.addi %add3A_1177, %iota3A_1176 : vector<16xi32>
    %get3A_1179 = arith.constant 6 : i32
    %get3A_1180 = arith.index_cast %get3A_1179 : i32 to index
    %get3A_1181 = arith.constant 96 : index
    %get3A_1182 = tpu.vector_load %arg5[%get3A_1180, %get3A_1181] {strides = array<i32>} : memref<8x128xi32, #tpu.memory_space<vmem>>, vector<1x16xi32>,
    %get3A_1183 = vector.shape_cast %get3A_1182 : vector<1x16xi32> to vector<16xi32>
    %mul3A_1184 = arith.constant 1024 : i32
    %mul3A_1185 = vector.broadcast %mul3A_1184 : i32 to vector<16xi32>
    %mul3A_1186 = arith.muli %get3A_1183, %mul3A_1185 : vector<16xi32>
    %add3A_1187 = arith.addi %mul3A_1186, %add3A_1178 : vector<16xi32>
    %swap3A_1188 = arith.constant 6 : i32
    %swap3A_1189 = arith.index_cast %swap3A_1188 : i32 to index
    %swap3A_1190 = arith.constant 96 : index
    %swap3A_1191 = tpu.vector_load %arg5[%swap3A_1189, %swap3A_1190] {strides = array<i32>} : memref<8x128xi32, #tpu.memory_space<vmem>>, vector<1x16xi32>,
    %swap3A_1192 = vector.shape_cast %swap3A_1191 : vector<1x16xi32> to vector<16xi32>
    %swap3A_1193 = vector.shape_cast %add3A_1187 : vector<16xi32> to vector<1x16xi32>
    tpu.vector_store %arg5[%swap3A_1189, %swap3A_1190], %swap3A_1193 {strides = array<i32>} : memref<8x128xi32, #tpu.memory_space<vmem>>, vector<1x16xi32>,
    %add3A_1194 = arith.constant 112 : i32
    %add3A_1195 = arith.addi %mul3A_1053, %add3A_1194 : i32
    %iota3A_1196 = tpu.iota {dimensions = array<i32: 0>} : vector<16xi32>
    %add3A_1197 = vector.broadcast %add3A_1195 : i32 to vector<16xi32>
    %add3A_1198 = arith.addi %add3A_1197, %iota3A_1196 : vector<16xi32>
    %get3A_1199 = arith.constant 6 : i32
    %get3A_1200 = arith.index_cast %get3A_1199 : i32 to index
    %get3A_1201 = arith.constant 112 : index
    %get3A_1202 = tpu.vector_load %arg5[%get3A_1200, %get3A_1201] {strides = array<i32>} : memref<8x128xi32, #tpu.memory_space<vmem>>, vector<1x16xi32>,
    %get3A_1203 = vector.shape_cast %get3A_1202 : vector<1x16xi32> to vector<16xi32>
    %mul3A_1204 = arith.constant 1024 : i32
    %mul3A_1205 = vector.broadcast %mul3A_1204 : i32 to vector<16xi32>
    %mul3A_1206 = arith.muli %get3A_1203, %mul3A_1205 : vector<16xi32>
    %add3A_1207 = arith.addi %mul3A_1206, %add3A_1198 : vector<16xi32>
    %swap3A_1208 = arith.constant 6 : i32
    %swap3A_1209 = arith.index_cast %swap3A_1208 : i32 to index
    %swap3A_1210 = arith.constant 112 : index
    %swap3A_1211 = tpu.vector_load %arg5[%swap3A_1209, %swap3A_1210] {strides = array<i32>} : memref<8x128xi32, #tpu.memory_space<vmem>>, vector<1x16xi32>,
    %swap3A_1212 = vector.shape_cast %swap3A_1211 : vector<1x16xi32> to vector<16xi32>
    %swap3A_1213 = vector.shape_cast %add3A_1207 : vector<16xi32> to vector<1x16xi32>
    tpu.vector_store %arg5[%swap3A_1209, %swap3A_1210], %swap3A_1213 {strides = array<i32>} : memref<8x128xi32, #tpu.memory_space<vmem>>, vector<1x16xi32>,
    %add3A_1214 = arith.constant 3 : i32
    %add3A_1215 = arith.addi %add3A_715, %add3A_1214 : i32
    %rem3A_1216 = arith.constant 8 : i32
    %rem3A_1217 = arith.remsi %add3A_1215, %rem3A_1216 : i32
    %mul3A_1218 = arith.constant 128 : i32
    %mul3A_1219 = arith.muli %rem3A_1217, %mul3A_1218 : i32
    %add3A_1220 = arith.constant 0 : i32
    %add3A_1221 = arith.addi %mul3A_1219, %add3A_1220 : i32
    %iota3A_1222 = tpu.iota {dimensions = array<i32: 0>} : vector<16xi32>
    %add3A_1223 = vector.broadcast %add3A_1221 : i32 to vector<16xi32>
    %add3A_1224 = arith.addi %add3A_1223, %iota3A_1222 : vector<16xi32>
    %get3A_1225 = arith.constant 7 : i32
    %get3A_1226 = arith.index_cast %get3A_1225 : i32 to index
    %get3A_1227 = arith.constant 0 : index
    %get3A_1228 = tpu.vector_load %arg5[%get3A_1226, %get3A_1227] {strides = array<i32>} : memref<8x128xi32, #tpu.memory_space<vmem>>, vector<1x16xi32>,
    %get3A_1229 = vector.shape_cast %get3A_1228 : vector<1x16xi32> to vector<16xi32>
    %mul3A_1230 = arith.constant 1024 : i32
    %mul3A_1231 = vector.broadcast %mul3A_1230 : i32 to vector<16xi32>
    %mul3A_1232 = arith.muli %get3A_1229, %mul3A_1231 : vector<16xi32>
    %add3A_1233 = arith.addi %mul3A_1232, %add3A_1224 : vector<16xi32>
    %swap3A_1234 = arith.constant 7 : i32
    %swap3A_1235 = arith.index_cast %swap3A_1234 : i32 to index
    %swap3A_1236 = arith.constant 0 : index
    %swap3A_1237 = tpu.vector_load %arg5[%swap3A_1235, %swap3A_1236] {strides = array<i32>} : memref<8x128xi32, #tpu.memory_space<vmem>>, vector<1x16xi32>,
    %swap3A_1238 = vector.shape_cast %swap3A_1237 : vector<1x16xi32> to vector<16xi32>
    %swap3A_1239 = vector.shape_cast %add3A_1233 : vector<16xi32> to vector<1x16xi32>
    tpu.vector_store %arg5[%swap3A_1235, %swap3A_1236], %swap3A_1239 {strides = array<i32>} : memref<8x128xi32, #tpu.memory_space<vmem>>, vector<1x16xi32>,
    %add3A_1240 = arith.constant 16 : i32
    %add3A_1241 = arith.addi %mul3A_1219, %add3A_1240 : i32
    %iota3A_1242 = tpu.iota {dimensions = array<i32: 0>} : vector<16xi32>
    %add3A_1243 = vector.broadcast %add3A_1241 : i32 to vector<16xi32>
    %add3A_1244 = arith.addi %add3A_1243, %iota3A_1242 : vector<16xi32>
    %get3A_1245 = arith.constant 7 : i32
    %get3A_1246 = arith.index_cast %get3A_1245 : i32 to index
    %get3A_1247 = arith.constant 16 : index
    %get3A_1248 = tpu.vector_load %arg5[%get3A_1246, %get3A_1247] {strides = array<i32>} : memref<8x128xi32, #tpu.memory_space<vmem>>, vector<1x16xi32>,
    %get3A_1249 = vector.shape_cast %get3A_1248 : vector<1x16xi32> to vector<16xi32>
    %mul3A_1250 = arith.constant 1024 : i32
    %mul3A_1251 = vector.broadcast %mul3A_1250 : i32 to vector<16xi32>
    %mul3A_1252 = arith.muli %get3A_1249, %mul3A_1251 : vector<16xi32>
    %add3A_1253 = arith.addi %mul3A_1252, %add3A_1244 : vector<16xi32>
    %swap3A_1254 = arith.constant 7 : i32
    %swap3A_1255 = arith.index_cast %swap3A_1254 : i32 to index
    %swap3A_1256 = arith.constant 16 : index
    %swap3A_1257 = tpu.vector_load %arg5[%swap3A_1255, %swap3A_1256] {strides = array<i32>} : memref<8x128xi32, #tpu.memory_space<vmem>>, vector<1x16xi32>,
    %swap3A_1258 = vector.shape_cast %swap3A_1257 : vector<1x16xi32> to vector<16xi32>
    %swap3A_1259 = vector.shape_cast %add3A_1253 : vector<16xi32> to vector<1x16xi32>
    tpu.vector_store %arg5[%swap3A_1255, %swap3A_1256], %swap3A_1259 {strides = array<i32>} : memref<8x128xi32, #tpu.memory_space<vmem>>, vector<1x16xi32>,
    %add3A_1260 = arith.constant 32 : i32
    %add3A_1261 = arith.addi %mul3A_1219, %add3A_1260 : i32
    %iota3A_1262 = tpu.iota {dimensions = array<i32: 0>} : vector<16xi32>
    %add3A_1263 = vector.broadcast %add3A_1261 : i32 to vector<16xi32>
    %add3A_1264 = arith.addi %add3A_1263, %iota3A_1262 : vector<16xi32>
    %get3A_1265 = arith.constant 7 : i32
    %get3A_1266 = arith.index_cast %get3A_1265 : i32 to index
    %get3A_1267 = arith.constant 32 : index
    %get3A_1268 = tpu.vector_load %arg5[%get3A_1266, %get3A_1267] {strides = array<i32>} : memref<8x128xi32, #tpu.memory_space<vmem>>, vector<1x16xi32>,
    %get3A_1269 = vector.shape_cast %get3A_1268 : vector<1x16xi32> to vector<16xi32>
    %mul3A_1270 = arith.constant 1024 : i32
    %mul3A_1271 = vector.broadcast %mul3A_1270 : i32 to vector<16xi32>
    %mul3A_1272 = arith.muli %get3A_1269, %mul3A_1271 : vector<16xi32>
    %add3A_1273 = arith.addi %mul3A_1272, %add3A_1264 : vector<16xi32>
    %swap3A_1274 = arith.constant 7 : i32
    %swap3A_1275 = arith.index_cast %swap3A_1274 : i32 to index
    %swap3A_1276 = arith.constant 32 : index
    %swap3A_1277 = tpu.vector_load %arg5[%swap3A_1275, %swap3A_1276] {strides = array<i32>} : memref<8x128xi32, #tpu.memory_space<vmem>>, vector<1x16xi32>,
    %swap3A_1278 = vector.shape_cast %swap3A_1277 : vector<1x16xi32> to vector<16xi32>
    %swap3A_1279 = vector.shape_cast %add3A_1273 : vector<16xi32> to vector<1x16xi32>
    tpu.vector_store %arg5[%swap3A_1275, %swap3A_1276], %swap3A_1279 {strides = array<i32>} : memref<8x128xi32, #tpu.memory_space<vmem>>, vector<1x16xi32>,
    %add3A_1280 = arith.constant 48 : i32
    %add3A_1281 = arith.addi %mul3A_1219, %add3A_1280 : i32
    %iota3A_1282 = tpu.iota {dimensions = array<i32: 0>} : vector<16xi32>
    %add3A_1283 = vector.broadcast %add3A_1281 : i32 to vector<16xi32>
    %add3A_1284 = arith.addi %add3A_1283, %iota3A_1282 : vector<16xi32>
    %get3A_1285 = arith.constant 7 : i32
    %get3A_1286 = arith.index_cast %get3A_1285 : i32 to index
    %get3A_1287 = arith.constant 48 : index
    %get3A_1288 = tpu.vector_load %arg5[%get3A_1286, %get3A_1287] {strides = array<i32>} : memref<8x128xi32, #tpu.memory_space<vmem>>, vector<1x16xi32>,
    %get3A_1289 = vector.shape_cast %get3A_1288 : vector<1x16xi32> to vector<16xi32>
    %mul3A_1290 = arith.constant 1024 : i32
    %mul3A_1291 = vector.broadcast %mul3A_1290 : i32 to vector<16xi32>
    %mul3A_1292 = arith.muli %get3A_1289, %mul3A_1291 : vector<16xi32>
    %add3A_1293 = arith.addi %mul3A_1292, %add3A_1284 : vector<16xi32>
    %swap3A_1294 = arith.constant 7 : i32
    %swap3A_1295 = arith.index_cast %swap3A_1294 : i32 to index
    %swap3A_1296 = arith.constant 48 : index
    %swap3A_1297 = tpu.vector_load %arg5[%swap3A_1295, %swap3A_1296] {strides = array<i32>} : memref<8x128xi32, #tpu.memory_space<vmem>>, vector<1x16xi32>,
    %swap3A_1298 = vector.shape_cast %swap3A_1297 : vector<1x16xi32> to vector<16xi32>
    %swap3A_1299 = vector.shape_cast %add3A_1293 : vector<16xi32> to vector<1x16xi32>
    tpu.vector_store %arg5[%swap3A_1295, %swap3A_1296], %swap3A_1299 {strides = array<i32>} : memref<8x128xi32, #tpu.memory_space<vmem>>, vector<1x16xi32>,
    %add3A_1300 = arith.constant 64 : i32
    %add3A_1301 = arith.addi %mul3A_1219, %add3A_1300 : i32
    %iota3A_1302 = tpu.iota {dimensions = array<i32: 0>} : vector<16xi32>
    %add3A_1303 = vector.broadcast %add3A_1301 : i32 to vector<16xi32>
    %add3A_1304 = arith.addi %add3A_1303, %iota3A_1302 : vector<16xi32>
    %get3A_1305 = arith.constant 7 : i32
    %get3A_1306 = arith.index_cast %get3A_1305 : i32 to index
    %get3A_1307 = arith.constant 64 : index
    %get3A_1308 = tpu.vector_load %arg5[%get3A_1306, %get3A_1307] {strides = array<i32>} : memref<8x128xi32, #tpu.memory_space<vmem>>, vector<1x16xi32>,
    %get3A_1309 = vector.shape_cast %get3A_1308 : vector<1x16xi32> to vector<16xi32>
    %mul3A_1310 = arith.constant 1024 : i32
    %mul3A_1311 = vector.broadcast %mul3A_1310 : i32 to vector<16xi32>
    %mul3A_1312 = arith.muli %get3A_1309, %mul3A_1311 : vector<16xi32>
    %add3A_1313 = arith.addi %mul3A_1312, %add3A_1304 : vector<16xi32>
    %swap3A_1314 = arith.constant 7 : i32
    %swap3A_1315 = arith.index_cast %swap3A_1314 : i32 to index
    %swap3A_1316 = arith.constant 64 : index
    %swap3A_1317 = tpu.vector_load %arg5[%swap3A_1315, %swap3A_1316] {strides = array<i32>} : memref<8x128xi32, #tpu.memory_space<vmem>>, vector<1x16xi32>,
    %swap3A_1318 = vector.shape_cast %swap3A_1317 : vector<1x16xi32> to vector<16xi32>
    %swap3A_1319 = vector.shape_cast %add3A_1313 : vector<16xi32> to vector<1x16xi32>
    tpu.vector_store %arg5[%swap3A_1315, %swap3A_1316], %swap3A_1319 {strides = array<i32>} : memref<8x128xi32, #tpu.memory_space<vmem>>, vector<1x16xi32>,
    %add3A_1320 = arith.constant 80 : i32
    %add3A_1321 = arith.addi %mul3A_1219, %add3A_1320 : i32
    %iota3A_1322 = tpu.iota {dimensions = array<i32: 0>} : vector<16xi32>
    %add3A_1323 = vector.broadcast %add3A_1321 : i32 to vector<16xi32>
    %add3A_1324 = arith.addi %add3A_1323, %iota3A_1322 : vector<16xi32>
    %get3A_1325 = arith.constant 7 : i32
    %get3A_1326 = arith.index_cast %get3A_1325 : i32 to index
    %get3A_1327 = arith.constant 80 : index
    %get3A_1328 = tpu.vector_load %arg5[%get3A_1326, %get3A_1327] {strides = array<i32>} : memref<8x128xi32, #tpu.memory_space<vmem>>, vector<1x16xi32>,
    %get3A_1329 = vector.shape_cast %get3A_1328 : vector<1x16xi32> to vector<16xi32>
    %mul3A_1330 = arith.constant 1024 : i32
    %mul3A_1331 = vector.broadcast %mul3A_1330 : i32 to vector<16xi32>
    %mul3A_1332 = arith.muli %get3A_1329, %mul3A_1331 : vector<16xi32>
    %add3A_1333 = arith.addi %mul3A_1332, %add3A_1324 : vector<16xi32>
    %swap3A_1334 = arith.constant 7 : i32
    %swap3A_1335 = arith.index_cast %swap3A_1334 : i32 to index
    %swap3A_1336 = arith.constant 80 : index
    %swap3A_1337 = tpu.vector_load %arg5[%swap3A_1335, %swap3A_1336] {strides = array<i32>} : memref<8x128xi32, #tpu.memory_space<vmem>>, vector<1x16xi32>,
    %swap3A_1338 = vector.shape_cast %swap3A_1337 : vector<1x16xi32> to vector<16xi32>
    %swap3A_1339 = vector.shape_cast %add3A_1333 : vector<16xi32> to vector<1x16xi32>
    tpu.vector_store %arg5[%swap3A_1335, %swap3A_1336], %swap3A_1339 {strides = array<i32>} : memref<8x128xi32, #tpu.memory_space<vmem>>, vector<1x16xi32>,
    %add3A_1340 = arith.constant 96 : i32
    %add3A_1341 = arith.addi %mul3A_1219, %add3A_1340 : i32
    %iota3A_1342 = tpu.iota {dimensions = array<i32: 0>} : vector<16xi32>
    %add3A_1343 = vector.broadcast %add3A_1341 : i32 to vector<16xi32>
    %add3A_1344 = arith.addi %add3A_1343, %iota3A_1342 : vector<16xi32>
    %get3A_1345 = arith.constant 7 : i32
    %get3A_1346 = arith.index_cast %get3A_1345 : i32 to index
    %get3A_1347 = arith.constant 96 : index
    %get3A_1348 = tpu.vector_load %arg5[%get3A_1346, %get3A_1347] {strides = array<i32>} : memref<8x128xi32, #tpu.memory_space<vmem>>, vector<1x16xi32>,
    %get3A_1349 = vector.shape_cast %get3A_1348 : vector<1x16xi32> to vector<16xi32>
    %mul3A_1350 = arith.constant 1024 : i32
    %mul3A_1351 = vector.broadcast %mul3A_1350 : i32 to vector<16xi32>
    %mul3A_1352 = arith.muli %get3A_1349, %mul3A_1351 : vector<16xi32>
    %add3A_1353 = arith.addi %mul3A_1352, %add3A_1344 : vector<16xi32>
    %swap3A_1354 = arith.constant 7 : i32
    %swap3A_1355 = arith.index_cast %swap3A_1354 : i32 to index
    %swap3A_1356 = arith.constant 96 : index
    %swap3A_1357 = tpu.vector_load %arg5[%swap3A_1355, %swap3A_1356] {strides = array<i32>} : memref<8x128xi32, #tpu.memory_space<vmem>>, vector<1x16xi32>,
    %swap3A_1358 = vector.shape_cast %swap3A_1357 : vector<1x16xi32> to vector<16xi32>
    %swap3A_1359 = vector.shape_cast %add3A_1353 : vector<16xi32> to vector<1x16xi32>
    tpu.vector_store %arg5[%swap3A_1355, %swap3A_1356], %swap3A_1359 {strides = array<i32>} : memref<8x128xi32, #tpu.memory_space<vmem>>, vector<1x16xi32>,
    %add3A_1360 = arith.constant 112 : i32
    %add3A_1361 = arith.addi %mul3A_1219, %add3A_1360 : i32
    %iota3A_1362 = tpu.iota {dimensions = array<i32: 0>} : vector<16xi32>
    %add3A_1363 = vector.broadcast %add3A_1361 : i32 to vector<16xi32>
    %add3A_1364 = arith.addi %add3A_1363, %iota3A_1362 : vector<16xi32>
    %get3A_1365 = arith.constant 7 : i32
    %get3A_1366 = arith.index_cast %get3A_1365 : i32 to index
    %get3A_1367 = arith.constant 112 : index
    %get3A_1368 = tpu.vector_load %arg5[%get3A_1366, %get3A_1367] {strides = array<i32>} : memref<8x128xi32, #tpu.memory_space<vmem>>, vector<1x16xi32>,
    %get3A_1369 = vector.shape_cast %get3A_1368 : vector<1x16xi32> to vector<16xi32>
    %mul3A_1370 = arith.constant 1024 : i32
    %mul3A_1371 = vector.broadcast %mul3A_1370 : i32 to vector<16xi32>
    %mul3A_1372 = arith.muli %get3A_1369, %mul3A_1371 : vector<16xi32>
    %add3A_1373 = arith.addi %mul3A_1372, %add3A_1364 : vector<16xi32>
    %swap3A_1374 = arith.constant 7 : i32
    %swap3A_1375 = arith.index_cast %swap3A_1374 : i32 to index
    %swap3A_1376 = arith.constant 112 : index
    %swap3A_1377 = tpu.vector_load %arg5[%swap3A_1375, %swap3A_1376] {strides = array<i32>} : memref<8x128xi32, #tpu.memory_space<vmem>>, vector<1x16xi32>,
    %swap3A_1378 = vector.shape_cast %swap3A_1377 : vector<1x16xi32> to vector<16xi32>
    %swap3A_1379 = vector.shape_cast %add3A_1373 : vector<16xi32> to vector<1x16xi32>
    tpu.vector_store %arg5[%swap3A_1375, %swap3A_1376], %swap3A_1379 {strides = array<i32>} : memref<8x128xi32, #tpu.memory_space<vmem>>, vector<1x16xi32>,
    %dma_start3A_1380 = arith.constant 4 : i32
    %dma_start3A_1381 = arith.constant 1 : i32
    %dma_start3A_1382 = arith.constant 0 : i32
    %dma_start3A_1383 = arith.constant 0 : i32
    %dma_start3A_1384 = tpu.memref_slice %arg6[%dma_start3A_1381, %dma_start3A_1382, %dma_start3A_1383] : memref<2x512x64xf32, #tpu.memory_space<vmem>> -> memref<1x128x64xf32, #tpu.memory_space<vmem>>
    %dma_start3A_1385 = tpu.memref_squeeze %dma_start3A_1384 : memref<1x128x64xf32, #tpu.memory_space<vmem>> -> memref<128x64xf32, #tpu.memory_space<vmem>>
    %dma_start3A_1386 = arith.constant 0 : i32
    %dma_start3A_1387 = tpu.memref_slice %arg5[%dma_start3A_1380, %dma_start3A_1386] : memref<8x128xi32, #tpu.memory_space<vmem>> -> memref<1x128xi32, #tpu.memory_space<vmem>>
    %dma_start3A_1388 = tpu.memref_squeeze %dma_start3A_1387 : memref<1x128xi32, #tpu.memory_space<vmem>> -> memref<128xi32, #tpu.memory_space<vmem>>
    %dma_start3A_1389 = arith.constant 0 : i32
    %dma_start3A_1390 = arith.constant 0 : i32
    %dma_start3A_1391 = tpu.memref_slice %arg7[%dma_start3A_1389, %dma_start3A_1390] : memref<10240x64xf32, #tpu.memory_space<vmem_shared>> -> memref<10240x64xf32, #tpu.memory_space<vmem_shared>>
    tpu.enqueue_indirect_dma source(%dma_start3A_1391 : memref<10240x64xf32, #tpu.memory_space<vmem_shared>>) target(%dma_start3A_1385 : memref<128x64xf32, #tpu.memory_space<vmem>>) offsets(%dma_start3A_1388 : memref<128xi32, #tpu.memory_space<vmem>>) semaphore(%arg9 : memref<!tpu.dma_semaphore, #tpu.memory_space<semaphore_mem>>)
    %dma_start3A_1392 = arith.constant 5 : i32
    %dma_start3A_1393 = arith.constant 1 : i32
    %dma_start3A_1394 = arith.constant 128 : i32
    %dma_start3A_1395 = arith.constant 0 : i32
    %dma_start3A_1396 = tpu.memref_slice %arg6[%dma_start3A_1393, %dma_start3A_1394, %dma_start3A_1395] : memref<2x512x64xf32, #tpu.memory_space<vmem>> -> memref<1x128x64xf32, #tpu.memory_space<vmem>>
    %dma_start3A_1397 = tpu.memref_squeeze %dma_start3A_1396 : memref<1x128x64xf32, #tpu.memory_space<vmem>> -> memref<128x64xf32, #tpu.memory_space<vmem>>
    %dma_start3A_1398 = arith.constant 0 : i32
    %dma_start3A_1399 = tpu.memref_slice %arg5[%dma_start3A_1392, %dma_start3A_1398] : memref<8x128xi32, #tpu.memory_space<vmem>> -> memref<1x128xi32, #tpu.memory_space<vmem>>
    %dma_start3A_1400 = tpu.memref_squeeze %dma_start3A_1399 : memref<1x128xi32, #tpu.memory_space<vmem>> -> memref<128xi32, #tpu.memory_space<vmem>>
    %dma_start3A_1401 = arith.constant 0 : i32
    %dma_start3A_1402 = arith.constant 0 : i32
    %dma_start3A_1403 = tpu.memref_slice %arg7[%dma_start3A_1401, %dma_start3A_1402] : memref<10240x64xf32, #tpu.memory_space<vmem_shared>> -> memref<10240x64xf32, #tpu.memory_space<vmem_shared>>
    tpu.enqueue_indirect_dma source(%dma_start3A_1403 : memref<10240x64xf32, #tpu.memory_space<vmem_shared>>) target(%dma_start3A_1397 : memref<128x64xf32, #tpu.memory_space<vmem>>) offsets(%dma_start3A_1400 : memref<128xi32, #tpu.memory_space<vmem>>) semaphore(%arg9 : memref<!tpu.dma_semaphore, #tpu.memory_space<semaphore_mem>>)
    %dma_start3A_1404 = arith.constant 6 : i32
    %dma_start3A_1405 = arith.constant 1 : i32
    %dma_start3A_1406 = arith.constant 256 : i32
    %dma_start3A_1407 = arith.constant 0 : i32
    %dma_start3A_1408 = tpu.memref_slice %arg6[%dma_start3A_1405, %dma_start3A_1406, %dma_start3A_1407] : memref<2x512x64xf32, #tpu.memory_space<vmem>> -> memref<1x128x64xf32, #tpu.memory_space<vmem>>
    %dma_start3A_1409 = tpu.memref_squeeze %dma_start3A_1408 : memref<1x128x64xf32, #tpu.memory_space<vmem>> -> memref<128x64xf32, #tpu.memory_space<vmem>>
    %dma_start3A_1410 = arith.constant 0 : i32
    %dma_start3A_1411 = tpu.memref_slice %arg5[%dma_start3A_1404, %dma_start3A_1410] : memref<8x128xi32, #tpu.memory_space<vmem>> -> memref<1x128xi32, #tpu.memory_space<vmem>>
    %dma_start3A_1412 = tpu.memref_squeeze %dma_start3A_1411 : memref<1x128xi32, #tpu.memory_space<vmem>> -> memref<128xi32, #tpu.memory_space<vmem>>
    %dma_start3A_1413 = arith.constant 0 : i32
    %dma_start3A_1414 = arith.constant 0 : i32
    %dma_start3A_1415 = tpu.memref_slice %arg7[%dma_start3A_1413, %dma_start3A_1414] : memref<10240x64xf32, #tpu.memory_space<vmem_shared>> -> memref<10240x64xf32, #tpu.memory_space<vmem_shared>>
    tpu.enqueue_indirect_dma source(%dma_start3A_1415 : memref<10240x64xf32, #tpu.memory_space<vmem_shared>>) target(%dma_start3A_1409 : memref<128x64xf32, #tpu.memory_space<vmem>>) offsets(%dma_start3A_1412 : memref<128xi32, #tpu.memory_space<vmem>>) semaphore(%arg9 : memref<!tpu.dma_semaphore, #tpu.memory_space<semaphore_mem>>)
    %dma_start3A_1416 = arith.constant 7 : i32
    %dma_start3A_1417 = arith.constant 1 : i32
    %dma_start3A_1418 = arith.constant 384 : i32
    %dma_start3A_1419 = arith.constant 0 : i32
    %dma_start3A_1420 = tpu.memref_slice %arg6[%dma_start3A_1417, %dma_start3A_1418, %dma_start3A_1419] : memref<2x512x64xf32, #tpu.memory_space<vmem>> -> memref<1x128x64xf32, #tpu.memory_space<vmem>>
    %dma_start3A_1421 = tpu.memref_squeeze %dma_start3A_1420 : memref<1x128x64xf32, #tpu.memory_space<vmem>> -> memref<128x64xf32, #tpu.memory_space<vmem>>
    %dma_start3A_1422 = arith.constant 0 : i32
    %dma_start3A_1423 = tpu.memref_slice %arg5[%dma_start3A_1416, %dma_start3A_1422] : memref<8x128xi32, #tpu.memory_space<vmem>> -> memref<1x128xi32, #tpu.memory_space<vmem>>
    %dma_start3A_1424 = tpu.memref_squeeze %dma_start3A_1423 : memref<1x128xi32, #tpu.memory_space<vmem>> -> memref<128xi32, #tpu.memory_space<vmem>>
    %dma_start3A_1425 = arith.constant 0 : i32
    %dma_start3A_1426 = arith.constant 0 : i32
    %dma_start3A_1427 = tpu.memref_slice %arg7[%dma_start3A_1425, %dma_start3A_1426] : memref<10240x64xf32, #tpu.memory_space<vmem_shared>> -> memref<10240x64xf32, #tpu.memory_space<vmem_shared>>
    tpu.enqueue_indirect_dma source(%dma_start3A_1427 : memref<10240x64xf32, #tpu.memory_space<vmem_shared>>) target(%dma_start3A_1421 : memref<128x64xf32, #tpu.memory_space<vmem>>) offsets(%dma_start3A_1424 : memref<128xi32, #tpu.memory_space<vmem>>) semaphore(%arg9 : memref<!tpu.dma_semaphore, #tpu.memory_space<semaphore_mem>>)
    %scan3A = arith.constant 0 : i32
    %scan3A_1428 = arith.constant 31 : i32
    %scan3A_1429 = arith.addi %scan3A, %scan3A_1428 : i32
    %scan3A_1430 = arith.constant 1 : i32
    scf.for %scan3A_1700 = %scan3A to %scan3A_1429 step %scan3A_1430  : i32 {
      %mul3A_1701 = arith.constant 2 : i32
      %mul3A_1702 = arith.muli %mul3A_1701, %scan3A_1700 : i32
      %add3A_1703 = arith.constant 0 : i32
      %add3A_1704 = arith.addi %mul3A_1702, %add3A_1703 : i32
      %dma_wait3A_1705 = arith.constant 0 : i32
      %dma_wait3A_1706 = arith.constant 0 : i32
      %dma_wait3A_1707 = arith.constant 0 : i32
      %dma_wait3A_1708 = arith.constant 0 : i32
      %dma_wait3A_1709 = tpu.memref_slice %arg6[%dma_wait3A_1706, %dma_wait3A_1707, %dma_wait3A_1708] : memref<2x512x64xf32, #tpu.memory_space<vmem>> -> memref<1x128x64xf32, #tpu.memory_space<vmem>>
      %dma_wait3A_1710 = tpu.memref_squeeze %dma_wait3A_1709 : memref<1x128x64xf32, #tpu.memory_space<vmem>> -> memref<128x64xf32, #tpu.memory_space<vmem>>
      %dma_wait3A_1711 = arith.constant 0 : i32
      %dma_wait3A_1712 = tpu.memref_slice %arg5[%dma_wait3A_1705, %dma_wait3A_1711] : memref<8x128xi32, #tpu.memory_space<vmem>> -> memref<1x128xi32, #tpu.memory_space<vmem>>
      %dma_wait3A_1713 = tpu.memref_squeeze %dma_wait3A_1712 : memref<1x128xi32, #tpu.memory_space<vmem>> -> memref<128xi32, #tpu.memory_space<vmem>>
      %dma_wait3A_1714 = arith.constant 0 : i32
      %dma_wait3A_1715 = arith.constant 0 : i32
      %dma_wait3A_1716 = tpu.memref_slice %arg7[%dma_wait3A_1714, %dma_wait3A_1715] : memref<10240x64xf32, #tpu.memory_space<vmem_shared>> -> memref<10240x64xf32, #tpu.memory_space<vmem_shared>>
      tpu.wait_indirect_dma semaphore(%arg8 : memref<!tpu.dma_semaphore, #tpu.memory_space<semaphore_mem>>) src(%dma_wait3A_1716 : memref<10240x64xf32, #tpu.memory_space<vmem_shared>>) dst(%dma_wait3A_1710 : memref<128x64xf32, #tpu.memory_space<vmem>>)
      %dma_wait3A_1717 = arith.constant 1 : i32
      %dma_wait3A_1718 = arith.constant 0 : i32
      %dma_wait3A_1719 = arith.constant 128 : i32
      %dma_wait3A_1720 = arith.constant 0 : i32
      %dma_wait3A_1721 = tpu.memref_slice %arg6[%dma_wait3A_1718, %dma_wait3A_1719, %dma_wait3A_1720] : memref<2x512x64xf32, #tpu.memory_space<vmem>> -> memref<1x128x64xf32, #tpu.memory_space<vmem>>
      %dma_wait3A_1722 = tpu.memref_squeeze %dma_wait3A_1721 : memref<1x128x64xf32, #tpu.memory_space<vmem>> -> memref<128x64xf32, #tpu.memory_space<vmem>>
      %dma_wait3A_1723 = arith.constant 0 : i32
      %dma_wait3A_1724 = tpu.memref_slice %arg5[%dma_wait3A_1717, %dma_wait3A_1723] : memref<8x128xi32, #tpu.memory_space<vmem>> -> memref<1x128xi32, #tpu.memory_space<vmem>>
      %dma_wait3A_1725 = tpu.memref_squeeze %dma_wait3A_1724 : memref<1x128xi32, #tpu.memory_space<vmem>> -> memref<128xi32, #tpu.memory_space<vmem>>
      %dma_wait3A_1726 = arith.constant 0 : i32
      %dma_wait3A_1727 = arith.constant 0 : i32
      %dma_wait3A_1728 = tpu.memref_slice %arg7[%dma_wait3A_1726, %dma_wait3A_1727] : memref<10240x64xf32, #tpu.memory_space<vmem_shared>> -> memref<10240x64xf32, #tpu.memory_space<vmem_shared>>
      tpu.wait_indirect_dma semaphore(%arg8 : memref<!tpu.dma_semaphore, #tpu.memory_space<semaphore_mem>>) src(%dma_wait3A_1728 : memref<10240x64xf32, #tpu.memory_space<vmem_shared>>) dst(%dma_wait3A_1722 : memref<128x64xf32, #tpu.memory_space<vmem>>)
      %dma_wait3A_1729 = arith.constant 2 : i32
      %dma_wait3A_1730 = arith.constant 0 : i32
      %dma_wait3A_1731 = arith.constant 256 : i32
      %dma_wait3A_1732 = arith.constant 0 : i32
      %dma_wait3A_1733 = tpu.memref_slice %arg6[%dma_wait3A_1730, %dma_wait3A_1731, %dma_wait3A_1732] : memref<2x512x64xf32, #tpu.memory_space<vmem>> -> memref<1x128x64xf32, #tpu.memory_space<vmem>>
      %dma_wait3A_1734 = tpu.memref_squeeze %dma_wait3A_1733 : memref<1x128x64xf32, #tpu.memory_space<vmem>> -> memref<128x64xf32, #tpu.memory_space<vmem>>
      %dma_wait3A_1735 = arith.constant 0 : i32
      %dma_wait3A_1736 = tpu.memref_slice %arg5[%dma_wait3A_1729, %dma_wait3A_1735] : memref<8x128xi32, #tpu.memory_space<vmem>> -> memref<1x128xi32, #tpu.memory_space<vmem>>
      %dma_wait3A_1737 = tpu.memref_squeeze %dma_wait3A_1736 : memref<1x128xi32, #tpu.memory_space<vmem>> -> memref<128xi32, #tpu.memory_space<vmem>>
      %dma_wait3A_1738 = arith.constant 0 : i32
      %dma_wait3A_1739 = arith.constant 0 : i32
      %dma_wait3A_1740 = tpu.memref_slice %arg7[%dma_wait3A_1738, %dma_wait3A_1739] : memref<10240x64xf32, #tpu.memory_space<vmem_shared>> -> memref<10240x64xf32, #tpu.memory_space<vmem_shared>>
      tpu.wait_indirect_dma semaphore(%arg8 : memref<!tpu.dma_semaphore, #tpu.memory_space<semaphore_mem>>) src(%dma_wait3A_1740 : memref<10240x64xf32, #tpu.memory_space<vmem_shared>>) dst(%dma_wait3A_1734 : memref<128x64xf32, #tpu.memory_space<vmem>>)
      %dma_wait3A_1741 = arith.constant 3 : i32
      %dma_wait3A_1742 = arith.constant 0 : i32
      %dma_wait3A_1743 = arith.constant 384 : i32
      %dma_wait3A_1744 = arith.constant 0 : i32
      %dma_wait3A_1745 = tpu.memref_slice %arg6[%dma_wait3A_1742, %dma_wait3A_1743, %dma_wait3A_1744] : memref<2x512x64xf32, #tpu.memory_space<vmem>> -> memref<1x128x64xf32, #tpu.memory_space<vmem>>
      %dma_wait3A_1746 = tpu.memref_squeeze %dma_wait3A_1745 : memref<1x128x64xf32, #tpu.memory_space<vmem>> -> memref<128x64xf32, #tpu.memory_space<vmem>>
      %dma_wait3A_1747 = arith.constant 0 : i32
      %dma_wait3A_1748 = tpu.memref_slice %arg5[%dma_wait3A_1741, %dma_wait3A_1747] : memref<8x128xi32, #tpu.memory_space<vmem>> -> memref<1x128xi32, #tpu.memory_space<vmem>>
      %dma_wait3A_1749 = tpu.memref_squeeze %dma_wait3A_1748 : memref<1x128xi32, #tpu.memory_space<vmem>> -> memref<128xi32, #tpu.memory_space<vmem>>
      %dma_wait3A_1750 = arith.constant 0 : i32
      %dma_wait3A_1751 = arith.constant 0 : i32
      %dma_wait3A_1752 = tpu.memref_slice %arg7[%dma_wait3A_1750, %dma_wait3A_1751] : memref<10240x64xf32, #tpu.memory_space<vmem_shared>> -> memref<10240x64xf32, #tpu.memory_space<vmem_shared>>
      tpu.wait_indirect_dma semaphore(%arg8 : memref<!tpu.dma_semaphore, #tpu.memory_space<semaphore_mem>>) src(%dma_wait3A_1752 : memref<10240x64xf32, #tpu.memory_space<vmem_shared>>) dst(%dma_wait3A_1746 : memref<128x64xf32, #tpu.memory_space<vmem>>)
      %mul3A_1753 = arith.constant 4 : i32
      %mul3A_1754 = arith.muli %add3A_1704, %mul3A_1753 : i32
      %add3A_1755 = arith.addi %mul3A_2, %mul3A_1754 : i32
      %mul3A_1756 = arith.constant 128 : i32
      %mul3A_1757 = arith.muli %add3A_1755, %mul3A_1756 : i32
      %jit3A_1758 = arith.constant 1024 : i32
      %div3A_1759 = arith.divsi %mul3A_1757, %jit3A_1758 : i32
      %sign3A_1760 = arith.constant 0 : i32
      %sign3A_1761 = arith.cmpi sgt, %mul3A_1757, %sign3A_1760 : i32
      %sign3A_1762 = arith.extui %sign3A_1761 : i1 to i32
      %sign3A_1763 = arith.constant 0 : i32
      %sign3A_1764 = arith.cmpi slt, %mul3A_1757, %sign3A_1763 : i32
      %sign3A_1765 = arith.extui %sign3A_1764 : i1 to i32
      %sign3A_1766 = arith.subi %sign3A_1762, %sign3A_1765 : i32
      %sign3A_1767 = arith.constant 0 : i32
      %sign3A_1768 = arith.cmpi sgt, %jit3A_1758, %sign3A_1767 : i32
      %sign3A_1769 = arith.extui %sign3A_1768 : i1 to i32
      %sign3A_1770 = arith.constant 0 : i32
      %sign3A_1771 = arith.cmpi slt, %jit3A_1758, %sign3A_1770 : i32
      %sign3A_1772 = arith.extui %sign3A_1771 : i1 to i32
      %sign3A_1773 = arith.subi %sign3A_1769, %sign3A_1772 : i32
      %ne3A_1774 = arith.cmpi ne, %sign3A_1766, %sign3A_1773 : i32
      %rem3A_1775 = arith.remsi %mul3A_1757, %jit3A_1758 : i32
      %ne3A_1776 = arith.constant 0 : i32
      %ne3A_1777 = arith.cmpi ne, %rem3A_1775, %ne3A_1776 : i32
      %and3A_1778 = arith.andi %ne3A_1774, %ne3A_1777 : i1
      %sub3A_1779 = arith.constant 1 : i32
      %sub3A_1780 = arith.subi %div3A_1759, %sub3A_1779 : i32
      %select_n3A_1781 = arith.select %and3A_1778, %sub3A_1780, %div3A_1759 : i32
      %rem3A_1782 = arith.constant 1024 : i32
      %rem3A_1783 = arith.remsi %mul3A_1757, %rem3A_1782 : i32
      %dma_start3A_1784 = arith.constant 0 : i32
      %dma_start3A_1785 = arith.constant 0 : i32
      %dma_start3A_1786 = arith.constant 0 : i32
      %dma_start3A_1787 = tpu.memref_slice %arg6[%dma_start3A_1784, %dma_start3A_1785, %dma_start3A_1786] : memref<2x512x64xf32, #tpu.memory_space<vmem>> -> memref<1x512x64xf32, #tpu.memory_space<vmem>>
      %dma_start3A_1788 = tpu.memref_squeeze %dma_start3A_1787 : memref<1x512x64xf32, #tpu.memory_space<vmem>> -> memref<512x64xf32, #tpu.memory_space<vmem>>
      %dma_start3A_1789 = arith.constant 0 : i32
      %dma_start3A_1790 = tpu.memref_slice %arg4[%select_n3A_1781, %rem3A_1783, %dma_start3A_1789] : memref<1024x1024x128xf32, #tpu.memory_space<hbm>> -> memref<1x512x64xf32, #tpu.memory_space<hbm>>
      %dma_start3A_1791 = tpu.memref_squeeze %dma_start3A_1790 : memref<1x512x64xf32, #tpu.memory_space<hbm>> -> memref<512x64xf32, #tpu.memory_space<hbm>>
      %dma_start3A_1792 = arith.constant 0 : i32
      %dma_start3A_1793 = tpu.memref_slice %arg4[%select_n3A_1781, %rem3A_1783, %dma_start3A_1792] : memref<1024x1024x128xf32, #tpu.memory_space<hbm>> -> memref<1x512x64xf32, #tpu.memory_space<hbm>>
      %dma_start3A_1794 = tpu.memref_squeeze %dma_start3A_1793 : memref<1x512x64xf32, #tpu.memory_space<hbm>> -> memref<512x64xf32, #tpu.memory_space<hbm>>
      %dma_start3A_1795 = arith.constant 0 : i32
      %dma_start3A_1796 = arith.constant 0 : i32
      %dma_start3A_1797 = tpu.memref_slice %arg6[%dma_start3A_1784, %dma_start3A_1795, %dma_start3A_1796] : memref<2x512x64xf32, #tpu.memory_space<vmem>> -> memref<1x512x64xf32, #tpu.memory_space<vmem>>
      %dma_start3A_1798 = tpu.memref_squeeze %dma_start3A_1797 : memref<1x512x64xf32, #tpu.memory_space<vmem>> -> memref<512x64xf32, #tpu.memory_space<vmem>>
      tpu.enqueue_dma source(%dma_start3A_1798 : memref<512x64xf32, #tpu.memory_space<vmem>>) target(%dma_start3A_1794 : memref<512x64xf32, #tpu.memory_space<hbm>>) target_semaphore(%arg10 : memref<!tpu.dma_semaphore, #tpu.memory_space<semaphore_mem>>)
      %add3A_1799 = arith.constant 2 : i32
      %add3A_1800 = arith.addi %add3A_1704, %add3A_1799 : i32
      %mul3A_1801 = arith.constant 4 : i32
      %mul3A_1802 = arith.muli %add3A_1800, %mul3A_1801 : i32
      %add3A_1803 = arith.addi %mul3A_2, %mul3A_1802 : i32
      "tpu.region"() ({
        %run_scoped3A = tpu.sem_alloc : memref<!tpu.dma_semaphore, #tpu.memory_space<semaphore_mem>>
        %dma_start3A_3427 = arith.constant 0 : i32
        %dma_start3A_3428 = arith.constant 0 : i32
        %dma_start3A_3429 = tpu.memref_slice %arg5[%dma_start3A_3427, %dma_start3A_3428] : memref<8x128xi32, #tpu.memory_space<vmem>> -> memref<4x128xi32, #tpu.memory_space<vmem>>
        %dma_start3A_3430 = arith.constant 0 : i32
        %dma_start3A_3431 = tpu.memref_slice %arg2[%add3A_1803, %dma_start3A_3430] : memref<8192x128xi32, #tpu.memory_space<hbm>> -> memref<4x128xi32, #tpu.memory_space<hbm>>
        %dma_start3A_3432 = arith.constant 0 : i32
        %dma_start3A_3433 = arith.constant 0 : i32
        %dma_start3A_3434 = tpu.memref_slice %arg5[%dma_start3A_3432, %dma_start3A_3433] : memref<8x128xi32, #tpu.memory_space<vmem>> -> memref<4x128xi32, #tpu.memory_space<vmem>>
        %dma_start3A_3435 = arith.constant 0 : i32
        %dma_start3A_3436 = tpu.memref_slice %arg2[%add3A_1803, %dma_start3A_3435] : memref<8192x128xi32, #tpu.memory_space<hbm>> -> memref<4x128xi32, #tpu.memory_space<hbm>>
        tpu.enqueue_dma source(%dma_start3A_3436 : memref<4x128xi32, #tpu.memory_space<hbm>>) target(%dma_start3A_3434 : memref<4x128xi32, #tpu.memory_space<vmem>>) target_semaphore(%run_scoped3A : memref<!tpu.dma_semaphore, #tpu.memory_space<semaphore_mem>>)
        %dma_wait3A_3437 = arith.constant 0 : i32
        %dma_wait3A_3438 = arith.constant 0 : i32
        %dma_wait3A_3439 = tpu.memref_slice %arg5[%dma_wait3A_3437, %dma_wait3A_3438] : memref<8x128xi32, #tpu.memory_space<vmem>> -> memref<4x128xi32, #tpu.memory_space<vmem>>
        %dma_wait3A_3440 = arith.constant 0 : i32
        %dma_wait3A_3441 = tpu.memref_slice %arg2[%add3A_1803, %dma_wait3A_3440] : memref<8192x128xi32, #tpu.memory_space<hbm>> -> memref<4x128xi32, #tpu.memory_space<hbm>>
        %dma_wait3A_3442 = arith.constant 0 : i32
        %dma_wait3A_3443 = arith.constant 0 : i32
        %dma_wait3A_3444 = tpu.memref_slice %arg5[%dma_wait3A_3442, %dma_wait3A_3443] : memref<8x128xi32, #tpu.memory_space<vmem>> -> memref<4x128xi32, #tpu.memory_space<vmem>>
        %dma_wait3A_3445 = arith.constant 0 : i32
        %dma_wait3A_3446 = tpu.memref_slice %arg2[%add3A_1803, %dma_wait3A_3445] : memref<8192x128xi32, #tpu.memory_space<hbm>> -> memref<4x128xi32, #tpu.memory_space<hbm>>
        tpu.wait_dma2 semaphore(%run_scoped3A : memref<!tpu.dma_semaphore, #tpu.memory_space<semaphore_mem>>) src(%dma_wait3A_3446 : memref<4x128xi32, #tpu.memory_space<hbm>>) dst(%dma_wait3A_3444 : memref<4x128xi32, #tpu.memory_space<vmem>>)
        tpu.yield
      }) : () -> ()
      %add3A_1804 = arith.constant 0 : i32
      %add3A_1805 = arith.addi %add3A_1803, %add3A_1804 : i32
      %rem3A_1806 = arith.constant 8 : i32
      %rem3A_1807 = arith.remsi %add3A_1805, %rem3A_1806 : i32
      %mul3A_1808 = arith.constant 128 : i32
      %mul3A_1809 = arith.muli %rem3A_1807, %mul3A_1808 : i32
      %add3A_1810 = arith.constant 0 : i32
      %add3A_1811 = arith.addi %mul3A_1809, %add3A_1810 : i32
      %iota3A_1812 = tpu.iota {dimensions = array<i32: 0>} : vector<16xi32>
      %add3A_1813 = vector.broadcast %add3A_1811 : i32 to vector<16xi32>
      %add3A_1814 = arith.addi %add3A_1813, %iota3A_1812 : vector<16xi32>
      %get3A_1815 = arith.constant 0 : i32
      %get3A_1816 = arith.index_cast %get3A_1815 : i32 to index
      %get3A_1817 = arith.constant 0 : index
      %get3A_1818 = tpu.vector_load %arg5[%get3A_1816, %get3A_1817] {strides = array<i32>} : memref<8x128xi32, #tpu.memory_space<vmem>>, vector<1x16xi32>,
      %get3A_1819 = vector.shape_cast %get3A_1818 : vector<1x16xi32> to vector<16xi32>
      %mul3A_1820 = arith.constant 1024 : i32
      %mul3A_1821 = vector.broadcast %mul3A_1820 : i32 to vector<16xi32>
      %mul3A_1822 = arith.muli %get3A_1819, %mul3A_1821 : vector<16xi32>
      %add3A_1823 = arith.addi %mul3A_1822, %add3A_1814 : vector<16xi32>
      %swap3A_1824 = arith.constant 0 : i32
      %swap3A_1825 = arith.index_cast %swap3A_1824 : i32 to index
      %swap3A_1826 = arith.constant 0 : index
      %swap3A_1827 = tpu.vector_load %arg5[%swap3A_1825, %swap3A_1826] {strides = array<i32>} : memref<8x128xi32, #tpu.memory_space<vmem>>, vector<1x16xi32>,
      %swap3A_1828 = vector.shape_cast %swap3A_1827 : vector<1x16xi32> to vector<16xi32>
      %swap3A_1829 = vector.shape_cast %add3A_1823 : vector<16xi32> to vector<1x16xi32>
      tpu.vector_store %arg5[%swap3A_1825, %swap3A_1826], %swap3A_1829 {strides = array<i32>} : memref<8x128xi32, #tpu.memory_space<vmem>>, vector<1x16xi32>,
      %add3A_1830 = arith.constant 16 : i32
      %add3A_1831 = arith.addi %mul3A_1809, %add3A_1830 : i32
      %iota3A_1832 = tpu.iota {dimensions = array<i32: 0>} : vector<16xi32>
      %add3A_1833 = vector.broadcast %add3A_1831 : i32 to vector<16xi32>
      %add3A_1834 = arith.addi %add3A_1833, %iota3A_1832 : vector<16xi32>
      %get3A_1835 = arith.constant 0 : i32
      %get3A_1836 = arith.index_cast %get3A_1835 : i32 to index
      %get3A_1837 = arith.constant 16 : index
      %get3A_1838 = tpu.vector_load %arg5[%get3A_1836, %get3A_1837] {strides = array<i32>} : memref<8x128xi32, #tpu.memory_space<vmem>>, vector<1x16xi32>,
      %get3A_1839 = vector.shape_cast %get3A_1838 : vector<1x16xi32> to vector<16xi32>
      %mul3A_1840 = arith.constant 1024 : i32
      %mul3A_1841 = vector.broadcast %mul3A_1840 : i32 to vector<16xi32>
      %mul3A_1842 = arith.muli %get3A_1839, %mul3A_1841 : vector<16xi32>
      %add3A_1843 = arith.addi %mul3A_1842, %add3A_1834 : vector<16xi32>
      %swap3A_1844 = arith.constant 0 : i32
      %swap3A_1845 = arith.index_cast %swap3A_1844 : i32 to index
      %swap3A_1846 = arith.constant 16 : index
      %swap3A_1847 = tpu.vector_load %arg5[%swap3A_1845, %swap3A_1846] {strides = array<i32>} : memref<8x128xi32, #tpu.memory_space<vmem>>, vector<1x16xi32>,
      %swap3A_1848 = vector.shape_cast %swap3A_1847 : vector<1x16xi32> to vector<16xi32>
      %swap3A_1849 = vector.shape_cast %add3A_1843 : vector<16xi32> to vector<1x16xi32>
      tpu.vector_store %arg5[%swap3A_1845, %swap3A_1846], %swap3A_1849 {strides = array<i32>} : memref<8x128xi32, #tpu.memory_space<vmem>>, vector<1x16xi32>,
      %add3A_1850 = arith.constant 32 : i32
      %add3A_1851 = arith.addi %mul3A_1809, %add3A_1850 : i32
      %iota3A_1852 = tpu.iota {dimensions = array<i32: 0>} : vector<16xi32>
      %add3A_1853 = vector.broadcast %add3A_1851 : i32 to vector<16xi32>
      %add3A_1854 = arith.addi %add3A_1853, %iota3A_1852 : vector<16xi32>
      %get3A_1855 = arith.constant 0 : i32
      %get3A_1856 = arith.index_cast %get3A_1855 : i32 to index
      %get3A_1857 = arith.constant 32 : index
      %get3A_1858 = tpu.vector_load %arg5[%get3A_1856, %get3A_1857] {strides = array<i32>} : memref<8x128xi32, #tpu.memory_space<vmem>>, vector<1x16xi32>,
      %get3A_1859 = vector.shape_cast %get3A_1858 : vector<1x16xi32> to vector<16xi32>
      %mul3A_1860 = arith.constant 1024 : i32
      %mul3A_1861 = vector.broadcast %mul3A_1860 : i32 to vector<16xi32>
      %mul3A_1862 = arith.muli %get3A_1859, %mul3A_1861 : vector<16xi32>
      %add3A_1863 = arith.addi %mul3A_1862, %add3A_1854 : vector<16xi32>
      %swap3A_1864 = arith.constant 0 : i32
      %swap3A_1865 = arith.index_cast %swap3A_1864 : i32 to index
      %swap3A_1866 = arith.constant 32 : index
      %swap3A_1867 = tpu.vector_load %arg5[%swap3A_1865, %swap3A_1866] {strides = array<i32>} : memref<8x128xi32, #tpu.memory_space<vmem>>, vector<1x16xi32>,
      %swap3A_1868 = vector.shape_cast %swap3A_1867 : vector<1x16xi32> to vector<16xi32>
      %swap3A_1869 = vector.shape_cast %add3A_1863 : vector<16xi32> to vector<1x16xi32>
      tpu.vector_store %arg5[%swap3A_1865, %swap3A_1866], %swap3A_1869 {strides = array<i32>} : memref<8x128xi32, #tpu.memory_space<vmem>>, vector<1x16xi32>,
      %add3A_1870 = arith.constant 48 : i32
      %add3A_1871 = arith.addi %mul3A_1809, %add3A_1870 : i32
      %iota3A_1872 = tpu.iota {dimensions = array<i32: 0>} : vector<16xi32>
      %add3A_1873 = vector.broadcast %add3A_1871 : i32 to vector<16xi32>
      %add3A_1874 = arith.addi %add3A_1873, %iota3A_1872 : vector<16xi32>
      %get3A_1875 = arith.constant 0 : i32
      %get3A_1876 = arith.index_cast %get3A_1875 : i32 to index
      %get3A_1877 = arith.constant 48 : index
      %get3A_1878 = tpu.vector_load %arg5[%get3A_1876, %get3A_1877] {strides = array<i32>} : memref<8x128xi32, #tpu.memory_space<vmem>>, vector<1x16xi32>,
      %get3A_1879 = vector.shape_cast %get3A_1878 : vector<1x16xi32> to vector<16xi32>
      %mul3A_1880 = arith.constant 1024 : i32
      %mul3A_1881 = vector.broadcast %mul3A_1880 : i32 to vector<16xi32>
      %mul3A_1882 = arith.muli %get3A_1879, %mul3A_1881 : vector<16xi32>
      %add3A_1883 = arith.addi %mul3A_1882, %add3A_1874 : vector<16xi32>
      %swap3A_1884 = arith.constant 0 : i32
      %swap3A_1885 = arith.index_cast %swap3A_1884 : i32 to index
      %swap3A_1886 = arith.constant 48 : index
      %swap3A_1887 = tpu.vector_load %arg5[%swap3A_1885, %swap3A_1886] {strides = array<i32>} : memref<8x128xi32, #tpu.memory_space<vmem>>, vector<1x16xi32>,
      %swap3A_1888 = vector.shape_cast %swap3A_1887 : vector<1x16xi32> to vector<16xi32>
      %swap3A_1889 = vector.shape_cast %add3A_1883 : vector<16xi32> to vector<1x16xi32>
      tpu.vector_store %arg5[%swap3A_1885, %swap3A_1886], %swap3A_1889 {strides = array<i32>} : memref<8x128xi32, #tpu.memory_space<vmem>>, vector<1x16xi32>,
      %add3A_1890 = arith.constant 64 : i32
      %add3A_1891 = arith.addi %mul3A_1809, %add3A_1890 : i32
      %iota3A_1892 = tpu.iota {dimensions = array<i32: 0>} : vector<16xi32>
      %add3A_1893 = vector.broadcast %add3A_1891 : i32 to vector<16xi32>
      %add3A_1894 = arith.addi %add3A_1893, %iota3A_1892 : vector<16xi32>
      %get3A_1895 = arith.constant 0 : i32
      %get3A_1896 = arith.index_cast %get3A_1895 : i32 to index
      %get3A_1897 = arith.constant 64 : index
      %get3A_1898 = tpu.vector_load %arg5[%get3A_1896, %get3A_1897] {strides = array<i32>} : memref<8x128xi32, #tpu.memory_space<vmem>>, vector<1x16xi32>,
      %get3A_1899 = vector.shape_cast %get3A_1898 : vector<1x16xi32> to vector<16xi32>
      %mul3A_1900 = arith.constant 1024 : i32
      %mul3A_1901 = vector.broadcast %mul3A_1900 : i32 to vector<16xi32>
      %mul3A_1902 = arith.muli %get3A_1899, %mul3A_1901 : vector<16xi32>
      %add3A_1903 = arith.addi %mul3A_1902, %add3A_1894 : vector<16xi32>
      %swap3A_1904 = arith.constant 0 : i32
      %swap3A_1905 = arith.index_cast %swap3A_1904 : i32 to index
      %swap3A_1906 = arith.constant 64 : index
      %swap3A_1907 = tpu.vector_load %arg5[%swap3A_1905, %swap3A_1906] {strides = array<i32>} : memref<8x128xi32, #tpu.memory_space<vmem>>, vector<1x16xi32>,
      %swap3A_1908 = vector.shape_cast %swap3A_1907 : vector<1x16xi32> to vector<16xi32>
      %swap3A_1909 = vector.shape_cast %add3A_1903 : vector<16xi32> to vector<1x16xi32>
      tpu.vector_store %arg5[%swap3A_1905, %swap3A_1906], %swap3A_1909 {strides = array<i32>} : memref<8x128xi32, #tpu.memory_space<vmem>>, vector<1x16xi32>,
      %add3A_1910 = arith.constant 80 : i32
      %add3A_1911 = arith.addi %mul3A_1809, %add3A_1910 : i32
      %iota3A_1912 = tpu.iota {dimensions = array<i32: 0>} : vector<16xi32>
      %add3A_1913 = vector.broadcast %add3A_1911 : i32 to vector<16xi32>
      %add3A_1914 = arith.addi %add3A_1913, %iota3A_1912 : vector<16xi32>
      %get3A_1915 = arith.constant 0 : i32
      %get3A_1916 = arith.index_cast %get3A_1915 : i32 to index
      %get3A_1917 = arith.constant 80 : index
      %get3A_1918 = tpu.vector_load %arg5[%get3A_1916, %get3A_1917] {strides = array<i32>} : memref<8x128xi32, #tpu.memory_space<vmem>>, vector<1x16xi32>,
      %get3A_1919 = vector.shape_cast %get3A_1918 : vector<1x16xi32> to vector<16xi32>
      %mul3A_1920 = arith.constant 1024 : i32
      %mul3A_1921 = vector.broadcast %mul3A_1920 : i32 to vector<16xi32>
      %mul3A_1922 = arith.muli %get3A_1919, %mul3A_1921 : vector<16xi32>
      %add3A_1923 = arith.addi %mul3A_1922, %add3A_1914 : vector<16xi32>
      %swap3A_1924 = arith.constant 0 : i32
      %swap3A_1925 = arith.index_cast %swap3A_1924 : i32 to index
      %swap3A_1926 = arith.constant 80 : index
      %swap3A_1927 = tpu.vector_load %arg5[%swap3A_1925, %swap3A_1926] {strides = array<i32>} : memref<8x128xi32, #tpu.memory_space<vmem>>, vector<1x16xi32>,
      %swap3A_1928 = vector.shape_cast %swap3A_1927 : vector<1x16xi32> to vector<16xi32>
      %swap3A_1929 = vector.shape_cast %add3A_1923 : vector<16xi32> to vector<1x16xi32>
      tpu.vector_store %arg5[%swap3A_1925, %swap3A_1926], %swap3A_1929 {strides = array<i32>} : memref<8x128xi32, #tpu.memory_space<vmem>>, vector<1x16xi32>,
      %add3A_1930 = arith.constant 96 : i32
      %add3A_1931 = arith.addi %mul3A_1809, %add3A_1930 : i32
      %iota3A_1932 = tpu.iota {dimensions = array<i32: 0>} : vector<16xi32>
      %add3A_1933 = vector.broadcast %add3A_1931 : i32 to vector<16xi32>
      %add3A_1934 = arith.addi %add3A_1933, %iota3A_1932 : vector<16xi32>
      %get3A_1935 = arith.constant 0 : i32
      %get3A_1936 = arith.index_cast %get3A_1935 : i32 to index
      %get3A_1937 = arith.constant 96 : index
      %get3A_1938 = tpu.vector_load %arg5[%get3A_1936, %get3A_1937] {strides = array<i32>} : memref<8x128xi32, #tpu.memory_space<vmem>>, vector<1x16xi32>,
      %get3A_1939 = vector.shape_cast %get3A_1938 : vector<1x16xi32> to vector<16xi32>
      %mul3A_1940 = arith.constant 1024 : i32
      %mul3A_1941 = vector.broadcast %mul3A_1940 : i32 to vector<16xi32>
      %mul3A_1942 = arith.muli %get3A_1939, %mul3A_1941 : vector<16xi32>
      %add3A_1943 = arith.addi %mul3A_1942, %add3A_1934 : vector<16xi32>
      %swap3A_1944 = arith.constant 0 : i32
      %swap3A_1945 = arith.index_cast %swap3A_1944 : i32 to index
      %swap3A_1946 = arith.constant 96 : index
      %swap3A_1947 = tpu.vector_load %arg5[%swap3A_1945, %swap3A_1946] {strides = array<i32>} : memref<8x128xi32, #tpu.memory_space<vmem>>, vector<1x16xi32>,
      %swap3A_1948 = vector.shape_cast %swap3A_1947 : vector<1x16xi32> to vector<16xi32>
      %swap3A_1949 = vector.shape_cast %add3A_1943 : vector<16xi32> to vector<1x16xi32>
      tpu.vector_store %arg5[%swap3A_1945, %swap3A_1946], %swap3A_1949 {strides = array<i32>} : memref<8x128xi32, #tpu.memory_space<vmem>>, vector<1x16xi32>,
      %add3A_1950 = arith.constant 112 : i32
      %add3A_1951 = arith.addi %mul3A_1809, %add3A_1950 : i32
      %iota3A_1952 = tpu.iota {dimensions = array<i32: 0>} : vector<16xi32>
      %add3A_1953 = vector.broadcast %add3A_1951 : i32 to vector<16xi32>
      %add3A_1954 = arith.addi %add3A_1953, %iota3A_1952 : vector<16xi32>
      %get3A_1955 = arith.constant 0 : i32
      %get3A_1956 = arith.index_cast %get3A_1955 : i32 to index
      %get3A_1957 = arith.constant 112 : index
      %get3A_1958 = tpu.vector_load %arg5[%get3A_1956, %get3A_1957] {strides = array<i32>} : memref<8x128xi32, #tpu.memory_space<vmem>>, vector<1x16xi32>,
      %get3A_1959 = vector.shape_cast %get3A_1958 : vector<1x16xi32> to vector<16xi32>
      %mul3A_1960 = arith.constant 1024 : i32
      %mul3A_1961 = vector.broadcast %mul3A_1960 : i32 to vector<16xi32>
      %mul3A_1962 = arith.muli %get3A_1959, %mul3A_1961 : vector<16xi32>
      %add3A_1963 = arith.addi %mul3A_1962, %add3A_1954 : vector<16xi32>
      %swap3A_1964 = arith.constant 0 : i32
      %swap3A_1965 = arith.index_cast %swap3A_1964 : i32 to index
      %swap3A_1966 = arith.constant 112 : index
      %swap3A_1967 = tpu.vector_load %arg5[%swap3A_1965, %swap3A_1966] {strides = array<i32>} : memref<8x128xi32, #tpu.memory_space<vmem>>, vector<1x16xi32>,
      %swap3A_1968 = vector.shape_cast %swap3A_1967 : vector<1x16xi32> to vector<16xi32>
      %swap3A_1969 = vector.shape_cast %add3A_1963 : vector<16xi32> to vector<1x16xi32>
      tpu.vector_store %arg5[%swap3A_1965, %swap3A_1966], %swap3A_1969 {strides = array<i32>} : memref<8x128xi32, #tpu.memory_space<vmem>>, vector<1x16xi32>,
      %add3A_1970 = arith.constant 1 : i32
      %add3A_1971 = arith.addi %add3A_1803, %add3A_1970 : i32
      %rem3A_1972 = arith.constant 8 : i32
      %rem3A_1973 = arith.remsi %add3A_1971, %rem3A_1972 : i32
      %mul3A_1974 = arith.constant 128 : i32
      %mul3A_1975 = arith.muli %rem3A_1973, %mul3A_1974 : i32
      %add3A_1976 = arith.constant 0 : i32
      %add3A_1977 = arith.addi %mul3A_1975, %add3A_1976 : i32
      %iota3A_1978 = tpu.iota {dimensions = array<i32: 0>} : vector<16xi32>
      %add3A_1979 = vector.broadcast %add3A_1977 : i32 to vector<16xi32>
      %add3A_1980 = arith.addi %add3A_1979, %iota3A_1978 : vector<16xi32>
      %get3A_1981 = arith.constant 1 : i32
      %get3A_1982 = arith.index_cast %get3A_1981 : i32 to index
      %get3A_1983 = arith.constant 0 : index
      %get3A_1984 = tpu.vector_load %arg5[%get3A_1982, %get3A_1983] {strides = array<i32>} : memref<8x128xi32, #tpu.memory_space<vmem>>, vector<1x16xi32>,
      %get3A_1985 = vector.shape_cast %get3A_1984 : vector<1x16xi32> to vector<16xi32>
      %mul3A_1986 = arith.constant 1024 : i32
      %mul3A_1987 = vector.broadcast %mul3A_1986 : i32 to vector<16xi32>
      %mul3A_1988 = arith.muli %get3A_1985, %mul3A_1987 : vector<16xi32>
      %add3A_1989 = arith.addi %mul3A_1988, %add3A_1980 : vector<16xi32>
      %swap3A_1990 = arith.constant 1 : i32
      %swap3A_1991 = arith.index_cast %swap3A_1990 : i32 to index
      %swap3A_1992 = arith.constant 0 : index
      %swap3A_1993 = tpu.vector_load %arg5[%swap3A_1991, %swap3A_1992] {strides = array<i32>} : memref<8x128xi32, #tpu.memory_space<vmem>>, vector<1x16xi32>,
      %swap3A_1994 = vector.shape_cast %swap3A_1993 : vector<1x16xi32> to vector<16xi32>
      %swap3A_1995 = vector.shape_cast %add3A_1989 : vector<16xi32> to vector<1x16xi32>
      tpu.vector_store %arg5[%swap3A_1991, %swap3A_1992], %swap3A_1995 {strides = array<i32>} : memref<8x128xi32, #tpu.memory_space<vmem>>, vector<1x16xi32>,
      %add3A_1996 = arith.constant 16 : i32
      %add3A_1997 = arith.addi %mul3A_1975, %add3A_1996 : i32
      %iota3A_1998 = tpu.iota {dimensions = array<i32: 0>} : vector<16xi32>
      %add3A_1999 = vector.broadcast %add3A_1997 : i32 to vector<16xi32>
      %add3A_2000 = arith.addi %add3A_1999, %iota3A_1998 : vector<16xi32>
      %get3A_2001 = arith.constant 1 : i32
      %get3A_2002 = arith.index_cast %get3A_2001 : i32 to index
      %get3A_2003 = arith.constant 16 : index
      %get3A_2004 = tpu.vector_load %arg5[%get3A_2002, %get3A_2003] {strides = array<i32>} : memref<8x128xi32, #tpu.memory_space<vmem>>, vector<1x16xi32>,
      %get3A_2005 = vector.shape_cast %get3A_2004 : vector<1x16xi32> to vector<16xi32>
      %mul3A_2006 = arith.constant 1024 : i32
      %mul3A_2007 = vector.broadcast %mul3A_2006 : i32 to vector<16xi32>
      %mul3A_2008 = arith.muli %get3A_2005, %mul3A_2007 : vector<16xi32>
      %add3A_2009 = arith.addi %mul3A_2008, %add3A_2000 : vector<16xi32>
      %swap3A_2010 = arith.constant 1 : i32
      %swap3A_2011 = arith.index_cast %swap3A_2010 : i32 to index
      %swap3A_2012 = arith.constant 16 : index
      %swap3A_2013 = tpu.vector_load %arg5[%swap3A_2011, %swap3A_2012] {strides = array<i32>} : memref<8x128xi32, #tpu.memory_space<vmem>>, vector<1x16xi32>,
      %swap3A_2014 = vector.shape_cast %swap3A_2013 : vector<1x16xi32> to vector<16xi32>
      %swap3A_2015 = vector.shape_cast %add3A_2009 : vector<16xi32> to vector<1x16xi32>
      tpu.vector_store %arg5[%swap3A_2011, %swap3A_2012], %swap3A_2015 {strides = array<i32>} : memref<8x128xi32, #tpu.memory_space<vmem>>, vector<1x16xi32>,
      %add3A_2016 = arith.constant 32 : i32
      %add3A_2017 = arith.addi %mul3A_1975, %add3A_2016 : i32
      %iota3A_2018 = tpu.iota {dimensions = array<i32: 0>} : vector<16xi32>
      %add3A_2019 = vector.broadcast %add3A_2017 : i32 to vector<16xi32>
      %add3A_2020 = arith.addi %add3A_2019, %iota3A_2018 : vector<16xi32>
      %get3A_2021 = arith.constant 1 : i32
      %get3A_2022 = arith.index_cast %get3A_2021 : i32 to index
      %get3A_2023 = arith.constant 32 : index
      %get3A_2024 = tpu.vector_load %arg5[%get3A_2022, %get3A_2023] {strides = array<i32>} : memref<8x128xi32, #tpu.memory_space<vmem>>, vector<1x16xi32>,
      %get3A_2025 = vector.shape_cast %get3A_2024 : vector<1x16xi32> to vector<16xi32>
      %mul3A_2026 = arith.constant 1024 : i32
      %mul3A_2027 = vector.broadcast %mul3A_2026 : i32 to vector<16xi32>
      %mul3A_2028 = arith.muli %get3A_2025, %mul3A_2027 : vector<16xi32>
      %add3A_2029 = arith.addi %mul3A_2028, %add3A_2020 : vector<16xi32>
      %swap3A_2030 = arith.constant 1 : i32
      %swap3A_2031 = arith.index_cast %swap3A_2030 : i32 to index
      %swap3A_2032 = arith.constant 32 : index
      %swap3A_2033 = tpu.vector_load %arg5[%swap3A_2031, %swap3A_2032] {strides = array<i32>} : memref<8x128xi32, #tpu.memory_space<vmem>>, vector<1x16xi32>,
      %swap3A_2034 = vector.shape_cast %swap3A_2033 : vector<1x16xi32> to vector<16xi32>
      %swap3A_2035 = vector.shape_cast %add3A_2029 : vector<16xi32> to vector<1x16xi32>
      tpu.vector_store %arg5[%swap3A_2031, %swap3A_2032], %swap3A_2035 {strides = array<i32>} : memref<8x128xi32, #tpu.memory_space<vmem>>, vector<1x16xi32>,
      %add3A_2036 = arith.constant 48 : i32
      %add3A_2037 = arith.addi %mul3A_1975, %add3A_2036 : i32
      %iota3A_2038 = tpu.iota {dimensions = array<i32: 0>} : vector<16xi32>
      %add3A_2039 = vector.broadcast %add3A_2037 : i32 to vector<16xi32>
      %add3A_2040 = arith.addi %add3A_2039, %iota3A_2038 : vector<16xi32>
      %get3A_2041 = arith.constant 1 : i32
      %get3A_2042 = arith.index_cast %get3A_2041 : i32 to index
      %get3A_2043 = arith.constant 48 : index
      %get3A_2044 = tpu.vector_load %arg5[%get3A_2042, %get3A_2043] {strides = array<i32>} : memref<8x128xi32, #tpu.memory_space<vmem>>, vector<1x16xi32>,
      %get3A_2045 = vector.shape_cast %get3A_2044 : vector<1x16xi32> to vector<16xi32>
      %mul3A_2046 = arith.constant 1024 : i32
      %mul3A_2047 = vector.broadcast %mul3A_2046 : i32 to vector<16xi32>
      %mul3A_2048 = arith.muli %get3A_2045, %mul3A_2047 : vector<16xi32>
      %add3A_2049 = arith.addi %mul3A_2048, %add3A_2040 : vector<16xi32>
      %swap3A_2050 = arith.constant 1 : i32
      %swap3A_2051 = arith.index_cast %swap3A_2050 : i32 to index
      %swap3A_2052 = arith.constant 48 : index
      %swap3A_2053 = tpu.vector_load %arg5[%swap3A_2051, %swap3A_2052] {strides = array<i32>} : memref<8x128xi32, #tpu.memory_space<vmem>>, vector<1x16xi32>,
      %swap3A_2054 = vector.shape_cast %swap3A_2053 : vector<1x16xi32> to vector<16xi32>
      %swap3A_2055 = vector.shape_cast %add3A_2049 : vector<16xi32> to vector<1x16xi32>
      tpu.vector_store %arg5[%swap3A_2051, %swap3A_2052], %swap3A_2055 {strides = array<i32>} : memref<8x128xi32, #tpu.memory_space<vmem>>, vector<1x16xi32>,
      %add3A_2056 = arith.constant 64 : i32
      %add3A_2057 = arith.addi %mul3A_1975, %add3A_2056 : i32
      %iota3A_2058 = tpu.iota {dimensions = array<i32: 0>} : vector<16xi32>
      %add3A_2059 = vector.broadcast %add3A_2057 : i32 to vector<16xi32>
      %add3A_2060 = arith.addi %add3A_2059, %iota3A_2058 : vector<16xi32>
      %get3A_2061 = arith.constant 1 : i32
      %get3A_2062 = arith.index_cast %get3A_2061 : i32 to index
      %get3A_2063 = arith.constant 64 : index
      %get3A_2064 = tpu.vector_load %arg5[%get3A_2062, %get3A_2063] {strides = array<i32>} : memref<8x128xi32, #tpu.memory_space<vmem>>, vector<1x16xi32>,
      %get3A_2065 = vector.shape_cast %get3A_2064 : vector<1x16xi32> to vector<16xi32>
      %mul3A_2066 = arith.constant 1024 : i32
      %mul3A_2067 = vector.broadcast %mul3A_2066 : i32 to vector<16xi32>
      %mul3A_2068 = arith.muli %get3A_2065, %mul3A_2067 : vector<16xi32>
      %add3A_2069 = arith.addi %mul3A_2068, %add3A_2060 : vector<16xi32>
      %swap3A_2070 = arith.constant 1 : i32
      %swap3A_2071 = arith.index_cast %swap3A_2070 : i32 to index
      %swap3A_2072 = arith.constant 64 : index
      %swap3A_2073 = tpu.vector_load %arg5[%swap3A_2071, %swap3A_2072] {strides = array<i32>} : memref<8x128xi32, #tpu.memory_space<vmem>>, vector<1x16xi32>,
      %swap3A_2074 = vector.shape_cast %swap3A_2073 : vector<1x16xi32> to vector<16xi32>
      %swap3A_2075 = vector.shape_cast %add3A_2069 : vector<16xi32> to vector<1x16xi32>
      tpu.vector_store %arg5[%swap3A_2071, %swap3A_2072], %swap3A_2075 {strides = array<i32>} : memref<8x128xi32, #tpu.memory_space<vmem>>, vector<1x16xi32>,
      %add3A_2076 = arith.constant 80 : i32
      %add3A_2077 = arith.addi %mul3A_1975, %add3A_2076 : i32
      %iota3A_2078 = tpu.iota {dimensions = array<i32: 0>} : vector<16xi32>
      %add3A_2079 = vector.broadcast %add3A_2077 : i32 to vector<16xi32>
      %add3A_2080 = arith.addi %add3A_2079, %iota3A_2078 : vector<16xi32>
      %get3A_2081 = arith.constant 1 : i32
      %get3A_2082 = arith.index_cast %get3A_2081 : i32 to index
      %get3A_2083 = arith.constant 80 : index
      %get3A_2084 = tpu.vector_load %arg5[%get3A_2082, %get3A_2083] {strides = array<i32>} : memref<8x128xi32, #tpu.memory_space<vmem>>, vector<1x16xi32>,
      %get3A_2085 = vector.shape_cast %get3A_2084 : vector<1x16xi32> to vector<16xi32>
      %mul3A_2086 = arith.constant 1024 : i32
      %mul3A_2087 = vector.broadcast %mul3A_2086 : i32 to vector<16xi32>
      %mul3A_2088 = arith.muli %get3A_2085, %mul3A_2087 : vector<16xi32>
      %add3A_2089 = arith.addi %mul3A_2088, %add3A_2080 : vector<16xi32>
      %swap3A_2090 = arith.constant 1 : i32
      %swap3A_2091 = arith.index_cast %swap3A_2090 : i32 to index
      %swap3A_2092 = arith.constant 80 : index
      %swap3A_2093 = tpu.vector_load %arg5[%swap3A_2091, %swap3A_2092] {strides = array<i32>} : memref<8x128xi32, #tpu.memory_space<vmem>>, vector<1x16xi32>,
      %swap3A_2094 = vector.shape_cast %swap3A_2093 : vector<1x16xi32> to vector<16xi32>
      %swap3A_2095 = vector.shape_cast %add3A_2089 : vector<16xi32> to vector<1x16xi32>
      tpu.vector_store %arg5[%swap3A_2091, %swap3A_2092], %swap3A_2095 {strides = array<i32>} : memref<8x128xi32, #tpu.memory_space<vmem>>, vector<1x16xi32>,
      %add3A_2096 = arith.constant 96 : i32
      %add3A_2097 = arith.addi %mul3A_1975, %add3A_2096 : i32
      %iota3A_2098 = tpu.iota {dimensions = array<i32: 0>} : vector<16xi32>
      %add3A_2099 = vector.broadcast %add3A_2097 : i32 to vector<16xi32>
      %add3A_2100 = arith.addi %add3A_2099, %iota3A_2098 : vector<16xi32>
      %get3A_2101 = arith.constant 1 : i32
      %get3A_2102 = arith.index_cast %get3A_2101 : i32 to index
      %get3A_2103 = arith.constant 96 : index
      %get3A_2104 = tpu.vector_load %arg5[%get3A_2102, %get3A_2103] {strides = array<i32>} : memref<8x128xi32, #tpu.memory_space<vmem>>, vector<1x16xi32>,
      %get3A_2105 = vector.shape_cast %get3A_2104 : vector<1x16xi32> to vector<16xi32>
      %mul3A_2106 = arith.constant 1024 : i32
      %mul3A_2107 = vector.broadcast %mul3A_2106 : i32 to vector<16xi32>
      %mul3A_2108 = arith.muli %get3A_2105, %mul3A_2107 : vector<16xi32>
      %add3A_2109 = arith.addi %mul3A_2108, %add3A_2100 : vector<16xi32>
      %swap3A_2110 = arith.constant 1 : i32
      %swap3A_2111 = arith.index_cast %swap3A_2110 : i32 to index
      %swap3A_2112 = arith.constant 96 : index
      %swap3A_2113 = tpu.vector_load %arg5[%swap3A_2111, %swap3A_2112] {strides = array<i32>} : memref<8x128xi32, #tpu.memory_space<vmem>>, vector<1x16xi32>,
      %swap3A_2114 = vector.shape_cast %swap3A_2113 : vector<1x16xi32> to vector<16xi32>
      %swap3A_2115 = vector.shape_cast %add3A_2109 : vector<16xi32> to vector<1x16xi32>
      tpu.vector_store %arg5[%swap3A_2111, %swap3A_2112], %swap3A_2115 {strides = array<i32>} : memref<8x128xi32, #tpu.memory_space<vmem>>, vector<1x16xi32>,
      %add3A_2116 = arith.constant 112 : i32
      %add3A_2117 = arith.addi %mul3A_1975, %add3A_2116 : i32
      %iota3A_2118 = tpu.iota {dimensions = array<i32: 0>} : vector<16xi32>
      %add3A_2119 = vector.broadcast %add3A_2117 : i32 to vector<16xi32>
      %add3A_2120 = arith.addi %add3A_2119, %iota3A_2118 : vector<16xi32>
      %get3A_2121 = arith.constant 1 : i32
      %get3A_2122 = arith.index_cast %get3A_2121 : i32 to index
      %get3A_2123 = arith.constant 112 : index
      %get3A_2124 = tpu.vector_load %arg5[%get3A_2122, %get3A_2123] {strides = array<i32>} : memref<8x128xi32, #tpu.memory_space<vmem>>, vector<1x16xi32>,
      %get3A_2125 = vector.shape_cast %get3A_2124 : vector<1x16xi32> to vector<16xi32>
      %mul3A_2126 = arith.constant 1024 : i32
      %mul3A_2127 = vector.broadcast %mul3A_2126 : i32 to vector<16xi32>
      %mul3A_2128 = arith.muli %get3A_2125, %mul3A_2127 : vector<16xi32>
      %add3A_2129 = arith.addi %mul3A_2128, %add3A_2120 : vector<16xi32>
      %swap3A_2130 = arith.constant 1 : i32
      %swap3A_2131 = arith.index_cast %swap3A_2130 : i32 to index
      %swap3A_2132 = arith.constant 112 : index
      %swap3A_2133 = tpu.vector_load %arg5[%swap3A_2131, %swap3A_2132] {strides = array<i32>} : memref<8x128xi32, #tpu.memory_space<vmem>>, vector<1x16xi32>,
      %swap3A_2134 = vector.shape_cast %swap3A_2133 : vector<1x16xi32> to vector<16xi32>
      %swap3A_2135 = vector.shape_cast %add3A_2129 : vector<16xi32> to vector<1x16xi32>
      tpu.vector_store %arg5[%swap3A_2131, %swap3A_2132], %swap3A_2135 {strides = array<i32>} : memref<8x128xi32, #tpu.memory_space<vmem>>, vector<1x16xi32>,
      %add3A_2136 = arith.constant 2 : i32
      %add3A_2137 = arith.addi %add3A_1803, %add3A_2136 : i32
      %rem3A_2138 = arith.constant 8 : i32
      %rem3A_2139 = arith.remsi %add3A_2137, %rem3A_2138 : i32
      %mul3A_2140 = arith.constant 128 : i32
      %mul3A_2141 = arith.muli %rem3A_2139, %mul3A_2140 : i32
      %add3A_2142 = arith.constant 0 : i32
      %add3A_2143 = arith.addi %mul3A_2141, %add3A_2142 : i32
      %iota3A_2144 = tpu.iota {dimensions = array<i32: 0>} : vector<16xi32>
      %add3A_2145 = vector.broadcast %add3A_2143 : i32 to vector<16xi32>
      %add3A_2146 = arith.addi %add3A_2145, %iota3A_2144 : vector<16xi32>
      %get3A_2147 = arith.constant 2 : i32
      %get3A_2148 = arith.index_cast %get3A_2147 : i32 to index
      %get3A_2149 = arith.constant 0 : index
      %get3A_2150 = tpu.vector_load %arg5[%get3A_2148, %get3A_2149] {strides = array<i32>} : memref<8x128xi32, #tpu.memory_space<vmem>>, vector<1x16xi32>,
      %get3A_2151 = vector.shape_cast %get3A_2150 : vector<1x16xi32> to vector<16xi32>
      %mul3A_2152 = arith.constant 1024 : i32
      %mul3A_2153 = vector.broadcast %mul3A_2152 : i32 to vector<16xi32>
      %mul3A_2154 = arith.muli %get3A_2151, %mul3A_2153 : vector<16xi32>
      %add3A_2155 = arith.addi %mul3A_2154, %add3A_2146 : vector<16xi32>
      %swap3A_2156 = arith.constant 2 : i32
      %swap3A_2157 = arith.index_cast %swap3A_2156 : i32 to index
      %swap3A_2158 = arith.constant 0 : index
      %swap3A_2159 = tpu.vector_load %arg5[%swap3A_2157, %swap3A_2158] {strides = array<i32>} : memref<8x128xi32, #tpu.memory_space<vmem>>, vector<1x16xi32>,
      %swap3A_2160 = vector.shape_cast %swap3A_2159 : vector<1x16xi32> to vector<16xi32>
      %swap3A_2161 = vector.shape_cast %add3A_2155 : vector<16xi32> to vector<1x16xi32>
      tpu.vector_store %arg5[%swap3A_2157, %swap3A_2158], %swap3A_2161 {strides = array<i32>} : memref<8x128xi32, #tpu.memory_space<vmem>>, vector<1x16xi32>,
      %add3A_2162 = arith.constant 16 : i32
      %add3A_2163 = arith.addi %mul3A_2141, %add3A_2162 : i32
      %iota3A_2164 = tpu.iota {dimensions = array<i32: 0>} : vector<16xi32>
      %add3A_2165 = vector.broadcast %add3A_2163 : i32 to vector<16xi32>
      %add3A_2166 = arith.addi %add3A_2165, %iota3A_2164 : vector<16xi32>
      %get3A_2167 = arith.constant 2 : i32
      %get3A_2168 = arith.index_cast %get3A_2167 : i32 to index
      %get3A_2169 = arith.constant 16 : index
      %get3A_2170 = tpu.vector_load %arg5[%get3A_2168, %get3A_2169] {strides = array<i32>} : memref<8x128xi32, #tpu.memory_space<vmem>>, vector<1x16xi32>,
      %get3A_2171 = vector.shape_cast %get3A_2170 : vector<1x16xi32> to vector<16xi32>
      %mul3A_2172 = arith.constant 1024 : i32
      %mul3A_2173 = vector.broadcast %mul3A_2172 : i32 to vector<16xi32>
      %mul3A_2174 = arith.muli %get3A_2171, %mul3A_2173 : vector<16xi32>
      %add3A_2175 = arith.addi %mul3A_2174, %add3A_2166 : vector<16xi32>
      %swap3A_2176 = arith.constant 2 : i32
      %swap3A_2177 = arith.index_cast %swap3A_2176 : i32 to index
      %swap3A_2178 = arith.constant 16 : index
      %swap3A_2179 = tpu.vector_load %arg5[%swap3A_2177, %swap3A_2178] {strides = array<i32>} : memref<8x128xi32, #tpu.memory_space<vmem>>, vector<1x16xi32>,
      %swap3A_2180 = vector.shape_cast %swap3A_2179 : vector<1x16xi32> to vector<16xi32>
      %swap3A_2181 = vector.shape_cast %add3A_2175 : vector<16xi32> to vector<1x16xi32>
      tpu.vector_store %arg5[%swap3A_2177, %swap3A_2178], %swap3A_2181 {strides = array<i32>} : memref<8x128xi32, #tpu.memory_space<vmem>>, vector<1x16xi32>,
      %add3A_2182 = arith.constant 32 : i32
      %add3A_2183 = arith.addi %mul3A_2141, %add3A_2182 : i32
      %iota3A_2184 = tpu.iota {dimensions = array<i32: 0>} : vector<16xi32>
      %add3A_2185 = vector.broadcast %add3A_2183 : i32 to vector<16xi32>
      %add3A_2186 = arith.addi %add3A_2185, %iota3A_2184 : vector<16xi32>
      %get3A_2187 = arith.constant 2 : i32
      %get3A_2188 = arith.index_cast %get3A_2187 : i32 to index
      %get3A_2189 = arith.constant 32 : index
      %get3A_2190 = tpu.vector_load %arg5[%get3A_2188, %get3A_2189] {strides = array<i32>} : memref<8x128xi32, #tpu.memory_space<vmem>>, vector<1x16xi32>,
      %get3A_2191 = vector.shape_cast %get3A_2190 : vector<1x16xi32> to vector<16xi32>
      %mul3A_2192 = arith.constant 1024 : i32
      %mul3A_2193 = vector.broadcast %mul3A_2192 : i32 to vector<16xi32>
      %mul3A_2194 = arith.muli %get3A_2191, %mul3A_2193 : vector<16xi32>
      %add3A_2195 = arith.addi %mul3A_2194, %add3A_2186 : vector<16xi32>
      %swap3A_2196 = arith.constant 2 : i32
      %swap3A_2197 = arith.index_cast %swap3A_2196 : i32 to index
      %swap3A_2198 = arith.constant 32 : index
      %swap3A_2199 = tpu.vector_load %arg5[%swap3A_2197, %swap3A_2198] {strides = array<i32>} : memref<8x128xi32, #tpu.memory_space<vmem>>, vector<1x16xi32>,
      %swap3A_2200 = vector.shape_cast %swap3A_2199 : vector<1x16xi32> to vector<16xi32>
      %swap3A_2201 = vector.shape_cast %add3A_2195 : vector<16xi32> to vector<1x16xi32>
      tpu.vector_store %arg5[%swap3A_2197, %swap3A_2198], %swap3A_2201 {strides = array<i32>} : memref<8x128xi32, #tpu.memory_space<vmem>>, vector<1x16xi32>,
      %add3A_2202 = arith.constant 48 : i32
      %add3A_2203 = arith.addi %mul3A_2141, %add3A_2202 : i32
      %iota3A_2204 = tpu.iota {dimensions = array<i32: 0>} : vector<16xi32>
      %add3A_2205 = vector.broadcast %add3A_2203 : i32 to vector<16xi32>
      %add3A_2206 = arith.addi %add3A_2205, %iota3A_2204 : vector<16xi32>
      %get3A_2207 = arith.constant 2 : i32
      %get3A_2208 = arith.index_cast %get3A_2207 : i32 to index
      %get3A_2209 = arith.constant 48 : index
      %get3A_2210 = tpu.vector_load %arg5[%get3A_2208, %get3A_2209] {strides = array<i32>} : memref<8x128xi32, #tpu.memory_space<vmem>>, vector<1x16xi32>,
      %get3A_2211 = vector.shape_cast %get3A_2210 : vector<1x16xi32> to vector<16xi32>
      %mul3A_2212 = arith.constant 1024 : i32
      %mul3A_2213 = vector.broadcast %mul3A_2212 : i32 to vector<16xi32>
      %mul3A_2214 = arith.muli %get3A_2211, %mul3A_2213 : vector<16xi32>
      %add3A_2215 = arith.addi %mul3A_2214, %add3A_2206 : vector<16xi32>
      %swap3A_2216 = arith.constant 2 : i32
      %swap3A_2217 = arith.index_cast %swap3A_2216 : i32 to index
      %swap3A_2218 = arith.constant 48 : index
      %swap3A_2219 = tpu.vector_load %arg5[%swap3A_2217, %swap3A_2218] {strides = array<i32>} : memref<8x128xi32, #tpu.memory_space<vmem>>, vector<1x16xi32>,
      %swap3A_2220 = vector.shape_cast %swap3A_2219 : vector<1x16xi32> to vector<16xi32>
      %swap3A_2221 = vector.shape_cast %add3A_2215 : vector<16xi32> to vector<1x16xi32>
      tpu.vector_store %arg5[%swap3A_2217, %swap3A_2218], %swap3A_2221 {strides = array<i32>} : memref<8x128xi32, #tpu.memory_space<vmem>>, vector<1x16xi32>,
      %add3A_2222 = arith.constant 64 : i32
      %add3A_2223 = arith.addi %mul3A_2141, %add3A_2222 : i32
      %iota3A_2224 = tpu.iota {dimensions = array<i32: 0>} : vector<16xi32>
      %add3A_2225 = vector.broadcast %add3A_2223 : i32 to vector<16xi32>
      %add3A_2226 = arith.addi %add3A_2225, %iota3A_2224 : vector<16xi32>
      %get3A_2227 = arith.constant 2 : i32
      %get3A_2228 = arith.index_cast %get3A_2227 : i32 to index
      %get3A_2229 = arith.constant 64 : index
      %get3A_2230 = tpu.vector_load %arg5[%get3A_2228, %get3A_2229] {strides = array<i32>} : memref<8x128xi32, #tpu.memory_space<vmem>>, vector<1x16xi32>,
      %get3A_2231 = vector.shape_cast %get3A_2230 : vector<1x16xi32> to vector<16xi32>
      %mul3A_2232 = arith.constant 1024 : i32
      %mul3A_2233 = vector.broadcast %mul3A_2232 : i32 to vector<16xi32>
      %mul3A_2234 = arith.muli %get3A_2231, %mul3A_2233 : vector<16xi32>
      %add3A_2235 = arith.addi %mul3A_2234, %add3A_2226 : vector<16xi32>
      %swap3A_2236 = arith.constant 2 : i32
      %swap3A_2237 = arith.index_cast %swap3A_2236 : i32 to index
      %swap3A_2238 = arith.constant 64 : index
      %swap3A_2239 = tpu.vector_load %arg5[%swap3A_2237, %swap3A_2238] {strides = array<i32>} : memref<8x128xi32, #tpu.memory_space<vmem>>, vector<1x16xi32>,
      %swap3A_2240 = vector.shape_cast %swap3A_2239 : vector<1x16xi32> to vector<16xi32>
      %swap3A_2241 = vector.shape_cast %add3A_2235 : vector<16xi32> to vector<1x16xi32>
      tpu.vector_store %arg5[%swap3A_2237, %swap3A_2238], %swap3A_2241 {strides = array<i32>} : memref<8x128xi32, #tpu.memory_space<vmem>>, vector<1x16xi32>,
      %add3A_2242 = arith.constant 80 : i32
      %add3A_2243 = arith.addi %mul3A_2141, %add3A_2242 : i32
      %iota3A_2244 = tpu.iota {dimensions = array<i32: 0>} : vector<16xi32>
      %add3A_2245 = vector.broadcast %add3A_2243 : i32 to vector<16xi32>
      %add3A_2246 = arith.addi %add3A_2245, %iota3A_2244 : vector<16xi32>
      %get3A_2247 = arith.constant 2 : i32
      %get3A_2248 = arith.index_cast %get3A_2247 : i32 to index
      %get3A_2249 = arith.constant 80 : index
      %get3A_2250 = tpu.vector_load %arg5[%get3A_2248, %get3A_2249] {strides = array<i32>} : memref<8x128xi32, #tpu.memory_space<vmem>>, vector<1x16xi32>,
      %get3A_2251 = vector.shape_cast %get3A_2250 : vector<1x16xi32> to vector<16xi32>
      %mul3A_2252 = arith.constant 1024 : i32
      %mul3A_2253 = vector.broadcast %mul3A_2252 : i32 to vector<16xi32>
      %mul3A_2254 = arith.muli %get3A_2251, %mul3A_2253 : vector<16xi32>
      %add3A_2255 = arith.addi %mul3A_2254, %add3A_2246 : vector<16xi32>
      %swap3A_2256 = arith.constant 2 : i32
      %swap3A_2257 = arith.index_cast %swap3A_2256 : i32 to index
      %swap3A_2258 = arith.constant 80 : index
      %swap3A_2259 = tpu.vector_load %arg5[%swap3A_2257, %swap3A_2258] {strides = array<i32>} : memref<8x128xi32, #tpu.memory_space<vmem>>, vector<1x16xi32>,
      %swap3A_2260 = vector.shape_cast %swap3A_2259 : vector<1x16xi32> to vector<16xi32>
      %swap3A_2261 = vector.shape_cast %add3A_2255 : vector<16xi32> to vector<1x16xi32>
      tpu.vector_store %arg5[%swap3A_2257, %swap3A_2258], %swap3A_2261 {strides = array<i32>} : memref<8x128xi32, #tpu.memory_space<vmem>>, vector<1x16xi32>,
      %add3A_2262 = arith.constant 96 : i32
      %add3A_2263 = arith.addi %mul3A_2141, %add3A_2262 : i32
      %iota3A_2264 = tpu.iota {dimensions = array<i32: 0>} : vector<16xi32>
      %add3A_2265 = vector.broadcast %add3A_2263 : i32 to vector<16xi32>
      %add3A_2266 = arith.addi %add3A_2265, %iota3A_2264 : vector<16xi32>
      %get3A_2267 = arith.constant 2 : i32
      %get3A_2268 = arith.index_cast %get3A_2267 : i32 to index
      %get3A_2269 = arith.constant 96 : index
      %get3A_2270 = tpu.vector_load %arg5[%get3A_2268, %get3A_2269] {strides = array<i32>} : memref<8x128xi32, #tpu.memory_space<vmem>>, vector<1x16xi32>,
      %get3A_2271 = vector.shape_cast %get3A_2270 : vector<1x16xi32> to vector<16xi32>
      %mul3A_2272 = arith.constant 1024 : i32
      %mul3A_2273 = vector.broadcast %mul3A_2272 : i32 to vector<16xi32>
      %mul3A_2274 = arith.muli %get3A_2271, %mul3A_2273 : vector<16xi32>
      %add3A_2275 = arith.addi %mul3A_2274, %add3A_2266 : vector<16xi32>
      %swap3A_2276 = arith.constant 2 : i32
      %swap3A_2277 = arith.index_cast %swap3A_2276 : i32 to index
      %swap3A_2278 = arith.constant 96 : index
      %swap3A_2279 = tpu.vector_load %arg5[%swap3A_2277, %swap3A_2278] {strides = array<i32>} : memref<8x128xi32, #tpu.memory_space<vmem>>, vector<1x16xi32>,
      %swap3A_2280 = vector.shape_cast %swap3A_2279 : vector<1x16xi32> to vector<16xi32>
      %swap3A_2281 = vector.shape_cast %add3A_2275 : vector<16xi32> to vector<1x16xi32>
      tpu.vector_store %arg5[%swap3A_2277, %swap3A_2278], %swap3A_2281 {strides = array<i32>} : memref<8x128xi32, #tpu.memory_space<vmem>>, vector<1x16xi32>,
      %add3A_2282 = arith.constant 112 : i32
      %add3A_2283 = arith.addi %mul3A_2141, %add3A_2282 : i32
      %iota3A_2284 = tpu.iota {dimensions = array<i32: 0>} : vector<16xi32>
      %add3A_2285 = vector.broadcast %add3A_2283 : i32 to vector<16xi32>
      %add3A_2286 = arith.addi %add3A_2285, %iota3A_2284 : vector<16xi32>
      %get3A_2287 = arith.constant 2 : i32
      %get3A_2288 = arith.index_cast %get3A_2287 : i32 to index
      %get3A_2289 = arith.constant 112 : index
      %get3A_2290 = tpu.vector_load %arg5[%get3A_2288, %get3A_2289] {strides = array<i32>} : memref<8x128xi32, #tpu.memory_space<vmem>>, vector<1x16xi32>,
      %get3A_2291 = vector.shape_cast %get3A_2290 : vector<1x16xi32> to vector<16xi32>
      %mul3A_2292 = arith.constant 1024 : i32
      %mul3A_2293 = vector.broadcast %mul3A_2292 : i32 to vector<16xi32>
      %mul3A_2294 = arith.muli %get3A_2291, %mul3A_2293 : vector<16xi32>
      %add3A_2295 = arith.addi %mul3A_2294, %add3A_2286 : vector<16xi32>
      %swap3A_2296 = arith.constant 2 : i32
      %swap3A_2297 = arith.index_cast %swap3A_2296 : i32 to index
      %swap3A_2298 = arith.constant 112 : index
      %swap3A_2299 = tpu.vector_load %arg5[%swap3A_2297, %swap3A_2298] {strides = array<i32>} : memref<8x128xi32, #tpu.memory_space<vmem>>, vector<1x16xi32>,
      %swap3A_2300 = vector.shape_cast %swap3A_2299 : vector<1x16xi32> to vector<16xi32>
      %swap3A_2301 = vector.shape_cast %add3A_2295 : vector<16xi32> to vector<1x16xi32>
      tpu.vector_store %arg5[%swap3A_2297, %swap3A_2298], %swap3A_2301 {strides = array<i32>} : memref<8x128xi32, #tpu.memory_space<vmem>>, vector<1x16xi32>,
      %add3A_2302 = arith.constant 3 : i32
      %add3A_2303 = arith.addi %add3A_1803, %add3A_2302 : i32
      %rem3A_2304 = arith.constant 8 : i32
      %rem3A_2305 = arith.remsi %add3A_2303, %rem3A_2304 : i32
      %mul3A_2306 = arith.constant 128 : i32
      %mul3A_2307 = arith.muli %rem3A_2305, %mul3A_2306 : i32
      %add3A_2308 = arith.constant 0 : i32
      %add3A_2309 = arith.addi %mul3A_2307, %add3A_2308 : i32
      %iota3A_2310 = tpu.iota {dimensions = array<i32: 0>} : vector<16xi32>
      %add3A_2311 = vector.broadcast %add3A_2309 : i32 to vector<16xi32>
      %add3A_2312 = arith.addi %add3A_2311, %iota3A_2310 : vector<16xi32>
      %get3A_2313 = arith.constant 3 : i32
      %get3A_2314 = arith.index_cast %get3A_2313 : i32 to index
      %get3A_2315 = arith.constant 0 : index
      %get3A_2316 = tpu.vector_load %arg5[%get3A_2314, %get3A_2315] {strides = array<i32>} : memref<8x128xi32, #tpu.memory_space<vmem>>, vector<1x16xi32>,
      %get3A_2317 = vector.shape_cast %get3A_2316 : vector<1x16xi32> to vector<16xi32>
      %mul3A_2318 = arith.constant 1024 : i32
      %mul3A_2319 = vector.broadcast %mul3A_2318 : i32 to vector<16xi32>
      %mul3A_2320 = arith.muli %get3A_2317, %mul3A_2319 : vector<16xi32>
      %add3A_2321 = arith.addi %mul3A_2320, %add3A_2312 : vector<16xi32>
      %swap3A_2322 = arith.constant 3 : i32
      %swap3A_2323 = arith.index_cast %swap3A_2322 : i32 to index
      %swap3A_2324 = arith.constant 0 : index
      %swap3A_2325 = tpu.vector_load %arg5[%swap3A_2323, %swap3A_2324] {strides = array<i32>} : memref<8x128xi32, #tpu.memory_space<vmem>>, vector<1x16xi32>,
      %swap3A_2326 = vector.shape_cast %swap3A_2325 : vector<1x16xi32> to vector<16xi32>
      %swap3A_2327 = vector.shape_cast %add3A_2321 : vector<16xi32> to vector<1x16xi32>
      tpu.vector_store %arg5[%swap3A_2323, %swap3A_2324], %swap3A_2327 {strides = array<i32>} : memref<8x128xi32, #tpu.memory_space<vmem>>, vector<1x16xi32>,
      %add3A_2328 = arith.constant 16 : i32
      %add3A_2329 = arith.addi %mul3A_2307, %add3A_2328 : i32
      %iota3A_2330 = tpu.iota {dimensions = array<i32: 0>} : vector<16xi32>
      %add3A_2331 = vector.broadcast %add3A_2329 : i32 to vector<16xi32>
      %add3A_2332 = arith.addi %add3A_2331, %iota3A_2330 : vector<16xi32>
      %get3A_2333 = arith.constant 3 : i32
      %get3A_2334 = arith.index_cast %get3A_2333 : i32 to index
      %get3A_2335 = arith.constant 16 : index
      %get3A_2336 = tpu.vector_load %arg5[%get3A_2334, %get3A_2335] {strides = array<i32>} : memref<8x128xi32, #tpu.memory_space<vmem>>, vector<1x16xi32>,
      %get3A_2337 = vector.shape_cast %get3A_2336 : vector<1x16xi32> to vector<16xi32>
      %mul3A_2338 = arith.constant 1024 : i32
      %mul3A_2339 = vector.broadcast %mul3A_2338 : i32 to vector<16xi32>
      %mul3A_2340 = arith.muli %get3A_2337, %mul3A_2339 : vector<16xi32>
      %add3A_2341 = arith.addi %mul3A_2340, %add3A_2332 : vector<16xi32>
      %swap3A_2342 = arith.constant 3 : i32
      %swap3A_2343 = arith.index_cast %swap3A_2342 : i32 to index
      %swap3A_2344 = arith.constant 16 : index
      %swap3A_2345 = tpu.vector_load %arg5[%swap3A_2343, %swap3A_2344] {strides = array<i32>} : memref<8x128xi32, #tpu.memory_space<vmem>>, vector<1x16xi32>,
      %swap3A_2346 = vector.shape_cast %swap3A_2345 : vector<1x16xi32> to vector<16xi32>
      %swap3A_2347 = vector.shape_cast %add3A_2341 : vector<16xi32> to vector<1x16xi32>
      tpu.vector_store %arg5[%swap3A_2343, %swap3A_2344], %swap3A_2347 {strides = array<i32>} : memref<8x128xi32, #tpu.memory_space<vmem>>, vector<1x16xi32>,
      %add3A_2348 = arith.constant 32 : i32
      %add3A_2349 = arith.addi %mul3A_2307, %add3A_2348 : i32
      %iota3A_2350 = tpu.iota {dimensions = array<i32: 0>} : vector<16xi32>
      %add3A_2351 = vector.broadcast %add3A_2349 : i32 to vector<16xi32>
      %add3A_2352 = arith.addi %add3A_2351, %iota3A_2350 : vector<16xi32>
      %get3A_2353 = arith.constant 3 : i32
      %get3A_2354 = arith.index_cast %get3A_2353 : i32 to index
      %get3A_2355 = arith.constant 32 : index
      %get3A_2356 = tpu.vector_load %arg5[%get3A_2354, %get3A_2355] {strides = array<i32>} : memref<8x128xi32, #tpu.memory_space<vmem>>, vector<1x16xi32>,
      %get3A_2357 = vector.shape_cast %get3A_2356 : vector<1x16xi32> to vector<16xi32>
      %mul3A_2358 = arith.constant 1024 : i32
      %mul3A_2359 = vector.broadcast %mul3A_2358 : i32 to vector<16xi32>
      %mul3A_2360 = arith.muli %get3A_2357, %mul3A_2359 : vector<16xi32>
      %add3A_2361 = arith.addi %mul3A_2360, %add3A_2352 : vector<16xi32>
      %swap3A_2362 = arith.constant 3 : i32
      %swap3A_2363 = arith.index_cast %swap3A_2362 : i32 to index
      %swap3A_2364 = arith.constant 32 : index
      %swap3A_2365 = tpu.vector_load %arg5[%swap3A_2363, %swap3A_2364] {strides = array<i32>} : memref<8x128xi32, #tpu.memory_space<vmem>>, vector<1x16xi32>,
      %swap3A_2366 = vector.shape_cast %swap3A_2365 : vector<1x16xi32> to vector<16xi32>
      %swap3A_2367 = vector.shape_cast %add3A_2361 : vector<16xi32> to vector<1x16xi32>
      tpu.vector_store %arg5[%swap3A_2363, %swap3A_2364], %swap3A_2367 {strides = array<i32>} : memref<8x128xi32, #tpu.memory_space<vmem>>, vector<1x16xi32>,
      %add3A_2368 = arith.constant 48 : i32
      %add3A_2369 = arith.addi %mul3A_2307, %add3A_2368 : i32
      %iota3A_2370 = tpu.iota {dimensions = array<i32: 0>} : vector<16xi32>
      %add3A_2371 = vector.broadcast %add3A_2369 : i32 to vector<16xi32>
      %add3A_2372 = arith.addi %add3A_2371, %iota3A_2370 : vector<16xi32>
      %get3A_2373 = arith.constant 3 : i32
      %get3A_2374 = arith.index_cast %get3A_2373 : i32 to index
      %get3A_2375 = arith.constant 48 : index
      %get3A_2376 = tpu.vector_load %arg5[%get3A_2374, %get3A_2375] {strides = array<i32>} : memref<8x128xi32, #tpu.memory_space<vmem>>, vector<1x16xi32>,
      %get3A_2377 = vector.shape_cast %get3A_2376 : vector<1x16xi32> to vector<16xi32>
      %mul3A_2378 = arith.constant 1024 : i32
      %mul3A_2379 = vector.broadcast %mul3A_2378 : i32 to vector<16xi32>
      %mul3A_2380 = arith.muli %get3A_2377, %mul3A_2379 : vector<16xi32>
      %add3A_2381 = arith.addi %mul3A_2380, %add3A_2372 : vector<16xi32>
      %swap3A_2382 = arith.constant 3 : i32
      %swap3A_2383 = arith.index_cast %swap3A_2382 : i32 to index
      %swap3A_2384 = arith.constant 48 : index
      %swap3A_2385 = tpu.vector_load %arg5[%swap3A_2383, %swap3A_2384] {strides = array<i32>} : memref<8x128xi32, #tpu.memory_space<vmem>>, vector<1x16xi32>,
      %swap3A_2386 = vector.shape_cast %swap3A_2385 : vector<1x16xi32> to vector<16xi32>
      %swap3A_2387 = vector.shape_cast %add3A_2381 : vector<16xi32> to vector<1x16xi32>
      tpu.vector_store %arg5[%swap3A_2383, %swap3A_2384], %swap3A_2387 {strides = array<i32>} : memref<8x128xi32, #tpu.memory_space<vmem>>, vector<1x16xi32>,
      %add3A_2388 = arith.constant 64 : i32
      %add3A_2389 = arith.addi %mul3A_2307, %add3A_2388 : i32
      %iota3A_2390 = tpu.iota {dimensions = array<i32: 0>} : vector<16xi32>
      %add3A_2391 = vector.broadcast %add3A_2389 : i32 to vector<16xi32>
      %add3A_2392 = arith.addi %add3A_2391, %iota3A_2390 : vector<16xi32>
      %get3A_2393 = arith.constant 3 : i32
      %get3A_2394 = arith.index_cast %get3A_2393 : i32 to index
      %get3A_2395 = arith.constant 64 : index
      %get3A_2396 = tpu.vector_load %arg5[%get3A_2394, %get3A_2395] {strides = array<i32>} : memref<8x128xi32, #tpu.memory_space<vmem>>, vector<1x16xi32>,
      %get3A_2397 = vector.shape_cast %get3A_2396 : vector<1x16xi32> to vector<16xi32>
      %mul3A_2398 = arith.constant 1024 : i32
      %mul3A_2399 = vector.broadcast %mul3A_2398 : i32 to vector<16xi32>
      %mul3A_2400 = arith.muli %get3A_2397, %mul3A_2399 : vector<16xi32>
      %add3A_2401 = arith.addi %mul3A_2400, %add3A_2392 : vector<16xi32>
      %swap3A_2402 = arith.constant 3 : i32
      %swap3A_2403 = arith.index_cast %swap3A_2402 : i32 to index
      %swap3A_2404 = arith.constant 64 : index
      %swap3A_2405 = tpu.vector_load %arg5[%swap3A_2403, %swap3A_2404] {strides = array<i32>} : memref<8x128xi32, #tpu.memory_space<vmem>>, vector<1x16xi32>,
      %swap3A_2406 = vector.shape_cast %swap3A_2405 : vector<1x16xi32> to vector<16xi32>
      %swap3A_2407 = vector.shape_cast %add3A_2401 : vector<16xi32> to vector<1x16xi32>
      tpu.vector_store %arg5[%swap3A_2403, %swap3A_2404], %swap3A_2407 {strides = array<i32>} : memref<8x128xi32, #tpu.memory_space<vmem>>, vector<1x16xi32>,
      %add3A_2408 = arith.constant 80 : i32
      %add3A_2409 = arith.addi %mul3A_2307, %add3A_2408 : i32
      %iota3A_2410 = tpu.iota {dimensions = array<i32: 0>} : vector<16xi32>
      %add3A_2411 = vector.broadcast %add3A_2409 : i32 to vector<16xi32>
      %add3A_2412 = arith.addi %add3A_2411, %iota3A_2410 : vector<16xi32>
      %get3A_2413 = arith.constant 3 : i32
      %get3A_2414 = arith.index_cast %get3A_2413 : i32 to index
      %get3A_2415 = arith.constant 80 : index
      %get3A_2416 = tpu.vector_load %arg5[%get3A_2414, %get3A_2415] {strides = array<i32>} : memref<8x128xi32, #tpu.memory_space<vmem>>, vector<1x16xi32>,
      %get3A_2417 = vector.shape_cast %get3A_2416 : vector<1x16xi32> to vector<16xi32>
      %mul3A_2418 = arith.constant 1024 : i32
      %mul3A_2419 = vector.broadcast %mul3A_2418 : i32 to vector<16xi32>
      %mul3A_2420 = arith.muli %get3A_2417, %mul3A_2419 : vector<16xi32>
      %add3A_2421 = arith.addi %mul3A_2420, %add3A_2412 : vector<16xi32>
      %swap3A_2422 = arith.constant 3 : i32
      %swap3A_2423 = arith.index_cast %swap3A_2422 : i32 to index
      %swap3A_2424 = arith.constant 80 : index
      %swap3A_2425 = tpu.vector_load %arg5[%swap3A_2423, %swap3A_2424] {strides = array<i32>} : memref<8x128xi32, #tpu.memory_space<vmem>>, vector<1x16xi32>,
      %swap3A_2426 = vector.shape_cast %swap3A_2425 : vector<1x16xi32> to vector<16xi32>
      %swap3A_2427 = vector.shape_cast %add3A_2421 : vector<16xi32> to vector<1x16xi32>
      tpu.vector_store %arg5[%swap3A_2423, %swap3A_2424], %swap3A_2427 {strides = array<i32>} : memref<8x128xi32, #tpu.memory_space<vmem>>, vector<1x16xi32>,
      %add3A_2428 = arith.constant 96 : i32
      %add3A_2429 = arith.addi %mul3A_2307, %add3A_2428 : i32
      %iota3A_2430 = tpu.iota {dimensions = array<i32: 0>} : vector<16xi32>
      %add3A_2431 = vector.broadcast %add3A_2429 : i32 to vector<16xi32>
      %add3A_2432 = arith.addi %add3A_2431, %iota3A_2430 : vector<16xi32>
      %get3A_2433 = arith.constant 3 : i32
      %get3A_2434 = arith.index_cast %get3A_2433 : i32 to index
      %get3A_2435 = arith.constant 96 : index
      %get3A_2436 = tpu.vector_load %arg5[%get3A_2434, %get3A_2435] {strides = array<i32>} : memref<8x128xi32, #tpu.memory_space<vmem>>, vector<1x16xi32>,
      %get3A_2437 = vector.shape_cast %get3A_2436 : vector<1x16xi32> to vector<16xi32>
      %mul3A_2438 = arith.constant 1024 : i32
      %mul3A_2439 = vector.broadcast %mul3A_2438 : i32 to vector<16xi32>
      %mul3A_2440 = arith.muli %get3A_2437, %mul3A_2439 : vector<16xi32>
      %add3A_2441 = arith.addi %mul3A_2440, %add3A_2432 : vector<16xi32>
      %swap3A_2442 = arith.constant 3 : i32
      %swap3A_2443 = arith.index_cast %swap3A_2442 : i32 to index
      %swap3A_2444 = arith.constant 96 : index
      %swap3A_2445 = tpu.vector_load %arg5[%swap3A_2443, %swap3A_2444] {strides = array<i32>} : memref<8x128xi32, #tpu.memory_space<vmem>>, vector<1x16xi32>,
      %swap3A_2446 = vector.shape_cast %swap3A_2445 : vector<1x16xi32> to vector<16xi32>
      %swap3A_2447 = vector.shape_cast %add3A_2441 : vector<16xi32> to vector<1x16xi32>
      tpu.vector_store %arg5[%swap3A_2443, %swap3A_2444], %swap3A_2447 {strides = array<i32>} : memref<8x128xi32, #tpu.memory_space<vmem>>, vector<1x16xi32>,
      %add3A_2448 = arith.constant 112 : i32
      %add3A_2449 = arith.addi %mul3A_2307, %add3A_2448 : i32
      %iota3A_2450 = tpu.iota {dimensions = array<i32: 0>} : vector<16xi32>
      %add3A_2451 = vector.broadcast %add3A_2449 : i32 to vector<16xi32>
      %add3A_2452 = arith.addi %add3A_2451, %iota3A_2450 : vector<16xi32>
      %get3A_2453 = arith.constant 3 : i32
      %get3A_2454 = arith.index_cast %get3A_2453 : i32 to index
      %get3A_2455 = arith.constant 112 : index
      %get3A_2456 = tpu.vector_load %arg5[%get3A_2454, %get3A_2455] {strides = array<i32>} : memref<8x128xi32, #tpu.memory_space<vmem>>, vector<1x16xi32>,
      %get3A_2457 = vector.shape_cast %get3A_2456 : vector<1x16xi32> to vector<16xi32>
      %mul3A_2458 = arith.constant 1024 : i32
      %mul3A_2459 = vector.broadcast %mul3A_2458 : i32 to vector<16xi32>
      %mul3A_2460 = arith.muli %get3A_2457, %mul3A_2459 : vector<16xi32>
      %add3A_2461 = arith.addi %mul3A_2460, %add3A_2452 : vector<16xi32>
      %swap3A_2462 = arith.constant 3 : i32
      %swap3A_2463 = arith.index_cast %swap3A_2462 : i32 to index
      %swap3A_2464 = arith.constant 112 : index
      %swap3A_2465 = tpu.vector_load %arg5[%swap3A_2463, %swap3A_2464] {strides = array<i32>} : memref<8x128xi32, #tpu.memory_space<vmem>>, vector<1x16xi32>,
      %swap3A_2466 = vector.shape_cast %swap3A_2465 : vector<1x16xi32> to vector<16xi32>
      %swap3A_2467 = vector.shape_cast %add3A_2461 : vector<16xi32> to vector<1x16xi32>
      tpu.vector_store %arg5[%swap3A_2463, %swap3A_2464], %swap3A_2467 {strides = array<i32>} : memref<8x128xi32, #tpu.memory_space<vmem>>, vector<1x16xi32>,
      %mul3A_2468 = arith.constant 4 : i32
      %mul3A_2469 = arith.muli %add3A_1704, %mul3A_2468 : i32
      %add3A_2470 = arith.addi %mul3A_2, %mul3A_2469 : i32
      %mul3A_2471 = arith.constant 128 : i32
      %mul3A_2472 = arith.muli %add3A_2470, %mul3A_2471 : i32
      %jit3A_2473 = arith.constant 1024 : i32
      %div3A_2474 = arith.divsi %mul3A_2472, %jit3A_2473 : i32
      %sign3A_2475 = arith.constant 0 : i32
      %sign3A_2476 = arith.cmpi sgt, %mul3A_2472, %sign3A_2475 : i32
      %sign3A_2477 = arith.extui %sign3A_2476 : i1 to i32
      %sign3A_2478 = arith.constant 0 : i32
      %sign3A_2479 = arith.cmpi slt, %mul3A_2472, %sign3A_2478 : i32
      %sign3A_2480 = arith.extui %sign3A_2479 : i1 to i32
      %sign3A_2481 = arith.subi %sign3A_2477, %sign3A_2480 : i32
      %sign3A_2482 = arith.constant 0 : i32
      %sign3A_2483 = arith.cmpi sgt, %jit3A_2473, %sign3A_2482 : i32
      %sign3A_2484 = arith.extui %sign3A_2483 : i1 to i32
      %sign3A_2485 = arith.constant 0 : i32
      %sign3A_2486 = arith.cmpi slt, %jit3A_2473, %sign3A_2485 : i32
      %sign3A_2487 = arith.extui %sign3A_2486 : i1 to i32
      %sign3A_2488 = arith.subi %sign3A_2484, %sign3A_2487 : i32
      %ne3A_2489 = arith.cmpi ne, %sign3A_2481, %sign3A_2488 : i32
      %rem3A_2490 = arith.remsi %mul3A_2472, %jit3A_2473 : i32
      %ne3A_2491 = arith.constant 0 : i32
      %ne3A_2492 = arith.cmpi ne, %rem3A_2490, %ne3A_2491 : i32
      %and3A_2493 = arith.andi %ne3A_2489, %ne3A_2492 : i1
      %sub3A_2494 = arith.constant 1 : i32
      %sub3A_2495 = arith.subi %div3A_2474, %sub3A_2494 : i32
      %select_n3A_2496 = arith.select %and3A_2493, %sub3A_2495, %div3A_2474 : i32
      %rem3A_2497 = arith.constant 1024 : i32
      %rem3A_2498 = arith.remsi %mul3A_2472, %rem3A_2497 : i32
      %dma_wait3A_2499 = arith.constant 0 : i32
      %dma_wait3A_2500 = arith.constant 0 : i32
      %dma_wait3A_2501 = arith.constant 0 : i32
      %dma_wait3A_2502 = tpu.memref_slice %arg6[%dma_wait3A_2499, %dma_wait3A_2500, %dma_wait3A_2501] : memref<2x512x64xf32, #tpu.memory_space<vmem>> -> memref<1x512x64xf32, #tpu.memory_space<vmem>>
      %dma_wait3A_2503 = tpu.memref_squeeze %dma_wait3A_2502 : memref<1x512x64xf32, #tpu.memory_space<vmem>> -> memref<512x64xf32, #tpu.memory_space<vmem>>
      %dma_wait3A_2504 = arith.constant 0 : i32
      %dma_wait3A_2505 = tpu.memref_slice %arg4[%select_n3A_2496, %rem3A_2498, %dma_wait3A_2504] : memref<1024x1024x128xf32, #tpu.memory_space<hbm>> -> memref<1x512x64xf32, #tpu.memory_space<hbm>>
      %dma_wait3A_2506 = tpu.memref_squeeze %dma_wait3A_2505 : memref<1x512x64xf32, #tpu.memory_space<hbm>> -> memref<512x64xf32, #tpu.memory_space<hbm>>
      %dma_wait3A_2507 = arith.constant 0 : i32
      %dma_wait3A_2508 = tpu.memref_slice %arg4[%select_n3A_2496, %rem3A_2498, %dma_wait3A_2507] : memref<1024x1024x128xf32, #tpu.memory_space<hbm>> -> memref<1x512x64xf32, #tpu.memory_space<hbm>>
      %dma_wait3A_2509 = tpu.memref_squeeze %dma_wait3A_2508 : memref<1x512x64xf32, #tpu.memory_space<hbm>> -> memref<512x64xf32, #tpu.memory_space<hbm>>
      %dma_wait3A_2510 = arith.constant 0 : i32
      %dma_wait3A_2511 = arith.constant 0 : i32
      %dma_wait3A_2512 = tpu.memref_slice %arg6[%dma_wait3A_2499, %dma_wait3A_2510, %dma_wait3A_2511] : memref<2x512x64xf32, #tpu.memory_space<vmem>> -> memref<1x512x64xf32, #tpu.memory_space<vmem>>
      %dma_wait3A_2513 = tpu.memref_squeeze %dma_wait3A_2512 : memref<1x512x64xf32, #tpu.memory_space<vmem>> -> memref<512x64xf32, #tpu.memory_space<vmem>>
      tpu.wait_dma2 semaphore(%arg10 : memref<!tpu.dma_semaphore, #tpu.memory_space<semaphore_mem>>) src(%dma_wait3A_2513 : memref<512x64xf32, #tpu.memory_space<vmem>>) dst(%dma_wait3A_2509 : memref<512x64xf32, #tpu.memory_space<hbm>>)
      %add3A_2514 = arith.constant 2 : i32
      %add3A_2515 = arith.addi %add3A_1704, %add3A_2514 : i32
      %dma_start3A_2516 = arith.constant 0 : i32
      %dma_start3A_2517 = arith.constant 0 : i32
      %dma_start3A_2518 = arith.constant 0 : i32
      %dma_start3A_2519 = arith.constant 0 : i32
      %dma_start3A_2520 = tpu.memref_slice %arg6[%dma_start3A_2517, %dma_start3A_2518, %dma_start3A_2519] : memref<2x512x64xf32, #tpu.memory_space<vmem>> -> memref<1x128x64xf32, #tpu.memory_space<vmem>>
      %dma_start3A_2521 = tpu.memref_squeeze %dma_start3A_2520 : memref<1x128x64xf32, #tpu.memory_space<vmem>> -> memref<128x64xf32, #tpu.memory_space<vmem>>
      %dma_start3A_2522 = arith.constant 0 : i32
      %dma_start3A_2523 = tpu.memref_slice %arg5[%dma_start3A_2516, %dma_start3A_2522] : memref<8x128xi32, #tpu.memory_space<vmem>> -> memref<1x128xi32, #tpu.memory_space<vmem>>
      %dma_start3A_2524 = tpu.memref_squeeze %dma_start3A_2523 : memref<1x128xi32, #tpu.memory_space<vmem>> -> memref<128xi32, #tpu.memory_space<vmem>>
      %dma_start3A_2525 = arith.constant 0 : i32
      %dma_start3A_2526 = arith.constant 0 : i32
      %dma_start3A_2527 = tpu.memref_slice %arg7[%dma_start3A_2525, %dma_start3A_2526] : memref<10240x64xf32, #tpu.memory_space<vmem_shared>> -> memref<10240x64xf32, #tpu.memory_space<vmem_shared>>
      tpu.enqueue_indirect_dma source(%dma_start3A_2527 : memref<10240x64xf32, #tpu.memory_space<vmem_shared>>) target(%dma_start3A_2521 : memref<128x64xf32, #tpu.memory_space<vmem>>) offsets(%dma_start3A_2524 : memref<128xi32, #tpu.memory_space<vmem>>) semaphore(%arg8 : memref<!tpu.dma_semaphore, #tpu.memory_space<semaphore_mem>>)
      %dma_start3A_2528 = arith.constant 1 : i32
      %dma_start3A_2529 = arith.constant 0 : i32
      %dma_start3A_2530 = arith.constant 128 : i32
      %dma_start3A_2531 = arith.constant 0 : i32
      %dma_start3A_2532 = tpu.memref_slice %arg6[%dma_start3A_2529, %dma_start3A_2530, %dma_start3A_2531] : memref<2x512x64xf32, #tpu.memory_space<vmem>> -> memref<1x128x64xf32, #tpu.memory_space<vmem>>
      %dma_start3A_2533 = tpu.memref_squeeze %dma_start3A_2532 : memref<1x128x64xf32, #tpu.memory_space<vmem>> -> memref<128x64xf32, #tpu.memory_space<vmem>>
      %dma_start3A_2534 = arith.constant 0 : i32
      %dma_start3A_2535 = tpu.memref_slice %arg5[%dma_start3A_2528, %dma_start3A_2534] : memref<8x128xi32, #tpu.memory_space<vmem>> -> memref<1x128xi32, #tpu.memory_space<vmem>>
      %dma_start3A_2536 = tpu.memref_squeeze %dma_start3A_2535 : memref<1x128xi32, #tpu.memory_space<vmem>> -> memref<128xi32, #tpu.memory_space<vmem>>
      %dma_start3A_2537 = arith.constant 0 : i32
      %dma_start3A_2538 = arith.constant 0 : i32
      %dma_start3A_2539 = tpu.memref_slice %arg7[%dma_start3A_2537, %dma_start3A_2538] : memref<10240x64xf32, #tpu.memory_space<vmem_shared>> -> memref<10240x64xf32, #tpu.memory_space<vmem_shared>>
      tpu.enqueue_indirect_dma source(%dma_start3A_2539 : memref<10240x64xf32, #tpu.memory_space<vmem_shared>>) target(%dma_start3A_2533 : memref<128x64xf32, #tpu.memory_space<vmem>>) offsets(%dma_start3A_2536 : memref<128xi32, #tpu.memory_space<vmem>>) semaphore(%arg8 : memref<!tpu.dma_semaphore, #tpu.memory_space<semaphore_mem>>)
      %dma_start3A_2540 = arith.constant 2 : i32
      %dma_start3A_2541 = arith.constant 0 : i32
      %dma_start3A_2542 = arith.constant 256 : i32
      %dma_start3A_2543 = arith.constant 0 : i32
      %dma_start3A_2544 = tpu.memref_slice %arg6[%dma_start3A_2541, %dma_start3A_2542, %dma_start3A_2543] : memref<2x512x64xf32, #tpu.memory_space<vmem>> -> memref<1x128x64xf32, #tpu.memory_space<vmem>>
      %dma_start3A_2545 = tpu.memref_squeeze %dma_start3A_2544 : memref<1x128x64xf32, #tpu.memory_space<vmem>> -> memref<128x64xf32, #tpu.memory_space<vmem>>
      %dma_start3A_2546 = arith.constant 0 : i32
      %dma_start3A_2547 = tpu.memref_slice %arg5[%dma_start3A_2540, %dma_start3A_2546] : memref<8x128xi32, #tpu.memory_space<vmem>> -> memref<1x128xi32, #tpu.memory_space<vmem>>
      %dma_start3A_2548 = tpu.memref_squeeze %dma_start3A_2547 : memref<1x128xi32, #tpu.memory_space<vmem>> -> memref<128xi32, #tpu.memory_space<vmem>>
      %dma_start3A_2549 = arith.constant 0 : i32
      %dma_start3A_2550 = arith.constant 0 : i32
      %dma_start3A_2551 = tpu.memref_slice %arg7[%dma_start3A_2549, %dma_start3A_2550] : memref<10240x64xf32, #tpu.memory_space<vmem_shared>> -> memref<10240x64xf32, #tpu.memory_space<vmem_shared>>
      tpu.enqueue_indirect_dma source(%dma_start3A_2551 : memref<10240x64xf32, #tpu.memory_space<vmem_shared>>) target(%dma_start3A_2545 : memref<128x64xf32, #tpu.memory_space<vmem>>) offsets(%dma_start3A_2548 : memref<128xi32, #tpu.memory_space<vmem>>) semaphore(%arg8 : memref<!tpu.dma_semaphore, #tpu.memory_space<semaphore_mem>>)
      %dma_start3A_2552 = arith.constant 3 : i32
      %dma_start3A_2553 = arith.constant 0 : i32
      %dma_start3A_2554 = arith.constant 384 : i32
      %dma_start3A_2555 = arith.constant 0 : i32
      %dma_start3A_2556 = tpu.memref_slice %arg6[%dma_start3A_2553, %dma_start3A_2554, %dma_start3A_2555] : memref<2x512x64xf32, #tpu.memory_space<vmem>> -> memref<1x128x64xf32, #tpu.memory_space<vmem>>
      %dma_start3A_2557 = tpu.memref_squeeze %dma_start3A_2556 : memref<1x128x64xf32, #tpu.memory_space<vmem>> -> memref<128x64xf32, #tpu.memory_space<vmem>>
      %dma_start3A_2558 = arith.constant 0 : i32
      %dma_start3A_2559 = tpu.memref_slice %arg5[%dma_start3A_2552, %dma_start3A_2558] : memref<8x128xi32, #tpu.memory_space<vmem>> -> memref<1x128xi32, #tpu.memory_space<vmem>>
      %dma_start3A_2560 = tpu.memref_squeeze %dma_start3A_2559 : memref<1x128xi32, #tpu.memory_space<vmem>> -> memref<128xi32, #tpu.memory_space<vmem>>
      %dma_start3A_2561 = arith.constant 0 : i32
      %dma_start3A_2562 = arith.constant 0 : i32
      %dma_start3A_2563 = tpu.memref_slice %arg7[%dma_start3A_2561, %dma_start3A_2562] : memref<10240x64xf32, #tpu.memory_space<vmem_shared>> -> memref<10240x64xf32, #tpu.memory_space<vmem_shared>>
      tpu.enqueue_indirect_dma source(%dma_start3A_2563 : memref<10240x64xf32, #tpu.memory_space<vmem_shared>>) target(%dma_start3A_2557 : memref<128x64xf32, #tpu.memory_space<vmem>>) offsets(%dma_start3A_2560 : memref<128xi32, #tpu.memory_space<vmem>>) semaphore(%arg8 : memref<!tpu.dma_semaphore, #tpu.memory_space<semaphore_mem>>)
      %mul3A_2564 = arith.constant 2 : i32
      %mul3A_2565 = arith.muli %mul3A_2564, %scan3A_1700 : i32
      %add3A_2566 = arith.constant 1 : i32
      %add3A_2567 = arith.addi %mul3A_2565, %add3A_2566 : i32
      %dma_wait3A_2568 = arith.constant 4 : i32
      %dma_wait3A_2569 = arith.constant 1 : i32
      %dma_wait3A_2570 = arith.constant 0 : i32
      %dma_wait3A_2571 = arith.constant 0 : i32
      %dma_wait3A_2572 = tpu.memref_slice %arg6[%dma_wait3A_2569, %dma_wait3A_2570, %dma_wait3A_2571] : memref<2x512x64xf32, #tpu.memory_space<vmem>> -> memref<1x128x64xf32, #tpu.memory_space<vmem>>
      %dma_wait3A_2573 = tpu.memref_squeeze %dma_wait3A_2572 : memref<1x128x64xf32, #tpu.memory_space<vmem>> -> memref<128x64xf32, #tpu.memory_space<vmem>>
      %dma_wait3A_2574 = arith.constant 0 : i32
      %dma_wait3A_2575 = tpu.memref_slice %arg5[%dma_wait3A_2568, %dma_wait3A_2574] : memref<8x128xi32, #tpu.memory_space<vmem>> -> memref<1x128xi32, #tpu.memory_space<vmem>>
      %dma_wait3A_2576 = tpu.memref_squeeze %dma_wait3A_2575 : memref<1x128xi32, #tpu.memory_space<vmem>> -> memref<128xi32, #tpu.memory_space<vmem>>
      %dma_wait3A_2577 = arith.constant 0 : i32
      %dma_wait3A_2578 = arith.constant 0 : i32
      %dma_wait3A_2579 = tpu.memref_slice %arg7[%dma_wait3A_2577, %dma_wait3A_2578] : memref<10240x64xf32, #tpu.memory_space<vmem_shared>> -> memref<10240x64xf32, #tpu.memory_space<vmem_shared>>
      tpu.wait_indirect_dma semaphore(%arg9 : memref<!tpu.dma_semaphore, #tpu.memory_space<semaphore_mem>>) src(%dma_wait3A_2579 : memref<10240x64xf32, #tpu.memory_space<vmem_shared>>) dst(%dma_wait3A_2573 : memref<128x64xf32, #tpu.memory_space<vmem>>)
      %dma_wait3A_2580 = arith.constant 5 : i32
      %dma_wait3A_2581 = arith.constant 1 : i32
      %dma_wait3A_2582 = arith.constant 128 : i32
      %dma_wait3A_2583 = arith.constant 0 : i32
      %dma_wait3A_2584 = tpu.memref_slice %arg6[%dma_wait3A_2581, %dma_wait3A_2582, %dma_wait3A_2583] : memref<2x512x64xf32, #tpu.memory_space<vmem>> -> memref<1x128x64xf32, #tpu.memory_space<vmem>>
      %dma_wait3A_2585 = tpu.memref_squeeze %dma_wait3A_2584 : memref<1x128x64xf32, #tpu.memory_space<vmem>> -> memref<128x64xf32, #tpu.memory_space<vmem>>
      %dma_wait3A_2586 = arith.constant 0 : i32
      %dma_wait3A_2587 = tpu.memref_slice %arg5[%dma_wait3A_2580, %dma_wait3A_2586] : memref<8x128xi32, #tpu.memory_space<vmem>> -> memref<1x128xi32, #tpu.memory_space<vmem>>
      %dma_wait3A_2588 = tpu.memref_squeeze %dma_wait3A_2587 : memref<1x128xi32, #tpu.memory_space<vmem>> -> memref<128xi32, #tpu.memory_space<vmem>>
      %dma_wait3A_2589 = arith.constant 0 : i32
      %dma_wait3A_2590 = arith.constant 0 : i32
      %dma_wait3A_2591 = tpu.memref_slice %arg7[%dma_wait3A_2589, %dma_wait3A_2590] : memref<10240x64xf32, #tpu.memory_space<vmem_shared>> -> memref<10240x64xf32, #tpu.memory_space<vmem_shared>>
      tpu.wait_indirect_dma semaphore(%arg9 : memref<!tpu.dma_semaphore, #tpu.memory_space<semaphore_mem>>) src(%dma_wait3A_2591 : memref<10240x64xf32, #tpu.memory_space<vmem_shared>>) dst(%dma_wait3A_2585 : memref<128x64xf32, #tpu.memory_space<vmem>>)
      %dma_wait3A_2592 = arith.constant 6 : i32
      %dma_wait3A_2593 = arith.constant 1 : i32
      %dma_wait3A_2594 = arith.constant 256 : i32
      %dma_wait3A_2595 = arith.constant 0 : i32
      %dma_wait3A_2596 = tpu.memref_slice %arg6[%dma_wait3A_2593, %dma_wait3A_2594, %dma_wait3A_2595] : memref<2x512x64xf32, #tpu.memory_space<vmem>> -> memref<1x128x64xf32, #tpu.memory_space<vmem>>
      %dma_wait3A_2597 = tpu.memref_squeeze %dma_wait3A_2596 : memref<1x128x64xf32, #tpu.memory_space<vmem>> -> memref<128x64xf32, #tpu.memory_space<vmem>>
      %dma_wait3A_2598 = arith.constant 0 : i32
      %dma_wait3A_2599 = tpu.memref_slice %arg5[%dma_wait3A_2592, %dma_wait3A_2598] : memref<8x128xi32, #tpu.memory_space<vmem>> -> memref<1x128xi32, #tpu.memory_space<vmem>>
      %dma_wait3A_2600 = tpu.memref_squeeze %dma_wait3A_2599 : memref<1x128xi32, #tpu.memory_space<vmem>> -> memref<128xi32, #tpu.memory_space<vmem>>
      %dma_wait3A_2601 = arith.constant 0 : i32
      %dma_wait3A_2602 = arith.constant 0 : i32
      %dma_wait3A_2603 = tpu.memref_slice %arg7[%dma_wait3A_2601, %dma_wait3A_2602] : memref<10240x64xf32, #tpu.memory_space<vmem_shared>> -> memref<10240x64xf32, #tpu.memory_space<vmem_shared>>
      tpu.wait_indirect_dma semaphore(%arg9 : memref<!tpu.dma_semaphore, #tpu.memory_space<semaphore_mem>>) src(%dma_wait3A_2603 : memref<10240x64xf32, #tpu.memory_space<vmem_shared>>) dst(%dma_wait3A_2597 : memref<128x64xf32, #tpu.memory_space<vmem>>)
      %dma_wait3A_2604 = arith.constant 7 : i32
      %dma_wait3A_2605 = arith.constant 1 : i32
      %dma_wait3A_2606 = arith.constant 384 : i32
      %dma_wait3A_2607 = arith.constant 0 : i32
      %dma_wait3A_2608 = tpu.memref_slice %arg6[%dma_wait3A_2605, %dma_wait3A_2606, %dma_wait3A_2607] : memref<2x512x64xf32, #tpu.memory_space<vmem>> -> memref<1x128x64xf32, #tpu.memory_space<vmem>>
      %dma_wait3A_2609 = tpu.memref_squeeze %dma_wait3A_2608 : memref<1x128x64xf32, #tpu.memory_space<vmem>> -> memref<128x64xf32, #tpu.memory_space<vmem>>
      %dma_wait3A_2610 = arith.constant 0 : i32
      %dma_wait3A_2611 = tpu.memref_slice %arg5[%dma_wait3A_2604, %dma_wait3A_2610] : memref<8x128xi32, #tpu.memory_space<vmem>> -> memref<1x128xi32, #tpu.memory_space<vmem>>
      %dma_wait3A_2612 = tpu.memref_squeeze %dma_wait3A_2611 : memref<1x128xi32, #tpu.memory_space<vmem>> -> memref<128xi32, #tpu.memory_space<vmem>>
      %dma_wait3A_2613 = arith.constant 0 : i32
      %dma_wait3A_2614 = arith.constant 0 : i32
      %dma_wait3A_2615 = tpu.memref_slice %arg7[%dma_wait3A_2613, %dma_wait3A_2614] : memref<10240x64xf32, #tpu.memory_space<vmem_shared>> -> memref<10240x64xf32, #tpu.memory_space<vmem_shared>>
      tpu.wait_indirect_dma semaphore(%arg9 : memref<!tpu.dma_semaphore, #tpu.memory_space<semaphore_mem>>) src(%dma_wait3A_2615 : memref<10240x64xf32, #tpu.memory_space<vmem_shared>>) dst(%dma_wait3A_2609 : memref<128x64xf32, #tpu.memory_space<vmem>>)
      %mul3A_2616 = arith.constant 4 : i32
      %mul3A_2617 = arith.muli %add3A_2567, %mul3A_2616 : i32
      %add3A_2618 = arith.addi %mul3A_2, %mul3A_2617 : i32
      %mul3A_2619 = arith.constant 128 : i32
      %mul3A_2620 = arith.muli %add3A_2618, %mul3A_2619 : i32
      %jit3A_2621 = arith.constant 1024 : i32
      %div3A_2622 = arith.divsi %mul3A_2620, %jit3A_2621 : i32
      %sign3A_2623 = arith.constant 0 : i32
      %sign3A_2624 = arith.cmpi sgt, %mul3A_2620, %sign3A_2623 : i32
      %sign3A_2625 = arith.extui %sign3A_2624 : i1 to i32
      %sign3A_2626 = arith.constant 0 : i32
      %sign3A_2627 = arith.cmpi slt, %mul3A_2620, %sign3A_2626 : i32
      %sign3A_2628 = arith.extui %sign3A_2627 : i1 to i32
      %sign3A_2629 = arith.subi %sign3A_2625, %sign3A_2628 : i32
      %sign3A_2630 = arith.constant 0 : i32
      %sign3A_2631 = arith.cmpi sgt, %jit3A_2621, %sign3A_2630 : i32
      %sign3A_2632 = arith.extui %sign3A_2631 : i1 to i32
      %sign3A_2633 = arith.constant 0 : i32
      %sign3A_2634 = arith.cmpi slt, %jit3A_2621, %sign3A_2633 : i32
      %sign3A_2635 = arith.extui %sign3A_2634 : i1 to i32
      %sign3A_2636 = arith.subi %sign3A_2632, %sign3A_2635 : i32
      %ne3A_2637 = arith.cmpi ne, %sign3A_2629, %sign3A_2636 : i32
      %rem3A_2638 = arith.remsi %mul3A_2620, %jit3A_2621 : i32
      %ne3A_2639 = arith.constant 0 : i32
      %ne3A_2640 = arith.cmpi ne, %rem3A_2638, %ne3A_2639 : i32
      %and3A_2641 = arith.andi %ne3A_2637, %ne3A_2640 : i1
      %sub3A_2642 = arith.constant 1 : i32
      %sub3A_2643 = arith.subi %div3A_2622, %sub3A_2642 : i32
      %select_n3A_2644 = arith.select %and3A_2641, %sub3A_2643, %div3A_2622 : i32
      %rem3A_2645 = arith.constant 1024 : i32
      %rem3A_2646 = arith.remsi %mul3A_2620, %rem3A_2645 : i32
      %dma_start3A_2647 = arith.constant 1 : i32
      %dma_start3A_2648 = arith.constant 0 : i32
      %dma_start3A_2649 = arith.constant 0 : i32
      %dma_start3A_2650 = tpu.memref_slice %arg6[%dma_start3A_2647, %dma_start3A_2648, %dma_start3A_2649] : memref<2x512x64xf32, #tpu.memory_space<vmem>> -> memref<1x512x64xf32, #tpu.memory_space<vmem>>
      %dma_start3A_2651 = tpu.memref_squeeze %dma_start3A_2650 : memref<1x512x64xf32, #tpu.memory_space<vmem>> -> memref<512x64xf32, #tpu.memory_space<vmem>>
      %dma_start3A_2652 = arith.constant 0 : i32
      %dma_start3A_2653 = tpu.memref_slice %arg4[%select_n3A_2644, %rem3A_2646, %dma_start3A_2652] : memref<1024x1024x128xf32, #tpu.memory_space<hbm>> -> memref<1x512x64xf32, #tpu.memory_space<hbm>>
      %dma_start3A_2654 = tpu.memref_squeeze %dma_start3A_2653 : memref<1x512x64xf32, #tpu.memory_space<hbm>> -> memref<512x64xf32, #tpu.memory_space<hbm>>
      %dma_start3A_2655 = arith.constant 0 : i32
      %dma_start3A_2656 = tpu.memref_slice %arg4[%select_n3A_2644, %rem3A_2646, %dma_start3A_2655] : memref<1024x1024x128xf32, #tpu.memory_space<hbm>> -> memref<1x512x64xf32, #tpu.memory_space<hbm>>
      %dma_start3A_2657 = tpu.memref_squeeze %dma_start3A_2656 : memref<1x512x64xf32, #tpu.memory_space<hbm>> -> memref<512x64xf32, #tpu.memory_space<hbm>>
      %dma_start3A_2658 = arith.constant 0 : i32
      %dma_start3A_2659 = arith.constant 0 : i32
      %dma_start3A_2660 = tpu.memref_slice %arg6[%dma_start3A_2647, %dma_start3A_2658, %dma_start3A_2659] : memref<2x512x64xf32, #tpu.memory_space<vmem>> -> memref<1x512x64xf32, #tpu.memory_space<vmem>>
      %dma_start3A_2661 = tpu.memref_squeeze %dma_start3A_2660 : memref<1x512x64xf32, #tpu.memory_space<vmem>> -> memref<512x64xf32, #tpu.memory_space<vmem>>
      tpu.enqueue_dma source(%dma_start3A_2661 : memref<512x64xf32, #tpu.memory_space<vmem>>) target(%dma_start3A_2657 : memref<512x64xf32, #tpu.memory_space<hbm>>) target_semaphore(%arg11 : memref<!tpu.dma_semaphore, #tpu.memory_space<semaphore_mem>>)
      %add3A_2662 = arith.constant 2 : i32
      %add3A_2663 = arith.addi %add3A_2567, %add3A_2662 : i32
      %mul3A_2664 = arith.constant 4 : i32
      %mul3A_2665 = arith.muli %add3A_2663, %mul3A_2664 : i32
      %add3A_2666 = arith.addi %mul3A_2, %mul3A_2665 : i32
      "tpu.region"() ({
        %run_scoped3A = tpu.sem_alloc : memref<!tpu.dma_semaphore, #tpu.memory_space<semaphore_mem>>
        %dma_start3A_3427 = arith.constant 4 : i32
        %dma_start3A_3428 = arith.constant 0 : i32
        %dma_start3A_3429 = tpu.memref_slice %arg5[%dma_start3A_3427, %dma_start3A_3428] : memref<8x128xi32, #tpu.memory_space<vmem>> -> memref<4x128xi32, #tpu.memory_space<vmem>>
        %dma_start3A_3430 = arith.constant 0 : i32
        %dma_start3A_3431 = tpu.memref_slice %arg2[%add3A_2666, %dma_start3A_3430] : memref<8192x128xi32, #tpu.memory_space<hbm>> -> memref<4x128xi32, #tpu.memory_space<hbm>>
        %dma_start3A_3432 = arith.constant 4 : i32
        %dma_start3A_3433 = arith.constant 0 : i32
        %dma_start3A_3434 = tpu.memref_slice %arg5[%dma_start3A_3432, %dma_start3A_3433] : memref<8x128xi32, #tpu.memory_space<vmem>> -> memref<4x128xi32, #tpu.memory_space<vmem>>
        %dma_start3A_3435 = arith.constant 0 : i32
        %dma_start3A_3436 = tpu.memref_slice %arg2[%add3A_2666, %dma_start3A_3435] : memref<8192x128xi32, #tpu.memory_space<hbm>> -> memref<4x128xi32, #tpu.memory_space<hbm>>
        tpu.enqueue_dma source(%dma_start3A_3436 : memref<4x128xi32, #tpu.memory_space<hbm>>) target(%dma_start3A_3434 : memref<4x128xi32, #tpu.memory_space<vmem>>) target_semaphore(%run_scoped3A : memref<!tpu.dma_semaphore, #tpu.memory_space<semaphore_mem>>)
        %dma_wait3A_3437 = arith.constant 4 : i32
        %dma_wait3A_3438 = arith.constant 0 : i32
        %dma_wait3A_3439 = tpu.memref_slice %arg5[%dma_wait3A_3437, %dma_wait3A_3438] : memref<8x128xi32, #tpu.memory_space<vmem>> -> memref<4x128xi32, #tpu.memory_space<vmem>>
        %dma_wait3A_3440 = arith.constant 0 : i32
        %dma_wait3A_3441 = tpu.memref_slice %arg2[%add3A_2666, %dma_wait3A_3440] : memref<8192x128xi32, #tpu.memory_space<hbm>> -> memref<4x128xi32, #tpu.memory_space<hbm>>
        %dma_wait3A_3442 = arith.constant 4 : i32
        %dma_wait3A_3443 = arith.constant 0 : i32
        %dma_wait3A_3444 = tpu.memref_slice %arg5[%dma_wait3A_3442, %dma_wait3A_3443] : memref<8x128xi32, #tpu.memory_space<vmem>> -> memref<4x128xi32, #tpu.memory_space<vmem>>
        %dma_wait3A_3445 = arith.constant 0 : i32
        %dma_wait3A_3446 = tpu.memref_slice %arg2[%add3A_2666, %dma_wait3A_3445] : memref<8192x128xi32, #tpu.memory_space<hbm>> -> memref<4x128xi32, #tpu.memory_space<hbm>>
        tpu.wait_dma2 semaphore(%run_scoped3A : memref<!tpu.dma_semaphore, #tpu.memory_space<semaphore_mem>>) src(%dma_wait3A_3446 : memref<4x128xi32, #tpu.memory_space<hbm>>) dst(%dma_wait3A_3444 : memref<4x128xi32, #tpu.memory_space<vmem>>)
        tpu.yield
      }) : () -> ()
      %add3A_2667 = arith.constant 0 : i32
      %add3A_2668 = arith.addi %add3A_2666, %add3A_2667 : i32
      %rem3A_2669 = arith.constant 8 : i32
      %rem3A_2670 = arith.remsi %add3A_2668, %rem3A_2669 : i32
      %mul3A_2671 = arith.constant 128 : i32
      %mul3A_2672 = arith.muli %rem3A_2670, %mul3A_2671 : i32
      %add3A_2673 = arith.constant 0 : i32
      %add3A_2674 = arith.addi %mul3A_2672, %add3A_2673 : i32
      %iota3A_2675 = tpu.iota {dimensions = array<i32: 0>} : vector<16xi32>
      %add3A_2676 = vector.broadcast %add3A_2674 : i32 to vector<16xi32>
      %add3A_2677 = arith.addi %add3A_2676, %iota3A_2675 : vector<16xi32>
      %get3A_2678 = arith.constant 4 : i32
      %get3A_2679 = arith.index_cast %get3A_2678 : i32 to index
      %get3A_2680 = arith.constant 0 : index
      %get3A_2681 = tpu.vector_load %arg5[%get3A_2679, %get3A_2680] {strides = array<i32>} : memref<8x128xi32, #tpu.memory_space<vmem>>, vector<1x16xi32>,
      %get3A_2682 = vector.shape_cast %get3A_2681 : vector<1x16xi32> to vector<16xi32>
      %mul3A_2683 = arith.constant 1024 : i32
      %mul3A_2684 = vector.broadcast %mul3A_2683 : i32 to vector<16xi32>
      %mul3A_2685 = arith.muli %get3A_2682, %mul3A_2684 : vector<16xi32>
      %add3A_2686 = arith.addi %mul3A_2685, %add3A_2677 : vector<16xi32>
      %swap3A_2687 = arith.constant 4 : i32
      %swap3A_2688 = arith.index_cast %swap3A_2687 : i32 to index
      %swap3A_2689 = arith.constant 0 : index
      %swap3A_2690 = tpu.vector_load %arg5[%swap3A_2688, %swap3A_2689] {strides = array<i32>} : memref<8x128xi32, #tpu.memory_space<vmem>>, vector<1x16xi32>,
      %swap3A_2691 = vector.shape_cast %swap3A_2690 : vector<1x16xi32> to vector<16xi32>
      %swap3A_2692 = vector.shape_cast %add3A_2686 : vector<16xi32> to vector<1x16xi32>
      tpu.vector_store %arg5[%swap3A_2688, %swap3A_2689], %swap3A_2692 {strides = array<i32>} : memref<8x128xi32, #tpu.memory_space<vmem>>, vector<1x16xi32>,
      %add3A_2693 = arith.constant 16 : i32
      %add3A_2694 = arith.addi %mul3A_2672, %add3A_2693 : i32
      %iota3A_2695 = tpu.iota {dimensions = array<i32: 0>} : vector<16xi32>
      %add3A_2696 = vector.broadcast %add3A_2694 : i32 to vector<16xi32>
      %add3A_2697 = arith.addi %add3A_2696, %iota3A_2695 : vector<16xi32>
      %get3A_2698 = arith.constant 4 : i32
      %get3A_2699 = arith.index_cast %get3A_2698 : i32 to index
      %get3A_2700 = arith.constant 16 : index
      %get3A_2701 = tpu.vector_load %arg5[%get3A_2699, %get3A_2700] {strides = array<i32>} : memref<8x128xi32, #tpu.memory_space<vmem>>, vector<1x16xi32>,
      %get3A_2702 = vector.shape_cast %get3A_2701 : vector<1x16xi32> to vector<16xi32>
      %mul3A_2703 = arith.constant 1024 : i32
      %mul3A_2704 = vector.broadcast %mul3A_2703 : i32 to vector<16xi32>
      %mul3A_2705 = arith.muli %get3A_2702, %mul3A_2704 : vector<16xi32>
      %add3A_2706 = arith.addi %mul3A_2705, %add3A_2697 : vector<16xi32>
      %swap3A_2707 = arith.constant 4 : i32
      %swap3A_2708 = arith.index_cast %swap3A_2707 : i32 to index
      %swap3A_2709 = arith.constant 16 : index
      %swap3A_2710 = tpu.vector_load %arg5[%swap3A_2708, %swap3A_2709] {strides = array<i32>} : memref<8x128xi32, #tpu.memory_space<vmem>>, vector<1x16xi32>,
      %swap3A_2711 = vector.shape_cast %swap3A_2710 : vector<1x16xi32> to vector<16xi32>
      %swap3A_2712 = vector.shape_cast %add3A_2706 : vector<16xi32> to vector<1x16xi32>
      tpu.vector_store %arg5[%swap3A_2708, %swap3A_2709], %swap3A_2712 {strides = array<i32>} : memref<8x128xi32, #tpu.memory_space<vmem>>, vector<1x16xi32>,
      %add3A_2713 = arith.constant 32 : i32
      %add3A_2714 = arith.addi %mul3A_2672, %add3A_2713 : i32
      %iota3A_2715 = tpu.iota {dimensions = array<i32: 0>} : vector<16xi32>
      %add3A_2716 = vector.broadcast %add3A_2714 : i32 to vector<16xi32>
      %add3A_2717 = arith.addi %add3A_2716, %iota3A_2715 : vector<16xi32>
      %get3A_2718 = arith.constant 4 : i32
      %get3A_2719 = arith.index_cast %get3A_2718 : i32 to index
      %get3A_2720 = arith.constant 32 : index
      %get3A_2721 = tpu.vector_load %arg5[%get3A_2719, %get3A_2720] {strides = array<i32>} : memref<8x128xi32, #tpu.memory_space<vmem>>, vector<1x16xi32>,
      %get3A_2722 = vector.shape_cast %get3A_2721 : vector<1x16xi32> to vector<16xi32>
      %mul3A_2723 = arith.constant 1024 : i32
      %mul3A_2724 = vector.broadcast %mul3A_2723 : i32 to vector<16xi32>
      %mul3A_2725 = arith.muli %get3A_2722, %mul3A_2724 : vector<16xi32>
      %add3A_2726 = arith.addi %mul3A_2725, %add3A_2717 : vector<16xi32>
      %swap3A_2727 = arith.constant 4 : i32
      %swap3A_2728 = arith.index_cast %swap3A_2727 : i32 to index
      %swap3A_2729 = arith.constant 32 : index
      %swap3A_2730 = tpu.vector_load %arg5[%swap3A_2728, %swap3A_2729] {strides = array<i32>} : memref<8x128xi32, #tpu.memory_space<vmem>>, vector<1x16xi32>,
      %swap3A_2731 = vector.shape_cast %swap3A_2730 : vector<1x16xi32> to vector<16xi32>
      %swap3A_2732 = vector.shape_cast %add3A_2726 : vector<16xi32> to vector<1x16xi32>
      tpu.vector_store %arg5[%swap3A_2728, %swap3A_2729], %swap3A_2732 {strides = array<i32>} : memref<8x128xi32, #tpu.memory_space<vmem>>, vector<1x16xi32>,
      %add3A_2733 = arith.constant 48 : i32
      %add3A_2734 = arith.addi %mul3A_2672, %add3A_2733 : i32
      %iota3A_2735 = tpu.iota {dimensions = array<i32: 0>} : vector<16xi32>
      %add3A_2736 = vector.broadcast %add3A_2734 : i32 to vector<16xi32>
      %add3A_2737 = arith.addi %add3A_2736, %iota3A_2735 : vector<16xi32>
      %get3A_2738 = arith.constant 4 : i32
      %get3A_2739 = arith.index_cast %get3A_2738 : i32 to index
      %get3A_2740 = arith.constant 48 : index
      %get3A_2741 = tpu.vector_load %arg5[%get3A_2739, %get3A_2740] {strides = array<i32>} : memref<8x128xi32, #tpu.memory_space<vmem>>, vector<1x16xi32>,
      %get3A_2742 = vector.shape_cast %get3A_2741 : vector<1x16xi32> to vector<16xi32>
      %mul3A_2743 = arith.constant 1024 : i32
      %mul3A_2744 = vector.broadcast %mul3A_2743 : i32 to vector<16xi32>
      %mul3A_2745 = arith.muli %get3A_2742, %mul3A_2744 : vector<16xi32>
      %add3A_2746 = arith.addi %mul3A_2745, %add3A_2737 : vector<16xi32>
      %swap3A_2747 = arith.constant 4 : i32
      %swap3A_2748 = arith.index_cast %swap3A_2747 : i32 to index
      %swap3A_2749 = arith.constant 48 : index
      %swap3A_2750 = tpu.vector_load %arg5[%swap3A_2748, %swap3A_2749] {strides = array<i32>} : memref<8x128xi32, #tpu.memory_space<vmem>>, vector<1x16xi32>,
      %swap3A_2751 = vector.shape_cast %swap3A_2750 : vector<1x16xi32> to vector<16xi32>
      %swap3A_2752 = vector.shape_cast %add3A_2746 : vector<16xi32> to vector<1x16xi32>
      tpu.vector_store %arg5[%swap3A_2748, %swap3A_2749], %swap3A_2752 {strides = array<i32>} : memref<8x128xi32, #tpu.memory_space<vmem>>, vector<1x16xi32>,
      %add3A_2753 = arith.constant 64 : i32
      %add3A_2754 = arith.addi %mul3A_2672, %add3A_2753 : i32
      %iota3A_2755 = tpu.iota {dimensions = array<i32: 0>} : vector<16xi32>
      %add3A_2756 = vector.broadcast %add3A_2754 : i32 to vector<16xi32>
      %add3A_2757 = arith.addi %add3A_2756, %iota3A_2755 : vector<16xi32>
      %get3A_2758 = arith.constant 4 : i32
      %get3A_2759 = arith.index_cast %get3A_2758 : i32 to index
      %get3A_2760 = arith.constant 64 : index
      %get3A_2761 = tpu.vector_load %arg5[%get3A_2759, %get3A_2760] {strides = array<i32>} : memref<8x128xi32, #tpu.memory_space<vmem>>, vector<1x16xi32>,
      %get3A_2762 = vector.shape_cast %get3A_2761 : vector<1x16xi32> to vector<16xi32>
      %mul3A_2763 = arith.constant 1024 : i32
      %mul3A_2764 = vector.broadcast %mul3A_2763 : i32 to vector<16xi32>
      %mul3A_2765 = arith.muli %get3A_2762, %mul3A_2764 : vector<16xi32>
      %add3A_2766 = arith.addi %mul3A_2765, %add3A_2757 : vector<16xi32>
      %swap3A_2767 = arith.constant 4 : i32
      %swap3A_2768 = arith.index_cast %swap3A_2767 : i32 to index
      %swap3A_2769 = arith.constant 64 : index
      %swap3A_2770 = tpu.vector_load %arg5[%swap3A_2768, %swap3A_2769] {strides = array<i32>} : memref<8x128xi32, #tpu.memory_space<vmem>>, vector<1x16xi32>,
      %swap3A_2771 = vector.shape_cast %swap3A_2770 : vector<1x16xi32> to vector<16xi32>
      %swap3A_2772 = vector.shape_cast %add3A_2766 : vector<16xi32> to vector<1x16xi32>
      tpu.vector_store %arg5[%swap3A_2768, %swap3A_2769], %swap3A_2772 {strides = array<i32>} : memref<8x128xi32, #tpu.memory_space<vmem>>, vector<1x16xi32>,
      %add3A_2773 = arith.constant 80 : i32
      %add3A_2774 = arith.addi %mul3A_2672, %add3A_2773 : i32
      %iota3A_2775 = tpu.iota {dimensions = array<i32: 0>} : vector<16xi32>
      %add3A_2776 = vector.broadcast %add3A_2774 : i32 to vector<16xi32>
      %add3A_2777 = arith.addi %add3A_2776, %iota3A_2775 : vector<16xi32>
      %get3A_2778 = arith.constant 4 : i32
      %get3A_2779 = arith.index_cast %get3A_2778 : i32 to index
      %get3A_2780 = arith.constant 80 : index
      %get3A_2781 = tpu.vector_load %arg5[%get3A_2779, %get3A_2780] {strides = array<i32>} : memref<8x128xi32, #tpu.memory_space<vmem>>, vector<1x16xi32>,
      %get3A_2782 = vector.shape_cast %get3A_2781 : vector<1x16xi32> to vector<16xi32>
      %mul3A_2783 = arith.constant 1024 : i32
      %mul3A_2784 = vector.broadcast %mul3A_2783 : i32 to vector<16xi32>
      %mul3A_2785 = arith.muli %get3A_2782, %mul3A_2784 : vector<16xi32>
      %add3A_2786 = arith.addi %mul3A_2785, %add3A_2777 : vector<16xi32>
      %swap3A_2787 = arith.constant 4 : i32
      %swap3A_2788 = arith.index_cast %swap3A_2787 : i32 to index
      %swap3A_2789 = arith.constant 80 : index
      %swap3A_2790 = tpu.vector_load %arg5[%swap3A_2788, %swap3A_2789] {strides = array<i32>} : memref<8x128xi32, #tpu.memory_space<vmem>>, vector<1x16xi32>,
      %swap3A_2791 = vector.shape_cast %swap3A_2790 : vector<1x16xi32> to vector<16xi32>
      %swap3A_2792 = vector.shape_cast %add3A_2786 : vector<16xi32> to vector<1x16xi32>
      tpu.vector_store %arg5[%swap3A_2788, %swap3A_2789], %swap3A_2792 {strides = array<i32>} : memref<8x128xi32, #tpu.memory_space<vmem>>, vector<1x16xi32>,
      %add3A_2793 = arith.constant 96 : i32
      %add3A_2794 = arith.addi %mul3A_2672, %add3A_2793 : i32
      %iota3A_2795 = tpu.iota {dimensions = array<i32: 0>} : vector<16xi32>
      %add3A_2796 = vector.broadcast %add3A_2794 : i32 to vector<16xi32>
      %add3A_2797 = arith.addi %add3A_2796, %iota3A_2795 : vector<16xi32>
      %get3A_2798 = arith.constant 4 : i32
      %get3A_2799 = arith.index_cast %get3A_2798 : i32 to index
      %get3A_2800 = arith.constant 96 : index
      %get3A_2801 = tpu.vector_load %arg5[%get3A_2799, %get3A_2800] {strides = array<i32>} : memref<8x128xi32, #tpu.memory_space<vmem>>, vector<1x16xi32>,
      %get3A_2802 = vector.shape_cast %get3A_2801 : vector<1x16xi32> to vector<16xi32>
      %mul3A_2803 = arith.constant 1024 : i32
      %mul3A_2804 = vector.broadcast %mul3A_2803 : i32 to vector<16xi32>
      %mul3A_2805 = arith.muli %get3A_2802, %mul3A_2804 : vector<16xi32>
      %add3A_2806 = arith.addi %mul3A_2805, %add3A_2797 : vector<16xi32>
      %swap3A_2807 = arith.constant 4 : i32
      %swap3A_2808 = arith.index_cast %swap3A_2807 : i32 to index
      %swap3A_2809 = arith.constant 96 : index
      %swap3A_2810 = tpu.vector_load %arg5[%swap3A_2808, %swap3A_2809] {strides = array<i32>} : memref<8x128xi32, #tpu.memory_space<vmem>>, vector<1x16xi32>,
      %swap3A_2811 = vector.shape_cast %swap3A_2810 : vector<1x16xi32> to vector<16xi32>
      %swap3A_2812 = vector.shape_cast %add3A_2806 : vector<16xi32> to vector<1x16xi32>
      tpu.vector_store %arg5[%swap3A_2808, %swap3A_2809], %swap3A_2812 {strides = array<i32>} : memref<8x128xi32, #tpu.memory_space<vmem>>, vector<1x16xi32>,
      %add3A_2813 = arith.constant 112 : i32
      %add3A_2814 = arith.addi %mul3A_2672, %add3A_2813 : i32
      %iota3A_2815 = tpu.iota {dimensions = array<i32: 0>} : vector<16xi32>
      %add3A_2816 = vector.broadcast %add3A_2814 : i32 to vector<16xi32>
      %add3A_2817 = arith.addi %add3A_2816, %iota3A_2815 : vector<16xi32>
      %get3A_2818 = arith.constant 4 : i32
      %get3A_2819 = arith.index_cast %get3A_2818 : i32 to index
      %get3A_2820 = arith.constant 112 : index
      %get3A_2821 = tpu.vector_load %arg5[%get3A_2819, %get3A_2820] {strides = array<i32>} : memref<8x128xi32, #tpu.memory_space<vmem>>, vector<1x16xi32>,
      %get3A_2822 = vector.shape_cast %get3A_2821 : vector<1x16xi32> to vector<16xi32>
      %mul3A_2823 = arith.constant 1024 : i32
      %mul3A_2824 = vector.broadcast %mul3A_2823 : i32 to vector<16xi32>
      %mul3A_2825 = arith.muli %get3A_2822, %mul3A_2824 : vector<16xi32>
      %add3A_2826 = arith.addi %mul3A_2825, %add3A_2817 : vector<16xi32>
      %swap3A_2827 = arith.constant 4 : i32
      %swap3A_2828 = arith.index_cast %swap3A_2827 : i32 to index
      %swap3A_2829 = arith.constant 112 : index
      %swap3A_2830 = tpu.vector_load %arg5[%swap3A_2828, %swap3A_2829] {strides = array<i32>} : memref<8x128xi32, #tpu.memory_space<vmem>>, vector<1x16xi32>,
      %swap3A_2831 = vector.shape_cast %swap3A_2830 : vector<1x16xi32> to vector<16xi32>
      %swap3A_2832 = vector.shape_cast %add3A_2826 : vector<16xi32> to vector<1x16xi32>
      tpu.vector_store %arg5[%swap3A_2828, %swap3A_2829], %swap3A_2832 {strides = array<i32>} : memref<8x128xi32, #tpu.memory_space<vmem>>, vector<1x16xi32>,
      %add3A_2833 = arith.constant 1 : i32
      %add3A_2834 = arith.addi %add3A_2666, %add3A_2833 : i32
      %rem3A_2835 = arith.constant 8 : i32
      %rem3A_2836 = arith.remsi %add3A_2834, %rem3A_2835 : i32
      %mul3A_2837 = arith.constant 128 : i32
      %mul3A_2838 = arith.muli %rem3A_2836, %mul3A_2837 : i32
      %add3A_2839 = arith.constant 0 : i32
      %add3A_2840 = arith.addi %mul3A_2838, %add3A_2839 : i32
      %iota3A_2841 = tpu.iota {dimensions = array<i32: 0>} : vector<16xi32>
      %add3A_2842 = vector.broadcast %add3A_2840 : i32 to vector<16xi32>
      %add3A_2843 = arith.addi %add3A_2842, %iota3A_2841 : vector<16xi32>
      %get3A_2844 = arith.constant 5 : i32
      %get3A_2845 = arith.index_cast %get3A_2844 : i32 to index
      %get3A_2846 = arith.constant 0 : index
      %get3A_2847 = tpu.vector_load %arg5[%get3A_2845, %get3A_2846] {strides = array<i32>} : memref<8x128xi32, #tpu.memory_space<vmem>>, vector<1x16xi32>,
      %get3A_2848 = vector.shape_cast %get3A_2847 : vector<1x16xi32> to vector<16xi32>
      %mul3A_2849 = arith.constant 1024 : i32
      %mul3A_2850 = vector.broadcast %mul3A_2849 : i32 to vector<16xi32>
      %mul3A_2851 = arith.muli %get3A_2848, %mul3A_2850 : vector<16xi32>
      %add3A_2852 = arith.addi %mul3A_2851, %add3A_2843 : vector<16xi32>
      %swap3A_2853 = arith.constant 5 : i32
      %swap3A_2854 = arith.index_cast %swap3A_2853 : i32 to index
      %swap3A_2855 = arith.constant 0 : index
      %swap3A_2856 = tpu.vector_load %arg5[%swap3A_2854, %swap3A_2855] {strides = array<i32>} : memref<8x128xi32, #tpu.memory_space<vmem>>, vector<1x16xi32>,
      %swap3A_2857 = vector.shape_cast %swap3A_2856 : vector<1x16xi32> to vector<16xi32>
      %swap3A_2858 = vector.shape_cast %add3A_2852 : vector<16xi32> to vector<1x16xi32>
      tpu.vector_store %arg5[%swap3A_2854, %swap3A_2855], %swap3A_2858 {strides = array<i32>} : memref<8x128xi32, #tpu.memory_space<vmem>>, vector<1x16xi32>,
      %add3A_2859 = arith.constant 16 : i32
      %add3A_2860 = arith.addi %mul3A_2838, %add3A_2859 : i32
      %iota3A_2861 = tpu.iota {dimensions = array<i32: 0>} : vector<16xi32>
      %add3A_2862 = vector.broadcast %add3A_2860 : i32 to vector<16xi32>
      %add3A_2863 = arith.addi %add3A_2862, %iota3A_2861 : vector<16xi32>
      %get3A_2864 = arith.constant 5 : i32
      %get3A_2865 = arith.index_cast %get3A_2864 : i32 to index
      %get3A_2866 = arith.constant 16 : index
      %get3A_2867 = tpu.vector_load %arg5[%get3A_2865, %get3A_2866] {strides = array<i32>} : memref<8x128xi32, #tpu.memory_space<vmem>>, vector<1x16xi32>,
      %get3A_2868 = vector.shape_cast %get3A_2867 : vector<1x16xi32> to vector<16xi32>
      %mul3A_2869 = arith.constant 1024 : i32
      %mul3A_2870 = vector.broadcast %mul3A_2869 : i32 to vector<16xi32>
      %mul3A_2871 = arith.muli %get3A_2868, %mul3A_2870 : vector<16xi32>
      %add3A_2872 = arith.addi %mul3A_2871, %add3A_2863 : vector<16xi32>
      %swap3A_2873 = arith.constant 5 : i32
      %swap3A_2874 = arith.index_cast %swap3A_2873 : i32 to index
      %swap3A_2875 = arith.constant 16 : index
      %swap3A_2876 = tpu.vector_load %arg5[%swap3A_2874, %swap3A_2875] {strides = array<i32>} : memref<8x128xi32, #tpu.memory_space<vmem>>, vector<1x16xi32>,
      %swap3A_2877 = vector.shape_cast %swap3A_2876 : vector<1x16xi32> to vector<16xi32>
      %swap3A_2878 = vector.shape_cast %add3A_2872 : vector<16xi32> to vector<1x16xi32>
      tpu.vector_store %arg5[%swap3A_2874, %swap3A_2875], %swap3A_2878 {strides = array<i32>} : memref<8x128xi32, #tpu.memory_space<vmem>>, vector<1x16xi32>,
      %add3A_2879 = arith.constant 32 : i32
      %add3A_2880 = arith.addi %mul3A_2838, %add3A_2879 : i32
      %iota3A_2881 = tpu.iota {dimensions = array<i32: 0>} : vector<16xi32>
      %add3A_2882 = vector.broadcast %add3A_2880 : i32 to vector<16xi32>
      %add3A_2883 = arith.addi %add3A_2882, %iota3A_2881 : vector<16xi32>
      %get3A_2884 = arith.constant 5 : i32
      %get3A_2885 = arith.index_cast %get3A_2884 : i32 to index
      %get3A_2886 = arith.constant 32 : index
      %get3A_2887 = tpu.vector_load %arg5[%get3A_2885, %get3A_2886] {strides = array<i32>} : memref<8x128xi32, #tpu.memory_space<vmem>>, vector<1x16xi32>,
      %get3A_2888 = vector.shape_cast %get3A_2887 : vector<1x16xi32> to vector<16xi32>
      %mul3A_2889 = arith.constant 1024 : i32
      %mul3A_2890 = vector.broadcast %mul3A_2889 : i32 to vector<16xi32>
      %mul3A_2891 = arith.muli %get3A_2888, %mul3A_2890 : vector<16xi32>
      %add3A_2892 = arith.addi %mul3A_2891, %add3A_2883 : vector<16xi32>
      %swap3A_2893 = arith.constant 5 : i32
      %swap3A_2894 = arith.index_cast %swap3A_2893 : i32 to index
      %swap3A_2895 = arith.constant 32 : index
      %swap3A_2896 = tpu.vector_load %arg5[%swap3A_2894, %swap3A_2895] {strides = array<i32>} : memref<8x128xi32, #tpu.memory_space<vmem>>, vector<1x16xi32>,
      %swap3A_2897 = vector.shape_cast %swap3A_2896 : vector<1x16xi32> to vector<16xi32>
      %swap3A_2898 = vector.shape_cast %add3A_2892 : vector<16xi32> to vector<1x16xi32>
      tpu.vector_store %arg5[%swap3A_2894, %swap3A_2895], %swap3A_2898 {strides = array<i32>} : memref<8x128xi32, #tpu.memory_space<vmem>>, vector<1x16xi32>,
      %add3A_2899 = arith.constant 48 : i32
      %add3A_2900 = arith.addi %mul3A_2838, %add3A_2899 : i32
      %iota3A_2901 = tpu.iota {dimensions = array<i32: 0>} : vector<16xi32>
      %add3A_2902 = vector.broadcast %add3A_2900 : i32 to vector<16xi32>
      %add3A_2903 = arith.addi %add3A_2902, %iota3A_2901 : vector<16xi32>
      %get3A_2904 = arith.constant 5 : i32
      %get3A_2905 = arith.index_cast %get3A_2904 : i32 to index
      %get3A_2906 = arith.constant 48 : index
      %get3A_2907 = tpu.vector_load %arg5[%get3A_2905, %get3A_2906] {strides = array<i32>} : memref<8x128xi32, #tpu.memory_space<vmem>>, vector<1x16xi32>,
      %get3A_2908 = vector.shape_cast %get3A_2907 : vector<1x16xi32> to vector<16xi32>
      %mul3A_2909 = arith.constant 1024 : i32
      %mul3A_2910 = vector.broadcast %mul3A_2909 : i32 to vector<16xi32>
      %mul3A_2911 = arith.muli %get3A_2908, %mul3A_2910 : vector<16xi32>
      %add3A_2912 = arith.addi %mul3A_2911, %add3A_2903 : vector<16xi32>
      %swap3A_2913 = arith.constant 5 : i32
      %swap3A_2914 = arith.index_cast %swap3A_2913 : i32 to index
      %swap3A_2915 = arith.constant 48 : index
      %swap3A_2916 = tpu.vector_load %arg5[%swap3A_2914, %swap3A_2915] {strides = array<i32>} : memref<8x128xi32, #tpu.memory_space<vmem>>, vector<1x16xi32>,
      %swap3A_2917 = vector.shape_cast %swap3A_2916 : vector<1x16xi32> to vector<16xi32>
      %swap3A_2918 = vector.shape_cast %add3A_2912 : vector<16xi32> to vector<1x16xi32>
      tpu.vector_store %arg5[%swap3A_2914, %swap3A_2915], %swap3A_2918 {strides = array<i32>} : memref<8x128xi32, #tpu.memory_space<vmem>>, vector<1x16xi32>,
      %add3A_2919 = arith.constant 64 : i32
      %add3A_2920 = arith.addi %mul3A_2838, %add3A_2919 : i32
      %iota3A_2921 = tpu.iota {dimensions = array<i32: 0>} : vector<16xi32>
      %add3A_2922 = vector.broadcast %add3A_2920 : i32 to vector<16xi32>
      %add3A_2923 = arith.addi %add3A_2922, %iota3A_2921 : vector<16xi32>
      %get3A_2924 = arith.constant 5 : i32
      %get3A_2925 = arith.index_cast %get3A_2924 : i32 to index
      %get3A_2926 = arith.constant 64 : index
      %get3A_2927 = tpu.vector_load %arg5[%get3A_2925, %get3A_2926] {strides = array<i32>} : memref<8x128xi32, #tpu.memory_space<vmem>>, vector<1x16xi32>,
      %get3A_2928 = vector.shape_cast %get3A_2927 : vector<1x16xi32> to vector<16xi32>
      %mul3A_2929 = arith.constant 1024 : i32
      %mul3A_2930 = vector.broadcast %mul3A_2929 : i32 to vector<16xi32>
      %mul3A_2931 = arith.muli %get3A_2928, %mul3A_2930 : vector<16xi32>
      %add3A_2932 = arith.addi %mul3A_2931, %add3A_2923 : vector<16xi32>
      %swap3A_2933 = arith.constant 5 : i32
      %swap3A_2934 = arith.index_cast %swap3A_2933 : i32 to index
      %swap3A_2935 = arith.constant 64 : index
      %swap3A_2936 = tpu.vector_load %arg5[%swap3A_2934, %swap3A_2935] {strides = array<i32>} : memref<8x128xi32, #tpu.memory_space<vmem>>, vector<1x16xi32>,
      %swap3A_2937 = vector.shape_cast %swap3A_2936 : vector<1x16xi32> to vector<16xi32>
      %swap3A_2938 = vector.shape_cast %add3A_2932 : vector<16xi32> to vector<1x16xi32>
      tpu.vector_store %arg5[%swap3A_2934, %swap3A_2935], %swap3A_2938 {strides = array<i32>} : memref<8x128xi32, #tpu.memory_space<vmem>>, vector<1x16xi32>,
      %add3A_2939 = arith.constant 80 : i32
      %add3A_2940 = arith.addi %mul3A_2838, %add3A_2939 : i32
      %iota3A_2941 = tpu.iota {dimensions = array<i32: 0>} : vector<16xi32>
      %add3A_2942 = vector.broadcast %add3A_2940 : i32 to vector<16xi32>
      %add3A_2943 = arith.addi %add3A_2942, %iota3A_2941 : vector<16xi32>
      %get3A_2944 = arith.constant 5 : i32
      %get3A_2945 = arith.index_cast %get3A_2944 : i32 to index
      %get3A_2946 = arith.constant 80 : index
      %get3A_2947 = tpu.vector_load %arg5[%get3A_2945, %get3A_2946] {strides = array<i32>} : memref<8x128xi32, #tpu.memory_space<vmem>>, vector<1x16xi32>,
      %get3A_2948 = vector.shape_cast %get3A_2947 : vector<1x16xi32> to vector<16xi32>
      %mul3A_2949 = arith.constant 1024 : i32
      %mul3A_2950 = vector.broadcast %mul3A_2949 : i32 to vector<16xi32>
      %mul3A_2951 = arith.muli %get3A_2948, %mul3A_2950 : vector<16xi32>
      %add3A_2952 = arith.addi %mul3A_2951, %add3A_2943 : vector<16xi32>
      %swap3A_2953 = arith.constant 5 : i32
      %swap3A_2954 = arith.index_cast %swap3A_2953 : i32 to index
      %swap3A_2955 = arith.constant 80 : index
      %swap3A_2956 = tpu.vector_load %arg5[%swap3A_2954, %swap3A_2955] {strides = array<i32>} : memref<8x128xi32, #tpu.memory_space<vmem>>, vector<1x16xi32>,
      %swap3A_2957 = vector.shape_cast %swap3A_2956 : vector<1x16xi32> to vector<16xi32>
      %swap3A_2958 = vector.shape_cast %add3A_2952 : vector<16xi32> to vector<1x16xi32>
      tpu.vector_store %arg5[%swap3A_2954, %swap3A_2955], %swap3A_2958 {strides = array<i32>} : memref<8x128xi32, #tpu.memory_space<vmem>>, vector<1x16xi32>,
      %add3A_2959 = arith.constant 96 : i32
      %add3A_2960 = arith.addi %mul3A_2838, %add3A_2959 : i32
      %iota3A_2961 = tpu.iota {dimensions = array<i32: 0>} : vector<16xi32>
      %add3A_2962 = vector.broadcast %add3A_2960 : i32 to vector<16xi32>
      %add3A_2963 = arith.addi %add3A_2962, %iota3A_2961 : vector<16xi32>
      %get3A_2964 = arith.constant 5 : i32
      %get3A_2965 = arith.index_cast %get3A_2964 : i32 to index
      %get3A_2966 = arith.constant 96 : index
      %get3A_2967 = tpu.vector_load %arg5[%get3A_2965, %get3A_2966] {strides = array<i32>} : memref<8x128xi32, #tpu.memory_space<vmem>>, vector<1x16xi32>,
      %get3A_2968 = vector.shape_cast %get3A_2967 : vector<1x16xi32> to vector<16xi32>
      %mul3A_2969 = arith.constant 1024 : i32
      %mul3A_2970 = vector.broadcast %mul3A_2969 : i32 to vector<16xi32>
      %mul3A_2971 = arith.muli %get3A_2968, %mul3A_2970 : vector<16xi32>
      %add3A_2972 = arith.addi %mul3A_2971, %add3A_2963 : vector<16xi32>
      %swap3A_2973 = arith.constant 5 : i32
      %swap3A_2974 = arith.index_cast %swap3A_2973 : i32 to index
      %swap3A_2975 = arith.constant 96 : index
      %swap3A_2976 = tpu.vector_load %arg5[%swap3A_2974, %swap3A_2975] {strides = array<i32>} : memref<8x128xi32, #tpu.memory_space<vmem>>, vector<1x16xi32>,
      %swap3A_2977 = vector.shape_cast %swap3A_2976 : vector<1x16xi32> to vector<16xi32>
      %swap3A_2978 = vector.shape_cast %add3A_2972 : vector<16xi32> to vector<1x16xi32>
      tpu.vector_store %arg5[%swap3A_2974, %swap3A_2975], %swap3A_2978 {strides = array<i32>} : memref<8x128xi32, #tpu.memory_space<vmem>>, vector<1x16xi32>,
      %add3A_2979 = arith.constant 112 : i32
      %add3A_2980 = arith.addi %mul3A_2838, %add3A_2979 : i32
      %iota3A_2981 = tpu.iota {dimensions = array<i32: 0>} : vector<16xi32>
      %add3A_2982 = vector.broadcast %add3A_2980 : i32 to vector<16xi32>
      %add3A_2983 = arith.addi %add3A_2982, %iota3A_2981 : vector<16xi32>
      %get3A_2984 = arith.constant 5 : i32
      %get3A_2985 = arith.index_cast %get3A_2984 : i32 to index
      %get3A_2986 = arith.constant 112 : index
      %get3A_2987 = tpu.vector_load %arg5[%get3A_2985, %get3A_2986] {strides = array<i32>} : memref<8x128xi32, #tpu.memory_space<vmem>>, vector<1x16xi32>,
      %get3A_2988 = vector.shape_cast %get3A_2987 : vector<1x16xi32> to vector<16xi32>
      %mul3A_2989 = arith.constant 1024 : i32
      %mul3A_2990 = vector.broadcast %mul3A_2989 : i32 to vector<16xi32>
      %mul3A_2991 = arith.muli %get3A_2988, %mul3A_2990 : vector<16xi32>
      %add3A_2992 = arith.addi %mul3A_2991, %add3A_2983 : vector<16xi32>
      %swap3A_2993 = arith.constant 5 : i32
      %swap3A_2994 = arith.index_cast %swap3A_2993 : i32 to index
      %swap3A_2995 = arith.constant 112 : index
      %swap3A_2996 = tpu.vector_load %arg5[%swap3A_2994, %swap3A_2995] {strides = array<i32>} : memref<8x128xi32, #tpu.memory_space<vmem>>, vector<1x16xi32>,
      %swap3A_2997 = vector.shape_cast %swap3A_2996 : vector<1x16xi32> to vector<16xi32>
      %swap3A_2998 = vector.shape_cast %add3A_2992 : vector<16xi32> to vector<1x16xi32>
      tpu.vector_store %arg5[%swap3A_2994, %swap3A_2995], %swap3A_2998 {strides = array<i32>} : memref<8x128xi32, #tpu.memory_space<vmem>>, vector<1x16xi32>,
      %add3A_2999 = arith.constant 2 : i32
      %add3A_3000 = arith.addi %add3A_2666, %add3A_2999 : i32
      %rem3A_3001 = arith.constant 8 : i32
      %rem3A_3002 = arith.remsi %add3A_3000, %rem3A_3001 : i32
      %mul3A_3003 = arith.constant 128 : i32
      %mul3A_3004 = arith.muli %rem3A_3002, %mul3A_3003 : i32
      %add3A_3005 = arith.constant 0 : i32
      %add3A_3006 = arith.addi %mul3A_3004, %add3A_3005 : i32
      %iota3A_3007 = tpu.iota {dimensions = array<i32: 0>} : vector<16xi32>
      %add3A_3008 = vector.broadcast %add3A_3006 : i32 to vector<16xi32>
      %add3A_3009 = arith.addi %add3A_3008, %iota3A_3007 : vector<16xi32>
      %get3A_3010 = arith.constant 6 : i32
      %get3A_3011 = arith.index_cast %get3A_3010 : i32 to index
      %get3A_3012 = arith.constant 0 : index
      %get3A_3013 = tpu.vector_load %arg5[%get3A_3011, %get3A_3012] {strides = array<i32>} : memref<8x128xi32, #tpu.memory_space<vmem>>, vector<1x16xi32>,
      %get3A_3014 = vector.shape_cast %get3A_3013 : vector<1x16xi32> to vector<16xi32>
      %mul3A_3015 = arith.constant 1024 : i32
      %mul3A_3016 = vector.broadcast %mul3A_3015 : i32 to vector<16xi32>
      %mul3A_3017 = arith.muli %get3A_3014, %mul3A_3016 : vector<16xi32>
      %add3A_3018 = arith.addi %mul3A_3017, %add3A_3009 : vector<16xi32>
      %swap3A_3019 = arith.constant 6 : i32
      %swap3A_3020 = arith.index_cast %swap3A_3019 : i32 to index
      %swap3A_3021 = arith.constant 0 : index
      %swap3A_3022 = tpu.vector_load %arg5[%swap3A_3020, %swap3A_3021] {strides = array<i32>} : memref<8x128xi32, #tpu.memory_space<vmem>>, vector<1x16xi32>,
      %swap3A_3023 = vector.shape_cast %swap3A_3022 : vector<1x16xi32> to vector<16xi32>
      %swap3A_3024 = vector.shape_cast %add3A_3018 : vector<16xi32> to vector<1x16xi32>
      tpu.vector_store %arg5[%swap3A_3020, %swap3A_3021], %swap3A_3024 {strides = array<i32>} : memref<8x128xi32, #tpu.memory_space<vmem>>, vector<1x16xi32>,
      %add3A_3025 = arith.constant 16 : i32
      %add3A_3026 = arith.addi %mul3A_3004, %add3A_3025 : i32
      %iota3A_3027 = tpu.iota {dimensions = array<i32: 0>} : vector<16xi32>
      %add3A_3028 = vector.broadcast %add3A_3026 : i32 to vector<16xi32>
      %add3A_3029 = arith.addi %add3A_3028, %iota3A_3027 : vector<16xi32>
      %get3A_3030 = arith.constant 6 : i32
      %get3A_3031 = arith.index_cast %get3A_3030 : i32 to index
      %get3A_3032 = arith.constant 16 : index
      %get3A_3033 = tpu.vector_load %arg5[%get3A_3031, %get3A_3032] {strides = array<i32>} : memref<8x128xi32, #tpu.memory_space<vmem>>, vector<1x16xi32>,
      %get3A_3034 = vector.shape_cast %get3A_3033 : vector<1x16xi32> to vector<16xi32>
      %mul3A_3035 = arith.constant 1024 : i32
      %mul3A_3036 = vector.broadcast %mul3A_3035 : i32 to vector<16xi32>
      %mul3A_3037 = arith.muli %get3A_3034, %mul3A_3036 : vector<16xi32>
      %add3A_3038 = arith.addi %mul3A_3037, %add3A_3029 : vector<16xi32>
      %swap3A_3039 = arith.constant 6 : i32
      %swap3A_3040 = arith.index_cast %swap3A_3039 : i32 to index
      %swap3A_3041 = arith.constant 16 : index
      %swap3A_3042 = tpu.vector_load %arg5[%swap3A_3040, %swap3A_3041] {strides = array<i32>} : memref<8x128xi32, #tpu.memory_space<vmem>>, vector<1x16xi32>,
      %swap3A_3043 = vector.shape_cast %swap3A_3042 : vector<1x16xi32> to vector<16xi32>
      %swap3A_3044 = vector.shape_cast %add3A_3038 : vector<16xi32> to vector<1x16xi32>
      tpu.vector_store %arg5[%swap3A_3040, %swap3A_3041], %swap3A_3044 {strides = array<i32>} : memref<8x128xi32, #tpu.memory_space<vmem>>, vector<1x16xi32>,
      %add3A_3045 = arith.constant 32 : i32
      %add3A_3046 = arith.addi %mul3A_3004, %add3A_3045 : i32
      %iota3A_3047 = tpu.iota {dimensions = array<i32: 0>} : vector<16xi32>
      %add3A_3048 = vector.broadcast %add3A_3046 : i32 to vector<16xi32>
      %add3A_3049 = arith.addi %add3A_3048, %iota3A_3047 : vector<16xi32>
      %get3A_3050 = arith.constant 6 : i32
      %get3A_3051 = arith.index_cast %get3A_3050 : i32 to index
      %get3A_3052 = arith.constant 32 : index
      %get3A_3053 = tpu.vector_load %arg5[%get3A_3051, %get3A_3052] {strides = array<i32>} : memref<8x128xi32, #tpu.memory_space<vmem>>, vector<1x16xi32>,
      %get3A_3054 = vector.shape_cast %get3A_3053 : vector<1x16xi32> to vector<16xi32>
      %mul3A_3055 = arith.constant 1024 : i32
      %mul3A_3056 = vector.broadcast %mul3A_3055 : i32 to vector<16xi32>
      %mul3A_3057 = arith.muli %get3A_3054, %mul3A_3056 : vector<16xi32>
      %add3A_3058 = arith.addi %mul3A_3057, %add3A_3049 : vector<16xi32>
      %swap3A_3059 = arith.constant 6 : i32
      %swap3A_3060 = arith.index_cast %swap3A_3059 : i32 to index
      %swap3A_3061 = arith.constant 32 : index
      %swap3A_3062 = tpu.vector_load %arg5[%swap3A_3060, %swap3A_3061] {strides = array<i32>} : memref<8x128xi32, #tpu.memory_space<vmem>>, vector<1x16xi32>,
      %swap3A_3063 = vector.shape_cast %swap3A_3062 : vector<1x16xi32> to vector<16xi32>
      %swap3A_3064 = vector.shape_cast %add3A_3058 : vector<16xi32> to vector<1x16xi32>
      tpu.vector_store %arg5[%swap3A_3060, %swap3A_3061], %swap3A_3064 {strides = array<i32>} : memref<8x128xi32, #tpu.memory_space<vmem>>, vector<1x16xi32>,
      %add3A_3065 = arith.constant 48 : i32
      %add3A_3066 = arith.addi %mul3A_3004, %add3A_3065 : i32
      %iota3A_3067 = tpu.iota {dimensions = array<i32: 0>} : vector<16xi32>
      %add3A_3068 = vector.broadcast %add3A_3066 : i32 to vector<16xi32>
      %add3A_3069 = arith.addi %add3A_3068, %iota3A_3067 : vector<16xi32>
      %get3A_3070 = arith.constant 6 : i32
      %get3A_3071 = arith.index_cast %get3A_3070 : i32 to index
      %get3A_3072 = arith.constant 48 : index
      %get3A_3073 = tpu.vector_load %arg5[%get3A_3071, %get3A_3072] {strides = array<i32>} : memref<8x128xi32, #tpu.memory_space<vmem>>, vector<1x16xi32>,
      %get3A_3074 = vector.shape_cast %get3A_3073 : vector<1x16xi32> to vector<16xi32>
      %mul3A_3075 = arith.constant 1024 : i32
      %mul3A_3076 = vector.broadcast %mul3A_3075 : i32 to vector<16xi32>
      %mul3A_3077 = arith.muli %get3A_3074, %mul3A_3076 : vector<16xi32>
      %add3A_3078 = arith.addi %mul3A_3077, %add3A_3069 : vector<16xi32>
      %swap3A_3079 = arith.constant 6 : i32
      %swap3A_3080 = arith.index_cast %swap3A_3079 : i32 to index
      %swap3A_3081 = arith.constant 48 : index
      %swap3A_3082 = tpu.vector_load %arg5[%swap3A_3080, %swap3A_3081] {strides = array<i32>} : memref<8x128xi32, #tpu.memory_space<vmem>>, vector<1x16xi32>,
      %swap3A_3083 = vector.shape_cast %swap3A_3082 : vector<1x16xi32> to vector<16xi32>
      %swap3A_3084 = vector.shape_cast %add3A_3078 : vector<16xi32> to vector<1x16xi32>
      tpu.vector_store %arg5[%swap3A_3080, %swap3A_3081], %swap3A_3084 {strides = array<i32>} : memref<8x128xi32, #tpu.memory_space<vmem>>, vector<1x16xi32>,
      %add3A_3085 = arith.constant 64 : i32
      %add3A_3086 = arith.addi %mul3A_3004, %add3A_3085 : i32
      %iota3A_3087 = tpu.iota {dimensions = array<i32: 0>} : vector<16xi32>
      %add3A_3088 = vector.broadcast %add3A_3086 : i32 to vector<16xi32>
      %add3A_3089 = arith.addi %add3A_3088, %iota3A_3087 : vector<16xi32>
      %get3A_3090 = arith.constant 6 : i32
      %get3A_3091 = arith.index_cast %get3A_3090 : i32 to index
      %get3A_3092 = arith.constant 64 : index
      %get3A_3093 = tpu.vector_load %arg5[%get3A_3091, %get3A_3092] {strides = array<i32>} : memref<8x128xi32, #tpu.memory_space<vmem>>, vector<1x16xi32>,
      %get3A_3094 = vector.shape_cast %get3A_3093 : vector<1x16xi32> to vector<16xi32>
      %mul3A_3095 = arith.constant 1024 : i32
      %mul3A_3096 = vector.broadcast %mul3A_3095 : i32 to vector<16xi32>
      %mul3A_3097 = arith.muli %get3A_3094, %mul3A_3096 : vector<16xi32>
      %add3A_3098 = arith.addi %mul3A_3097, %add3A_3089 : vector<16xi32>
      %swap3A_3099 = arith.constant 6 : i32
      %swap3A_3100 = arith.index_cast %swap3A_3099 : i32 to index
      %swap3A_3101 = arith.constant 64 : index
      %swap3A_3102 = tpu.vector_load %arg5[%swap3A_3100, %swap3A_3101] {strides = array<i32>} : memref<8x128xi32, #tpu.memory_space<vmem>>, vector<1x16xi32>,
      %swap3A_3103 = vector.shape_cast %swap3A_3102 : vector<1x16xi32> to vector<16xi32>
      %swap3A_3104 = vector.shape_cast %add3A_3098 : vector<16xi32> to vector<1x16xi32>
      tpu.vector_store %arg5[%swap3A_3100, %swap3A_3101], %swap3A_3104 {strides = array<i32>} : memref<8x128xi32, #tpu.memory_space<vmem>>, vector<1x16xi32>,
      %add3A_3105 = arith.constant 80 : i32
      %add3A_3106 = arith.addi %mul3A_3004, %add3A_3105 : i32
      %iota3A_3107 = tpu.iota {dimensions = array<i32: 0>} : vector<16xi32>
      %add3A_3108 = vector.broadcast %add3A_3106 : i32 to vector<16xi32>
      %add3A_3109 = arith.addi %add3A_3108, %iota3A_3107 : vector<16xi32>
      %get3A_3110 = arith.constant 6 : i32
      %get3A_3111 = arith.index_cast %get3A_3110 : i32 to index
      %get3A_3112 = arith.constant 80 : index
      %get3A_3113 = tpu.vector_load %arg5[%get3A_3111, %get3A_3112] {strides = array<i32>} : memref<8x128xi32, #tpu.memory_space<vmem>>, vector<1x16xi32>,
      %get3A_3114 = vector.shape_cast %get3A_3113 : vector<1x16xi32> to vector<16xi32>
      %mul3A_3115 = arith.constant 1024 : i32
      %mul3A_3116 = vector.broadcast %mul3A_3115 : i32 to vector<16xi32>
      %mul3A_3117 = arith.muli %get3A_3114, %mul3A_3116 : vector<16xi32>
      %add3A_3118 = arith.addi %mul3A_3117, %add3A_3109 : vector<16xi32>
      %swap3A_3119 = arith.constant 6 : i32
      %swap3A_3120 = arith.index_cast %swap3A_3119 : i32 to index
      %swap3A_3121 = arith.constant 80 : index
      %swap3A_3122 = tpu.vector_load %arg5[%swap3A_3120, %swap3A_3121] {strides = array<i32>} : memref<8x128xi32, #tpu.memory_space<vmem>>, vector<1x16xi32>,
      %swap3A_3123 = vector.shape_cast %swap3A_3122 : vector<1x16xi32> to vector<16xi32>
      %swap3A_3124 = vector.shape_cast %add3A_3118 : vector<16xi32> to vector<1x16xi32>
      tpu.vector_store %arg5[%swap3A_3120, %swap3A_3121], %swap3A_3124 {strides = array<i32>} : memref<8x128xi32, #tpu.memory_space<vmem>>, vector<1x16xi32>,
      %add3A_3125 = arith.constant 96 : i32
      %add3A_3126 = arith.addi %mul3A_3004, %add3A_3125 : i32
      %iota3A_3127 = tpu.iota {dimensions = array<i32: 0>} : vector<16xi32>
      %add3A_3128 = vector.broadcast %add3A_3126 : i32 to vector<16xi32>
      %add3A_3129 = arith.addi %add3A_3128, %iota3A_3127 : vector<16xi32>
      %get3A_3130 = arith.constant 6 : i32
      %get3A_3131 = arith.index_cast %get3A_3130 : i32 to index
      %get3A_3132 = arith.constant 96 : index
      %get3A_3133 = tpu.vector_load %arg5[%get3A_3131, %get3A_3132] {strides = array<i32>} : memref<8x128xi32, #tpu.memory_space<vmem>>, vector<1x16xi32>,
      %get3A_3134 = vector.shape_cast %get3A_3133 : vector<1x16xi32> to vector<16xi32>
      %mul3A_3135 = arith.constant 1024 : i32
      %mul3A_3136 = vector.broadcast %mul3A_3135 : i32 to vector<16xi32>
      %mul3A_3137 = arith.muli %get3A_3134, %mul3A_3136 : vector<16xi32>
      %add3A_3138 = arith.addi %mul3A_3137, %add3A_3129 : vector<16xi32>
      %swap3A_3139 = arith.constant 6 : i32
      %swap3A_3140 = arith.index_cast %swap3A_3139 : i32 to index
      %swap3A_3141 = arith.constant 96 : index
      %swap3A_3142 = tpu.vector_load %arg5[%swap3A_3140, %swap3A_3141] {strides = array<i32>} : memref<8x128xi32, #tpu.memory_space<vmem>>, vector<1x16xi32>,
      %swap3A_3143 = vector.shape_cast %swap3A_3142 : vector<1x16xi32> to vector<16xi32>
      %swap3A_3144 = vector.shape_cast %add3A_3138 : vector<16xi32> to vector<1x16xi32>
      tpu.vector_store %arg5[%swap3A_3140, %swap3A_3141], %swap3A_3144 {strides = array<i32>} : memref<8x128xi32, #tpu.memory_space<vmem>>, vector<1x16xi32>,
      %add3A_3145 = arith.constant 112 : i32
      %add3A_3146 = arith.addi %mul3A_3004, %add3A_3145 : i32
      %iota3A_3147 = tpu.iota {dimensions = array<i32: 0>} : vector<16xi32>
      %add3A_3148 = vector.broadcast %add3A_3146 : i32 to vector<16xi32>
      %add3A_3149 = arith.addi %add3A_3148, %iota3A_3147 : vector<16xi32>
      %get3A_3150 = arith.constant 6 : i32
      %get3A_3151 = arith.index_cast %get3A_3150 : i32 to index
      %get3A_3152 = arith.constant 112 : index
      %get3A_3153 = tpu.vector_load %arg5[%get3A_3151, %get3A_3152] {strides = array<i32>} : memref<8x128xi32, #tpu.memory_space<vmem>>, vector<1x16xi32>,
      %get3A_3154 = vector.shape_cast %get3A_3153 : vector<1x16xi32> to vector<16xi32>
      %mul3A_3155 = arith.constant 1024 : i32
      %mul3A_3156 = vector.broadcast %mul3A_3155 : i32 to vector<16xi32>
      %mul3A_3157 = arith.muli %get3A_3154, %mul3A_3156 : vector<16xi32>
      %add3A_3158 = arith.addi %mul3A_3157, %add3A_3149 : vector<16xi32>
      %swap3A_3159 = arith.constant 6 : i32
      %swap3A_3160 = arith.index_cast %swap3A_3159 : i32 to index
      %swap3A_3161 = arith.constant 112 : index
      %swap3A_3162 = tpu.vector_load %arg5[%swap3A_3160, %swap3A_3161] {strides = array<i32>} : memref<8x128xi32, #tpu.memory_space<vmem>>, vector<1x16xi32>,
      %swap3A_3163 = vector.shape_cast %swap3A_3162 : vector<1x16xi32> to vector<16xi32>
      %swap3A_3164 = vector.shape_cast %add3A_3158 : vector<16xi32> to vector<1x16xi32>
      tpu.vector_store %arg5[%swap3A_3160, %swap3A_3161], %swap3A_3164 {strides = array<i32>} : memref<8x128xi32, #tpu.memory_space<vmem>>, vector<1x16xi32>,
      %add3A_3165 = arith.constant 3 : i32
      %add3A_3166 = arith.addi %add3A_2666, %add3A_3165 : i32
      %rem3A_3167 = arith.constant 8 : i32
      %rem3A_3168 = arith.remsi %add3A_3166, %rem3A_3167 : i32
      %mul3A_3169 = arith.constant 128 : i32
      %mul3A_3170 = arith.muli %rem3A_3168, %mul3A_3169 : i32
      %add3A_3171 = arith.constant 0 : i32
      %add3A_3172 = arith.addi %mul3A_3170, %add3A_3171 : i32
      %iota3A_3173 = tpu.iota {dimensions = array<i32: 0>} : vector<16xi32>
      %add3A_3174 = vector.broadcast %add3A_3172 : i32 to vector<16xi32>
      %add3A_3175 = arith.addi %add3A_3174, %iota3A_3173 : vector<16xi32>
      %get3A_3176 = arith.constant 7 : i32
      %get3A_3177 = arith.index_cast %get3A_3176 : i32 to index
      %get3A_3178 = arith.constant 0 : index
      %get3A_3179 = tpu.vector_load %arg5[%get3A_3177, %get3A_3178] {strides = array<i32>} : memref<8x128xi32, #tpu.memory_space<vmem>>, vector<1x16xi32>,
      %get3A_3180 = vector.shape_cast %get3A_3179 : vector<1x16xi32> to vector<16xi32>
      %mul3A_3181 = arith.constant 1024 : i32
      %mul3A_3182 = vector.broadcast %mul3A_3181 : i32 to vector<16xi32>
      %mul3A_3183 = arith.muli %get3A_3180, %mul3A_3182 : vector<16xi32>
      %add3A_3184 = arith.addi %mul3A_3183, %add3A_3175 : vector<16xi32>
      %swap3A_3185 = arith.constant 7 : i32
      %swap3A_3186 = arith.index_cast %swap3A_3185 : i32 to index
      %swap3A_3187 = arith.constant 0 : index
      %swap3A_3188 = tpu.vector_load %arg5[%swap3A_3186, %swap3A_3187] {strides = array<i32>} : memref<8x128xi32, #tpu.memory_space<vmem>>, vector<1x16xi32>,
      %swap3A_3189 = vector.shape_cast %swap3A_3188 : vector<1x16xi32> to vector<16xi32>
      %swap3A_3190 = vector.shape_cast %add3A_3184 : vector<16xi32> to vector<1x16xi32>
      tpu.vector_store %arg5[%swap3A_3186, %swap3A_3187], %swap3A_3190 {strides = array<i32>} : memref<8x128xi32, #tpu.memory_space<vmem>>, vector<1x16xi32>,
      %add3A_3191 = arith.constant 16 : i32
      %add3A_3192 = arith.addi %mul3A_3170, %add3A_3191 : i32
      %iota3A_3193 = tpu.iota {dimensions = array<i32: 0>} : vector<16xi32>
      %add3A_3194 = vector.broadcast %add3A_3192 : i32 to vector<16xi32>
      %add3A_3195 = arith.addi %add3A_3194, %iota3A_3193 : vector<16xi32>
      %get3A_3196 = arith.constant 7 : i32
      %get3A_3197 = arith.index_cast %get3A_3196 : i32 to index
      %get3A_3198 = arith.constant 16 : index
      %get3A_3199 = tpu.vector_load %arg5[%get3A_3197, %get3A_3198] {strides = array<i32>} : memref<8x128xi32, #tpu.memory_space<vmem>>, vector<1x16xi32>,
      %get3A_3200 = vector.shape_cast %get3A_3199 : vector<1x16xi32> to vector<16xi32>
      %mul3A_3201 = arith.constant 1024 : i32
      %mul3A_3202 = vector.broadcast %mul3A_3201 : i32 to vector<16xi32>
      %mul3A_3203 = arith.muli %get3A_3200, %mul3A_3202 : vector<16xi32>
      %add3A_3204 = arith.addi %mul3A_3203, %add3A_3195 : vector<16xi32>
      %swap3A_3205 = arith.constant 7 : i32
      %swap3A_3206 = arith.index_cast %swap3A_3205 : i32 to index
      %swap3A_3207 = arith.constant 16 : index
      %swap3A_3208 = tpu.vector_load %arg5[%swap3A_3206, %swap3A_3207] {strides = array<i32>} : memref<8x128xi32, #tpu.memory_space<vmem>>, vector<1x16xi32>,
      %swap3A_3209 = vector.shape_cast %swap3A_3208 : vector<1x16xi32> to vector<16xi32>
      %swap3A_3210 = vector.shape_cast %add3A_3204 : vector<16xi32> to vector<1x16xi32>
      tpu.vector_store %arg5[%swap3A_3206, %swap3A_3207], %swap3A_3210 {strides = array<i32>} : memref<8x128xi32, #tpu.memory_space<vmem>>, vector<1x16xi32>,
      %add3A_3211 = arith.constant 32 : i32
      %add3A_3212 = arith.addi %mul3A_3170, %add3A_3211 : i32
      %iota3A_3213 = tpu.iota {dimensions = array<i32: 0>} : vector<16xi32>
      %add3A_3214 = vector.broadcast %add3A_3212 : i32 to vector<16xi32>
      %add3A_3215 = arith.addi %add3A_3214, %iota3A_3213 : vector<16xi32>
      %get3A_3216 = arith.constant 7 : i32
      %get3A_3217 = arith.index_cast %get3A_3216 : i32 to index
      %get3A_3218 = arith.constant 32 : index
      %get3A_3219 = tpu.vector_load %arg5[%get3A_3217, %get3A_3218] {strides = array<i32>} : memref<8x128xi32, #tpu.memory_space<vmem>>, vector<1x16xi32>,
      %get3A_3220 = vector.shape_cast %get3A_3219 : vector<1x16xi32> to vector<16xi32>
      %mul3A_3221 = arith.constant 1024 : i32
      %mul3A_3222 = vector.broadcast %mul3A_3221 : i32 to vector<16xi32>
      %mul3A_3223 = arith.muli %get3A_3220, %mul3A_3222 : vector<16xi32>
      %add3A_3224 = arith.addi %mul3A_3223, %add3A_3215 : vector<16xi32>
      %swap3A_3225 = arith.constant 7 : i32
      %swap3A_3226 = arith.index_cast %swap3A_3225 : i32 to index
      %swap3A_3227 = arith.constant 32 : index
      %swap3A_3228 = tpu.vector_load %arg5[%swap3A_3226, %swap3A_3227] {strides = array<i32>} : memref<8x128xi32, #tpu.memory_space<vmem>>, vector<1x16xi32>,
      %swap3A_3229 = vector.shape_cast %swap3A_3228 : vector<1x16xi32> to vector<16xi32>
      %swap3A_3230 = vector.shape_cast %add3A_3224 : vector<16xi32> to vector<1x16xi32>
      tpu.vector_store %arg5[%swap3A_3226, %swap3A_3227], %swap3A_3230 {strides = array<i32>} : memref<8x128xi32, #tpu.memory_space<vmem>>, vector<1x16xi32>,
      %add3A_3231 = arith.constant 48 : i32
      %add3A_3232 = arith.addi %mul3A_3170, %add3A_3231 : i32
      %iota3A_3233 = tpu.iota {dimensions = array<i32: 0>} : vector<16xi32>
      %add3A_3234 = vector.broadcast %add3A_3232 : i32 to vector<16xi32>
      %add3A_3235 = arith.addi %add3A_3234, %iota3A_3233 : vector<16xi32>
      %get3A_3236 = arith.constant 7 : i32
      %get3A_3237 = arith.index_cast %get3A_3236 : i32 to index
      %get3A_3238 = arith.constant 48 : index
      %get3A_3239 = tpu.vector_load %arg5[%get3A_3237, %get3A_3238] {strides = array<i32>} : memref<8x128xi32, #tpu.memory_space<vmem>>, vector<1x16xi32>,
      %get3A_3240 = vector.shape_cast %get3A_3239 : vector<1x16xi32> to vector<16xi32>
      %mul3A_3241 = arith.constant 1024 : i32
      %mul3A_3242 = vector.broadcast %mul3A_3241 : i32 to vector<16xi32>
      %mul3A_3243 = arith.muli %get3A_3240, %mul3A_3242 : vector<16xi32>
      %add3A_3244 = arith.addi %mul3A_3243, %add3A_3235 : vector<16xi32>
      %swap3A_3245 = arith.constant 7 : i32
      %swap3A_3246 = arith.index_cast %swap3A_3245 : i32 to index
      %swap3A_3247 = arith.constant 48 : index
      %swap3A_3248 = tpu.vector_load %arg5[%swap3A_3246, %swap3A_3247] {strides = array<i32>} : memref<8x128xi32, #tpu.memory_space<vmem>>, vector<1x16xi32>,
      %swap3A_3249 = vector.shape_cast %swap3A_3248 : vector<1x16xi32> to vector<16xi32>
      %swap3A_3250 = vector.shape_cast %add3A_3244 : vector<16xi32> to vector<1x16xi32>
      tpu.vector_store %arg5[%swap3A_3246, %swap3A_3247], %swap3A_3250 {strides = array<i32>} : memref<8x128xi32, #tpu.memory_space<vmem>>, vector<1x16xi32>,
      %add3A_3251 = arith.constant 64 : i32
      %add3A_3252 = arith.addi %mul3A_3170, %add3A_3251 : i32
      %iota3A_3253 = tpu.iota {dimensions = array<i32: 0>} : vector<16xi32>
      %add3A_3254 = vector.broadcast %add3A_3252 : i32 to vector<16xi32>
      %add3A_3255 = arith.addi %add3A_3254, %iota3A_3253 : vector<16xi32>
      %get3A_3256 = arith.constant 7 : i32
      %get3A_3257 = arith.index_cast %get3A_3256 : i32 to index
      %get3A_3258 = arith.constant 64 : index
      %get3A_3259 = tpu.vector_load %arg5[%get3A_3257, %get3A_3258] {strides = array<i32>} : memref<8x128xi32, #tpu.memory_space<vmem>>, vector<1x16xi32>,
      %get3A_3260 = vector.shape_cast %get3A_3259 : vector<1x16xi32> to vector<16xi32>
      %mul3A_3261 = arith.constant 1024 : i32
      %mul3A_3262 = vector.broadcast %mul3A_3261 : i32 to vector<16xi32>
      %mul3A_3263 = arith.muli %get3A_3260, %mul3A_3262 : vector<16xi32>
      %add3A_3264 = arith.addi %mul3A_3263, %add3A_3255 : vector<16xi32>
      %swap3A_3265 = arith.constant 7 : i32
      %swap3A_3266 = arith.index_cast %swap3A_3265 : i32 to index
      %swap3A_3267 = arith.constant 64 : index
      %swap3A_3268 = tpu.vector_load %arg5[%swap3A_3266, %swap3A_3267] {strides = array<i32>} : memref<8x128xi32, #tpu.memory_space<vmem>>, vector<1x16xi32>,
      %swap3A_3269 = vector.shape_cast %swap3A_3268 : vector<1x16xi32> to vector<16xi32>
      %swap3A_3270 = vector.shape_cast %add3A_3264 : vector<16xi32> to vector<1x16xi32>
      tpu.vector_store %arg5[%swap3A_3266, %swap3A_3267], %swap3A_3270 {strides = array<i32>} : memref<8x128xi32, #tpu.memory_space<vmem>>, vector<1x16xi32>,
      %add3A_3271 = arith.constant 80 : i32
      %add3A_3272 = arith.addi %mul3A_3170, %add3A_3271 : i32
      %iota3A_3273 = tpu.iota {dimensions = array<i32: 0>} : vector<16xi32>
      %add3A_3274 = vector.broadcast %add3A_3272 : i32 to vector<16xi32>
      %add3A_3275 = arith.addi %add3A_3274, %iota3A_3273 : vector<16xi32>
      %get3A_3276 = arith.constant 7 : i32
      %get3A_3277 = arith.index_cast %get3A_3276 : i32 to index
      %get3A_3278 = arith.constant 80 : index
      %get3A_3279 = tpu.vector_load %arg5[%get3A_3277, %get3A_3278] {strides = array<i32>} : memref<8x128xi32, #tpu.memory_space<vmem>>, vector<1x16xi32>,
      %get3A_3280 = vector.shape_cast %get3A_3279 : vector<1x16xi32> to vector<16xi32>
      %mul3A_3281 = arith.constant 1024 : i32
      %mul3A_3282 = vector.broadcast %mul3A_3281 : i32 to vector<16xi32>
      %mul3A_3283 = arith.muli %get3A_3280, %mul3A_3282 : vector<16xi32>
      %add3A_3284 = arith.addi %mul3A_3283, %add3A_3275 : vector<16xi32>
      %swap3A_3285 = arith.constant 7 : i32
      %swap3A_3286 = arith.index_cast %swap3A_3285 : i32 to index
      %swap3A_3287 = arith.constant 80 : index
      %swap3A_3288 = tpu.vector_load %arg5[%swap3A_3286, %swap3A_3287] {strides = array<i32>} : memref<8x128xi32, #tpu.memory_space<vmem>>, vector<1x16xi32>,
      %swap3A_3289 = vector.shape_cast %swap3A_3288 : vector<1x16xi32> to vector<16xi32>
      %swap3A_3290 = vector.shape_cast %add3A_3284 : vector<16xi32> to vector<1x16xi32>
      tpu.vector_store %arg5[%swap3A_3286, %swap3A_3287], %swap3A_3290 {strides = array<i32>} : memref<8x128xi32, #tpu.memory_space<vmem>>, vector<1x16xi32>,
      %add3A_3291 = arith.constant 96 : i32
      %add3A_3292 = arith.addi %mul3A_3170, %add3A_3291 : i32
      %iota3A_3293 = tpu.iota {dimensions = array<i32: 0>} : vector<16xi32>
      %add3A_3294 = vector.broadcast %add3A_3292 : i32 to vector<16xi32>
      %add3A_3295 = arith.addi %add3A_3294, %iota3A_3293 : vector<16xi32>
      %get3A_3296 = arith.constant 7 : i32
      %get3A_3297 = arith.index_cast %get3A_3296 : i32 to index
      %get3A_3298 = arith.constant 96 : index
      %get3A_3299 = tpu.vector_load %arg5[%get3A_3297, %get3A_3298] {strides = array<i32>} : memref<8x128xi32, #tpu.memory_space<vmem>>, vector<1x16xi32>,
      %get3A_3300 = vector.shape_cast %get3A_3299 : vector<1x16xi32> to vector<16xi32>
      %mul3A_3301 = arith.constant 1024 : i32
      %mul3A_3302 = vector.broadcast %mul3A_3301 : i32 to vector<16xi32>
      %mul3A_3303 = arith.muli %get3A_3300, %mul3A_3302 : vector<16xi32>
      %add3A_3304 = arith.addi %mul3A_3303, %add3A_3295 : vector<16xi32>
      %swap3A_3305 = arith.constant 7 : i32
      %swap3A_3306 = arith.index_cast %swap3A_3305 : i32 to index
      %swap3A_3307 = arith.constant 96 : index
      %swap3A_3308 = tpu.vector_load %arg5[%swap3A_3306, %swap3A_3307] {strides = array<i32>} : memref<8x128xi32, #tpu.memory_space<vmem>>, vector<1x16xi32>,
      %swap3A_3309 = vector.shape_cast %swap3A_3308 : vector<1x16xi32> to vector<16xi32>
      %swap3A_3310 = vector.shape_cast %add3A_3304 : vector<16xi32> to vector<1x16xi32>
      tpu.vector_store %arg5[%swap3A_3306, %swap3A_3307], %swap3A_3310 {strides = array<i32>} : memref<8x128xi32, #tpu.memory_space<vmem>>, vector<1x16xi32>,
      %add3A_3311 = arith.constant 112 : i32
      %add3A_3312 = arith.addi %mul3A_3170, %add3A_3311 : i32
      %iota3A_3313 = tpu.iota {dimensions = array<i32: 0>} : vector<16xi32>
      %add3A_3314 = vector.broadcast %add3A_3312 : i32 to vector<16xi32>
      %add3A_3315 = arith.addi %add3A_3314, %iota3A_3313 : vector<16xi32>
      %get3A_3316 = arith.constant 7 : i32
      %get3A_3317 = arith.index_cast %get3A_3316 : i32 to index
      %get3A_3318 = arith.constant 112 : index
      %get3A_3319 = tpu.vector_load %arg5[%get3A_3317, %get3A_3318] {strides = array<i32>} : memref<8x128xi32, #tpu.memory_space<vmem>>, vector<1x16xi32>,
      %get3A_3320 = vector.shape_cast %get3A_3319 : vector<1x16xi32> to vector<16xi32>
      %mul3A_3321 = arith.constant 1024 : i32
      %mul3A_3322 = vector.broadcast %mul3A_3321 : i32 to vector<16xi32>
      %mul3A_3323 = arith.muli %get3A_3320, %mul3A_3322 : vector<16xi32>
      %add3A_3324 = arith.addi %mul3A_3323, %add3A_3315 : vector<16xi32>
      %swap3A_3325 = arith.constant 7 : i32
      %swap3A_3326 = arith.index_cast %swap3A_3325 : i32 to index
      %swap3A_3327 = arith.constant 112 : index
      %swap3A_3328 = tpu.vector_load %arg5[%swap3A_3326, %swap3A_3327] {strides = array<i32>} : memref<8x128xi32, #tpu.memory_space<vmem>>, vector<1x16xi32>,
      %swap3A_3329 = vector.shape_cast %swap3A_3328 : vector<1x16xi32> to vector<16xi32>
      %swap3A_3330 = vector.shape_cast %add3A_3324 : vector<16xi32> to vector<1x16xi32>
      tpu.vector_store %arg5[%swap3A_3326, %swap3A_3327], %swap3A_3330 {strides = array<i32>} : memref<8x128xi32, #tpu.memory_space<vmem>>, vector<1x16xi32>,
      %mul3A_3331 = arith.constant 4 : i32
      %mul3A_3332 = arith.muli %add3A_2567, %mul3A_3331 : i32
      %add3A_3333 = arith.addi %mul3A_2, %mul3A_3332 : i32
      %mul3A_3334 = arith.constant 128 : i32
      %mul3A_3335 = arith.muli %add3A_3333, %mul3A_3334 : i32
      %jit3A_3336 = arith.constant 1024 : i32
      %div3A_3337 = arith.divsi %mul3A_3335, %jit3A_3336 : i32
      %sign3A_3338 = arith.constant 0 : i32
      %sign3A_3339 = arith.cmpi sgt, %mul3A_3335, %sign3A_3338 : i32
      %sign3A_3340 = arith.extui %sign3A_3339 : i1 to i32
      %sign3A_3341 = arith.constant 0 : i32
      %sign3A_3342 = arith.cmpi slt, %mul3A_3335, %sign3A_3341 : i32
      %sign3A_3343 = arith.extui %sign3A_3342 : i1 to i32
      %sign3A_3344 = arith.subi %sign3A_3340, %sign3A_3343 : i32
      %sign3A_3345 = arith.constant 0 : i32
      %sign3A_3346 = arith.cmpi sgt, %jit3A_3336, %sign3A_3345 : i32
      %sign3A_3347 = arith.extui %sign3A_3346 : i1 to i32
      %sign3A_3348 = arith.constant 0 : i32
      %sign3A_3349 = arith.cmpi slt, %jit3A_3336, %sign3A_3348 : i32
      %sign3A_3350 = arith.extui %sign3A_3349 : i1 to i32
      %sign3A_3351 = arith.subi %sign3A_3347, %sign3A_3350 : i32
      %ne3A_3352 = arith.cmpi ne, %sign3A_3344, %sign3A_3351 : i32
      %rem3A_3353 = arith.remsi %mul3A_3335, %jit3A_3336 : i32
      %ne3A_3354 = arith.constant 0 : i32
      %ne3A_3355 = arith.cmpi ne, %rem3A_3353, %ne3A_3354 : i32
      %and3A_3356 = arith.andi %ne3A_3352, %ne3A_3355 : i1
      %sub3A_3357 = arith.constant 1 : i32
      %sub3A_3358 = arith.subi %div3A_3337, %sub3A_3357 : i32
      %select_n3A_3359 = arith.select %and3A_3356, %sub3A_3358, %div3A_3337 : i32
      %rem3A_3360 = arith.constant 1024 : i32
      %rem3A_3361 = arith.remsi %mul3A_3335, %rem3A_3360 : i32
      %dma_wait3A_3362 = arith.constant 1 : i32
      %dma_wait3A_3363 = arith.constant 0 : i32
      %dma_wait3A_3364 = arith.constant 0 : i32
      %dma_wait3A_3365 = tpu.memref_slice %arg6[%dma_wait3A_3362, %dma_wait3A_3363, %dma_wait3A_3364] : memref<2x512x64xf32, #tpu.memory_space<vmem>> -> memref<1x512x64xf32, #tpu.memory_space<vmem>>
      %dma_wait3A_3366 = tpu.memref_squeeze %dma_wait3A_3365 : memref<1x512x64xf32, #tpu.memory_space<vmem>> -> memref<512x64xf32, #tpu.memory_space<vmem>>
      %dma_wait3A_3367 = arith.constant 0 : i32
      %dma_wait3A_3368 = tpu.memref_slice %arg4[%select_n3A_3359, %rem3A_3361, %dma_wait3A_3367] : memref<1024x1024x128xf32, #tpu.memory_space<hbm>> -> memref<1x512x64xf32, #tpu.memory_space<hbm>>
      %dma_wait3A_3369 = tpu.memref_squeeze %dma_wait3A_3368 : memref<1x512x64xf32, #tpu.memory_space<hbm>> -> memref<512x64xf32, #tpu.memory_space<hbm>>
      %dma_wait3A_3370 = arith.constant 0 : i32
      %dma_wait3A_3371 = tpu.memref_slice %arg4[%select_n3A_3359, %rem3A_3361, %dma_wait3A_3370] : memref<1024x1024x128xf32, #tpu.memory_space<hbm>> -> memref<1x512x64xf32, #tpu.memory_space<hbm>>
      %dma_wait3A_3372 = tpu.memref_squeeze %dma_wait3A_3371 : memref<1x512x64xf32, #tpu.memory_space<hbm>> -> memref<512x64xf32, #tpu.memory_space<hbm>>
      %dma_wait3A_3373 = arith.constant 0 : i32
      %dma_wait3A_3374 = arith.constant 0 : i32
      %dma_wait3A_3375 = tpu.memref_slice %arg6[%dma_wait3A_3362, %dma_wait3A_3373, %dma_wait3A_3374] : memref<2x512x64xf32, #tpu.memory_space<vmem>> -> memref<1x512x64xf32, #tpu.memory_space<vmem>>
      %dma_wait3A_3376 = tpu.memref_squeeze %dma_wait3A_3375 : memref<1x512x64xf32, #tpu.memory_space<vmem>> -> memref<512x64xf32, #tpu.memory_space<vmem>>
      tpu.wait_dma2 semaphore(%arg11 : memref<!tpu.dma_semaphore, #tpu.memory_space<semaphore_mem>>) src(%dma_wait3A_3376 : memref<512x64xf32, #tpu.memory_space<vmem>>) dst(%dma_wait3A_3372 : memref<512x64xf32, #tpu.memory_space<hbm>>)
      %add3A_3377 = arith.constant 2 : i32
      %add3A_3378 = arith.addi %add3A_2567, %add3A_3377 : i32
      %dma_start3A_3379 = arith.constant 4 : i32
      %dma_start3A_3380 = arith.constant 1 : i32
      %dma_start3A_3381 = arith.constant 0 : i32
      %dma_start3A_3382 = arith.constant 0 : i32
      %dma_start3A_3383 = tpu.memref_slice %arg6[%dma_start3A_3380, %dma_start3A_3381, %dma_start3A_3382] : memref<2x512x64xf32, #tpu.memory_space<vmem>> -> memref<1x128x64xf32, #tpu.memory_space<vmem>>
      %dma_start3A_3384 = tpu.memref_squeeze %dma_start3A_3383 : memref<1x128x64xf32, #tpu.memory_space<vmem>> -> memref<128x64xf32, #tpu.memory_space<vmem>>
      %dma_start3A_3385 = arith.constant 0 : i32
      %dma_start3A_3386 = tpu.memref_slice %arg5[%dma_start3A_3379, %dma_start3A_3385] : memref<8x128xi32, #tpu.memory_space<vmem>> -> memref<1x128xi32, #tpu.memory_space<vmem>>
      %dma_start3A_3387 = tpu.memref_squeeze %dma_start3A_3386 : memref<1x128xi32, #tpu.memory_space<vmem>> -> memref<128xi32, #tpu.memory_space<vmem>>
      %dma_start3A_3388 = arith.constant 0 : i32
      %dma_start3A_3389 = arith.constant 0 : i32
      %dma_start3A_3390 = tpu.memref_slice %arg7[%dma_start3A_3388, %dma_start3A_3389] : memref<10240x64xf32, #tpu.memory_space<vmem_shared>> -> memref<10240x64xf32, #tpu.memory_space<vmem_shared>>
      tpu.enqueue_indirect_dma source(%dma_start3A_3390 : memref<10240x64xf32, #tpu.memory_space<vmem_shared>>) target(%dma_start3A_3384 : memref<128x64xf32, #tpu.memory_space<vmem>>) offsets(%dma_start3A_3387 : memref<128xi32, #tpu.memory_space<vmem>>) semaphore(%arg9 : memref<!tpu.dma_semaphore, #tpu.memory_space<semaphore_mem>>)
      %dma_start3A_3391 = arith.constant 5 : i32
      %dma_start3A_3392 = arith.constant 1 : i32
      %dma_start3A_3393 = arith.constant 128 : i32
      %dma_start3A_3394 = arith.constant 0 : i32
      %dma_start3A_3395 = tpu.memref_slice %arg6[%dma_start3A_3392, %dma_start3A_3393, %dma_start3A_3394] : memref<2x512x64xf32, #tpu.memory_space<vmem>> -> memref<1x128x64xf32, #tpu.memory_space<vmem>>
      %dma_start3A_3396 = tpu.memref_squeeze %dma_start3A_3395 : memref<1x128x64xf32, #tpu.memory_space<vmem>> -> memref<128x64xf32, #tpu.memory_space<vmem>>
      %dma_start3A_3397 = arith.constant 0 : i32
      %dma_start3A_3398 = tpu.memref_slice %arg5[%dma_start3A_3391, %dma_start3A_3397] : memref<8x128xi32, #tpu.memory_space<vmem>> -> memref<1x128xi32, #tpu.memory_space<vmem>>
      %dma_start3A_3399 = tpu.memref_squeeze %dma_start3A_3398 : memref<1x128xi32, #tpu.memory_space<vmem>> -> memref<128xi32, #tpu.memory_space<vmem>>
      %dma_start3A_3400 = arith.constant 0 : i32
      %dma_start3A_3401 = arith.constant 0 : i32
      %dma_start3A_3402 = tpu.memref_slice %arg7[%dma_start3A_3400, %dma_start3A_3401] : memref<10240x64xf32, #tpu.memory_space<vmem_shared>> -> memref<10240x64xf32, #tpu.memory_space<vmem_shared>>
      tpu.enqueue_indirect_dma source(%dma_start3A_3402 : memref<10240x64xf32, #tpu.memory_space<vmem_shared>>) target(%dma_start3A_3396 : memref<128x64xf32, #tpu.memory_space<vmem>>) offsets(%dma_start3A_3399 : memref<128xi32, #tpu.memory_space<vmem>>) semaphore(%arg9 : memref<!tpu.dma_semaphore, #tpu.memory_space<semaphore_mem>>)
      %dma_start3A_3403 = arith.constant 6 : i32
      %dma_start3A_3404 = arith.constant 1 : i32
      %dma_start3A_3405 = arith.constant 256 : i32
      %dma_start3A_3406 = arith.constant 0 : i32
      %dma_start3A_3407 = tpu.memref_slice %arg6[%dma_start3A_3404, %dma_start3A_3405, %dma_start3A_3406] : memref<2x512x64xf32, #tpu.memory_space<vmem>> -> memref<1x128x64xf32, #tpu.memory_space<vmem>>
      %dma_start3A_3408 = tpu.memref_squeeze %dma_start3A_3407 : memref<1x128x64xf32, #tpu.memory_space<vmem>> -> memref<128x64xf32, #tpu.memory_space<vmem>>
      %dma_start3A_3409 = arith.constant 0 : i32
      %dma_start3A_3410 = tpu.memref_slice %arg5[%dma_start3A_3403, %dma_start3A_3409] : memref<8x128xi32, #tpu.memory_space<vmem>> -> memref<1x128xi32, #tpu.memory_space<vmem>>
      %dma_start3A_3411 = tpu.memref_squeeze %dma_start3A_3410 : memref<1x128xi32, #tpu.memory_space<vmem>> -> memref<128xi32, #tpu.memory_space<vmem>>
      %dma_start3A_3412 = arith.constant 0 : i32
      %dma_start3A_3413 = arith.constant 0 : i32
      %dma_start3A_3414 = tpu.memref_slice %arg7[%dma_start3A_3412, %dma_start3A_3413] : memref<10240x64xf32, #tpu.memory_space<vmem_shared>> -> memref<10240x64xf32, #tpu.memory_space<vmem_shared>>
      tpu.enqueue_indirect_dma source(%dma_start3A_3414 : memref<10240x64xf32, #tpu.memory_space<vmem_shared>>) target(%dma_start3A_3408 : memref<128x64xf32, #tpu.memory_space<vmem>>) offsets(%dma_start3A_3411 : memref<128xi32, #tpu.memory_space<vmem>>) semaphore(%arg9 : memref<!tpu.dma_semaphore, #tpu.memory_space<semaphore_mem>>)
      %dma_start3A_3415 = arith.constant 7 : i32
      %dma_start3A_3416 = arith.constant 1 : i32
      %dma_start3A_3417 = arith.constant 384 : i32
      %dma_start3A_3418 = arith.constant 0 : i32
      %dma_start3A_3419 = tpu.memref_slice %arg6[%dma_start3A_3416, %dma_start3A_3417, %dma_start3A_3418] : memref<2x512x64xf32, #tpu.memory_space<vmem>> -> memref<1x128x64xf32, #tpu.memory_space<vmem>>
      %dma_start3A_3420 = tpu.memref_squeeze %dma_start3A_3419 : memref<1x128x64xf32, #tpu.memory_space<vmem>> -> memref<128x64xf32, #tpu.memory_space<vmem>>
      %dma_start3A_3421 = arith.constant 0 : i32
      %dma_start3A_3422 = tpu.memref_slice %arg5[%dma_start3A_3415, %dma_start3A_3421] : memref<8x128xi32, #tpu.memory_space<vmem>> -> memref<1x128xi32, #tpu.memory_space<vmem>>
      %dma_start3A_3423 = tpu.memref_squeeze %dma_start3A_3422 : memref<1x128xi32, #tpu.memory_space<vmem>> -> memref<128xi32, #tpu.memory_space<vmem>>
      %dma_start3A_3424 = arith.constant 0 : i32
      %dma_start3A_3425 = arith.constant 0 : i32
      %dma_start3A_3426 = tpu.memref_slice %arg7[%dma_start3A_3424, %dma_start3A_3425] : memref<10240x64xf32, #tpu.memory_space<vmem_shared>> -> memref<10240x64xf32, #tpu.memory_space<vmem_shared>>
      tpu.enqueue_indirect_dma source(%dma_start3A_3426 : memref<10240x64xf32, #tpu.memory_space<vmem_shared>>) target(%dma_start3A_3420 : memref<128x64xf32, #tpu.memory_space<vmem>>) offsets(%dma_start3A_3423 : memref<128xi32, #tpu.memory_space<vmem>>) semaphore(%arg9 : memref<!tpu.dma_semaphore, #tpu.memory_space<semaphore_mem>>)
    }
    %scan3A_1431 = arith.constant 31 : i32
    %dma_wait3A = arith.constant 0 : i32
    %dma_wait3A_1432 = arith.constant 0 : i32
    %dma_wait3A_1433 = arith.constant 0 : i32
    %dma_wait3A_1434 = arith.constant 0 : i32
    %dma_wait3A_1435 = tpu.memref_slice %arg6[%dma_wait3A_1432, %dma_wait3A_1433, %dma_wait3A_1434] : memref<2x512x64xf32, #tpu.memory_space<vmem>> -> memref<1x128x64xf32, #tpu.memory_space<vmem>>
    %dma_wait3A_1436 = tpu.memref_squeeze %dma_wait3A_1435 : memref<1x128x64xf32, #tpu.memory_space<vmem>> -> memref<128x64xf32, #tpu.memory_space<vmem>>
    %dma_wait3A_1437 = arith.constant 0 : i32
    %dma_wait3A_1438 = tpu.memref_slice %arg5[%dma_wait3A, %dma_wait3A_1437] : memref<8x128xi32, #tpu.memory_space<vmem>> -> memref<1x128xi32, #tpu.memory_space<vmem>>
    %dma_wait3A_1439 = tpu.memref_squeeze %dma_wait3A_1438 : memref<1x128xi32, #tpu.memory_space<vmem>> -> memref<128xi32, #tpu.memory_space<vmem>>
    %dma_wait3A_1440 = arith.constant 0 : i32
    %dma_wait3A_1441 = arith.constant 0 : i32
    %dma_wait3A_1442 = tpu.memref_slice %arg7[%dma_wait3A_1440, %dma_wait3A_1441] : memref<10240x64xf32, #tpu.memory_space<vmem_shared>> -> memref<10240x64xf32, #tpu.memory_space<vmem_shared>>
    tpu.wait_indirect_dma semaphore(%arg8 : memref<!tpu.dma_semaphore, #tpu.memory_space<semaphore_mem>>) src(%dma_wait3A_1442 : memref<10240x64xf32, #tpu.memory_space<vmem_shared>>) dst(%dma_wait3A_1436 : memref<128x64xf32, #tpu.memory_space<vmem>>)
    %dma_wait3A_1443 = arith.constant 1 : i32
    %dma_wait3A_1444 = arith.constant 0 : i32
    %dma_wait3A_1445 = arith.constant 128 : i32
    %dma_wait3A_1446 = arith.constant 0 : i32
    %dma_wait3A_1447 = tpu.memref_slice %arg6[%dma_wait3A_1444, %dma_wait3A_1445, %dma_wait3A_1446] : memref<2x512x64xf32, #tpu.memory_space<vmem>> -> memref<1x128x64xf32, #tpu.memory_space<vmem>>
    %dma_wait3A_1448 = tpu.memref_squeeze %dma_wait3A_1447 : memref<1x128x64xf32, #tpu.memory_space<vmem>> -> memref<128x64xf32, #tpu.memory_space<vmem>>
    %dma_wait3A_1449 = arith.constant 0 : i32
    %dma_wait3A_1450 = tpu.memref_slice %arg5[%dma_wait3A_1443, %dma_wait3A_1449] : memref<8x128xi32, #tpu.memory_space<vmem>> -> memref<1x128xi32, #tpu.memory_space<vmem>>
    %dma_wait3A_1451 = tpu.memref_squeeze %dma_wait3A_1450 : memref<1x128xi32, #tpu.memory_space<vmem>> -> memref<128xi32, #tpu.memory_space<vmem>>
    %dma_wait3A_1452 = arith.constant 0 : i32
    %dma_wait3A_1453 = arith.constant 0 : i32
    %dma_wait3A_1454 = tpu.memref_slice %arg7[%dma_wait3A_1452, %dma_wait3A_1453] : memref<10240x64xf32, #tpu.memory_space<vmem_shared>> -> memref<10240x64xf32, #tpu.memory_space<vmem_shared>>
    tpu.wait_indirect_dma semaphore(%arg8 : memref<!tpu.dma_semaphore, #tpu.memory_space<semaphore_mem>>) src(%dma_wait3A_1454 : memref<10240x64xf32, #tpu.memory_space<vmem_shared>>) dst(%dma_wait3A_1448 : memref<128x64xf32, #tpu.memory_space<vmem>>)
    %dma_wait3A_1455 = arith.constant 2 : i32
    %dma_wait3A_1456 = arith.constant 0 : i32
    %dma_wait3A_1457 = arith.constant 256 : i32
    %dma_wait3A_1458 = arith.constant 0 : i32
    %dma_wait3A_1459 = tpu.memref_slice %arg6[%dma_wait3A_1456, %dma_wait3A_1457, %dma_wait3A_1458] : memref<2x512x64xf32, #tpu.memory_space<vmem>> -> memref<1x128x64xf32, #tpu.memory_space<vmem>>
    %dma_wait3A_1460 = tpu.memref_squeeze %dma_wait3A_1459 : memref<1x128x64xf32, #tpu.memory_space<vmem>> -> memref<128x64xf32, #tpu.memory_space<vmem>>
    %dma_wait3A_1461 = arith.constant 0 : i32
    %dma_wait3A_1462 = tpu.memref_slice %arg5[%dma_wait3A_1455, %dma_wait3A_1461] : memref<8x128xi32, #tpu.memory_space<vmem>> -> memref<1x128xi32, #tpu.memory_space<vmem>>
    %dma_wait3A_1463 = tpu.memref_squeeze %dma_wait3A_1462 : memref<1x128xi32, #tpu.memory_space<vmem>> -> memref<128xi32, #tpu.memory_space<vmem>>
    %dma_wait3A_1464 = arith.constant 0 : i32
    %dma_wait3A_1465 = arith.constant 0 : i32
    %dma_wait3A_1466 = tpu.memref_slice %arg7[%dma_wait3A_1464, %dma_wait3A_1465] : memref<10240x64xf32, #tpu.memory_space<vmem_shared>> -> memref<10240x64xf32, #tpu.memory_space<vmem_shared>>
    tpu.wait_indirect_dma semaphore(%arg8 : memref<!tpu.dma_semaphore, #tpu.memory_space<semaphore_mem>>) src(%dma_wait3A_1466 : memref<10240x64xf32, #tpu.memory_space<vmem_shared>>) dst(%dma_wait3A_1460 : memref<128x64xf32, #tpu.memory_space<vmem>>)
    %dma_wait3A_1467 = arith.constant 3 : i32
    %dma_wait3A_1468 = arith.constant 0 : i32
    %dma_wait3A_1469 = arith.constant 384 : i32
    %dma_wait3A_1470 = arith.constant 0 : i32
    %dma_wait3A_1471 = tpu.memref_slice %arg6[%dma_wait3A_1468, %dma_wait3A_1469, %dma_wait3A_1470] : memref<2x512x64xf32, #tpu.memory_space<vmem>> -> memref<1x128x64xf32, #tpu.memory_space<vmem>>
    %dma_wait3A_1472 = tpu.memref_squeeze %dma_wait3A_1471 : memref<1x128x64xf32, #tpu.memory_space<vmem>> -> memref<128x64xf32, #tpu.memory_space<vmem>>
    %dma_wait3A_1473 = arith.constant 0 : i32
    %dma_wait3A_1474 = tpu.memref_slice %arg5[%dma_wait3A_1467, %dma_wait3A_1473] : memref<8x128xi32, #tpu.memory_space<vmem>> -> memref<1x128xi32, #tpu.memory_space<vmem>>
    %dma_wait3A_1475 = tpu.memref_squeeze %dma_wait3A_1474 : memref<1x128xi32, #tpu.memory_space<vmem>> -> memref<128xi32, #tpu.memory_space<vmem>>
    %dma_wait3A_1476 = arith.constant 0 : i32
    %dma_wait3A_1477 = arith.constant 0 : i32
    %dma_wait3A_1478 = tpu.memref_slice %arg7[%dma_wait3A_1476, %dma_wait3A_1477] : memref<10240x64xf32, #tpu.memory_space<vmem_shared>> -> memref<10240x64xf32, #tpu.memory_space<vmem_shared>>
    tpu.wait_indirect_dma semaphore(%arg8 : memref<!tpu.dma_semaphore, #tpu.memory_space<semaphore_mem>>) src(%dma_wait3A_1478 : memref<10240x64xf32, #tpu.memory_space<vmem_shared>>) dst(%dma_wait3A_1472 : memref<128x64xf32, #tpu.memory_space<vmem>>)
    %add3A_1479 = arith.constant 248 : i32
    %add3A_1480 = arith.addi %mul3A_2, %add3A_1479 : i32
    %mul3A_1481 = arith.constant 128 : i32
    %mul3A_1482 = arith.muli %add3A_1480, %mul3A_1481 : i32
    %jit3A = arith.constant 1024 : i32
    %div3A = arith.divsi %mul3A_1482, %jit3A : i32
    %sign3A = arith.constant 0 : i32
    %sign3A_1483 = arith.cmpi sgt, %mul3A_1482, %sign3A : i32
    %sign3A_1484 = arith.extui %sign3A_1483 : i1 to i32
    %sign3A_1485 = arith.constant 0 : i32
    %sign3A_1486 = arith.cmpi slt, %mul3A_1482, %sign3A_1485 : i32
    %sign3A_1487 = arith.extui %sign3A_1486 : i1 to i32
    %sign3A_1488 = arith.subi %sign3A_1484, %sign3A_1487 : i32
    %sign3A_1489 = arith.constant 0 : i32
    %sign3A_1490 = arith.cmpi sgt, %jit3A, %sign3A_1489 : i32
    %sign3A_1491 = arith.extui %sign3A_1490 : i1 to i32
    %sign3A_1492 = arith.constant 0 : i32
    %sign3A_1493 = arith.cmpi slt, %jit3A, %sign3A_1492 : i32
    %sign3A_1494 = arith.extui %sign3A_1493 : i1 to i32
    %sign3A_1495 = arith.subi %sign3A_1491, %sign3A_1494 : i32
    %ne3A = arith.cmpi ne, %sign3A_1488, %sign3A_1495 : i32
    %rem3A_1496 = arith.remsi %mul3A_1482, %jit3A : i32
    %ne3A_1497 = arith.constant 0 : i32
    %ne3A_1498 = arith.cmpi ne, %rem3A_1496, %ne3A_1497 : i32
    %and3A = arith.andi %ne3A, %ne3A_1498 : i1
    %sub3A = arith.constant 1 : i32
    %sub3A_1499 = arith.subi %div3A, %sub3A : i32
    %select_n3A = arith.select %and3A, %sub3A_1499, %div3A : i32
    %rem3A_1500 = arith.constant 1024 : i32
    %rem3A_1501 = arith.remsi %mul3A_1482, %rem3A_1500 : i32
    %dma_start3A_1502 = arith.constant 0 : i32
    %dma_start3A_1503 = arith.constant 0 : i32
    %dma_start3A_1504 = arith.constant 0 : i32
    %dma_start3A_1505 = tpu.memref_slice %arg6[%dma_start3A_1502, %dma_start3A_1503, %dma_start3A_1504] : memref<2x512x64xf32, #tpu.memory_space<vmem>> -> memref<1x512x64xf32, #tpu.memory_space<vmem>>
    %dma_start3A_1506 = tpu.memref_squeeze %dma_start3A_1505 : memref<1x512x64xf32, #tpu.memory_space<vmem>> -> memref<512x64xf32, #tpu.memory_space<vmem>>
    %dma_start3A_1507 = arith.constant 0 : i32
    %dma_start3A_1508 = tpu.memref_slice %arg4[%select_n3A, %rem3A_1501, %dma_start3A_1507] : memref<1024x1024x128xf32, #tpu.memory_space<hbm>> -> memref<1x512x64xf32, #tpu.memory_space<hbm>>
    %dma_start3A_1509 = tpu.memref_squeeze %dma_start3A_1508 : memref<1x512x64xf32, #tpu.memory_space<hbm>> -> memref<512x64xf32, #tpu.memory_space<hbm>>
    %dma_start3A_1510 = arith.constant 0 : i32
    %dma_start3A_1511 = tpu.memref_slice %arg4[%select_n3A, %rem3A_1501, %dma_start3A_1510] : memref<1024x1024x128xf32, #tpu.memory_space<hbm>> -> memref<1x512x64xf32, #tpu.memory_space<hbm>>
    %dma_start3A_1512 = tpu.memref_squeeze %dma_start3A_1511 : memref<1x512x64xf32, #tpu.memory_space<hbm>> -> memref<512x64xf32, #tpu.memory_space<hbm>>
    %dma_start3A_1513 = arith.constant 0 : i32
    %dma_start3A_1514 = arith.constant 0 : i32
    %dma_start3A_1515 = tpu.memref_slice %arg6[%dma_start3A_1502, %dma_start3A_1513, %dma_start3A_1514] : memref<2x512x64xf32, #tpu.memory_space<vmem>> -> memref<1x512x64xf32, #tpu.memory_space<vmem>>
    %dma_start3A_1516 = tpu.memref_squeeze %dma_start3A_1515 : memref<1x512x64xf32, #tpu.memory_space<vmem>> -> memref<512x64xf32, #tpu.memory_space<vmem>>
    tpu.enqueue_dma source(%dma_start3A_1516 : memref<512x64xf32, #tpu.memory_space<vmem>>) target(%dma_start3A_1512 : memref<512x64xf32, #tpu.memory_space<hbm>>) target_semaphore(%arg10 : memref<!tpu.dma_semaphore, #tpu.memory_space<semaphore_mem>>)
    %dma_wait3A_1517 = arith.constant 4 : i32
    %dma_wait3A_1518 = arith.constant 1 : i32
    %dma_wait3A_1519 = arith.constant 0 : i32
    %dma_wait3A_1520 = arith.constant 0 : i32
    %dma_wait3A_1521 = tpu.memref_slice %arg6[%dma_wait3A_1518, %dma_wait3A_1519, %dma_wait3A_1520] : memref<2x512x64xf32, #tpu.memory_space<vmem>> -> memref<1x128x64xf32, #tpu.memory_space<vmem>>
    %dma_wait3A_1522 = tpu.memref_squeeze %dma_wait3A_1521 : memref<1x128x64xf32, #tpu.memory_space<vmem>> -> memref<128x64xf32, #tpu.memory_space<vmem>>
    %dma_wait3A_1523 = arith.constant 0 : i32
    %dma_wait3A_1524 = tpu.memref_slice %arg5[%dma_wait3A_1517, %dma_wait3A_1523] : memref<8x128xi32, #tpu.memory_space<vmem>> -> memref<1x128xi32, #tpu.memory_space<vmem>>
    %dma_wait3A_1525 = tpu.memref_squeeze %dma_wait3A_1524 : memref<1x128xi32, #tpu.memory_space<vmem>> -> memref<128xi32, #tpu.memory_space<vmem>>
    %dma_wait3A_1526 = arith.constant 0 : i32
    %dma_wait3A_1527 = arith.constant 0 : i32
    %dma_wait3A_1528 = tpu.memref_slice %arg7[%dma_wait3A_1526, %dma_wait3A_1527] : memref<10240x64xf32, #tpu.memory_space<vmem_shared>> -> memref<10240x64xf32, #tpu.memory_space<vmem_shared>>
    tpu.wait_indirect_dma semaphore(%arg9 : memref<!tpu.dma_semaphore, #tpu.memory_space<semaphore_mem>>) src(%dma_wait3A_1528 : memref<10240x64xf32, #tpu.memory_space<vmem_shared>>) dst(%dma_wait3A_1522 : memref<128x64xf32, #tpu.memory_space<vmem>>)
    %dma_wait3A_1529 = arith.constant 5 : i32
    %dma_wait3A_1530 = arith.constant 1 : i32
    %dma_wait3A_1531 = arith.constant 128 : i32
    %dma_wait3A_1532 = arith.constant 0 : i32
    %dma_wait3A_1533 = tpu.memref_slice %arg6[%dma_wait3A_1530, %dma_wait3A_1531, %dma_wait3A_1532] : memref<2x512x64xf32, #tpu.memory_space<vmem>> -> memref<1x128x64xf32, #tpu.memory_space<vmem>>
    %dma_wait3A_1534 = tpu.memref_squeeze %dma_wait3A_1533 : memref<1x128x64xf32, #tpu.memory_space<vmem>> -> memref<128x64xf32, #tpu.memory_space<vmem>>
    %dma_wait3A_1535 = arith.constant 0 : i32
    %dma_wait3A_1536 = tpu.memref_slice %arg5[%dma_wait3A_1529, %dma_wait3A_1535] : memref<8x128xi32, #tpu.memory_space<vmem>> -> memref<1x128xi32, #tpu.memory_space<vmem>>
    %dma_wait3A_1537 = tpu.memref_squeeze %dma_wait3A_1536 : memref<1x128xi32, #tpu.memory_space<vmem>> -> memref<128xi32, #tpu.memory_space<vmem>>
    %dma_wait3A_1538 = arith.constant 0 : i32
    %dma_wait3A_1539 = arith.constant 0 : i32
    %dma_wait3A_1540 = tpu.memref_slice %arg7[%dma_wait3A_1538, %dma_wait3A_1539] : memref<10240x64xf32, #tpu.memory_space<vmem_shared>> -> memref<10240x64xf32, #tpu.memory_space<vmem_shared>>
    tpu.wait_indirect_dma semaphore(%arg9 : memref<!tpu.dma_semaphore, #tpu.memory_space<semaphore_mem>>) src(%dma_wait3A_1540 : memref<10240x64xf32, #tpu.memory_space<vmem_shared>>) dst(%dma_wait3A_1534 : memref<128x64xf32, #tpu.memory_space<vmem>>)
    %dma_wait3A_1541 = arith.constant 6 : i32
    %dma_wait3A_1542 = arith.constant 1 : i32
    %dma_wait3A_1543 = arith.constant 256 : i32
    %dma_wait3A_1544 = arith.constant 0 : i32
    %dma_wait3A_1545 = tpu.memref_slice %arg6[%dma_wait3A_1542, %dma_wait3A_1543, %dma_wait3A_1544] : memref<2x512x64xf32, #tpu.memory_space<vmem>> -> memref<1x128x64xf32, #tpu.memory_space<vmem>>
    %dma_wait3A_1546 = tpu.memref_squeeze %dma_wait3A_1545 : memref<1x128x64xf32, #tpu.memory_space<vmem>> -> memref<128x64xf32, #tpu.memory_space<vmem>>
    %dma_wait3A_1547 = arith.constant 0 : i32
    %dma_wait3A_1548 = tpu.memref_slice %arg5[%dma_wait3A_1541, %dma_wait3A_1547] : memref<8x128xi32, #tpu.memory_space<vmem>> -> memref<1x128xi32, #tpu.memory_space<vmem>>
    %dma_wait3A_1549 = tpu.memref_squeeze %dma_wait3A_1548 : memref<1x128xi32, #tpu.memory_space<vmem>> -> memref<128xi32, #tpu.memory_space<vmem>>
    %dma_wait3A_1550 = arith.constant 0 : i32
    %dma_wait3A_1551 = arith.constant 0 : i32
    %dma_wait3A_1552 = tpu.memref_slice %arg7[%dma_wait3A_1550, %dma_wait3A_1551] : memref<10240x64xf32, #tpu.memory_space<vmem_shared>> -> memref<10240x64xf32, #tpu.memory_space<vmem_shared>>
    tpu.wait_indirect_dma semaphore(%arg9 : memref<!tpu.dma_semaphore, #tpu.memory_space<semaphore_mem>>) src(%dma_wait3A_1552 : memref<10240x64xf32, #tpu.memory_space<vmem_shared>>) dst(%dma_wait3A_1546 : memref<128x64xf32, #tpu.memory_space<vmem>>)
    %dma_wait3A_1553 = arith.constant 7 : i32
    %dma_wait3A_1554 = arith.constant 1 : i32
    %dma_wait3A_1555 = arith.constant 384 : i32
    %dma_wait3A_1556 = arith.constant 0 : i32
    %dma_wait3A_1557 = tpu.memref_slice %arg6[%dma_wait3A_1554, %dma_wait3A_1555, %dma_wait3A_1556] : memref<2x512x64xf32, #tpu.memory_space<vmem>> -> memref<1x128x64xf32, #tpu.memory_space<vmem>>
    %dma_wait3A_1558 = tpu.memref_squeeze %dma_wait3A_1557 : memref<1x128x64xf32, #tpu.memory_space<vmem>> -> memref<128x64xf32, #tpu.memory_space<vmem>>
    %dma_wait3A_1559 = arith.constant 0 : i32
    %dma_wait3A_1560 = tpu.memref_slice %arg5[%dma_wait3A_1553, %dma_wait3A_1559] : memref<8x128xi32, #tpu.memory_space<vmem>> -> memref<1x128xi32, #tpu.memory_space<vmem>>
    %dma_wait3A_1561 = tpu.memref_squeeze %dma_wait3A_1560 : memref<1x128xi32, #tpu.memory_space<vmem>> -> memref<128xi32, #tpu.memory_space<vmem>>
    %dma_wait3A_1562 = arith.constant 0 : i32
    %dma_wait3A_1563 = arith.constant 0 : i32
    %dma_wait3A_1564 = tpu.memref_slice %arg7[%dma_wait3A_1562, %dma_wait3A_1563] : memref<10240x64xf32, #tpu.memory_space<vmem_shared>> -> memref<10240x64xf32, #tpu.memory_space<vmem_shared>>
    tpu.wait_indirect_dma semaphore(%arg9 : memref<!tpu.dma_semaphore, #tpu.memory_space<semaphore_mem>>) src(%dma_wait3A_1564 : memref<10240x64xf32, #tpu.memory_space<vmem_shared>>) dst(%dma_wait3A_1558 : memref<128x64xf32, #tpu.memory_space<vmem>>)
    %add3A_1565 = arith.constant 252 : i32
    %add3A_1566 = arith.addi %mul3A_2, %add3A_1565 : i32
    %mul3A_1567 = arith.constant 128 : i32
    %mul3A_1568 = arith.muli %add3A_1566, %mul3A_1567 : i32
    %jit3A_1569 = arith.constant 1024 : i32
    %div3A_1570 = arith.divsi %mul3A_1568, %jit3A_1569 : i32
    %sign3A_1571 = arith.constant 0 : i32
    %sign3A_1572 = arith.cmpi sgt, %mul3A_1568, %sign3A_1571 : i32
    %sign3A_1573 = arith.extui %sign3A_1572 : i1 to i32
    %sign3A_1574 = arith.constant 0 : i32
    %sign3A_1575 = arith.cmpi slt, %mul3A_1568, %sign3A_1574 : i32
    %sign3A_1576 = arith.extui %sign3A_1575 : i1 to i32
    %sign3A_1577 = arith.subi %sign3A_1573, %sign3A_1576 : i32
    %sign3A_1578 = arith.constant 0 : i32
    %sign3A_1579 = arith.cmpi sgt, %jit3A_1569, %sign3A_1578 : i32
    %sign3A_1580 = arith.extui %sign3A_1579 : i1 to i32
    %sign3A_1581 = arith.constant 0 : i32
    %sign3A_1582 = arith.cmpi slt, %jit3A_1569, %sign3A_1581 : i32
    %sign3A_1583 = arith.extui %sign3A_1582 : i1 to i32
    %sign3A_1584 = arith.subi %sign3A_1580, %sign3A_1583 : i32
    %ne3A_1585 = arith.cmpi ne, %sign3A_1577, %sign3A_1584 : i32
    %rem3A_1586 = arith.remsi %mul3A_1568, %jit3A_1569 : i32
    %ne3A_1587 = arith.constant 0 : i32
    %ne3A_1588 = arith.cmpi ne, %rem3A_1586, %ne3A_1587 : i32
    %and3A_1589 = arith.andi %ne3A_1585, %ne3A_1588 : i1
    %sub3A_1590 = arith.constant 1 : i32
    %sub3A_1591 = arith.subi %div3A_1570, %sub3A_1590 : i32
    %select_n3A_1592 = arith.select %and3A_1589, %sub3A_1591, %div3A_1570 : i32
    %rem3A_1593 = arith.constant 1024 : i32
    %rem3A_1594 = arith.remsi %mul3A_1568, %rem3A_1593 : i32
    %dma_start3A_1595 = arith.constant 1 : i32
    %dma_start3A_1596 = arith.constant 0 : i32
    %dma_start3A_1597 = arith.constant 0 : i32
    %dma_start3A_1598 = tpu.memref_slice %arg6[%dma_start3A_1595, %dma_start3A_1596, %dma_start3A_1597] : memref<2x512x64xf32, #tpu.memory_space<vmem>> -> memref<1x512x64xf32, #tpu.memory_space<vmem>>
    %dma_start3A_1599 = tpu.memref_squeeze %dma_start3A_1598 : memref<1x512x64xf32, #tpu.memory_space<vmem>> -> memref<512x64xf32, #tpu.memory_space<vmem>>
    %dma_start3A_1600 = arith.constant 0 : i32
    %dma_start3A_1601 = tpu.memref_slice %arg4[%select_n3A_1592, %rem3A_1594, %dma_start3A_1600] : memref<1024x1024x128xf32, #tpu.memory_space<hbm>> -> memref<1x512x64xf32, #tpu.memory_space<hbm>>
    %dma_start3A_1602 = tpu.memref_squeeze %dma_start3A_1601 : memref<1x512x64xf32, #tpu.memory_space<hbm>> -> memref<512x64xf32, #tpu.memory_space<hbm>>
    %dma_start3A_1603 = arith.constant 0 : i32
    %dma_start3A_1604 = tpu.memref_slice %arg4[%select_n3A_1592, %rem3A_1594, %dma_start3A_1603] : memref<1024x1024x128xf32, #tpu.memory_space<hbm>> -> memref<1x512x64xf32, #tpu.memory_space<hbm>>
    %dma_start3A_1605 = tpu.memref_squeeze %dma_start3A_1604 : memref<1x512x64xf32, #tpu.memory_space<hbm>> -> memref<512x64xf32, #tpu.memory_space<hbm>>
    %dma_start3A_1606 = arith.constant 0 : i32
    %dma_start3A_1607 = arith.constant 0 : i32
    %dma_start3A_1608 = tpu.memref_slice %arg6[%dma_start3A_1595, %dma_start3A_1606, %dma_start3A_1607] : memref<2x512x64xf32, #tpu.memory_space<vmem>> -> memref<1x512x64xf32, #tpu.memory_space<vmem>>
    %dma_start3A_1609 = tpu.memref_squeeze %dma_start3A_1608 : memref<1x512x64xf32, #tpu.memory_space<vmem>> -> memref<512x64xf32, #tpu.memory_space<vmem>>
    tpu.enqueue_dma source(%dma_start3A_1609 : memref<512x64xf32, #tpu.memory_space<vmem>>) target(%dma_start3A_1605 : memref<512x64xf32, #tpu.memory_space<hbm>>) target_semaphore(%arg11 : memref<!tpu.dma_semaphore, #tpu.memory_space<semaphore_mem>>)
    %add3A_1610 = arith.constant 248 : i32
    %add3A_1611 = arith.addi %mul3A_2, %add3A_1610 : i32
    %mul3A_1612 = arith.constant 128 : i32
    %mul3A_1613 = arith.muli %add3A_1611, %mul3A_1612 : i32
    %jit3A_1614 = arith.constant 1024 : i32
    %div3A_1615 = arith.divsi %mul3A_1613, %jit3A_1614 : i32
    %sign3A_1616 = arith.constant 0 : i32
    %sign3A_1617 = arith.cmpi sgt, %mul3A_1613, %sign3A_1616 : i32
    %sign3A_1618 = arith.extui %sign3A_1617 : i1 to i32
    %sign3A_1619 = arith.constant 0 : i32
    %sign3A_1620 = arith.cmpi slt, %mul3A_1613, %sign3A_1619 : i32
    %sign3A_1621 = arith.extui %sign3A_1620 : i1 to i32
    %sign3A_1622 = arith.subi %sign3A_1618, %sign3A_1621 : i32
    %sign3A_1623 = arith.constant 0 : i32
    %sign3A_1624 = arith.cmpi sgt, %jit3A_1614, %sign3A_1623 : i32
    %sign3A_1625 = arith.extui %sign3A_1624 : i1 to i32
    %sign3A_1626 = arith.constant 0 : i32
    %sign3A_1627 = arith.cmpi slt, %jit3A_1614, %sign3A_1626 : i32
    %sign3A_1628 = arith.extui %sign3A_1627 : i1 to i32
    %sign3A_1629 = arith.subi %sign3A_1625, %sign3A_1628 : i32
    %ne3A_1630 = arith.cmpi ne, %sign3A_1622, %sign3A_1629 : i32
    %rem3A_1631 = arith.remsi %mul3A_1613, %jit3A_1614 : i32
    %ne3A_1632 = arith.constant 0 : i32
    %ne3A_1633 = arith.cmpi ne, %rem3A_1631, %ne3A_1632 : i32
    %and3A_1634 = arith.andi %ne3A_1630, %ne3A_1633 : i1
    %sub3A_1635 = arith.constant 1 : i32
    %sub3A_1636 = arith.subi %div3A_1615, %sub3A_1635 : i32
    %select_n3A_1637 = arith.select %and3A_1634, %sub3A_1636, %div3A_1615 : i32
    %rem3A_1638 = arith.constant 1024 : i32
    %rem3A_1639 = arith.remsi %mul3A_1613, %rem3A_1638 : i32
    %dma_wait3A_1640 = arith.constant 0 : i32
    %dma_wait3A_1641 = arith.constant 0 : i32
    %dma_wait3A_1642 = arith.constant 0 : i32
    %dma_wait3A_1643 = tpu.memref_slice %arg6[%dma_wait3A_1640, %dma_wait3A_1641, %dma_wait3A_1642] : memref<2x512x64xf32, #tpu.memory_space<vmem>> -> memref<1x512x64xf32, #tpu.memory_space<vmem>>
    %dma_wait3A_1644 = tpu.memref_squeeze %dma_wait3A_1643 : memref<1x512x64xf32, #tpu.memory_space<vmem>> -> memref<512x64xf32, #tpu.memory_space<vmem>>
    %dma_wait3A_1645 = arith.constant 0 : i32
    %dma_wait3A_1646 = tpu.memref_slice %arg4[%select_n3A_1637, %rem3A_1639, %dma_wait3A_1645] : memref<1024x1024x128xf32, #tpu.memory_space<hbm>> -> memref<1x512x64xf32, #tpu.memory_space<hbm>>
    %dma_wait3A_1647 = tpu.memref_squeeze %dma_wait3A_1646 : memref<1x512x64xf32, #tpu.memory_space<hbm>> -> memref<512x64xf32, #tpu.memory_space<hbm>>
    %dma_wait3A_1648 = arith.constant 0 : i32
    %dma_wait3A_1649 = tpu.memref_slice %arg4[%select_n3A_1637, %rem3A_1639, %dma_wait3A_1648] : memref<1024x1024x128xf32, #tpu.memory_space<hbm>> -> memref<1x512x64xf32, #tpu.memory_space<hbm>>
    %dma_wait3A_1650 = tpu.memref_squeeze %dma_wait3A_1649 : memref<1x512x64xf32, #tpu.memory_space<hbm>> -> memref<512x64xf32, #tpu.memory_space<hbm>>
    %dma_wait3A_1651 = arith.constant 0 : i32
    %dma_wait3A_1652 = arith.constant 0 : i32
    %dma_wait3A_1653 = tpu.memref_slice %arg6[%dma_wait3A_1640, %dma_wait3A_1651, %dma_wait3A_1652] : memref<2x512x64xf32, #tpu.memory_space<vmem>> -> memref<1x512x64xf32, #tpu.memory_space<vmem>>
    %dma_wait3A_1654 = tpu.memref_squeeze %dma_wait3A_1653 : memref<1x512x64xf32, #tpu.memory_space<vmem>> -> memref<512x64xf32, #tpu.memory_space<vmem>>
    tpu.wait_dma2 semaphore(%arg10 : memref<!tpu.dma_semaphore, #tpu.memory_space<semaphore_mem>>) src(%dma_wait3A_1654 : memref<512x64xf32, #tpu.memory_space<vmem>>) dst(%dma_wait3A_1650 : memref<512x64xf32, #tpu.memory_space<hbm>>)
    %add3A_1655 = arith.constant 252 : i32
    %add3A_1656 = arith.addi %mul3A_2, %add3A_1655 : i32
    %mul3A_1657 = arith.constant 128 : i32
    %mul3A_1658 = arith.muli %add3A_1656, %mul3A_1657 : i32
    %jit3A_1659 = arith.constant 1024 : i32
    %div3A_1660 = arith.divsi %mul3A_1658, %jit3A_1659 : i32
    %sign3A_1661 = arith.constant 0 : i32
    %sign3A_1662 = arith.cmpi sgt, %mul3A_1658, %sign3A_1661 : i32
    %sign3A_1663 = arith.extui %sign3A_1662 : i1 to i32
    %sign3A_1664 = arith.constant 0 : i32
    %sign3A_1665 = arith.cmpi slt, %mul3A_1658, %sign3A_1664 : i32
    %sign3A_1666 = arith.extui %sign3A_1665 : i1 to i32
    %sign3A_1667 = arith.subi %sign3A_1663, %sign3A_1666 : i32
    %sign3A_1668 = arith.constant 0 : i32
    %sign3A_1669 = arith.cmpi sgt, %jit3A_1659, %sign3A_1668 : i32
    %sign3A_1670 = arith.extui %sign3A_1669 : i1 to i32
    %sign3A_1671 = arith.constant 0 : i32
    %sign3A_1672 = arith.cmpi slt, %jit3A_1659, %sign3A_1671 : i32
    %sign3A_1673 = arith.extui %sign3A_1672 : i1 to i32
    %sign3A_1674 = arith.subi %sign3A_1670, %sign3A_1673 : i32
    %ne3A_1675 = arith.cmpi ne, %sign3A_1667, %sign3A_1674 : i32
    %rem3A_1676 = arith.remsi %mul3A_1658, %jit3A_1659 : i32
    %ne3A_1677 = arith.constant 0 : i32
    %ne3A_1678 = arith.cmpi ne, %rem3A_1676, %ne3A_1677 : i32
    %and3A_1679 = arith.andi %ne3A_1675, %ne3A_1678 : i1
    %sub3A_1680 = arith.constant 1 : i32
    %sub3A_1681 = arith.subi %div3A_1660, %sub3A_1680 : i32
    %select_n3A_1682 = arith.select %and3A_1679, %sub3A_1681, %div3A_1660 : i32
    %rem3A_1683 = arith.constant 1024 : i32
    %rem3A_1684 = arith.remsi %mul3A_1658, %rem3A_1683 : i32
    %dma_wait3A_1685 = arith.constant 1 : i32
    %dma_wait3A_1686 = arith.constant 0 : i32
    %dma_wait3A_1687 = arith.constant 0 : i32
    %dma_wait3A_1688 = tpu.memref_slice %arg6[%dma_wait3A_1685, %dma_wait3A_1686, %dma_wait3A_1687] : memref<2x512x64xf32, #tpu.memory_space<vmem>> -> memref<1x512x64xf32, #tpu.memory_space<vmem>>
    %dma_wait3A_1689 = tpu.memref_squeeze %dma_wait3A_1688 : memref<1x512x64xf32, #tpu.memory_space<vmem>> -> memref<512x64xf32, #tpu.memory_space<vmem>>
    %dma_wait3A_1690 = arith.constant 0 : i32
    %dma_wait3A_1691 = tpu.memref_slice %arg4[%select_n3A_1682, %rem3A_1684, %dma_wait3A_1690] : memref<1024x1024x128xf32, #tpu.memory_space<hbm>> -> memref<1x512x64xf32, #tpu.memory_space<hbm>>
    %dma_wait3A_1692 = tpu.memref_squeeze %dma_wait3A_1691 : memref<1x512x64xf32, #tpu.memory_space<hbm>> -> memref<512x64xf32, #tpu.memory_space<hbm>>
    %dma_wait3A_1693 = arith.constant 0 : i32
    %dma_wait3A_1694 = tpu.memref_slice %arg4[%select_n3A_1682, %rem3A_1684, %dma_wait3A_1693] : memref<1024x1024x128xf32, #tpu.memory_space<hbm>> -> memref<1x512x64xf32, #tpu.memory_space<hbm>>
    %dma_wait3A_1695 = tpu.memref_squeeze %dma_wait3A_1694 : memref<1x512x64xf32, #tpu.memory_space<hbm>> -> memref<512x64xf32, #tpu.memory_space<hbm>>
    %dma_wait3A_1696 = arith.constant 0 : i32
    %dma_wait3A_1697 = arith.constant 0 : i32
    %dma_wait3A_1698 = tpu.memref_slice %arg6[%dma_wait3A_1685, %dma_wait3A_1696, %dma_wait3A_1697] : memref<2x512x64xf32, #tpu.memory_space<vmem>> -> memref<1x512x64xf32, #tpu.memory_space<vmem>>
    %dma_wait3A_1699 = tpu.memref_squeeze %dma_wait3A_1698 : memref<1x512x64xf32, #tpu.memory_space<vmem>> -> memref<512x64xf32, #tpu.memory_space<vmem>>
    tpu.wait_dma2 semaphore(%arg11 : memref<!tpu.dma_semaphore, #tpu.memory_space<semaphore_mem>>) src(%dma_wait3A_1699 : memref<512x64xf32, #tpu.memory_space<vmem>>) dst(%dma_wait3A_1695 : memref<512x64xf32, #tpu.memory_space<hbm>>)
    return
  }
}

module attributes {stable_mosaic.version = 14 : i64} {
  func.func @_table_body(%arg0: memref<10x64xf32, #tpu.memory_space<vmem>>, %arg1: memref<32x32xf32, #tpu.memory_space<vmem>>, %arg2: memref<32x32xf32, #tpu.memory_space<vmem>>, %arg3: memref<64x64xf32, #tpu.memory_space<vmem>>, %arg4: memref<64xf32, #tpu.memory_space<vmem>>, %arg5: memref<10x1024x64xf32, #tpu.memory_space<vmem>>) attributes {dimension_semantics = [], scalar_prefetch = 0 : i64, scratch_operands = 0 : i64, tpu.core_type = #tpu.core_type<tc>} {
    %iota3A = tpu.iota {dimensions = array<i32: 0>} : vector<1024x32xi32>
    %iota3A_0 = tpu.iota {dimensions = array<i32: 1>} : vector<1024x32xi32>
    %jit3A = arith.constant 32 : i32
    %div3A = vector.broadcast %jit3A : i32 to vector<1024x32xi32>
    %div3A_1 = arith.divsi %iota3A, %div3A : vector<1024x32xi32>
    %sign3A = arith.constant 0 : i32
    %sign3A_2 = vector.broadcast %sign3A : i32 to vector<1024x32xi32>
    %sign3A_3 = arith.cmpi sgt, %iota3A, %sign3A_2 : vector<1024x32xi32>
    %sign3A_4 = arith.extui %sign3A_3 : vector<1024x32xi1> to vector<1024x32xi32>
    %sign3A_5 = arith.constant 0 : i32
    %sign3A_6 = vector.broadcast %sign3A_5 : i32 to vector<1024x32xi32>
    %sign3A_7 = arith.cmpi slt, %iota3A, %sign3A_6 : vector<1024x32xi32>
    %sign3A_8 = arith.extui %sign3A_7 : vector<1024x32xi1> to vector<1024x32xi32>
    %sign3A_9 = arith.subi %sign3A_4, %sign3A_8 : vector<1024x32xi32>
    %sign3A_10 = arith.constant 0 : i32
    %sign3A_11 = arith.cmpi sgt, %jit3A, %sign3A_10 : i32
    %sign3A_12 = arith.extui %sign3A_11 : i1 to i32
    %sign3A_13 = arith.constant 0 : i32
    %sign3A_14 = arith.cmpi slt, %jit3A, %sign3A_13 : i32
    %sign3A_15 = arith.extui %sign3A_14 : i1 to i32
    %sign3A_16 = arith.subi %sign3A_12, %sign3A_15 : i32
    %ne3A = vector.broadcast %sign3A_16 : i32 to vector<1024x32xi32>
    %ne3A_17 = arith.cmpi ne, %sign3A_9, %ne3A : vector<1024x32xi32>
    %rem3A = vector.broadcast %jit3A : i32 to vector<1024x32xi32>
    %rem3A_18 = arith.remsi %iota3A, %rem3A : vector<1024x32xi32>
    %ne3A_19 = arith.constant 0 : i32
    %ne3A_20 = vector.broadcast %ne3A_19 : i32 to vector<1024x32xi32>
    %ne3A_21 = arith.cmpi ne, %rem3A_18, %ne3A_20 : vector<1024x32xi32>
    %and3A = arith.andi %ne3A_17, %ne3A_21 : vector<1024x32xi1>
    %sub3A = arith.constant 1 : i32
    %sub3A_22 = vector.broadcast %sub3A : i32 to vector<1024x32xi32>
    %sub3A_23 = arith.subi %div3A_1, %sub3A_22 : vector<1024x32xi32>
    %select_n3A = arith.select %and3A, %sub3A_23, %div3A_1 : vector<1024x32xi1>, vector<1024x32xi32>
    %eq3A = arith.cmpi eq, %select_n3A, %iota3A_0 : vector<1024x32xi32>
    %convert_element_type3A = arith.extui %eq3A : vector<1024x32xi1> to vector<1024x32xi32>
    %convert_element_type3A_24 = arith.sitofp %convert_element_type3A : vector<1024x32xi32> to vector<1024x32xf32>
    %jit3A_25 = arith.constant 32 : i32
    %eq3A_26 = arith.constant 0 : i32
    %eq3A_27 = arith.cmpi eq, %jit3A_25, %eq3A_26 : i32
    %jit3A_28 = arith.constant 1 : i32
    %select_n3A_29 = arith.select %eq3A_27, %jit3A_28, %jit3A_25 : i32
    %rem3A_30 = vector.broadcast %select_n3A_29 : i32 to vector<1024x32xi32>
    %rem3A_31 = arith.remsi %iota3A, %rem3A_30 : vector<1024x32xi32>
    %ne3A_32 = arith.constant 0 : i32
    %ne3A_33 = vector.broadcast %ne3A_32 : i32 to vector<1024x32xi32>
    %ne3A_34 = arith.cmpi ne, %rem3A_31, %ne3A_33 : vector<1024x32xi32>
    %lt3A = arith.constant 0 : i32
    %lt3A_35 = vector.broadcast %lt3A : i32 to vector<1024x32xi32>
    %lt3A_36 = arith.cmpi slt, %rem3A_31, %lt3A_35 : vector<1024x32xi32>
    %lt3A_37 = arith.constant 0 : i32
    %lt3A_38 = arith.cmpi slt, %select_n3A_29, %lt3A_37 : i32
    %ne3A_39 = vector.broadcast %lt3A_38 : i1 to vector<1024x32xi1>
    %ne3A_40 = vector.broadcast %ne3A_39 : vector<1024x32xi1> to vector<1024x32xi1>
    %ne3A_41 = arith.xori %lt3A_36, %ne3A_40 : vector<1024x32xi1>
    %and3A_42 = arith.andi %ne3A_41, %ne3A_34 : vector<1024x32xi1>
    %add3A = vector.broadcast %select_n3A_29 : i32 to vector<1024x32xi32>
    %add3A_43 = arith.addi %rem3A_31, %add3A : vector<1024x32xi32>
    %select_n3A_44 = arith.select %and3A_42, %add3A_43, %rem3A_31 : vector<1024x32xi1>, vector<1024x32xi32>
    %eq3A_45 = arith.cmpi eq, %select_n3A_44, %iota3A_0 : vector<1024x32xi32>
    %convert_element_type3A_46 = arith.extui %eq3A_45 : vector<1024x32xi1> to vector<1024x32xi32>
    %convert_element_type3A_47 = arith.sitofp %convert_element_type3A_46 : vector<1024x32xi32> to vector<1024x32xf32>
    %get3A = arith.constant 0 : index
    %get3A_48 = arith.constant 0 : index
    %get3A_49 = vector.load %arg1[%get3A, %get3A_48] : memref<32x32xf32, #tpu.memory_space<vmem>>, vector<32x32xf32>
    %dot_general3A = arith.constant dense<0.000000e+00> : vector<1024x32xf32>
    %dot_general3A_50 = tpu.matmul %convert_element_type3A_24, %get3A_49, %dot_general3A {dimension_numbers = #tpu.dot_dimension_numbers<[1], [0], [0], [1], [0, 0, 1, 1], [], []>, precision = #tpu.contract_precision<fp32>, transpose_lhs_hint = false} : vector<1024x32xf32>, vector<32x32xf32>, vector<1024x32xf32> -> vector<1024x32xf32>
    %get3A_51 = arith.constant 0 : index
    %get3A_52 = arith.constant 0 : index
    %get3A_53 = vector.load %arg2[%get3A_51, %get3A_52] : memref<32x32xf32, #tpu.memory_space<vmem>>, vector<32x32xf32>
    %dot_general3A_54 = arith.constant dense<0.000000e+00> : vector<1024x32xf32>
    %dot_general3A_55 = tpu.matmul %convert_element_type3A_47, %get3A_53, %dot_general3A_54 {dimension_numbers = #tpu.dot_dimension_numbers<[1], [0], [0], [1], [0, 0, 1, 1], [], []>, precision = #tpu.contract_precision<fp32>, transpose_lhs_hint = false} : vector<1024x32xf32>, vector<32x32xf32>, vector<1024x32xf32> -> vector<1024x32xf32>
    %concatenate3A = tpu.concatenate %dot_general3A_50, %dot_general3A_55 in 1 : vector<1024x32xf32>, vector<1024x32xf32> -> vector<1024x64xf32>
    %get3A_56 = arith.constant 0 : index
    %get3A_57 = arith.constant 0 : index
    %get3A_58 = vector.load %arg3[%get3A_56, %get3A_57] : memref<64x64xf32, #tpu.memory_space<vmem>>, vector<64x64xf32>
    %dot_general3A_59 = arith.constant dense<0.000000e+00> : vector<1024x64xf32>
    %dot_general3A_60 = tpu.matmul %concatenate3A, %get3A_58, %dot_general3A_59 {dimension_numbers = #tpu.dot_dimension_numbers<[1], [1], [0], [0], [0, 0, 1, 0], [], []>, precision = #tpu.contract_precision<fp32>, transpose_lhs_hint = false} : vector<1024x64xf32>, vector<64x64xf32>, vector<1024x64xf32> -> vector<1024x64xf32>
    %get3A_61 = arith.constant 0 : index
    %get3A_62 = vector.load %arg4[%get3A_61] : memref<64xf32, #tpu.memory_space<vmem>>, vector<64xf32>
    %broadcast_in_dim3A = vector.shape_cast %get3A_62 : vector<64xf32> to vector<1x64xf32>
    %add3A_63 = vector.broadcast %broadcast_in_dim3A : vector<1x64xf32> to vector<1024x64xf32>
    %add3A_64 = arith.addf %dot_general3A_60, %add3A_63 : vector<1024x64xf32>
    %get3A_65 = arith.constant 0 : index
    %get3A_66 = arith.constant 0 : index
    %get3A_67 = vector.load %arg0[%get3A_65, %get3A_66] : memref<10x64xf32, #tpu.memory_space<vmem>>, vector<10x64xf32>
    %broadcast_in_dim3A_68 = vector.shape_cast %get3A_67 : vector<10x64xf32> to vector<10x1x64xf32>
    %broadcast_in_dim3A_69 = vector.shape_cast %add3A_64 : vector<1024x64xf32> to vector<1x1024x64xf32>
    %add3A_70 = vector.broadcast %broadcast_in_dim3A_68 : vector<10x1x64xf32> to vector<10x1024x64xf32>
    %add3A_71 = vector.broadcast %broadcast_in_dim3A_69 : vector<1x1024x64xf32> to vector<10x1024x64xf32>
    %add3A_72 = arith.addf %add3A_70, %add3A_71 : vector<10x1024x64xf32>
    %swap3A = arith.constant 0 : index
    %swap3A_73 = arith.constant 0 : index
    %swap3A_74 = arith.constant 0 : index
    %swap3A_75 = vector.load %arg5[%swap3A, %swap3A_73, %swap3A_74] : memref<10x1024x64xf32, #tpu.memory_space<vmem>>, vector<10x1024x64xf32>
    tpu.vector_store %arg5[%swap3A, %swap3A_73, %swap3A_74], %add3A_72 {strides = array<i32>} : memref<10x1024x64xf32, #tpu.memory_space<vmem>>, vector<10x1024x64xf32>,
    return
  }
}

</mosaic_0001>

<sc_bundles>
// kernel: kernel.4.cloned.1.call-start
scs
__scs_entry_jumppad:
0x0: {  	(pc) =	sbr.rel $0x88, $3  }
0x1: {  	(tag) =	ssettag $0x0;
	lr =	simm.s32 $0x1  }
0x2: {  	[smem:$0x3F9B] =	sst lr;
	_ =	strace $0xD0000000  }
0x3: {  	_ = 	snop  }
0x4: {  	_ = 	snop  }
0x5: {  	_ = 	snop  }
0x6: {  	_ = 	snop  }
0x7: {  	_ = 	snop  }
__scs_overlays_trampoline_lowered:
0x8: {  	[smem:$0x3FAA] =	sst s0  }
0x9: {  	[smem:$0x3FAB] =	sst s1  }
0xa: {  	[smem:$0x3FAC] =	sst s2  }
0xb: {  	[smem:$0x3FAD] =	sst s3  }
0xc: {  	[smem:$0x3FAE] =	sst s4  }
0xd: {  	[smem:$0x3FAF] =	sst s5  }
0xe: {  	[smem:$0x3FB0] =	sst s6  }
0xf: {  	[smem:$0x3FB1] =	sst s7  }
0x10: {  	[smem:$0x3FB2] =	sst s8  }
0x11: {  	[smem:$0x3FB3] =	sst s9;
	s0 =	simm.s32 @!p0 $0x0  }
0x12: {  	s1 =	sld [smem:$0x3F99];
	s0 =	simm.s32 @p0 $0x1  }
0x13: {  	[smem:$0x3FB4] =	sst s0;
	s0 =	simm.s32 @!p1 $0x0  }
0x14: {  	s2 =	sld [smem:$0x3F98];
	s0 =	simm.s32 @p1 $0x1  }
0x15: {  	[smem:$0x3FB5] =	sst s0;
	s0 =	simm.s32 @!p2 $0x0  }
0x16: {  	s3 =	sld [smem:$0x3FDB];
	s0 =	simm.s32 @p2 $0x1  }
0x17: {  	s4 =	simm.s32 $0x1BF5;
	[smem:$0x3FB7] =	sst s0  }
0x18: {  	s0 =	sld [smem:$0x3F9A];
	_ =	swait.ge [sflag:s4], $0x0  }
0x19: {  	s7 =	sld [smem:$0x3F9B]  }
0x1a: {  	s8 =	sadd.s32 $0xFFFFE003, lr  }
0x1b: {  	s9 =	sadd.s32 $0xFFFFFEF7, lr;
	s5 =	simm.s32 $0xFFFFFFFF;
	p2 =	slt.u32 s8, $0xFFFFF086  }
0x1c: {  	p1 =	slt.u32 s9, $0xF7A;
	s5 =	simm.s32 @!p2 $0x0  }
0x1d: {  	s5 =	simm.s32 @p1 $0x1;
	p0 =	seq.s32 s7, s2  }
0x1e: {  	s7 =	smul.u32 @!p0 $0xF7A, s2;
	p2 =	seq.s32 @!p0 s5, $0x0  }
0x1f: {  	s9 =	smul.u32 $0xF7A, s1;
	s8 =	simm.s32 @!p0 $0x1BF5;
	p2 =	por !p2, p0  }
0x20: {  	[sflag:s8] =	ssyncset.s32 @!p0 $0xFFFFF086;
	s6 =	sadd.s32 @!p0 s3, s7;
	s7 =	simm.s32 @!p0 $0x108  }
0x21: {  	s3 =	sadd.s32 s3, s9;
	s6 =	sadd.s32 @!p0 $0x88, s6;
	s7 =	simm.s32 @p2 $0x1082  }
0x22: {  	[simem:s7], [sflag:s8] =	dma.local @!p0 [hbm:s6], $0xF7A  }
0x23: {  	s9 =	sor.u32 $0xD0000000, s2;
	s6 =	simm.s32 $0x108;
	_ =	swait.ge @!p0 [sflag:s8], $0x0  }
0x24: {  	s3 =	sadd.s32 $0x88, s3;
	s6 =	simm.s32 @!p1 $0x1082;
	[sflag:s4] =	ssyncset.s32 $0xFFFFF086  }
0x25: {  	[simem:s6], [sflag:s4] =	dma.local [hbm:s3], $0xF7A  }
0x26: {  	[smem:$0x3F9B] =	sst s1;
	(tag) =	ssettag s2;
	_ =	strace s9  }
0x27: {  	s1 =	sld [smem:$0x3FAB]  }
0x28: {  	s2 =	sld [smem:$0x3FAC]  }
0x29: {  	s4 =	sld [smem:$0x3FAE]  }
0x2a: {  	p0 =	seq.s32 s5, $0x0;
	s5 =	sld [smem:$0x3FAF]  }
0x2b: {  	s6 =	sld [smem:$0x3FB0]  }
0x2c: {  	s7 =	sld [smem:$0x3FB1]  }
0x2d: {  	s3 =	simm.s32 $0x108;
	s8 =	sld [smem:$0x3FB2]  }
0x2e: {  	s3 =	simm.s32 @!p0 $0x1082;
	s9 =	sld [smem:$0x3FB3]  }
0x2f: {  	lr =	sadd.s32 s0, s3;
	s0 =	sld [smem:$0x3FAA]  }
0x30: {  	s3 =	sld [smem:$0x3FAD]  }
0x31: {  	[smem:$0x3FB6] =	sst s10  }
0x32: {  	s10 =	sld [smem:$0x3FB4];
	_ =	sdelay $0x3  }
0x33: {  	p0 =	seq.s32 s10, $0x1;
	s10 =	sld [smem:$0x3FB6];
	_ =	sdelay $0x3  }
0x34: {  	[smem:$0x3FB6] =	sst s10  }
0x35: {  	s10 =	sld [smem:$0x3FB5];
	_ =	sdelay $0x3  }
0x36: {  	p1 =	seq.s32 s10, $0x1;
	s10 =	sld [smem:$0x3FB6];
	_ =	sdelay $0x3  }
0x37: {  	[smem:$0x3FB6] =	sst s10  }
0x38: {  	s10 =	sld [smem:$0x3FB7]  }
0x39: {  	_ = 	snop;
	(pc) =	sbr.ind lr, $3  }
0x3a: {  	_ = 	snop  }
0x3b: {  	_ = 	snop  }
0x3c: {  	p2 =	seq.s32 s10, $0x1;
	s10 =	sld [smem:$0x3FB6]  }
0x3d: {  	_ =	shalt  }
0x3e: {  	_ =	shalt  }
0x3f: {  	_ =	shalt  }
0x40: {  	_ =	shalt  }
0x41: {  	_ =	shalt  }
0x42: {  	_ =	shalt  }
0x43: {  	_ =	shalt  }
0x44: {  	_ =	shalt  }
0x45: {  	_ =	shalt  }
0x46: {  	_ =	shalt  }
0x47: {  	_ =	shalt  }
0x48: {  	_ =	shalt  }
0x49: {  	_ =	shalt  }
0x4a: {  	_ =	shalt  }
0x4b: {  	_ =	shalt  }
0x4c: {  	_ =	shalt  }
0x4d: {  	_ =	shalt  }
0x4e: {  	_ =	shalt  }
0x4f: {  	_ =	shalt  }
0x50: {  	_ =	shalt  }
0x51: {  	_ =	shalt  }
0x52: {  	_ =	shalt  }
0x53: {  	_ =	shalt  }
0x54: {  	_ =	shalt  }
0x55: {  	_ =	shalt  }
0x56: {  	_ =	shalt  }
0x57: {  	_ =	shalt  }
0x58: {  	_ =	shalt  }
0x59: {  	_ =	shalt  }
0x5a: {  	_ =	shalt  }
0x5b: {  	_ =	shalt  }
0x5c: {  	_ =	shalt  }
0x5d: {  	_ =	shalt  }
0x5e: {  	_ =	shalt  }
0x5f: {  	_ =	shalt  }
0x60: {  	_ =	shalt  }
0x61: {  	_ =	shalt  }
0x62: {  	_ =	shalt  }
0x63: {  	_ =	shalt  }
0x64: {  	_ =	shalt  }
0x65: {  	_ =	shalt  }
0x66: {  	_ =	shalt  }
0x67: {  	_ =	shalt  }
0x68: {  	_ =	shalt  }
0x69: {  	_ =	shalt  }
0x6a: {  	_ =	shalt  }
0x6b: {  	_ =	shalt  }
0x6c: {  	_ =	shalt  }
0x6d: {  	_ =	shalt  }
0x6e: {  	_ =	shalt  }
0x6f: {  	_ =	shalt  }
0x70: {  	_ =	shalt  }
0x71: {  	_ =	shalt  }
0x72: {  	_ =	shalt  }
0x73: {  	_ =	shalt  }
0x74: {  	_ =	shalt  }
0x75: {  	_ =	shalt  }
0x76: {  	_ =	shalt  }
0x77: {  	_ =	shalt  }
0x78: {  	_ =	shalt  }
0x79: {  	_ =	shalt  }
0x7a: {  	_ =	shalt  }
0x7b: {  	_ =	shalt  }
0x7c: {  	_ =	shalt  }
0x7d: {  	_ =	shalt  }
0x7e: {  	_ =	shalt  }
0x7f: {  	_ =	shalt  }
0x80: {  	_ =	shalt  }
0x81: {  	_ =	shalt  }
0x82: {  	_ =	shalt  }
0x83: {  	_ =	shalt  }
0x84: {  	_ =	shalt  }
0x85: {  	_ =	shalt  }
0x86: {  	_ =	shalt  }
0x87: {  	_ =	shalt  }
.Lfunc_end0:
.L_simem_size_0:
called_computation.1_lowered:
.L_overlay_start_0:
0x88: {  	s2 =	sld [smem:$0x3FD9]  }
0x89: {  	s3 =	sld [smem:$0x3FFE];
	_ =	sdelay $0x1  }
0x8a: {  	s1 =	srdreg.scid  }
0x8b: {  	s0 =	sand.u32 $0x1, s1  }
0x8c: {  	s17 =	sshll.u32 s0, $0xA;
	s2 =	sadd.s32 s3, s2  }
0x8d: {  	s2 =	sadd.s32 s2, s17  }
0x8e: {  	[smem:$0x3FC2] =	sst s2  }
0x8f: {  	_ = 	snop  }
0x90: {  	s2 =	sld [smem:$0x3FD0];
	(tm) =	ssettm $0x1  }
0x91: {  	s18 =	sld [smem:$0x3FFB];
	_ =	sdelay $0x3  }
0x92: {  	_ =	strace s18  }
0x93: {  	s3 =	sld [smem:$0x3FFC];
	_ =	sdelay $0x3  }
0x94: {  	_ =	strace s3  }
0x95: {  	s3 =	sld [smem:$0x3FFD];
	_ =	sdelay $0x3  }
0x96: {  	_ =	strace s3  }
0x97: {  	_ =	strace $0x8FFFFFFF  }
0x98: {  	s19 =	sld [smem:$0x3FDB];
	_ =	sdelay $0x1  }
0x99: {  	s4 =	simm.s32 $_scs_section_size  }
0x9a: {  	s5 =	simm.s32 $_size__tile_overlayer_lowered;
	s6 =	simm.s32 $_tile_overlayer_lowered  }
0x9b: {  	s22 =	simm.s32 $0x1BFF;
	s21 =	sshll.u32 s6, $0x1;
	s3 =	sadd.s32 s4, s19  }
0x9c: {  	s7 =	simm.s32 $0x0;
	s20 =	sshll.u32 s5, $0x1;
	s5 =	sadd.s32 s21, s3  }
0x9d: {  	[timem:s7], [sflag:s22] =	dma.local [hbm:s5], s20  }
0x9e: {  	_ =	swait.ge [sflag:s22], s20  }
0x9f: {  	s4 =	ssub.s32 $0x0, s20;
	[sflag:s22] =	ssyncset.done $0x0  }
0xa0: {  	[sflag:s22] =	ssyncadd.s32 s4;
	_ =	sdelay $0x1  }
0xa1: {  	s23 =	simm.s32 $0x1B8B  }
0xa2: {  	_ =	swait.ge [sflag:s23], $0x1  }
0xa3: {  	[sflag:s23] =	ssyncset.done $0x0  }
0xa4: {  	s25 =	simm.s32 $0x1B8E;
	s24 =	sld [smem:$0x3FFE];
	[sflag:s23] =	ssyncadd.s32 $0xFFFFFFFF  }
0xa5: {  	s26 =	simm.s32 $execute0_lowered;
	[smem:$0x3FD2] =	sst s25  }
0xa6: {  	s5 =	sshll.u32 s26, $0x1;
	_ =	strace $0x80000046;
	[dreg:$0x1] =	wrdreg $0xFFFFFFFF  }
0xa7: {  	s28 =	simm.s32 $_size_execute0_lowered;
	s3 =	sadd.s32 s3, s5;
	[dreg:$0x0] =	wrdreg $0x0  }
0xa8: {  	s5 =	sshll.u32 s28, $0x1;
	[dreg:$0x2] =	wrdreg s3  }
0xa9: {  	[dreg:$0x3] =	wrdreg s5  }
0xaa: {  	[dreg:$0x4] =	wrdreg $0xC0  }
0xab: {  	_ =	task [dreg:s7], $0x5FFFF  }
0xac: {  	[dreg:$0x1] =	wrdreg $0xFFFFFFFF  }
0xad: {  	[dreg:$0x0] =	wrdreg $0x60  }
0xae: {  	[dreg:$0x2] =	wrdreg s2  }
0xaf: {  	[dreg:$0x3] =	wrdreg s24  }
0xb0: {  	[dreg:$0x4] =	wrdreg $0x104000  }
0xb1: {  	[dreg:$0x5] =	wrdreg $0x9  }
0xb2: {  	_ =	task.clear_ibuf [dreg:s7], $0x6FFFF;
	_ =	strace $0x90000046  }
0xb3: {  	s29 =	simm.s32 $0x9;
	_ =	strace $0x80000048  }
0xb4: {  	_ =	swait.ge [sflag:s29], $0x1  }
0xb5: {  	[sflag:s29] =	ssyncadd.s32 $0xFFFFFFFF  }
0xb6: {  	_ =	strace $0x90000048  }
0xb7: {  	_ =	sfence  }
0xb8: {  	s30 =	sld [smem:$0x0];
	_ =	sdelay $0x2  }
0xb9: {  	s31 =	sshll.u32 s1, $0xD;
	s1 =	sshrl.u32 s1, $0x2  }
0xba: {  	s3 =	sand.u32 $0x4000, s31;
	s1 =	sadd.s32 s1, s30  }
0xbb: {  	s0 =	sor.u32 s3, s0;
	s1 =	sshll.u32 s1, $0x11  }
0xbc: {  	s0 =	sor.u32 s1, s0  }
0xbd: {  	s0 =	sadd.s32 $0x8F2B, s0  }
0xbe: {  	[sflag:s0] =	ssyncadd.remote.s32 $0x1  }
0xbf: {  	_ =	sfence.sel $0xFFFF  }
0xc0: {  	[dreg:$0x0] =	wrdreg $0xFFFFFFFF;
	(pc) =	sbr.abs _section_cstart, $3  }
0xc1: {  	[dreg:$0x1] =	wrdreg $0xFFFFFFFF  }
0xc2: {  	_ =	task.clear_ibuf [dreg:s7], $0x2FFFF;
	_ =	strace $0x9FFFFFFF  }
0xc3: {  	(tm) =	ssettm $0x7FFFFFFF  }
tec
execute0_lowered:
.L_overlay_start_1:
0x0: {  	(tag) =	ssettag $0x1  }
0x1: {  	v6 =	vlaneseq.u32  }
0x2: {  	v0 =	vor.u32 $0x10, v6  }
0x3: {  	v57 =	vor.u32 $0x20, v6;
	[tilespmem:$0x1FC10] =	vst v0  }
0x4: {  	v58 =	vor.u32 $0x30, v6;
	[tilespmem:$0x1FC20] =	vst v57  }
0x5: {  	v59 =	vor.u32 $0x40, v6;
	[tilespmem:$0x1FC30] =	vst v58  }
0x6: {  	v60 =	vor.u32 $0x50, v6;
	[tilespmem:$0x1FC40] =	vst v59  }
0x7: {  	v61 =	vor.u32 $0x60, v6;
	[tilespmem:$0x1FC50] =	vst v60  }
0x8: {  	v62 =	vor.u32 $0x70, v6;
	[tilespmem:$0x1FC60] =	vst v61  }
0x9: {  	s0 =	rddreg [dreg:$0x0];
	v63 =	vor.u32 $0x80, v6;
	[tilespmem:$0x1FC70] =	vst v62  }
0xa: {  	s3 =	rddreg [dreg:$0x1];
	s2 =	simm.s32 $0x0;
	v9 =	vor.u32 $0x90, v6;
	[tilespmem:$0x1FC80] =	vst v63  }
0xb: {  	[smem:$0x7FF] =	sst s2;
	v10 =	vor.u32 $0xA0, v6;
	[tilespmem:$0x1FC90] =	vst v9  }
0xc: {  	s1 =	rddreg [dreg:$0x2];
	v11 =	vor.u32 $0xB0, v6;
	_ =	strace $0x80000047;
	[tilespmem:$0x1FCA0] =	vst v10  }
0xd: {  	v12 =	vor.u32 $0xC0, v6;
	[tilespmem:$0x1FCB0] =	vst v11  }
0xe: {  	v13 =	vor.u32 $0xD0, v6;
	[tilespmem:$0x1FCC0] =	vst v12  }
0xf: {  	v14 =	vor.u32 $0xE0, v6;
	[tilespmem:$0x1FCD0] =	vst v13  }
0x10: {  	v15 =	vor.u32 $0xF0, v6;
	[tilespmem:$0x1FCE0] =	vst v14  }
0x11: {  	v16 =	vor.u32 $0x100, v6;
	[tilespmem:$0x1FCF0] =	vst v15  }
0x12: {  	v17 =	vor.u32 $0x110, v6;
	[tilespmem:$0x1FD00] =	vst v16  }
0x13: {  	v18 =	vor.u32 $0x120, v6;
	[tilespmem:$0x1FD10] =	vst v17  }
0x14: {  	v19 =	vor.u32 $0x130, v6;
	[tilespmem:$0x1FD20] =	vst v18  }
0x15: {  	v20 =	vor.u32 $0x140, v6;
	[tilespmem:$0x1FD30] =	vst v19  }
0x16: {  	v21 =	vor.u32 $0x150, v6;
	[tilespmem:$0x1FD40] =	vst v20  }
0x17: {  	v22 =	vor.u32 $0x160, v6;
	[tilespmem:$0x1FD50] =	vst v21  }
0x18: {  	v23 =	vor.u32 $0x170, v6;
	[tilespmem:$0x1FD60] =	vst v22  }
0x19: {  	v24 =	vor.u32 $0x180, v6;
	[tilespmem:$0x1FD70] =	vst v23  }
0x1a: {  	v25 =	vor.u32 $0x190, v6;
	[tilespmem:$0x1FD80] =	vst v24  }
0x1b: {  	v26 =	vor.u32 $0x1A0, v6;
	[tilespmem:$0x1FD90] =	vst v25  }
0x1c: {  	v27 =	vor.u32 $0x1B0, v6;
	[tilespmem:$0x1FDA0] =	vst v26  }
0x1d: {  	v28 =	vor.u32 $0x1C0, v6;
	[tilespmem:$0x1FDB0] =	vst v27  }
0x1e: {  	v29 =	vor.u32 $0x1D0, v6;
	[tilespmem:$0x1FDC0] =	vst v28  }
0x1f: {  	v30 =	vor.u32 $0x1E0, v6;
	[tilespmem:$0x1FDD0] =	vst v29  }
0x20: {  	v31 =	vor.u32 $0x1F0, v6;
	[tilespmem:$0x1FDE0] =	vst v30  }
0x21: {  	v32 =	vor.u32 $0x200, v6;
	[tilespmem:$0x1FDF0] =	vst v31  }
0x22: {  	v33 =	vor.u32 $0x210, v6;
	[tilespmem:$0x1FE00] =	vst v32  }
0x23: {  	v34 =	vor.u32 $0x220, v6;
	[tilespmem:$0x1FE10] =	vst v33  }
0x24: {  	v35 =	vor.u32 $0x230, v6;
	[tilespmem:$0x1FE20] =	vst v34  }
0x25: {  	v36 =	vor.u32 $0x240, v6;
	[tilespmem:$0x1FE30] =	vst v35  }
0x26: {  	v37 =	vor.u32 $0x250, v6;
	[tilespmem:$0x1FE40] =	vst v36  }
0x27: {  	v38 =	vor.u32 $0x260, v6;
	[tilespmem:$0x1FE50] =	vst v37  }
0x28: {  	v39 =	vor.u32 $0x270, v6;
	[tilespmem:$0x1FE60] =	vst v38  }
0x29: {  	v40 =	vor.u32 $0x280, v6;
	[tilespmem:$0x1FE70] =	vst v39  }
0x2a: {  	v41 =	vor.u32 $0x290, v6;
	[tilespmem:$0x1FE80] =	vst v40  }
0x2b: {  	v42 =	vor.u32 $0x2A0, v6;
	[tilespmem:$0x1FE90] =	vst v41  }
0x2c: {  	v43 =	vor.u32 $0x2B0, v6;
	[tilespmem:$0x1FEA0] =	vst v42  }
0x2d: {  	v44 =	vor.u32 $0x2C0, v6;
	[tilespmem:$0x1FEB0] =	vst v43  }
0x2e: {  	s4 =	srdreg.scid;
	s5 =	stileid.u32;
	v45 =	vor.u32 $0x2D0, v6;
	[tilespmem:$0x1FEC0] =	vst v44  }
0x2f: {  	s12 =	simm.s32 $0x5;
	s13 =	simm.s32 $0x80;
	s14 =	simm.s32 $0x400;
	v46 =	vor.u32 $0x2E0, v6;
	[tilespmem:$0x1FED0] =	vst v45  }
0x30: {  	s15 =	simm.s32 $0x2400;
	s16 =	simm.s32 $0x100;
	s28 =	simm.s32 $0xE400;
	v47 =	vor.u32 $0x2F0, v6;
	[tilespmem:$0x1FEE0] =	vst v46  }
0x31: {  	s29 =	simm.s32 $0x1;
	s30 =	simm.s32 $0x40;
	s31 =	simm.s32 $0x3;
	v48 =	vor.u32 $0x300, v6;
	[tilespmem:$0x1FEF0] =	vst v47  }
0x32: {  	s6 =	sand.u32 $0x1, s4;
	s17 =	sadd.s32 $0x1400, s3;
	s18 =	sshll.u32 s5, $0x9;
	v49 =	vor.u32 $0x310, v6;
	[tilespmem:$0x1FF00] =	vst v48  }
0x33: {  	s3 =	sadd.s32 $0x15400, s3;
	s23 =	sshll.u32 s5, $0x14;
	s25 =	sshll.u32 s5, $0xD;
	v50 =	vor.u32 $0x320, v6;
	[tilespmem:$0x1FF10] =	vst v49  }
0x34: {  	p0 =	sne.s32 s5, $0x0;
	v51 =	vor.u32 $0x330, v6;
	s5 =	simm.s32 $0x0;
	s7 =	sshll.u32 s6, $0x8;
	[tilespmem:$0x1FF20] =	vst v50  }
0x35: {  	v52 =	vor.u32 $0x340, v6;
	s8 =	ssub.s32 $0x2, s6;
	s26 =	sshll.u32 s6, $0x13;
	s6 =	sshll.u32 s6, $0xC;
	[tilespmem:$0x1FF30] =	vst v51  }
0x36: {  	v53 =	vor.u32 $0x350, v6;
	s11 =	sshrl.u32 @!p0 s1, $0x3;
	[dreg:$0x5] =	wrdreg s17;
	s4 =	sor.u32 s7, s18;
	[tilespmem:$0x1FF40] =	vst v52  }
0x37: {  	v54 =	vor.u32 $0x360, v6;
	s19 =	sshrl.u32 s8, $0x1;
	s17 =	simm.s32 $0x4400;
	s18 =	simm.s32 $0x180;
	[tilespmem:$0x1FF50] =	vst v53  }
0x38: {  	v55 =	vor.u32 $0x370, v6;
	[tilespmem:$0x1FF60] =	vst v54;
	s9 =	sshll.u32 s4, $0x4;
	s10 =	sshll.u32 s4, $0xB;
	s7 =	ssub.s32 s8, s19  }
0x39: {  	v56 =	vor.u32 $0x380, v6;
	[tilespmem:$0x1FF70] =	vst v55;
	s19 =	simm.s32 $0x6400;
	s20 =	sadd.s32 s0, s9;
	s21 =	sadd.s32 s10, s3  }
0x3a: {  	v57 =	vor.u32 $0x390, v6;
	[tilespmem:$0x1FF80] =	vst v56;
	s3 =	sadd.s32 s23, s3;
	s0 =	sadd.s32 s25, s0;
	s8 =	smax.u32 s7, $0x1  }
0x3b: {  	v58 =	vor.u32 $0x3A0, v6;
	[tilespmem:$0x1FF90] =	vst v57;
	s23 =	simm.s32 $0xA400;
	s25 =	simm.s32 $0xC400;
	[dreg:$0x6] =	wrdreg s20  }
0x3c: {  	v59 =	vor.u32 $0x3B0, v6;
	[tilespmem:$0x1FFA0] =	vst v58;
	s4 =	sadd.s32 $0x40, s20;
	s22 =	sadd.s32 $0x7C000, s21;
	s24 =	sadd.s32 $0x7E000, s21  }
0x3d: {  	v60 =	vor.u32 $0x3C0, v6;
	[tilespmem:$0x1FFB0] =	vst v59;
	s3 =	sadd.s32 s26, s3;
	s0 =	sadd.s32 s6, s0;
	[dreg:$0x7] =	wrdreg s4  }
0x3e: {  	v61 =	vor.u32 $0x3D0, v6;
	[tilespmem:$0x1FFC0] =	vst v60;
	s10 =	sadd.s32 $0x2000, s21;
	s20 =	simm.s32 $0x200;
	[dreg:$0x8] =	wrdreg s22  }
0x3f: {  	v62 =	vor.u32 $0x3E0, v6;
	[tilespmem:$0x1FFD0] =	vst v61;
	s21 =	simm.s32 $0x8400;
	s26 =	simm.s32 $0x380;
	[dreg:$0x9] =	wrdreg s24  }
0x40: {  	v63 =	vor.u32 $0x3F0, v6;
	[tilespmem:$0x1FFE0] =	vst v62;
	[dreg:$0x4] =	wrdreg s3;
	s6 =	sadd.s32 $0xC0, s0;
	s22 =	simm.s32 $0x280  }
0x41: {  	[tilespmem:$0x1FFF0] =	vst v63;
	s24 =	simm.s32 $0x300;
	s0 =	simm.s32 $0x2;
	s3 =	simm.s32 $0x4  }
.LBB2_1:
0x42: {  	s7 =	simm.s32 @!p0 $0x1C05;
	s4 =	rddreg [dreg:$0x5]  }
0x43: {  	[spmem:s11], [sflag:s7] =	dma.local @!p0 [hbm:s4], $0x14000  }
0x44: {  	s7 =	simm.s32 @!p0 $0x5  }
0x45: {  	_ =	swait.ge @!p0 [sflag:s7], $0x14000  }
0x46: {  	[sflag:s7] =	ssyncset.done @!p0 $0x0  }
0x47: {  	[sflag:s7] =	ssyncadd.s32 @!p0 $0xFFFEC000  }
0x48: {  	[bflag:$0x0] =	sbarrier.arrive $0xFFFF  }
0x49: {  	s7 =	rddreg [dreg:$0x6]  }
0x4a: {  	[tilespmem:s2], [sflag:$0x5] =	stream.linear.gather [hbm4b:s7+s2], $0x200, $0x38;
	[tilespmem:$0x1A400] =	vst v63  }
0x4b: {  	_ =	swait.ge [sflag:s12], $0x200  }
0x4c: {  	v60 =	vld [tilespmem:$0x1FC10]  }
0x4d: {  	v63 =	vld [tilespmem:$0x1FC20]  }
0x4e: {  	v34 =	vld [tilespmem:$0x1FC30]  }
0x4f: {  	v36 =	vld [tilespmem:$0x1FC40]  }
0x50: {  	v38 =	vld [tilespmem:$0x1FC50]  }
0x51: {  	v40 =	vld [tilespmem:$0x1FC60]  }
0x52: {  	v13 =	vld [tilespmem:$0x1FC70]  }
0x53: {  	v14 =	vld [tilespmem:$0x1FC80]  }
0x54: {  	v15 =	vld [tilespmem:$0x1FC90]  }
0x55: {  	v16 =	vld [tilespmem:$0x1FCA0]  }
0x56: {  	v17 =	vld [tilespmem:$0x1FCB0]  }
0x57: {  	v18 =	vld [tilespmem:$0x1FCC0]  }
0x58: {  	v19 =	vld [tilespmem:$0x1FCD0]  }
0x59: {  	v20 =	vld [tilespmem:$0x1FCE0]  }
0x5a: {  	v21 =	vld [tilespmem:$0x1FCF0]  }
0x5b: {  	v22 =	vld [tilespmem:$0x1FD00]  }
0x5c: {  	v23 =	vld [tilespmem:$0x1FD10]  }
0x5d: {  	v24 =	vld [tilespmem:$0x1FD20]  }
0x5e: {  	v25 =	vld [tilespmem:$0x1FD30]  }
0x5f: {  	v26 =	vld [tilespmem:$0x1FD40]  }
0x60: {  	v27 =	vld [tilespmem:$0x1FD50]  }
0x61: {  	v28 =	vld [tilespmem:$0x1FD60]  }
0x62: {  	v29 =	vld [tilespmem:$0x1FD70]  }
0x63: {  	[sflag:s12] =	ssyncset.done $0x0;
	v30 =	vld [tilespmem:$0x1FD80]  }
0x64: {  	v31 =	vld [tilespmem:$0x1FD90];
	[sflag:s12] =	ssyncadd.s32 $0xFFFFFE00  }
0x65: {  	v0 =	vld [tilespmem:$0x0]  }
0x66: {  	v1 =	vld [tilespmem:$0x10]  }
0x67: {  	v2 =	vld [tilespmem:$0x20]  }
0x68: {  	v3 =	vld [tilespmem:$0x30]  }
0x69: {  	v4 =	vld [tilespmem:$0x40]  }
0x6a: {  	v5 =	vld [tilespmem:$0x50]  }
0x6b: {  	v62 =	vld [tilespmem:$0x70]  }
0x6c: {  	v33 =	vld [tilespmem:$0x80]  }
0x6d: {  	v42 =	vld [tilespmem:$0xC0]  }
0x6e: {  	v45 =	vld [tilespmem:$0xD0]  }
0x6f: {  	v54 =	vld [tilespmem:$0x110];
	v0 =	vshll.u32 v0, $0xA  }
0x70: {  	v41 =	vshll.u32 v62, $0xA;
	v0 =	vor.u32 v6, v0;
	v6 =	vld [tilespmem:$0x60]  }
0x71: {  	v57 =	vld [tilespmem:$0x120];
	v44 =	vshll.u32 v33, $0xA;
	v43 =	vor.u32 v13, v41;
	[tilespmem:$0x0] =	vst v0  }
0x72: {  	v35 =	vshll.u32 v4, $0xA;
	v4 =	vld [tilespmem:$0x90];
	v53 =	vshll.u32 v42, $0xA;
	v46 =	vor.u32 v14, v44;
	[tilespmem:$0x70] =	vst v43  }
0x73: {  	v1 =	vshll.u32 v1, $0xA;
	v37 =	vshll.u32 v5, $0xA;
	v5 =	vld [tilespmem:$0xA0];
	v55 =	vor.u32 v18, v53;
	[tilespmem:$0x80] =	vst v46  }
0x74: {  	v61 =	vshll.u32 v2, $0xA;
	v32 =	vshll.u32 v3, $0xA;
	v0 =	vor.u32 v60, v1;
	[tilespmem:$0xC0] =	vst v55;
	v46 =	vld [tilespmem:$0x1B0]  }
0x75: {  	v56 =	vshll.u32 v45, $0xA;
	[tilespmem:$0x10] =	vst v0;
	v0 =	vor.u32 v63, v61;
	v39 =	vshll.u32 v6, $0xA;
	v6 =	vld [tilespmem:$0xB0]  }
0x76: {  	v58 =	vor.u32 v19, v56;
	[tilespmem:$0x20] =	vst v0;
	v0 =	vor.u32 v34, v32;
	v34 =	vld [tilespmem:$0x160]  }
0x77: {  	[tilespmem:$0xD0] =	vst v58;
	v47 =	vshll.u32 v4, $0xA;
	v4 =	vld [tilespmem:$0xE0]  }
0x78: {  	v33 =	vshll.u32 v54, $0xA;
	[tilespmem:$0x30] =	vst v0;
	v0 =	vor.u32 v36, v35;
	v49 =	vshll.u32 v5, $0xA;
	v5 =	vld [tilespmem:$0xF0]  }
0x79: {  	v35 =	vor.u32 v23, v33;
	v33 =	vld [tilespmem:$0x1FDB0];
	[tilespmem:$0x40] =	vst v0  }
0x7a: {  	v0 =	vor.u32 v38, v37;
	[tilespmem:$0x110] =	vst v35;
	v51 =	vshll.u32 v6, $0xA;
	v6 =	vld [tilespmem:$0x100]  }
0x7b: {  	v48 =	vor.u32 v15, v47;
	v37 =	vld [tilespmem:$0x170];
	[tilespmem:$0x50] =	vst v0  }
0x7c: {  	v36 =	vshll.u32 v57, $0xA;
	v50 =	vor.u32 v16, v49;
	[tilespmem:$0x90] =	vst v48;
	v59 =	vshll.u32 v4, $0xA;
	v4 =	vld [tilespmem:$0x130]  }
0x7d: {  	v38 =	vor.u32 v24, v36;
	[tilespmem:$0xA0] =	vst v50;
	v61 =	vshll.u32 v5, $0xA;
	v5 =	vld [tilespmem:$0x140]  }
0x7e: {  	v49 =	vld [tilespmem:$0x1C0];
	v0 =	vor.u32 v40, v39;
	[tilespmem:$0x120] =	vst v38;
	v45 =	vshll.u32 v34, $0xA  }
0x7f: {  	v57 =	vshll.u32 v46, $0xA;
	[tilespmem:$0x60] =	vst v0;
	v47 =	vor.u32 v28, v45;
	v63 =	vshll.u32 v6, $0xA;
	v6 =	vld [tilespmem:$0x150]  }
0x80: {  	v34 =	vld [tilespmem:$0x1FDC0];
	v58 =	vor.u32 v33, v57;
	[tilespmem:$0x160] =	vst v47  }
0x81: {  	v60 =	vor.u32 v20, v59;
	[tilespmem:$0x1B0] =	vst v58;
	v39 =	vshll.u32 v4, $0xA;
	v4 =	vld [tilespmem:$0x180]  }
0x82: {  	v62 =	vor.u32 v21, v61;
	[tilespmem:$0xE0] =	vst v60;
	v41 =	vshll.u32 v5, $0xA;
	v5 =	vld [tilespmem:$0x190]  }
0x83: {  	v35 =	vld [tilespmem:$0x1FDD0];
	v48 =	vshll.u32 v37, $0xA;
	v52 =	vor.u32 v17, v51;
	[tilespmem:$0xF0] =	vst v62  }
0x84: {  	v59 =	vshll.u32 v49, $0xA;
	v50 =	vor.u32 v29, v48;
	[tilespmem:$0xB0] =	vst v52;
	v43 =	vshll.u32 v6, $0xA;
	v6 =	vld [tilespmem:$0x1A0]  }
0x85: {  	v36 =	vld [tilespmem:$0x1FDE0];
	[tilespmem:$0x170] =	vst v50;
	v60 =	vor.u32 v34, v59  }
0x86: {  	[tilespmem:$0x1C0] =	vst v60;
	v40 =	vor.u32 v25, v39;
	v51 =	vshll.u32 v4, $0xA;
	v4 =	vld [tilespmem:$0x1D0]  }
0x87: {  	v32 =	vor.u32 v22, v63;
	[tilespmem:$0x130] =	vst v40;
	v53 =	vshll.u32 v5, $0xA;
	v5 =	vld [tilespmem:$0x1E0]  }
0x88: {  	v42 =	vor.u32 v26, v41;
	[tilespmem:$0x100] =	vst v32;
	v32 =	vld [tilespmem:$0x1FDA0]  }
0x89: {  	[tilespmem:$0x140] =	vst v42;
	v52 =	vor.u32 v30, v51;
	v55 =	vshll.u32 v6, $0xA;
	v6 =	vld [tilespmem:$0x1F0]  }
0x8a: {  	v37 =	vld [tilespmem:$0x1FDF0];
	v54 =	vor.u32 v31, v53;
	[tilespmem:$0x180] =	vst v52  }
0x8b: {  	v44 =	vor.u32 v27, v43;
	[tilespmem:$0x190] =	vst v54;
	v61 =	vshll.u32 v4, $0xA  }
0x8c: {  	[tilespmem:$0x150] =	vst v44;
	v63 =	vshll.u32 v5, $0xA;
	v62 =	vor.u32 v35, v61  }
0x8d: {  	v39 =	vor.u32 v36, v63;
	[tilespmem:$0x1D0] =	vst v62  }
0x8e: {  	v56 =	vor.u32 v32, v55;
	[tilespmem:$0x1E0] =	vst v39;
	v40 =	vshll.u32 v6, $0xA  }
0x8f: {  	[tilespmem:$0x1A0] =	vst v56;
	v41 =	vor.u32 v37, v40  }
0x90: {  	[tilespmem:$0x1F0] =	vst v41  }
0x91: {  	[tilespmem:s14], [sflag:$0x1] =	stream.indirect.gather [spmem:s1], $0x40, s2, s13, $0xb8;
	[tilespmem:$0x1A400] =	vst v63  }
0x92: {  	_ = 	snop  }
0x93: {  	[tilespmem:s15], [sflag:$0x1] =	stream.indirect.gather [spmem:s1], $0x40, s13, s13, $0xb8;
	[tilespmem:$0x1A400] =	vst v63  }
0x94: {  	_ = 	snop  }
0x95: {  	[tilespmem:s17], [sflag:$0x1] =	stream.indirect.gather [spmem:s1], $0x40, s16, s13, $0xb8;
	[tilespmem:$0x1A400] =	vst v63  }
0x96: {  	_ = 	snop  }
0x97: {  	[tilespmem:s19], [sflag:$0x1] =	stream.indirect.gather [spmem:s1], $0x40, s18, s13, $0xb8;
	[tilespmem:$0x1A400] =	vst v63  }
0x98: {  	s9 =	rddreg [dreg:$0x7]  }
0x99: {  	[tilespmem:s20], [sflag:$0x5] =	stream.linear.gather [hbm4b:s9+s2], $0x200, $0x38;
	[tilespmem:$0x1A400] =	vst v63  }
0x9a: {  	_ =	swait.ge [sflag:s12], $0x200  }
0x9b: {  	v39 =	vld [tilespmem:$0x1FE10]  }
0x9c: {  	[sflag:s12] =	ssyncset.done $0x0;
	v40 =	vld [tilespmem:$0x1FE20]  }
0x9d: {  	v41 =	vld [tilespmem:$0x1FE30];
	[sflag:s12] =	ssyncadd.s32 $0xFFFFFE00  }
0x9e: {  	v42 =	vld [tilespmem:$0x200]  }
0x9f: {  	v43 =	vld [tilespmem:$0x210]  }
0xa0: {  	v44 =	vld [tilespmem:$0x220]  }
0xa1: {  	v45 =	vld [tilespmem:$0x230]  }
0xa2: {  	v4 =	vld [tilespmem:$0x240]  }
0xa3: {  	v5 =	vld [tilespmem:$0x250]  }
0xa4: {  	v6 =	vld [tilespmem:$0x260]  }
0xa5: {  	v48 =	vld [tilespmem:$0x270]  }
0xa6: {  	v51 =	vld [tilespmem:$0x280]  }
0xa7: {  	v60 =	vld [tilespmem:$0x2C0]  }
0xa8: {  	v63 =	vld [tilespmem:$0x2D0]  }
0xa9: {  	v2 =	vld [tilespmem:$0x310]  }
0xaa: {  	v3 =	vld [tilespmem:$0x320]  }
0xab: {  	v53 =	vshll.u32 v4, $0xA;
	v4 =	vld [tilespmem:$0x290]  }
0xac: {  	v0 =	vshll.u32 v42, $0xA;
	v42 =	vld [tilespmem:$0x1FE40]  }
0xad: {  	v55 =	vshll.u32 v5, $0xA;
	v5 =	vld [tilespmem:$0x2A0]  }
0xae: {  	v1 =	vshll.u32 v43, $0xA;
	v43 =	vld [tilespmem:$0x1FE50]  }
0xaf: {  	v57 =	vshll.u32 v6, $0xA;
	v6 =	vld [tilespmem:$0x2B0]  }
0xb0: {  	v47 =	vshll.u32 v44, $0xA;
	v44 =	vld [tilespmem:$0x1FE60]  }
0xb1: {  	v50 =	vshll.u32 v45, $0xA;
	v45 =	vld [tilespmem:$0x1FE70]  }
0xb2: {  	v59 =	vshll.u32 v48, $0xA;
	v48 =	vld [tilespmem:$0x1FEA0]  }
0xb3: {  	v46 =	vor.u32 v39, v1;
	v49 =	vor.u32 v40, v47;
	v47 =	vld [tilespmem:$0x1FE90]  }
0xb4: {  	[tilespmem:$0x210] =	vst v46;
	v46 =	vld [tilespmem:$0x1FE80]  }
0xb5: {  	[tilespmem:$0x220] =	vst v49;
	v49 =	vld [tilespmem:$0x1FEB0]  }
0xb6: {  	v62 =	vshll.u32 v51, $0xA;
	v51 =	vshll.u32 v4, $0xA;
	v4 =	vld [tilespmem:$0x2E0]  }
0xb7: {  	v52 =	vor.u32 v41, v50;
	v54 =	vor.u32 v42, v53;
	v53 =	vshll.u32 v5, $0xA;
	v5 =	vld [tilespmem:$0x2F0]  }
0xb8: {  	[tilespmem:$0x230] =	vst v52;
	v56 =	vor.u32 v43, v55;
	v55 =	vshll.u32 v6, $0xA;
	v6 =	vld [tilespmem:$0x300]  }
0xb9: {  	[tilespmem:$0x240] =	vst v54;
	v52 =	vor.u32 v47, v51;
	v51 =	vld [tilespmem:$0x1FED0];
	v50 =	vor.u32 v46, v62  }
0xba: {  	v54 =	vor.u32 v48, v53;
	[tilespmem:$0x280] =	vst v50;
	v50 =	vld [tilespmem:$0x1FEC0]  }
0xbb: {  	[tilespmem:$0x2A0] =	vst v54;
	v54 =	vld [tilespmem:$0x1FF00]  }
0xbc: {  	v58 =	vor.u32 v44, v57;
	[tilespmem:$0x250] =	vst v56;
	v56 =	vor.u32 v49, v55;
	v55 =	vld [tilespmem:$0x1FF10]  }
0xbd: {  	v61 =	vor.u32 v45, v59;
	[tilespmem:$0x260] =	vst v58;
	v53 =	vld [tilespmem:$0x1FEF0]  }
0xbe: {  	v57 =	vshll.u32 v60, $0xA;
	[tilespmem:$0x270] =	vst v61;
	v61 =	vshll.u32 v4, $0xA;
	v4 =	vld [tilespmem:$0x330]  }
0xbf: {  	v59 =	vshll.u32 v63, $0xA;
	[tilespmem:$0x290] =	vst v52;
	v58 =	vor.u32 v50, v57;
	v57 =	vshll.u32 v6, $0xA;
	v6 =	vld [tilespmem:$0x350]  }
0xc0: {  	v60 =	vor.u32 v51, v59;
	v59 =	vshll.u32 v2, $0xA;
	[tilespmem:$0x2C0] =	vst v58;
	v58 =	vor.u32 v54, v57;
	v57 =	vld [tilespmem:$0x1FF30]  }
0xc1: {  	v63 =	vshll.u32 v5, $0xA;
	[tilespmem:$0x2D0] =	vst v60;
	v60 =	vor.u32 v55, v59;
	v59 =	vld [tilespmem:$0x1FF50]  }
0xc2: {  	v52 =	vld [tilespmem:$0x1FEE0];
	[tilespmem:$0x2B0] =	vst v56;
	v56 =	vor.u32 v53, v63  }
0xc3: {  	v5 =	vld [tilespmem:$0x340];
	[tilespmem:$0x2F0] =	vst v56  }
0xc4: {  	v2 =	vld [tilespmem:$0x360];
	[tilespmem:$0x310] =	vst v60;
	v63 =	vshll.u32 v4, $0xA  }
0xc5: {  	v56 =	vld [tilespmem:$0x1FF20];
	[tilespmem:$0x300] =	vst v58;
	v60 =	vor.u32 v57, v63;
	v63 =	vshll.u32 v6, $0xA  }
0xc6: {  	v58 =	vld [tilespmem:$0x1FF40];
	[tilespmem:$0x330] =	vst v60;
	v60 =	vor.u32 v59, v63  }
0xc7: {  	[tilespmem:$0x350] =	vst v60;
	v60 =	vld [tilespmem:$0x1FF60];
	_ =	sdelay $0x2  }
0xc8: {  	v62 =	vor.u32 v52, v61;
	v61 =	vshll.u32 v3, $0xA  }
0xc9: {  	[tilespmem:$0x2E0] =	vst v62;
	v1 =	vshll.u32 v2, $0xA;
	v62 =	vor.u32 v56, v61;
	v61 =	vshll.u32 v5, $0xA  }
0xca: {  	v3 =	vld [tilespmem:$0x370];
	[tilespmem:$0x320] =	vst v62;
	v62 =	vor.u32 v58, v61;
	v61 =	vor.u32 v60, v1  }
0xcb: {  	[tilespmem:$0x360] =	vst v61;
	v61 =	vld [tilespmem:$0x1FF70];
	_ =	sdelay $0x1  }
0xcc: {  	v38 =	vld [tilespmem:$0x1FE00]  }
0xcd: {  	v7 =	vld [tilespmem:$0x1FFA0]  }
0xce: {  	v8 =	vld [tilespmem:$0x1FFB0];
	v1 =	vshll.u32 v3, $0xA  }
0xcf: {  	v4 =	vld [tilespmem:$0x380];
	[tilespmem:$0x340] =	vst v62;
	v62 =	vor.u32 v61, v1  }
0xd0: {  	[tilespmem:$0x370] =	vst v62;
	v62 =	vld [tilespmem:$0x1FF80]  }
0xd1: {  	v9 =	vld [tilespmem:$0x1FFC0]  }
0xd2: {  	v10 =	vld [tilespmem:$0x1FFD0]  }
0xd3: {  	v11 =	vld [tilespmem:$0x1FFE0]  }
0xd4: {  	v5 =	vld [tilespmem:$0x390];
	v1 =	vshll.u32 v4, $0xA  }
0xd5: {  	v6 =	vld [tilespmem:$0x3A0];
	v63 =	vor.u32 v62, v1  }
0xd6: {  	[tilespmem:$0x380] =	vst v63;
	v63 =	vld [tilespmem:$0x1FF90]  }
0xd7: {  	v2 =	vld [tilespmem:$0x3B0]  }
0xd8: {  	v3 =	vld [tilespmem:$0x3C0]  }
0xd9: {  	v4 =	vld [tilespmem:$0x3D0]  }
0xda: {  	v0 =	vor.u32 v38, v0;
	v1 =	vshll.u32 v5, $0xA;
	v5 =	vld [tilespmem:$0x3E0]  }
0xdb: {  	[tilespmem:$0x200] =	vst v0;
	v0 =	vor.u32 v63, v1;
	v1 =	vshll.u32 v6, $0xA;
	v6 =	vld [tilespmem:$0x3F0]  }
0xdc: {  	v12 =	vld [tilespmem:$0x1FFF0];
	[tilespmem:$0x390] =	vst v0;
	v0 =	vor.u32 v7, v1;
	v1 =	vshll.u32 v2, $0xA  }
0xdd: {  	[tilespmem:$0x3A0] =	vst v0;
	v0 =	vor.u32 v8, v1;
	v1 =	vshll.u32 v3, $0xA  }
0xde: {  	[tilespmem:$0x3B0] =	vst v0;
	v0 =	vor.u32 v9, v1;
	v1 =	vshll.u32 v4, $0xA  }
0xdf: {  	[tilespmem:$0x3C0] =	vst v0;
	v0 =	vor.u32 v10, v1;
	v1 =	vshll.u32 v5, $0xA  }
0xe0: {  	[tilespmem:$0x3D0] =	vst v0;
	v0 =	vor.u32 v11, v1;
	v1 =	vshll.u32 v6, $0xA  }
0xe1: {  	[tilespmem:$0x3E0] =	vst v0;
	v0 =	vor.u32 v12, v1  }
0xe2: {  	[tilespmem:$0x3F0] =	vst v0  }
0xe3: {  	[tilespmem:s21], [sflag:$0x2] =	stream.indirect.gather [spmem:s1], $0x40, s20, s13, $0xb8;
	[tilespmem:$0x1A400] =	vst v63  }
0xe4: {  	_ = 	snop  }
0xe5: {  	[tilespmem:s23], [sflag:$0x2] =	stream.indirect.gather [spmem:s1], $0x40, s22, s13, $0xb8;
	[tilespmem:$0x1A400] =	vst v63  }
0xe6: {  	_ = 	snop  }
0xe7: {  	[tilespmem:s25], [sflag:$0x2] =	stream.indirect.gather [spmem:s1], $0x40, s24, s13, $0xb8;
	[tilespmem:$0x1A400] =	vst v63  }
0xe8: {  	s7 =	simm.s32 $0x0;
	s9 =	smov.u32 s6  }
0xe9: {  	[tilespmem:s28], [sflag:$0x2] =	stream.indirect.gather [spmem:s1], $0x40, s26, s13, $0xb8;
	[tilespmem:$0x1A400] =	vst v63  }
.LBB2_2:
0xea: {  	_ =	swait.ge [sflag:s29], $0x2000  }
0xeb: {  	[sflag:s29] =	ssyncset.done $0x0  }
0xec: {  	[sflag:s29] =	ssyncadd.s32 $0xFFFFE000  }
0xed: {  	_ =	swait.ge [sflag:s29], $0x2000  }
0xee: {  	[sflag:s29] =	ssyncset.done $0x0  }
0xef: {  	[sflag:s29] =	ssyncadd.s32 $0xFFFFE000  }
0xf0: {  	_ =	swait.ge [sflag:s29], $0x2000  }
0xf1: {  	[sflag:s29] =	ssyncset.done $0x0  }
0xf2: {  	[sflag:s29] =	ssyncadd.s32 $0xFFFFE000  }
0xf3: {  	_ =	swait.ge [sflag:s29], $0x2000  }
0xf4: {  	s4 =	rddreg [dreg:$0x4];
	[sflag:s29] =	ssyncset.done $0x0  }
0xf5: {  	[sflag:s29] =	ssyncadd.s32 $0xFFFFE000;
	s4 =	sadd.s32 s7, s4  }
0xf6: {  	[hbm4b:s4+s30] =	stream.strided.scatter [tilespmem:s14], [sflag:$0x3], $0x8000, s13, s30, $0x38;
	[tilespmem:$0x1A400] =	vst v63  }
0xf7: {  	s4 =	sadd.s32 $0xFFFFFFC0, s9  }
0xf8: {  	[tilespmem:s2], [sflag:$0x5] =	stream.linear.gather [hbm4b:s4+s2], $0x200, $0x38;
	[tilespmem:$0x1A400] =	vst v63  }
0xf9: {  	_ =	swait.ge [sflag:s12], $0x200  }
0xfa: {  	[sflag:s12] =	ssyncset.done $0x0  }
0xfb: {  	[sflag:s12] =	ssyncadd.s32 $0xFFFFFE00  }
0xfc: {  	v0 =	vld [tilespmem:$0x0];
	_ =	sdelay $0x4  }
0xfd: {  	v6 =	vlaneseq.u32;
	v0 =	vshll.u32 v0, $0xA  }
0xfe: {  	v1 =	vld [tilespmem:$0x10];
	v0 =	vor.u32 v6, v0  }
0xff: {  	[tilespmem:$0x0] =	vst v0;
	v0 =	vld [tilespmem:$0x1FC10];
	_ =	sdelay $0x3  }
0x100: {  	v1 =	vshll.u32 v1, $0xA  }
0x101: {  	v2 =	vld [tilespmem:$0x20];
	v0 =	vor.u32 v0, v1  }
0x102: {  	[tilespmem:$0x10] =	vst v0;
	v0 =	vld [tilespmem:$0x1FC20];
	_ =	sdelay $0x3  }
0x103: {  	v1 =	vshll.u32 v2, $0xA  }
0x104: {  	v3 =	vld [tilespmem:$0x30];
	v0 =	vor.u32 v0, v1  }
0x105: {  	[tilespmem:$0x20] =	vst v0;
	v0 =	vld [tilespmem:$0x1FC30];
	_ =	sdelay $0x3  }
0x106: {  	v1 =	vshll.u32 v3, $0xA  }
0x107: {  	v4 =	vld [tilespmem:$0x40];
	v0 =	vor.u32 v0, v1  }
0x108: {  	[tilespmem:$0x30] =	vst v0;
	v0 =	vld [tilespmem:$0x1FC40];
	_ =	sdelay $0x3  }
0x109: {  	v1 =	vshll.u32 v4, $0xA  }
0x10a: {  	v5 =	vld [tilespmem:$0x50];
	v0 =	vor.u32 v0, v1  }
0x10b: {  	[tilespmem:$0x40] =	vst v0;
	v0 =	vld [tilespmem:$0x1FC50];
	_ =	sdelay $0x3  }
0x10c: {  	v6 =	vld [tilespmem:$0x60];
	v1 =	vshll.u32 v5, $0xA  }
0x10d: {  	v2 =	vld [tilespmem:$0x70];
	v0 =	vor.u32 v0, v1  }
0x10e: {  	[tilespmem:$0x50] =	vst v0;
	v0 =	vld [tilespmem:$0x1FC60]  }
0x10f: {  	v3 =	vld [tilespmem:$0x80]  }
0x110: {  	v4 =	vld [tilespmem:$0x90]  }
0x111: {  	v5 =	vld [tilespmem:$0xA0]  }
0x112: {  	v1 =	vshll.u32 v6, $0xA;
	v6 =	vld [tilespmem:$0xB0]  }
0x113: {  	v0 =	vor.u32 v0, v1;
	v1 =	vshll.u32 v2, $0xA;
	v2 =	vld [tilespmem:$0xC0]  }
0x114: {  	[tilespmem:$0x60] =	vst v0;
	v0 =	vor.u32 v13, v1;
	v1 =	vshll.u32 v3, $0xA;
	v3 =	vld [tilespmem:$0xD0]  }
0x115: {  	[tilespmem:$0x70] =	vst v0;
	v0 =	vor.u32 v14, v1;
	v1 =	vshll.u32 v4, $0xA;
	v4 =	vld [tilespmem:$0xE0]  }
0x116: {  	[tilespmem:$0x80] =	vst v0;
	v0 =	vor.u32 v15, v1;
	v1 =	vshll.u32 v5, $0xA;
	v5 =	vld [tilespmem:$0xF0]  }
0x117: {  	[tilespmem:$0x90] =	vst v0;
	v0 =	vor.u32 v16, v1;
	v1 =	vshll.u32 v6, $0xA;
	v6 =	vld [tilespmem:$0x100]  }
0x118: {  	[tilespmem:$0xA0] =	vst v0;
	v0 =	vor.u32 v17, v1;
	v1 =	vshll.u32 v2, $0xA;
	v2 =	vld [tilespmem:$0x110]  }
0x119: {  	[tilespmem:$0xB0] =	vst v0;
	v0 =	vor.u32 v18, v1;
	v1 =	vshll.u32 v3, $0xA;
	v3 =	vld [tilespmem:$0x120]  }
0x11a: {  	[tilespmem:$0xC0] =	vst v0;
	v0 =	vor.u32 v19, v1;
	v1 =	vshll.u32 v4, $0xA;
	v4 =	vld [tilespmem:$0x130]  }
0x11b: {  	[tilespmem:$0xD0] =	vst v0;
	v0 =	vor.u32 v20, v1;
	v1 =	vshll.u32 v5, $0xA;
	v5 =	vld [tilespmem:$0x140]  }
0x11c: {  	[tilespmem:$0xE0] =	vst v0;
	v0 =	vor.u32 v21, v1;
	v1 =	vshll.u32 v6, $0xA;
	v6 =	vld [tilespmem:$0x150]  }
0x11d: {  	[tilespmem:$0xF0] =	vst v0;
	v0 =	vor.u32 v22, v1;
	v1 =	vshll.u32 v2, $0xA;
	v2 =	vld [tilespmem:$0x160]  }
0x11e: {  	[tilespmem:$0x100] =	vst v0;
	v0 =	vor.u32 v23, v1;
	v1 =	vshll.u32 v3, $0xA;
	v3 =	vld [tilespmem:$0x170]  }
0x11f: {  	[tilespmem:$0x110] =	vst v0;
	v0 =	vor.u32 v24, v1;
	v1 =	vshll.u32 v4, $0xA;
	v4 =	vld [tilespmem:$0x180]  }
0x120: {  	[tilespmem:$0x120] =	vst v0;
	v0 =	vor.u32 v25, v1;
	v1 =	vshll.u32 v5, $0xA;
	v5 =	vld [tilespmem:$0x190]  }
0x121: {  	[tilespmem:$0x130] =	vst v0;
	v0 =	vor.u32 v26, v1;
	v1 =	vshll.u32 v6, $0xA;
	v6 =	vld [tilespmem:$0x1A0]  }
0x122: {  	[tilespmem:$0x140] =	vst v0;
	v0 =	vor.u32 v27, v1;
	v1 =	vshll.u32 v2, $0xA;
	v2 =	vld [tilespmem:$0x1B0]  }
0x123: {  	[tilespmem:$0x150] =	vst v0;
	v0 =	vor.u32 v28, v1;
	v1 =	vshll.u32 v3, $0xA;
	v3 =	vld [tilespmem:$0x1C0]  }
0x124: {  	[tilespmem:$0x160] =	vst v0;
	v0 =	vor.u32 v29, v1;
	v1 =	vshll.u32 v4, $0xA;
	v4 =	vld [tilespmem:$0x1D0]  }
0x125: {  	[tilespmem:$0x170] =	vst v0;
	v0 =	vor.u32 v30, v1;
	v1 =	vshll.u32 v5, $0xA;
	v5 =	vld [tilespmem:$0x1E0]  }
0x126: {  	[tilespmem:$0x180] =	vst v0;
	v0 =	vor.u32 v31, v1;
	v1 =	vshll.u32 v6, $0xA;
	v6 =	vld [tilespmem:$0x1F0]  }
0x127: {  	[tilespmem:$0x190] =	vst v0;
	v0 =	vor.u32 v32, v1;
	v1 =	vshll.u32 v2, $0xA  }
0x128: {  	[tilespmem:$0x1A0] =	vst v0;
	v0 =	vor.u32 v33, v1;
	v1 =	vshll.u32 v3, $0xA  }
0x129: {  	[tilespmem:$0x1B0] =	vst v0;
	v0 =	vor.u32 v34, v1;
	v1 =	vshll.u32 v4, $0xA  }
0x12a: {  	[tilespmem:$0x1C0] =	vst v0;
	v0 =	vor.u32 v35, v1;
	v1 =	vshll.u32 v5, $0xA  }
0x12b: {  	[tilespmem:$0x1D0] =	vst v0;
	v0 =	vor.u32 v36, v1;
	v1 =	vshll.u32 v6, $0xA  }
0x12c: {  	[tilespmem:$0x1E0] =	vst v0;
	v0 =	vor.u32 v37, v1  }
0x12d: {  	[tilespmem:$0x1F0] =	vst v0  }
0x12e: {  	_ =	swait.ge [sflag:s31], $0x8000  }
0x12f: {  	[sflag:s31] =	ssyncset.done $0x0  }
0x130: {  	[sflag:s31] =	ssyncadd.s32 $0xFFFF8000  }
0x131: {  	[tilespmem:s14], [sflag:$0x1] =	stream.indirect.gather [spmem:s1], $0x40, s2, s13, $0xb8;
	[tilespmem:$0x1A400] =	vst v63  }
0x132: {  	_ = 	snop  }
0x133: {  	[tilespmem:s15], [sflag:$0x1] =	stream.indirect.gather [spmem:s1], $0x40, s13, s13, $0xb8;
	[tilespmem:$0x1A400] =	vst v63  }
0x134: {  	_ = 	snop  }
0x135: {  	[tilespmem:s17], [sflag:$0x1] =	stream.indirect.gather [spmem:s1], $0x40, s16, s13, $0xb8;
	[tilespmem:$0x1A400] =	vst v63  }
0x136: {  	_ = 	snop  }
0x137: {  	[tilespmem:s19], [sflag:$0x1] =	stream.indirect.gather [spmem:s1], $0x40, s18, s13, $0xb8;
	[tilespmem:$0x1A400] =	vst v63  }
0x138: {  	_ =	swait.ge [sflag:s0], $0x2000  }
0x139: {  	[sflag:s0] =	ssyncset.done $0x0  }
0x13a: {  	[sflag:s0] =	ssyncadd.s32 $0xFFFFE000  }
0x13b: {  	_ =	swait.ge [sflag:s0], $0x2000  }
0x13c: {  	[sflag:s0] =	ssyncset.done $0x0  }
0x13d: {  	[sflag:s0] =	ssyncadd.s32 $0xFFFFE000  }
0x13e: {  	_ =	swait.ge [sflag:s0], $0x2000  }
0x13f: {  	[sflag:s0] =	ssyncset.done $0x0  }
0x140: {  	[sflag:s0] =	ssyncadd.s32 $0xFFFFE000  }
0x141: {  	_ =	swait.ge [sflag:s0], $0x2000  }
0x142: {  	[sflag:s0] =	ssyncset.done $0x0  }
0x143: {  	s4 =	sadd.s32 s7, s10;
	[sflag:s0] =	ssyncadd.s32 $0xFFFFE000  }
0x144: {  	[hbm4b:s4+s30] =	stream.strided.scatter [tilespmem:s21], [sflag:$0x4], $0x8000, s13, s30, $0x38;
	[tilespmem:$0x1A400] =	vst v63  }
0x145: {  	_ = 	snop  }
0x146: {  	[tilespmem:s20], [sflag:$0x5] =	stream.linear.gather [hbm4b:s9+s2], $0x200, $0x38;
	[tilespmem:$0x1A400] =	vst v63  }
0x147: {  	_ =	swait.ge [sflag:s12], $0x200  }
0x148: {  	[sflag:s12] =	ssyncset.done $0x0  }
0x149: {  	[sflag:s12] =	ssyncadd.s32 $0xFFFFFE00  }
0x14a: {  	v0 =	vld [tilespmem:$0x200]  }
0x14b: {  	v1 =	vld [tilespmem:$0x210]  }
0x14c: {  	v2 =	vld [tilespmem:$0x220]  }
0x14d: {  	v3 =	vld [tilespmem:$0x230]  }
0x14e: {  	v4 =	vld [tilespmem:$0x240]  }
0x14f: {  	v5 =	vld [tilespmem:$0x250];
	v0 =	vshll.u32 v0, $0xA  }
0x150: {  	v6 =	vld [tilespmem:$0x260];
	v1 =	vshll.u32 v1, $0xA;
	v0 =	vor.u32 v38, v0  }
0x151: {  	[tilespmem:$0x200] =	vst v0;
	v0 =	vor.u32 v39, v1;
	v1 =	vshll.u32 v2, $0xA;
	v2 =	vld [tilespmem:$0x270]  }
0x152: {  	[tilespmem:$0x210] =	vst v0;
	v0 =	vor.u32 v40, v1;
	v1 =	vshll.u32 v3, $0xA;
	v3 =	vld [tilespmem:$0x280]  }
0x153: {  	[tilespmem:$0x220] =	vst v0;
	v0 =	vor.u32 v41, v1;
	v1 =	vshll.u32 v4, $0xA;
	v4 =	vld [tilespmem:$0x290]  }
0x154: {  	[tilespmem:$0x230] =	vst v0;
	v0 =	vor.u32 v42, v1;
	v1 =	vshll.u32 v5, $0xA;
	v5 =	vld [tilespmem:$0x2A0]  }
0x155: {  	[tilespmem:$0x240] =	vst v0;
	v0 =	vor.u32 v43, v1;
	v1 =	vshll.u32 v6, $0xA;
	v6 =	vld [tilespmem:$0x2B0]  }
0x156: {  	[tilespmem:$0x250] =	vst v0;
	v0 =	vor.u32 v44, v1;
	v1 =	vshll.u32 v2, $0xA;
	v2 =	vld [tilespmem:$0x2C0]  }
0x157: {  	[tilespmem:$0x260] =	vst v0;
	v0 =	vor.u32 v45, v1;
	v1 =	vshll.u32 v3, $0xA;
	v3 =	vld [tilespmem:$0x2D0]  }
0x158: {  	[tilespmem:$0x270] =	vst v0;
	v0 =	vor.u32 v46, v1;
	v1 =	vshll.u32 v4, $0xA;
	v4 =	vld [tilespmem:$0x2E0]  }
0x159: {  	[tilespmem:$0x280] =	vst v0;
	v0 =	vor.u32 v47, v1;
	v1 =	vshll.u32 v5, $0xA;
	v5 =	vld [tilespmem:$0x2F0]  }
0x15a: {  	[tilespmem:$0x290] =	vst v0;
	v0 =	vor.u32 v48, v1;
	v1 =	vshll.u32 v6, $0xA;
	v6 =	vld [tilespmem:$0x300]  }
0x15b: {  	[tilespmem:$0x2A0] =	vst v0;
	v0 =	vor.u32 v49, v1;
	v1 =	vshll.u32 v2, $0xA;
	v2 =	vld [tilespmem:$0x310]  }
0x15c: {  	[tilespmem:$0x2B0] =	vst v0;
	v0 =	vor.u32 v50, v1;
	v1 =	vshll.u32 v3, $0xA;
	v3 =	vld [tilespmem:$0x320]  }
0x15d: {  	[tilespmem:$0x2C0] =	vst v0;
	v0 =	vor.u32 v51, v1;
	v1 =	vshll.u32 v4, $0xA;
	v4 =	vld [tilespmem:$0x330]  }
0x15e: {  	[tilespmem:$0x2D0] =	vst v0;
	v0 =	vor.u32 v52, v1;
	v1 =	vshll.u32 v5, $0xA;
	v5 =	vld [tilespmem:$0x340]  }
0x15f: {  	[tilespmem:$0x2E0] =	vst v0;
	v0 =	vor.u32 v53, v1;
	v1 =	vshll.u32 v6, $0xA;
	v6 =	vld [tilespmem:$0x350]  }
0x160: {  	[tilespmem:$0x2F0] =	vst v0;
	v0 =	vor.u32 v54, v1;
	v1 =	vshll.u32 v2, $0xA;
	v2 =	vld [tilespmem:$0x360]  }
0x161: {  	[tilespmem:$0x300] =	vst v0;
	v0 =	vor.u32 v55, v1;
	v1 =	vshll.u32 v3, $0xA;
	v3 =	vld [tilespmem:$0x370]  }
0x162: {  	[tilespmem:$0x310] =	vst v0;
	v0 =	vor.u32 v56, v1;
	v1 =	vshll.u32 v4, $0xA;
	v4 =	vld [tilespmem:$0x380]  }
0x163: {  	[tilespmem:$0x320] =	vst v0;
	v0 =	vor.u32 v57, v1;
	v1 =	vshll.u32 v5, $0xA;
	v5 =	vld [tilespmem:$0x390]  }
0x164: {  	[tilespmem:$0x330] =	vst v0;
	v0 =	vor.u32 v58, v1;
	v1 =	vshll.u32 v6, $0xA;
	v6 =	vld [tilespmem:$0x3A0]  }
0x165: {  	[tilespmem:$0x340] =	vst v0;
	v0 =	vor.u32 v59, v1;
	v1 =	vshll.u32 v2, $0xA;
	v2 =	vld [tilespmem:$0x3B0]  }
0x166: {  	[tilespmem:$0x350] =	vst v0;
	v0 =	vor.u32 v60, v1;
	v1 =	vshll.u32 v3, $0xA;
	v3 =	vld [tilespmem:$0x3C0]  }
0x167: {  	[tilespmem:$0x360] =	vst v0;
	v0 =	vor.u32 v61, v1;
	v1 =	vshll.u32 v4, $0xA;
	v4 =	vld [tilespmem:$0x3D0]  }
0x168: {  	[tilespmem:$0x370] =	vst v0;
	v0 =	vor.u32 v62, v1;
	v1 =	vshll.u32 v5, $0xA;
	v5 =	vld [tilespmem:$0x3E0]  }
0x169: {  	[tilespmem:$0x380] =	vst v0;
	v0 =	vor.u32 v63, v1;
	v1 =	vshll.u32 v6, $0xA;
	v6 =	vld [tilespmem:$0x3F0]  }
0x16a: {  	[tilespmem:$0x390] =	vst v0;
	v0 =	vor.u32 v7, v1;
	v1 =	vshll.u32 v2, $0xA  }
0x16b: {  	[tilespmem:$0x3A0] =	vst v0;
	v0 =	vor.u32 v8, v1;
	v1 =	vshll.u32 v3, $0xA  }
0x16c: {  	[tilespmem:$0x3B0] =	vst v0;
	v0 =	vor.u32 v9, v1;
	v1 =	vshll.u32 v4, $0xA  }
0x16d: {  	[tilespmem:$0x3C0] =	vst v0;
	v0 =	vor.u32 v10, v1;
	v1 =	vshll.u32 v5, $0xA  }
0x16e: {  	[tilespmem:$0x3D0] =	vst v0;
	v0 =	vor.u32 v11, v1;
	v1 =	vshll.u32 v6, $0xA  }
0x16f: {  	[tilespmem:$0x3E0] =	vst v0;
	v0 =	vor.u32 v12, v1  }
0x170: {  	[tilespmem:$0x3F0] =	vst v0  }
0x171: {  	_ =	swait.ge [sflag:s3], $0x8000  }
0x172: {  	[sflag:s3] =	ssyncset.done $0x0  }
0x173: {  	[sflag:s3] =	ssyncadd.s32 $0xFFFF8000  }
0x174: {  	[tilespmem:s21], [sflag:$0x2] =	stream.indirect.gather [spmem:s1], $0x40, s20, s13, $0xb8;
	[tilespmem:$0x1A400] =	vst v63  }
0x175: {  	p1 =	sne.s32 s7, $0x78000  }
0x176: {  	[tilespmem:s23], [sflag:$0x2] =	stream.indirect.gather [spmem:s1], $0x40, s22, s13, $0xb8;
	[tilespmem:$0x1A400] =	vst v63  }
.Ltmp0:
0x177: {  	_ = 	snop;
	(pc) =	sbr.rel @p1 .LBB2_2-.Ltmp0, $4  }
0x178: {  	_ = 	snop  }
0x179: {  	[tilespmem:s25], [sflag:$0x2] =	stream.indirect.gather [spmem:s1], $0x40, s24, s13, $0xb8;
	[tilespmem:$0x1A400] =	vst v63  }
0x17a: {  	s7 =	sadd.s32 $0x4000, s7;
	s9 =	sadd.s32 $0x80, s9  }
0x17b: {  	[tilespmem:s28], [sflag:$0x2] =	stream.indirect.gather [spmem:s1], $0x40, s26, s13, $0xb8;
	[tilespmem:$0x1A400] =	vst v63  }
0x17c: {  	_ =	swait.ge [sflag:s29], $0x2000  }
0x17d: {  	[sflag:s29] =	ssyncset.done $0x0  }
0x17e: {  	[sflag:s29] =	ssyncadd.s32 $0xFFFFE000  }
0x17f: {  	_ =	swait.ge [sflag:s29], $0x2000  }
0x180: {  	[sflag:s29] =	ssyncset.done $0x0  }
0x181: {  	[sflag:s29] =	ssyncadd.s32 $0xFFFFE000  }
0x182: {  	_ =	swait.ge [sflag:s29], $0x2000  }
0x183: {  	[sflag:s29] =	ssyncset.done $0x0  }
0x184: {  	[sflag:s29] =	ssyncadd.s32 $0xFFFFE000  }
0x185: {  	_ =	swait.ge [sflag:s29], $0x2000  }
0x186: {  	[sflag:s29] =	ssyncset.done $0x0  }
0x187: {  	s4 =	rddreg [dreg:$0x8];
	[sflag:s29] =	ssyncadd.s32 $0xFFFFE000  }
0x188: {  	[hbm4b:s4+s30] =	stream.strided.scatter [tilespmem:s14], [sflag:$0x3], $0x8000, s13, s30, $0x38;
	[tilespmem:$0x1A400] =	vst v63  }
0x189: {  	_ =	swait.ge [sflag:s0], $0x2000  }
0x18a: {  	[sflag:s0] =	ssyncset.done $0x0  }
0x18b: {  	[sflag:s0] =	ssyncadd.s32 $0xFFFFE000  }
0x18c: {  	_ =	swait.ge [sflag:s0], $0x2000  }
0x18d: {  	[sflag:s0] =	ssyncset.done $0x0  }
0x18e: {  	[sflag:s0] =	ssyncadd.s32 $0xFFFFE000  }
0x18f: {  	_ =	swait.ge [sflag:s0], $0x2000  }
0x190: {  	[sflag:s0] =	ssyncset.done $0x0  }
0x191: {  	[sflag:s0] =	ssyncadd.s32 $0xFFFFE000  }
0x192: {  	_ =	swait.ge [sflag:s0], $0x2000  }
0x193: {  	[sflag:s0] =	ssyncset.done $0x0  }
0x194: {  	s5 =	sadd.s32 $0x1, s5;
	s9 =	rddreg [dreg:$0x9];
	[sflag:s0] =	ssyncadd.s32 $0xFFFFE000  }
0x195: {  	[hbm4b:s9+s30] =	stream.strided.scatter [tilespmem:s21], [sflag:$0x4], $0x8000, s13, s30, $0x38;
	[tilespmem:$0x1A400] =	vst v63  }
0x196: {  	p1 =	sne.s32 s5, s8;
	_ =	swait.ge [sflag:s31], $0x8000  }
.Ltmp1:
0x197: {  	[sflag:s31] =	ssyncset.done $0x0;
	(pc) =	sbr.rel @p1 .LBB2_1-.Ltmp1, $4  }
0x198: {  	[sflag:s31] =	ssyncadd.s32 $0xFFFF8000  }
0x199: {  	_ =	swait.ge [sflag:s3], $0x8000  }
0x19a: {  	[sflag:s3] =	ssyncset.done $0x0  }
0x19b: {  	v6 =	vlaneseq.u32;
	[sflag:s3] =	ssyncadd.s32 $0xFFFF8000  }
0x19c: {  	_ =	sfence.sel $0x180000  }
0x19d: {  	[bflag:$0x0] =	sbarrier.arrive $0xFFFF  }
0x19e: {  	_ =	strace $0x90000047  }
0x19f: {  	[bflag:$0x2] =	sbarrier.arrive $0xFFFF  }
0x1a0: {  	s0 =	rddreg [dreg:$0x3]  }
0x1a1: {  	s0 =	sadd.s32 @!p0 $0x100000, s0  }
0x1a2: {  	[sflag:s0] =	ssyncadd.tile.s32 @!p0 $0x1;
	_ =	shalt  }
.Lfunc_end2:
_tile_overlayer_lowered:
.L_overlay_start_2:
0x1a3: {  	(tag) =	ssettag $0x2  }
0x1a4: {  	s0 =	rddreg [dreg:$0x0];
	s2 =	stileid.u32  }
0x1a5: {  	s1 =	rddreg [dreg:$0x1];
	p0 =	sne.s32 s2, $0x0  }
0x1a6: {  	s3 =	rddreg [dreg:$0x2];
	[bflag:$0x3] =	sbarrier.arrive $0xFFFF;
	s2 =	simm.s32 @!p0 $0x1C05  }
0x1a7: {  	[timem:s3], [sflag:s2] =	dma.local @!p0 [hbm:s0], s1  }
0x1a8: {  	s0 =	simm.s32 @!p0 $0x5  }
0x1a9: {  	_ =	swait.ge @!p0 [sflag:s0], s1  }
0x1aa: {  	s1 =	ssub.s32 @!p0 $0x0, s1;
	[sflag:s0] =	ssyncset.done @!p0 $0x0  }
0x1ab: {  	[sflag:s0] =	ssyncadd.s32 @!p0 s1  }
0x1ac: {  	[bflag:$0x3] =	sbarrier.arrive $0xFFFF  }
0x1ad: {  	_ =	shalt  }

// kernel: sparse-core-data-format-call.cloned.1.call-start
scs
called_computation_lowered:
.L_overlay_start_0:
0x0: {  	s2 =	sld [smem:$0x3FD9]  }
0x1: {  	s3 =	sld [smem:$0x3FFE];
	_ =	sdelay $0x1  }
0x2: {  	s1 =	srdreg.scid  }
0x3: {  	s0 =	sand.u32 $0x1, s1  }
0x4: {  	s18 =	sshll.u32 s0, $0xA;
	s2 =	sadd.s32 s3, s2  }
0x5: {  	s2 =	sadd.s32 s2, s18  }
0x6: {  	[smem:$0x3FC2] =	sst s2  }
0x7: {  	_ = 	snop  }
0x8: {  	s2 =	sld [smem:$0x3FD0];
	(tm) =	ssettm $0x1  }
0x9: {  	s19 =	sld [smem:$0x3FFB];
	_ =	sdelay $0x3  }
0xa: {  	_ =	strace s19  }
0xb: {  	s3 =	sld [smem:$0x3FFC];
	_ =	sdelay $0x3  }
0xc: {  	_ =	strace s3  }
0xd: {  	s3 =	sld [smem:$0x3FFD];
	_ =	sdelay $0x3  }
0xe: {  	_ =	strace s3  }
0xf: {  	_ =	strace $0x8FFFFFFF  }
0x10: {  	s20 =	sld [smem:$0x3FDB];
	_ =	sdelay $0x1  }
0x11: {  	s4 =	simm.s32 $_scs_section_size  }
0x12: {  	s5 =	simm.s32 $_size__tile_overlayer_lowered;
	s6 =	simm.s32 $_tile_overlayer_lowered  }
0x13: {  	s23 =	simm.s32 $0x1BFF;
	s22 =	sshll.u32 s6, $0x1;
	s3 =	sadd.s32 s4, s20  }
0x14: {  	s7 =	simm.s32 $0x0;
	s21 =	sshll.u32 s5, $0x1;
	s5 =	sadd.s32 s22, s3  }
0x15: {  	[timem:s7], [sflag:s23] =	dma.local [hbm:s5], s21  }
0x16: {  	_ =	swait.ge [sflag:s23], s21  }
0x17: {  	s4 =	ssub.s32 $0x0, s21;
	[sflag:s23] =	ssyncset.done $0x0  }
0x18: {  	[sflag:s23] =	ssyncadd.s32 s4;
	_ =	sdelay $0x1  }
0x19: {  	s24 =	simm.s32 $0x1B8B  }
0x1a: {  	_ =	swait.ge [sflag:s24], $0x1  }
0x1b: {  	[sflag:s24] =	ssyncset.done $0x0  }
0x1c: {  	s26 =	simm.s32 $0x1B8E;
	s25 =	sld [smem:$0x3FFE];
	[sflag:s24] =	ssyncadd.s32 $0xFFFFFFFF  }
0x1d: {  	s27 =	simm.s32 $execute0_lowered;
	[smem:$0x3FD2] =	sst s26  }
0x1e: {  	s5 =	sshll.u32 s27, $0x1;
	_ =	strace $0x80000049;
	[dreg:$0x1] =	wrdreg $0xFFFFFFFF  }
0x1f: {  	s28 =	simm.s32 $_size_execute0_lowered;
	s3 =	sadd.s32 s3, s5;
	[dreg:$0x0] =	wrdreg $0x0  }
0x20: {  	s5 =	sshll.u32 s28, $0x1;
	[dreg:$0x2] =	wrdreg s3  }
0x21: {  	[dreg:$0x3] =	wrdreg s5  }
0x22: {  	[dreg:$0x4] =	wrdreg $0xC0  }
0x23: {  	_ =	task [dreg:s7], $0x5FFFF  }
0x24: {  	[dreg:$0x1] =	wrdreg $0xFFFFFFFF  }
0x25: {  	[dreg:$0x0] =	wrdreg $0x60  }
0x26: {  	[dreg:$0x2] =	wrdreg s25  }
0x27: {  	[dreg:$0x3] =	wrdreg s2  }
0x28: {  	[dreg:$0x4] =	wrdreg $0x9  }
0x29: {  	_ =	task.clear_ibuf [dreg:s7], $0x5FFFF;
	_ =	strace $0x90000049  }
0x2a: {  	s29 =	simm.s32 $0x9;
	_ =	strace $0x8000004B  }
0x2b: {  	_ =	swait.ge [sflag:s29], $0x1  }
0x2c: {  	[sflag:s29] =	ssyncadd.s32 $0xFFFFFFFF  }
0x2d: {  	_ =	strace $0x9000004B  }
0x2e: {  	_ =	sfence  }
0x2f: {  	s30 =	sld [smem:$0x0];
	_ =	sdelay $0x2  }
0x30: {  	s31 =	sshll.u32 s1, $0xD;
	s1 =	sshrl.u32 s1, $0x2  }
0x31: {  	s3 =	sand.u32 $0x4000, s31;
	s1 =	sadd.s32 s1, s30  }
0x32: {  	s0 =	sor.u32 s3, s0;
	s1 =	sshll.u32 s1, $0x11  }
0x33: {  	s0 =	sor.u32 s1, s0  }
0x34: {  	s0 =	sadd.s32 $0x8F2B, s0  }
0x35: {  	[sflag:s0] =	ssyncadd.remote.s32 $0x1  }
0x36: {  	_ =	sfence.sel $0xFFFF  }
0x37: {  	[dreg:$0x0] =	wrdreg $0xFFFFFFFF;
	(pc) =	sbr.abs _section_cstart, $3  }
0x38: {  	[dreg:$0x1] =	wrdreg $0xFFFFFFFF  }
0x39: {  	_ =	task.clear_ibuf [dreg:s7], $0x2FFFF;
	_ =	strace $0x9FFFFFFF  }
0x3a: {  	(tm) =	ssettm $0x7FFFFFFF  }
0x3b: {  	_ =	shalt  }
tec
execute0_lowered:
.L_overlay_start_1:
0x0: {  	(tag) =	ssettag $0x1  }
0x1: {  	s0 =	srdreg.scid  }
0x2: {  	s7 =	rddreg [dreg:$0x0];
	s1 =	sshll.u32 s0, $0x4  }
0x3: {  	s3 =	rddreg [dreg:$0x1];
	s0 =	stileid.u32;
	s1 =	sand.u32 $0x10, s1  }
0x4: {  	s6 =	simm.s32 $0x1;
	s31 =	simm.s32 $0x2;
	s1 =	sor.u32 s0, s1  }
0x5: {  	s13 =	simm.s32 $0x0;
	s9 =	simm.s32 $0x2000;
	s2 =	sshll.u32 s1, $0x1  }
0x6: {  	s14 =	simm.s32 $0x0;
	s10 =	simm.s32 $0x0;
	s4 =	ssub.s32 $0x400, s2  }
0x7: {  	s12 =	simm.s32 $0x0;
	s1 =	rddreg [dreg:$0x2];
	s5 =	sand.u32 $0x3E, s4  }
.Ltmp0:
0x8: {  	_ =	strace $0x8000004A;
	p0 =	sne.s32 s5, $0x0;
	(pc) =	sbr.rel .LBB1_1-.Ltmp0, $4  }
0x9: {  	s11 =	smov.u32 s2;
	s8 =	sshrl.u32 s4, $0x6;
	s6 =	simm.s32 @!p0 $0x0  }
0xa: {  	s4 =	sadd.s32 $0x15400, s7;
	s5 =	simm.s32 $0x1;
	s6 =	sadd.s32 s6, s8  }
0xb: {  	s7 =	sadd.s32 $0x19400, s7;
	[sflag:s5] =	ssyncpa.u1 $0x0;
	s6 =	sshll.u32 s6, $0x3  }
0xc: {  	p0 =	por $0x0, $0x0;
	[sflag:s31] =	ssyncpa.u1 $0x0;
	s8 =	sor.u32 $0x1, s6  }
.LBB1_7:
0xd: {  	s15 =	sadd.s32 $0x80, s10  }
0xe: {  	s13 =	sadd.s32 $0x40, s11;
	s17 =	smov.u32 s11;
	p2 =	sgt.s32 s15, $0x3FF  }
0xf: {  	s17 =	smov.u32 @p2 s13  }
0x10: {  	s15 =	simm.s32 @p2 $0x0;
	p2 =	sgt.s32 s17, $0x3FF  }
0x11: {  	s17 =	smov.u32 @p2 s2;
	p2 =	sne.s32 s12, s8  }
.Ltmp1:
0x12: {  	p1 =	slt.u32 s12, $0x2;
	(pc) =	sbr.rel @!p2 .LBB1_8-.Ltmp1, $4  }
0x13: {  	s16 =	simm.s32 @!p1 $0x2  }
0x14: {  	s14 =	smov.u32 s11;
	p0 =	por !p0, !p0;
	_ =	swait.ge @!p1 [sflag:s16], $0x4000  }
0x15: {  	s13 =	smov.u32 s10;
	[sflag:s16] =	ssyncset.done @!p1 $0x0;
	s10 =	smov.u32 s15  }
0x16: {  	s12 =	sadd.s32 $0x1, s12;
	[sflag:s16] =	ssyncadd.s32 @!p1 $0xFFFFC000;
	s11 =	smov.u32 s17  }
.LBB1_1:
0x17: {  	p1 =	sge.u32 s12, s6  }
0x18: {  	s15 =	sxor.u32 @!p1 $0xFFFFFFFF, s12;
	s16 =	sshll.u32 @!p1 s11, $0xE  }
0x19: {  	s17 =	sshll.u32 @!p1 s10, $0x4;
	s19 =	simm.s32 @!p1 $0x40;
	s20 =	simm.s32 @!p1 $0x80  }
0x1a: {  	s15 =	sshll.u32 @!p1 s15, $0xE;
	s17 =	sand.u32 @!p1 $0x3FF0, s17;
	s18 =	sadd.s32 @!p1 s4, s16  }
0x1b: {  	s16 =	sadd.s32 @!p1 s16, s7;
	s15 =	sand.u32 @!p1 $0x4000, s15;
	s18 =	sadd.s32 @!p1 s17, s18  }
0x1c: {  	[tilespmem:s15], [sflag:$0x1] =	stream.strided.gather @!p1 [hbm4b:s18+s19], $0x2000, s20, s19, $0x38;
	[tilespmem:$0x10100] =	vst v63  }
0x1d: {  	s31 =	sadd.s32 $0xFFFFFFFF, s12;
	s16 =	sadd.s32 @!p1 s17, s16;
	s15 =	sor.u32 @!p1 $0x2000, s15  }
0x1e: {  	[tilespmem:s15], [sflag:$0x1] =	stream.strided.gather @!p1 [hbm4b:s16+s19], $0x2000, s20, s19, $0x38;
	[tilespmem:$0x10100] =	vst v63  }
0x1f: {  	p1 =	sge.u32 s31, s6  }
.Ltmp2:
0x20: {  	_ = 	snop;
	(pc) =	sbr.rel @p1 .LBB1_7-.Ltmp2, $1  }
0x21: {  	_ =	sdelay $0x3  }
0x22: {  	s15 =	simm.s32 $0x1;
	s17 =	sand.u32 $0x1, s12  }
0x23: {  	_ =	swait.ge [sflag:s5], $0x4000;
	s15 =	simm.s32 @!p0 $0x0;
	s17 =	smul.u32 $0x10200, s17  }
0x24: {  	p2 =	por $0x1, $0x1;
	[sflag:s5] =	ssyncset.done $0x0;
	s16 =	smul.u32 $0x10200, s15  }
0x25: {  	s18 =	sshll.u32 s15, $0x10;
	[sflag:s5] =	ssyncadd.s32 $0xFFFFC000;
	s30 =	sshrl.u32 s17, $0x2  }
0x26: {  	s31 =	sshrl.u32 s18, $0x2;
	s18 =	simm.s32 $0x0;
	s16 =	sshrl.u32 s16, $0x2  }
0x27: {  	s15 =	sor.u32 $0x8000, s30;
	s17 =	sadd.s32 $0x20, s31;
	s16 =	sor.u32 $0x8000, s16  }
.LBB1_3:
0x28: {  	s19 =	sshll.u32 s18, $0xD  }
0x29: {  	s19 =	sand.u32 $0x3FFFE000, s19  }
0x2a: {  	s21 =	sadd.s32 s19, s17  }
0x2b: {  	s31 =	smul.u32 $0x8100, s18;
	v3 =	vld [tilespmem:s21+$0x10]  }
0x2c: {  	v1 =	vld [tilespmem:s21+$0xFFFFFFF0]  }
0x2d: {  	s18 =	sshra.s32 s31, $0x2;
	v0 =	vld [tilespmem:s21+$0x0]  }
0x2e: {  	s18 =	sadd.s32 s18, s16;
	v2 =	vld [tilespmem:s21+$0xFFFFFFE0]  }
0x2f: {  	s19 =	sadd.s32 $0x0, s18  }
0x30: {  	p1 =	por p2, p2;
	s20 =	simm.s32 $0x4;
	s21 =	sadd.s32 $0x40, s21;
	[tilespmem:s19+$0x1830 ss:$0x81] =	vst.msk $0xffff, v3  }
.LBB1_4:
0x31: {  	v3 =	vld [tilespmem:s21+$0x10];
	p2 =	sne.s32 s20, $0x1FC;
	[tilespmem:s19+$0x810 ss:$0x81] =	vst.msk $0xffff, v1;
	s22 =	smov.u32 s20;
	s20 =	sadd.s32 $0x4, s20  }
.Ltmp3:
0x32: {  	v1 =	vld [tilespmem:s21+$0xFFFFFFF0];
	[tilespmem:s19+$0x1020 ss:$0x81] =	vst.msk $0xffff, v0;
	(pc) =	sbr.rel @p2 .LBB1_4-.Ltmp3, $4  }
0x33: {  	v0 =	vld [tilespmem:s21+$0x0];
	[tilespmem:s19+$0x0 ss:$0x81] =	vst.msk $0xffff, v2  }
0x34: {  	s19 =	sshra.s32 s22, $0x2;
	v2 =	vld [tilespmem:s21+$0xFFFFFFE0]  }
0x35: {  	s19 =	sadd.s32 s19, s18  }
0x36: {  	s21 =	sadd.s32 $0x40, s21;
	[tilespmem:s19+$0x1830 ss:$0x81] =	vst.msk $0xffff, v3  }
.Ltmp4:
0x37: {  	(pc) =	sbr.rel @p1 .LBB1_3-.Ltmp4, $4  }
0x38: {  	_ = 	snop  }
0x39: {  	[tilespmem:s19+$0x810 ss:$0x81] =	vst.msk $0xffff, v1  }
0x3a: {  	[tilespmem:s19+$0x1020 ss:$0x81] =	vst.msk $0xffff, v0  }
0x3b: {  	s18 =	simm.s32 $0x1;
	p2 =	por $0x0, $0x0;
	[tilespmem:s19+$0x0 ss:$0x81] =	vst.msk $0xffff, v2  }
.Ltmp5:
0x3c: {  	s16 =	sand.u32 $0x1F80, s13;
	s14 =	sshll.u32 s14, $0xD;
	(pc) =	sbr.rel .LBB1_7-.Ltmp5, $4  }
0x3d: {  	s17 =	sshrl.u32 s13, $0x3;
	s31 =	sand.u32 $0x7, s13;
	s14 =	sadd.s32 s3, s14  }
0x3e: {  	s17 =	sand.u32 $0xF, s17;
	s13 =	sshll.u32 s31, $0x12;
	s14 =	sadd.s32 s16, s14  }
0x3f: {  	s13 =	sor.u32 $0x400, s13;
	s14 =	sadd.s32 s17, s14  }
0x40: {  	[hbm4b:s14+s13] =	stream.strided.scatter [tilespmem:s15], [sflag:$0x2], $0x4000, s9, s13, $0x20;
	[tilespmem:$0x10100] =	vst v63  }
.LBB1_8:
0x41: {  	_ =	sfence.sel $0x180000  }
0x42: {  	s2 =	simm.s32 $0x1;
	[bflag:$0x0] =	sbarrier.arrive $0xFFFF  }
0x43: {  	s31 =	simm.s32 $0x2;
	[sflag:s2] =	ssyncpa.u1 $0x1  }
0x44: {  	[sflag:s31] =	ssyncpa.u1 $0x1  }
0x45: {  	p0 =	sne.s32 s0, $0x0;
	_ =	strace $0x9000004A  }
0x46: {  	s0 =	sadd.s32 @!p0 $0x100000, s1;
	[bflag:$0x2] =	sbarrier.arrive $0xFFFF  }
0x47: {  	[sflag:s0] =	ssyncadd.tile.s32 @!p0 $0x1;
	_ =	shalt  }
.Lfunc_end1:
_tile_overlayer_lowered:
.L_overlay_start_2:
0x48: {  	(tag) =	ssettag $0x2  }
0x49: {  	s0 =	rddreg [dreg:$0x0];
	s2 =	stileid.u32  }
0x4a: {  	s1 =	rddreg [dreg:$0x1];
	p0 =	sne.s32 s2, $0x0  }
0x4b: {  	s3 =	rddreg [dreg:$0x2];
	[bflag:$0x3] =	sbarrier.arrive $0xFFFF;
	s2 =	simm.s32 @!p0 $0x1C01  }
0x4c: {  	[timem:s3], [sflag:s2] =	dma.local @!p0 [hbm:s0], s1  }
0x4d: {  	s0 =	simm.s32 @!p0 $0x1  }
0x4e: {  	_ =	swait.ge @!p0 [sflag:s0], s1  }
0x4f: {  	s1 =	ssub.s32 @!p0 $0x0, s1;
	[sflag:s0] =	ssyncset.done @!p0 $0x0  }
0x50: {  	[sflag:s0] =	ssyncadd.s32 @!p0 s1  }
0x51: {  	[bflag:$0x3] =	sbarrier.arrive $0xFFFF  }
0x52: {  	_ =	shalt  }

</sc_bundles>
